<compile_context>
chip_gen: v7x
topology: tpu7x:2x2x1
jax: 0.10.2.dev20260603
libtpu: 0.0.44.dev20260713+nightly
codegen_flags: <defaults>
</compile_context>

<pallas_src>
import functools

import jax
import jax.numpy as jnp
from jax import lax
from jax.experimental import pallas as pl
from jax.experimental.pallas import tpu as pltpu
from jax.experimental.pallas import tpu_sc as plsc

VOCAB = 1000000
EMBED_DIM = 32
B = 16384
L = 50

NUM_CORES = 2
NUM_SUBCORES = 16
NW = NUM_CORES * NUM_SUBCORES
BW = B // NW
NT = BW // 128


def _make_kernel():
    mesh = plsc.VectorSubcoreMesh(core_axis_name="c", subcore_axis_name="s")

    @functools.partial(
        pl.kernel,
        mesh=mesh,
        out_type=jax.ShapeDtypeStruct((L, 4, 128, 8, 128), jnp.float32),
        scratch_types=[
            [pltpu.VMEM((BW,), jnp.int32) for _ in range(2)],
            [pltpu.VMEM((BW, EMBED_DIM), jnp.float32) for _ in range(2)],
            [pltpu.VMEM((128, 129), jnp.float32) for _ in range(2)],
            [pltpu.SemaphoreType.DMA for _ in range(2)],
            [pltpu.SemaphoreType.DMA for _ in range(2)],
        ],
        compiler_params=pltpu.CompilerParams(use_tc_tiling_on_sc=False,
                                             needs_layout_passes=False,
                                             disable_bounds_checks=True),
    )
    def gather_kernel(idx_hbm, table_hbm, out_hbm, idx_v, rows_v, stg_v,
                      gsem, wsem):
        wid = lax.axis_index("s") * NUM_CORES + lax.axis_index("c")
        b0 = wid * BW
        t0 = wid * NT
        lanes = lax.iota(jnp.int32, 16)

        r0 = (lanes >> 3) * 32 + (lanes & 7)

        def transpose_block(p):
            def tbody(j, carry):
                tl8 = jnp.broadcast_to((j >> 7) * 8, (16,))
                colv = jnp.broadcast_to(j & 127, (16,))
                v0 = rows_v[p][j, pl.ds(0, 16)]
                v1 = rows_v[p][j, pl.ds(16, 16)]
                plsc.store_scatter(stg_v[p], [r0 + tl8, colv], v0)
                plsc.store_scatter(stg_v[p], [r0 + tl8 + 64, colv], v1)
                return carry
            lax.fori_loop(0, BW, tbody, 0, unroll=8)

        def wb_copy(p, l):
            class _WB:
                def start(self):
                    for m in range(16):
                        pltpu.async_copy(
                            stg_v[p].at[pl.ds(8 * m, 8), pl.ds(0, 128)],
                            out_hbm.at[l, m // 4, t0 + m % 4], wsem[p])
                def wait(self):
                    for m in range(16):
                        pltpu.make_async_copy(
                            stg_v[p].at[pl.ds(8 * m, 8), pl.ds(0, 128)],
                            out_hbm.at[l, m // 4, t0 + m % 4],
                            wsem[p]).wait()
            return _WB()

        def gather(p):
            return pltpu.async_copy(table_hbm.at[idx_v[p]], rows_v[p],
                                    gsem[p])

        def gather_wait(p):
            pltpu.make_async_copy(table_hbm.at[idx_v[p]], rows_v[p],
                                  gsem[p]).wait()

        pltpu.sync_copy(idx_hbm.at[0, pl.ds(b0, BW)], idx_v[0])
        gather(0)

        def body(j, carry):
            for p in range(2):
                l = 2 * j + p
                @pl.when(l < L - 1)
                def _():
                    pltpu.sync_copy(idx_hbm.at[l + 1, pl.ds(b0, BW)],
                                    idx_v[1 - p])
                gather_wait(p)

                @pl.when(l < L - 1)
                def _():
                    gather(1 - p)

                @pl.when(l >= 2)
                def _():
                    wb_copy(p, l - 2).wait()
                transpose_block(p)
                wb_copy(p, l).start()
            return carry

        lax.fori_loop(0, L // 2, body, 0)

        wb_copy(0, L - 2).wait()
        wb_copy(1, L - 1).wait()

    return gather_kernel


_gather = _make_kernel()


def kernel(words, table):
    out5 = _gather(words.T, table)
    return out5.transpose(2, 4, 0, 1, 3).reshape(B, L, EMBED_DIM)

# --- scband reference (transcript-rebuilt; emitter-appended) ---
"""Pipeline reference for scband-embedding-45870250721766 (READ-ONLY COPY).

The authoritative reference and input builder live on the scoring server;
editing this copy changes nothing except your own understanding.
"""

import jax, jax.numpy as jnp
import numpy as np

VOCAB = 1000000
EMBED_DIM = 32
B = 16384
L = 50

def setup_inputs(seed: int = 0) -> dict:
    key = jax.random.key(seed)
    k_idx, k_tab = jax.random.split(key)
    words = jax.random.randint(k_idx, (B, L), 0, VOCAB, dtype=jnp.int64 if jax.config.jax_enable_x64 else jnp.int32)
    # nn.Embedding weight initialized uniform(-0.1, 0.1) per init_weights()
    table = jax.random.uniform(k_tab, (VOCAB, EMBED_DIM), dtype=jnp.float32, minval=-0.1, maxval=0.1)
    return {"words": words, "table": table}

def reference(words, table):
    # Faithful translation of nn.Embedding forward: row gather from table
    return jnp.take(table, words, axis=0)

if __name__ == "__main__":
    import jax
    _d = setup_inputs()
    print(jax.jit(kernel)(*tuple(_d.values())))

</pallas_src>

<mosaic_0001>
#map = affine_map<(d0, d1) -> (0, 0)>
#map1 = affine_map<(d0, d1) -> (0, 0, 0, 0, 0)>
module attributes {stable_mosaic.version = 14 : i64} {
  func.func @gather_kernel(%arg0: i32, %arg1: i32, %arg2: memref<50x16384xi32, #tpu.memory_space<hbm>>, %arg3: memref<1000000x32xf32, #tpu.memory_space<hbm>>, %arg4: memref<50x4x128x8x128xf32, #tpu.memory_space<hbm>>, %arg5: memref<512xi32, #tpu.memory_space<vmem>>, %arg6: memref<512xi32, #tpu.memory_space<vmem>>, %arg7: memref<512x32xf32, #tpu.memory_space<vmem>>, %arg8: memref<512x32xf32, #tpu.memory_space<vmem>>, %arg9: memref<128x129xf32, #tpu.memory_space<vmem>>, %arg10: memref<128x129xf32, #tpu.memory_space<vmem>>, %arg11: memref<!tpu.dma_semaphore, #tpu.memory_space<semaphore_mem>>, %arg12: memref<!tpu.dma_semaphore, #tpu.memory_space<semaphore_mem>>, %arg13: memref<!tpu.dma_semaphore, #tpu.memory_space<semaphore_mem>>, %arg14: memref<!tpu.dma_semaphore, #tpu.memory_space<semaphore_mem>>) attributes {dimension_semantics = [#tpu.dimension_semantics<core_parallel>, #tpu.dimension_semantics<subcore_parallel>], iteration_bounds = array<i64: 2, 16>, scalar_prefetch = 0 : i64, scratch_operands = 10 : i64, tpu.core_type = #tpu.core_type<sc_vector_subcore>, window_params = [{transform_indices = #map}, {transform_indices = #map}, {transform_indices = #map1}]} {
    %mul3A = arith.constant 2 : i32
    %mul3A_0 = arith.muli %arg1, %mul3A : i32
    %add3A = arith.addi %mul3A_0, %arg0 : i32
    %mul3A_1 = arith.constant 512 : i32
    %mul3A_2 = arith.muli %add3A, %mul3A_1 : i32
    %mul3A_3 = arith.constant 4 : i32
    %mul3A_4 = arith.muli %add3A, %mul3A_3 : i32
    %iota3A = tpu.iota {dimensions = array<i32: 0>} : vector<16xi32>
    %shift_right_arithmetic3A = arith.constant 3 : i32
    %shift_right_arithmetic3A_5 = vector.broadcast %shift_right_arithmetic3A : i32 to vector<16xi32>
    %shift_right_arithmetic3A_6 = arith.shrsi %iota3A, %shift_right_arithmetic3A_5 : vector<16xi32>
    %mul3A_7 = arith.constant 32 : i32
    %mul3A_8 = vector.broadcast %mul3A_7 : i32 to vector<16xi32>
    %mul3A_9 = arith.muli %shift_right_arithmetic3A_6, %mul3A_8 : vector<16xi32>
    %and3A = arith.constant 7 : i32
    %and3A_10 = vector.broadcast %and3A : i32 to vector<16xi32>
    %and3A_11 = arith.andi %iota3A, %and3A_10 : vector<16xi32>
    %add3A_12 = arith.addi %mul3A_9, %and3A_11 : vector<16xi32>
    %run_scoped3A = arith.constant 0 : i32
    "tpu.region"() ({
      %run_scoped3A_595 = tpu.sem_alloc : memref<!tpu.dma_semaphore, #tpu.memory_space<semaphore_mem>>
      %dma_start3A_596 = tpu.memref_slice %arg2[%run_scoped3A, %mul3A_2] : memref<50x16384xi32, #tpu.memory_space<hbm>> -> memref<1x512xi32, #tpu.memory_space<hbm>>
      %dma_start3A_597 = tpu.memref_squeeze %dma_start3A_596 : memref<1x512xi32, #tpu.memory_space<hbm>> -> memref<512xi32, #tpu.memory_space<hbm>>
      %dma_start3A_598 = tpu.memref_slice %arg2[%run_scoped3A, %mul3A_2] : memref<50x16384xi32, #tpu.memory_space<hbm>> -> memref<1x512xi32, #tpu.memory_space<hbm>>
      %dma_start3A_599 = tpu.memref_squeeze %dma_start3A_598 : memref<1x512xi32, #tpu.memory_space<hbm>> -> memref<512xi32, #tpu.memory_space<hbm>>
      tpu.enqueue_dma source(%dma_start3A_599 : memref<512xi32, #tpu.memory_space<hbm>>) target(%arg5 : memref<512xi32, #tpu.memory_space<vmem>>) target_semaphore(%run_scoped3A_595 : memref<!tpu.dma_semaphore, #tpu.memory_space<semaphore_mem>>)
      %dma_wait3A_600 = tpu.memref_slice %arg2[%run_scoped3A, %mul3A_2] : memref<50x16384xi32, #tpu.memory_space<hbm>> -> memref<1x512xi32, #tpu.memory_space<hbm>>
      %dma_wait3A_601 = tpu.memref_squeeze %dma_wait3A_600 : memref<1x512xi32, #tpu.memory_space<hbm>> -> memref<512xi32, #tpu.memory_space<hbm>>
      %dma_wait3A_602 = tpu.memref_slice %arg2[%run_scoped3A, %mul3A_2] : memref<50x16384xi32, #tpu.memory_space<hbm>> -> memref<1x512xi32, #tpu.memory_space<hbm>>
      %dma_wait3A_603 = tpu.memref_squeeze %dma_wait3A_602 : memref<1x512xi32, #tpu.memory_space<hbm>> -> memref<512xi32, #tpu.memory_space<hbm>>
      tpu.wait_dma2 semaphore(%run_scoped3A_595 : memref<!tpu.dma_semaphore, #tpu.memory_space<semaphore_mem>>) src(%dma_wait3A_603 : memref<512xi32, #tpu.memory_space<hbm>>) dst(%arg5 : memref<512xi32, #tpu.memory_space<vmem>>)
      tpu.yield
    }) : () -> ()
    %dma_start3A = arith.constant 0 : i32
    %dma_start3A_13 = arith.constant 0 : i32
    %dma_start3A_14 = tpu.memref_slice %arg3[%dma_start3A, %dma_start3A_13] : memref<1000000x32xf32, #tpu.memory_space<hbm>> -> memref<1000000x32xf32, #tpu.memory_space<hbm>>
    tpu.enqueue_indirect_dma source(%dma_start3A_14 : memref<1000000x32xf32, #tpu.memory_space<hbm>>) target(%arg7 : memref<512x32xf32, #tpu.memory_space<vmem>>) offsets(%arg5 : memref<512xi32, #tpu.memory_space<vmem>>) semaphore(%arg11 : memref<!tpu.dma_semaphore, #tpu.memory_space<semaphore_mem>>)
    %scan3A = arith.constant 0 : i32
    %scan3A_15 = arith.constant 0 : i32
    %scan3A_16 = arith.constant 25 : i32
    %scan3A_17 = arith.addi %scan3A_15, %scan3A_16 : i32
    %scan3A_18 = arith.constant 1 : i32
    scf.for %scan3A_595 = %scan3A_15 to %scan3A_17 step %scan3A_18  : i32 {
      %mul3A_596 = arith.constant 2 : i32
      %mul3A_597 = arith.muli %mul3A_596, %scan3A_595 : i32
      %add3A_598 = arith.constant 0 : i32
      %add3A_599 = arith.addi %mul3A_597, %add3A_598 : i32
      %lt3A = arith.constant 49 : i32
      %lt3A_600 = arith.cmpi slt, %add3A_599, %lt3A : i32
      %convert_element_type3A = arith.extui %lt3A_600 : i1 to i32
      %cond3A = arith.constant 0 : i32
      %cond3A_601 = arith.cmpi ne, %convert_element_type3A, %cond3A : i32
      scf.if %cond3A_601 {
        %add3A_1192 = arith.constant 1 : i32
        %add3A_1193 = arith.addi %add3A_599, %add3A_1192 : i32
        "tpu.region"() ({
          %run_scoped3A_1194 = tpu.sem_alloc : memref<!tpu.dma_semaphore, #tpu.memory_space<semaphore_mem>>
          %dma_start3A_1195 = tpu.memref_slice %arg2[%add3A_1193, %mul3A_2] : memref<50x16384xi32, #tpu.memory_space<hbm>> -> memref<1x512xi32, #tpu.memory_space<hbm>>
          %dma_start3A_1196 = tpu.memref_squeeze %dma_start3A_1195 : memref<1x512xi32, #tpu.memory_space<hbm>> -> memref<512xi32, #tpu.memory_space<hbm>>
          %dma_start3A_1197 = tpu.memref_slice %arg2[%add3A_1193, %mul3A_2] : memref<50x16384xi32, #tpu.memory_space<hbm>> -> memref<1x512xi32, #tpu.memory_space<hbm>>
          %dma_start3A_1198 = tpu.memref_squeeze %dma_start3A_1197 : memref<1x512xi32, #tpu.memory_space<hbm>> -> memref<512xi32, #tpu.memory_space<hbm>>
          tpu.enqueue_dma source(%dma_start3A_1198 : memref<512xi32, #tpu.memory_space<hbm>>) target(%arg6 : memref<512xi32, #tpu.memory_space<vmem>>) target_semaphore(%run_scoped3A_1194 : memref<!tpu.dma_semaphore, #tpu.memory_space<semaphore_mem>>)
          %dma_wait3A_1199 = tpu.memref_slice %arg2[%add3A_1193, %mul3A_2] : memref<50x16384xi32, #tpu.memory_space<hbm>> -> memref<1x512xi32, #tpu.memory_space<hbm>>
          %dma_wait3A_1200 = tpu.memref_squeeze %dma_wait3A_1199 : memref<1x512xi32, #tpu.memory_space<hbm>> -> memref<512xi32, #tpu.memory_space<hbm>>
          %dma_wait3A_1201 = tpu.memref_slice %arg2[%add3A_1193, %mul3A_2] : memref<50x16384xi32, #tpu.memory_space<hbm>> -> memref<1x512xi32, #tpu.memory_space<hbm>>
          %dma_wait3A_1202 = tpu.memref_squeeze %dma_wait3A_1201 : memref<1x512xi32, #tpu.memory_space<hbm>> -> memref<512xi32, #tpu.memory_space<hbm>>
          tpu.wait_dma2 semaphore(%run_scoped3A_1194 : memref<!tpu.dma_semaphore, #tpu.memory_space<semaphore_mem>>) src(%dma_wait3A_1202 : memref<512xi32, #tpu.memory_space<hbm>>) dst(%arg6 : memref<512xi32, #tpu.memory_space<vmem>>)
          tpu.yield
        }) : () -> ()
      } else {
      }
      %dma_wait3A_602 = arith.constant 0 : i32
      %dma_wait3A_603 = arith.constant 0 : i32
      %dma_wait3A_604 = tpu.memref_slice %arg3[%dma_wait3A_602, %dma_wait3A_603] : memref<1000000x32xf32, #tpu.memory_space<hbm>> -> memref<1000000x32xf32, #tpu.memory_space<hbm>>
      tpu.wait_indirect_dma semaphore(%arg11 : memref<!tpu.dma_semaphore, #tpu.memory_space<semaphore_mem>>) src(%dma_wait3A_604 : memref<1000000x32xf32, #tpu.memory_space<hbm>>) dst(%arg7 : memref<512x32xf32, #tpu.memory_space<vmem>>)
      %lt3A_605 = arith.constant 49 : i32
      %lt3A_606 = arith.cmpi slt, %add3A_599, %lt3A_605 : i32
      %convert_element_type3A_607 = arith.extui %lt3A_606 : i1 to i32
      %cond3A_608 = arith.constant 0 : i32
      %cond3A_609 = arith.cmpi ne, %convert_element_type3A_607, %cond3A_608 : i32
      scf.if %cond3A_609 {
        %dma_start3A_1192 = arith.constant 0 : i32
        %dma_start3A_1193 = arith.constant 0 : i32
        %dma_start3A_1194 = tpu.memref_slice %arg3[%dma_start3A_1192, %dma_start3A_1193] : memref<1000000x32xf32, #tpu.memory_space<hbm>> -> memref<1000000x32xf32, #tpu.memory_space<hbm>>
        tpu.enqueue_indirect_dma source(%dma_start3A_1194 : memref<1000000x32xf32, #tpu.memory_space<hbm>>) target(%arg8 : memref<512x32xf32, #tpu.memory_space<vmem>>) offsets(%arg6 : memref<512xi32, #tpu.memory_space<vmem>>) semaphore(%arg12 : memref<!tpu.dma_semaphore, #tpu.memory_space<semaphore_mem>>)
      } else {
      }
      %ge3A = arith.constant 2 : i32
      %ge3A_610 = arith.cmpi sge, %add3A_599, %ge3A : i32
      %convert_element_type3A_611 = arith.extui %ge3A_610 : i1 to i32
      %cond3A_612 = arith.constant 0 : i32
      %cond3A_613 = arith.cmpi ne, %convert_element_type3A_611, %cond3A_612 : i32
      scf.if %cond3A_613 {
        %sub3A = arith.constant 2 : i32
        %sub3A_1192 = arith.subi %add3A_599, %sub3A : i32
        %add3A_1193 = arith.constant 0 : i32
        %add3A_1194 = arith.addi %mul3A_4, %add3A_1193 : i32
        %dma_wait3A_1195 = arith.constant 0 : i32
        %dma_wait3A_1196 = arith.constant 0 : i32
        %dma_wait3A_1197 = arith.constant 0 : i32
        %dma_wait3A_1198 = tpu.memref_slice %arg9[%dma_wait3A_1196, %dma_wait3A_1197] : memref<128x129xf32, #tpu.memory_space<vmem>> -> memref<8x128xf32, #tpu.memory_space<vmem>>
        %dma_wait3A_1199 = arith.constant 0 : i32
        %dma_wait3A_1200 = arith.constant 0 : i32
        %dma_wait3A_1201 = tpu.memref_slice %arg4[%sub3A_1192, %dma_wait3A_1195, %add3A_1194, %dma_wait3A_1199, %dma_wait3A_1200] : memref<50x4x128x8x128xf32, #tpu.memory_space<hbm>> -> memref<1x1x1x8x128xf32, #tpu.memory_space<hbm>>
        %dma_wait3A_1202 = tpu.memref_squeeze %dma_wait3A_1201 : memref<1x1x1x8x128xf32, #tpu.memory_space<hbm>> -> memref<8x128xf32, #tpu.memory_space<hbm>>
        %dma_wait3A_1203 = arith.constant 0 : i32
        %dma_wait3A_1204 = arith.constant 0 : i32
        %dma_wait3A_1205 = tpu.memref_slice %arg4[%sub3A_1192, %dma_wait3A_1195, %add3A_1194, %dma_wait3A_1203, %dma_wait3A_1204] : memref<50x4x128x8x128xf32, #tpu.memory_space<hbm>> -> memref<1x1x1x8x128xf32, #tpu.memory_space<hbm>>
        %dma_wait3A_1206 = tpu.memref_squeeze %dma_wait3A_1205 : memref<1x1x1x8x128xf32, #tpu.memory_space<hbm>> -> memref<8x128xf32, #tpu.memory_space<hbm>>
        %dma_wait3A_1207 = arith.constant 0 : i32
        %dma_wait3A_1208 = arith.constant 0 : i32
        %dma_wait3A_1209 = tpu.memref_slice %arg9[%dma_wait3A_1207, %dma_wait3A_1208] : memref<128x129xf32, #tpu.memory_space<vmem>> -> memref<8x128xf32, #tpu.memory_space<vmem>>
        tpu.wait_dma2 semaphore(%arg13 : memref<!tpu.dma_semaphore, #tpu.memory_space<semaphore_mem>>) src(%dma_wait3A_1209 : memref<8x128xf32, #tpu.memory_space<vmem>>) dst(%dma_wait3A_1206 : memref<8x128xf32, #tpu.memory_space<hbm>>)
        %add3A_1210 = arith.constant 1 : i32
        %add3A_1211 = arith.addi %mul3A_4, %add3A_1210 : i32
        %dma_wait3A_1212 = arith.constant 0 : i32
        %dma_wait3A_1213 = arith.constant 8 : i32
        %dma_wait3A_1214 = arith.constant 0 : i32
        %dma_wait3A_1215 = tpu.memref_slice %arg9[%dma_wait3A_1213, %dma_wait3A_1214] : memref<128x129xf32, #tpu.memory_space<vmem>> -> memref<8x128xf32, #tpu.memory_space<vmem>>
        %dma_wait3A_1216 = arith.constant 0 : i32
        %dma_wait3A_1217 = arith.constant 0 : i32
        %dma_wait3A_1218 = tpu.memref_slice %arg4[%sub3A_1192, %dma_wait3A_1212, %add3A_1211, %dma_wait3A_1216, %dma_wait3A_1217] : memref<50x4x128x8x128xf32, #tpu.memory_space<hbm>> -> memref<1x1x1x8x128xf32, #tpu.memory_space<hbm>>
        %dma_wait3A_1219 = tpu.memref_squeeze %dma_wait3A_1218 : memref<1x1x1x8x128xf32, #tpu.memory_space<hbm>> -> memref<8x128xf32, #tpu.memory_space<hbm>>
        %dma_wait3A_1220 = arith.constant 0 : i32
        %dma_wait3A_1221 = arith.constant 0 : i32
        %dma_wait3A_1222 = tpu.memref_slice %arg4[%sub3A_1192, %dma_wait3A_1212, %add3A_1211, %dma_wait3A_1220, %dma_wait3A_1221] : memref<50x4x128x8x128xf32, #tpu.memory_space<hbm>> -> memref<1x1x1x8x128xf32, #tpu.memory_space<hbm>>
        %dma_wait3A_1223 = tpu.memref_squeeze %dma_wait3A_1222 : memref<1x1x1x8x128xf32, #tpu.memory_space<hbm>> -> memref<8x128xf32, #tpu.memory_space<hbm>>
        %dma_wait3A_1224 = arith.constant 8 : i32
        %dma_wait3A_1225 = arith.constant 0 : i32
        %dma_wait3A_1226 = tpu.memref_slice %arg9[%dma_wait3A_1224, %dma_wait3A_1225] : memref<128x129xf32, #tpu.memory_space<vmem>> -> memref<8x128xf32, #tpu.memory_space<vmem>>
        tpu.wait_dma2 semaphore(%arg13 : memref<!tpu.dma_semaphore, #tpu.memory_space<semaphore_mem>>) src(%dma_wait3A_1226 : memref<8x128xf32, #tpu.memory_space<vmem>>) dst(%dma_wait3A_1223 : memref<8x128xf32, #tpu.memory_space<hbm>>)
        %add3A_1227 = arith.constant 2 : i32
        %add3A_1228 = arith.addi %mul3A_4, %add3A_1227 : i32
        %dma_wait3A_1229 = arith.constant 0 : i32
        %dma_wait3A_1230 = arith.constant 16 : i32
        %dma_wait3A_1231 = arith.constant 0 : i32
        %dma_wait3A_1232 = tpu.memref_slice %arg9[%dma_wait3A_1230, %dma_wait3A_1231] : memref<128x129xf32, #tpu.memory_space<vmem>> -> memref<8x128xf32, #tpu.memory_space<vmem>>
        %dma_wait3A_1233 = arith.constant 0 : i32
        %dma_wait3A_1234 = arith.constant 0 : i32
        %dma_wait3A_1235 = tpu.memref_slice %arg4[%sub3A_1192, %dma_wait3A_1229, %add3A_1228, %dma_wait3A_1233, %dma_wait3A_1234] : memref<50x4x128x8x128xf32, #tpu.memory_space<hbm>> -> memref<1x1x1x8x128xf32, #tpu.memory_space<hbm>>
        %dma_wait3A_1236 = tpu.memref_squeeze %dma_wait3A_1235 : memref<1x1x1x8x128xf32, #tpu.memory_space<hbm>> -> memref<8x128xf32, #tpu.memory_space<hbm>>
        %dma_wait3A_1237 = arith.constant 0 : i32
        %dma_wait3A_1238 = arith.constant 0 : i32
        %dma_wait3A_1239 = tpu.memref_slice %arg4[%sub3A_1192, %dma_wait3A_1229, %add3A_1228, %dma_wait3A_1237, %dma_wait3A_1238] : memref<50x4x128x8x128xf32, #tpu.memory_space<hbm>> -> memref<1x1x1x8x128xf32, #tpu.memory_space<hbm>>
        %dma_wait3A_1240 = tpu.memref_squeeze %dma_wait3A_1239 : memref<1x1x1x8x128xf32, #tpu.memory_space<hbm>> -> memref<8x128xf32, #tpu.memory_space<hbm>>
        %dma_wait3A_1241 = arith.constant 16 : i32
        %dma_wait3A_1242 = arith.constant 0 : i32
        %dma_wait3A_1243 = tpu.memref_slice %arg9[%dma_wait3A_1241, %dma_wait3A_1242] : memref<128x129xf32, #tpu.memory_space<vmem>> -> memref<8x128xf32, #tpu.memory_space<vmem>>
        tpu.wait_dma2 semaphore(%arg13 : memref<!tpu.dma_semaphore, #tpu.memory_space<semaphore_mem>>) src(%dma_wait3A_1243 : memref<8x128xf32, #tpu.memory_space<vmem>>) dst(%dma_wait3A_1240 : memref<8x128xf32, #tpu.memory_space<hbm>>)
        %add3A_1244 = arith.constant 3 : i32
        %add3A_1245 = arith.addi %mul3A_4, %add3A_1244 : i32
        %dma_wait3A_1246 = arith.constant 0 : i32
        %dma_wait3A_1247 = arith.constant 24 : i32
        %dma_wait3A_1248 = arith.constant 0 : i32
        %dma_wait3A_1249 = tpu.memref_slice %arg9[%dma_wait3A_1247, %dma_wait3A_1248] : memref<128x129xf32, #tpu.memory_space<vmem>> -> memref<8x128xf32, #tpu.memory_space<vmem>>
        %dma_wait3A_1250 = arith.constant 0 : i32
        %dma_wait3A_1251 = arith.constant 0 : i32
        %dma_wait3A_1252 = tpu.memref_slice %arg4[%sub3A_1192, %dma_wait3A_1246, %add3A_1245, %dma_wait3A_1250, %dma_wait3A_1251] : memref<50x4x128x8x128xf32, #tpu.memory_space<hbm>> -> memref<1x1x1x8x128xf32, #tpu.memory_space<hbm>>
        %dma_wait3A_1253 = tpu.memref_squeeze %dma_wait3A_1252 : memref<1x1x1x8x128xf32, #tpu.memory_space<hbm>> -> memref<8x128xf32, #tpu.memory_space<hbm>>
        %dma_wait3A_1254 = arith.constant 0 : i32
        %dma_wait3A_1255 = arith.constant 0 : i32
        %dma_wait3A_1256 = tpu.memref_slice %arg4[%sub3A_1192, %dma_wait3A_1246, %add3A_1245, %dma_wait3A_1254, %dma_wait3A_1255] : memref<50x4x128x8x128xf32, #tpu.memory_space<hbm>> -> memref<1x1x1x8x128xf32, #tpu.memory_space<hbm>>
        %dma_wait3A_1257 = tpu.memref_squeeze %dma_wait3A_1256 : memref<1x1x1x8x128xf32, #tpu.memory_space<hbm>> -> memref<8x128xf32, #tpu.memory_space<hbm>>
        %dma_wait3A_1258 = arith.constant 24 : i32
        %dma_wait3A_1259 = arith.constant 0 : i32
        %dma_wait3A_1260 = tpu.memref_slice %arg9[%dma_wait3A_1258, %dma_wait3A_1259] : memref<128x129xf32, #tpu.memory_space<vmem>> -> memref<8x128xf32, #tpu.memory_space<vmem>>
        tpu.wait_dma2 semaphore(%arg13 : memref<!tpu.dma_semaphore, #tpu.memory_space<semaphore_mem>>) src(%dma_wait3A_1260 : memref<8x128xf32, #tpu.memory_space<vmem>>) dst(%dma_wait3A_1257 : memref<8x128xf32, #tpu.memory_space<hbm>>)
        %add3A_1261 = arith.constant 0 : i32
        %add3A_1262 = arith.addi %mul3A_4, %add3A_1261 : i32
        %dma_wait3A_1263 = arith.constant 1 : i32
        %dma_wait3A_1264 = arith.constant 32 : i32
        %dma_wait3A_1265 = arith.constant 0 : i32
        %dma_wait3A_1266 = tpu.memref_slice %arg9[%dma_wait3A_1264, %dma_wait3A_1265] : memref<128x129xf32, #tpu.memory_space<vmem>> -> memref<8x128xf32, #tpu.memory_space<vmem>>
        %dma_wait3A_1267 = arith.constant 0 : i32
        %dma_wait3A_1268 = arith.constant 0 : i32
        %dma_wait3A_1269 = tpu.memref_slice %arg4[%sub3A_1192, %dma_wait3A_1263, %add3A_1262, %dma_wait3A_1267, %dma_wait3A_1268] : memref<50x4x128x8x128xf32, #tpu.memory_space<hbm>> -> memref<1x1x1x8x128xf32, #tpu.memory_space<hbm>>
        %dma_wait3A_1270 = tpu.memref_squeeze %dma_wait3A_1269 : memref<1x1x1x8x128xf32, #tpu.memory_space<hbm>> -> memref<8x128xf32, #tpu.memory_space<hbm>>
        %dma_wait3A_1271 = arith.constant 0 : i32
        %dma_wait3A_1272 = arith.constant 0 : i32
        %dma_wait3A_1273 = tpu.memref_slice %arg4[%sub3A_1192, %dma_wait3A_1263, %add3A_1262, %dma_wait3A_1271, %dma_wait3A_1272] : memref<50x4x128x8x128xf32, #tpu.memory_space<hbm>> -> memref<1x1x1x8x128xf32, #tpu.memory_space<hbm>>
        %dma_wait3A_1274 = tpu.memref_squeeze %dma_wait3A_1273 : memref<1x1x1x8x128xf32, #tpu.memory_space<hbm>> -> memref<8x128xf32, #tpu.memory_space<hbm>>
        %dma_wait3A_1275 = arith.constant 32 : i32
        %dma_wait3A_1276 = arith.constant 0 : i32
        %dma_wait3A_1277 = tpu.memref_slice %arg9[%dma_wait3A_1275, %dma_wait3A_1276] : memref<128x129xf32, #tpu.memory_space<vmem>> -> memref<8x128xf32, #tpu.memory_space<vmem>>
        tpu.wait_dma2 semaphore(%arg13 : memref<!tpu.dma_semaphore, #tpu.memory_space<semaphore_mem>>) src(%dma_wait3A_1277 : memref<8x128xf32, #tpu.memory_space<vmem>>) dst(%dma_wait3A_1274 : memref<8x128xf32, #tpu.memory_space<hbm>>)
        %add3A_1278 = arith.constant 1 : i32
        %add3A_1279 = arith.addi %mul3A_4, %add3A_1278 : i32
        %dma_wait3A_1280 = arith.constant 1 : i32
        %dma_wait3A_1281 = arith.constant 40 : i32
        %dma_wait3A_1282 = arith.constant 0 : i32
        %dma_wait3A_1283 = tpu.memref_slice %arg9[%dma_wait3A_1281, %dma_wait3A_1282] : memref<128x129xf32, #tpu.memory_space<vmem>> -> memref<8x128xf32, #tpu.memory_space<vmem>>
        %dma_wait3A_1284 = arith.constant 0 : i32
        %dma_wait3A_1285 = arith.constant 0 : i32
        %dma_wait3A_1286 = tpu.memref_slice %arg4[%sub3A_1192, %dma_wait3A_1280, %add3A_1279, %dma_wait3A_1284, %dma_wait3A_1285] : memref<50x4x128x8x128xf32, #tpu.memory_space<hbm>> -> memref<1x1x1x8x128xf32, #tpu.memory_space<hbm>>
        %dma_wait3A_1287 = tpu.memref_squeeze %dma_wait3A_1286 : memref<1x1x1x8x128xf32, #tpu.memory_space<hbm>> -> memref<8x128xf32, #tpu.memory_space<hbm>>
        %dma_wait3A_1288 = arith.constant 0 : i32
        %dma_wait3A_1289 = arith.constant 0 : i32
        %dma_wait3A_1290 = tpu.memref_slice %arg4[%sub3A_1192, %dma_wait3A_1280, %add3A_1279, %dma_wait3A_1288, %dma_wait3A_1289] : memref<50x4x128x8x128xf32, #tpu.memory_space<hbm>> -> memref<1x1x1x8x128xf32, #tpu.memory_space<hbm>>
        %dma_wait3A_1291 = tpu.memref_squeeze %dma_wait3A_1290 : memref<1x1x1x8x128xf32, #tpu.memory_space<hbm>> -> memref<8x128xf32, #tpu.memory_space<hbm>>
        %dma_wait3A_1292 = arith.constant 40 : i32
        %dma_wait3A_1293 = arith.constant 0 : i32
        %dma_wait3A_1294 = tpu.memref_slice %arg9[%dma_wait3A_1292, %dma_wait3A_1293] : memref<128x129xf32, #tpu.memory_space<vmem>> -> memref<8x128xf32, #tpu.memory_space<vmem>>
        tpu.wait_dma2 semaphore(%arg13 : memref<!tpu.dma_semaphore, #tpu.memory_space<semaphore_mem>>) src(%dma_wait3A_1294 : memref<8x128xf32, #tpu.memory_space<vmem>>) dst(%dma_wait3A_1291 : memref<8x128xf32, #tpu.memory_space<hbm>>)
        %add3A_1295 = arith.constant 2 : i32
        %add3A_1296 = arith.addi %mul3A_4, %add3A_1295 : i32
        %dma_wait3A_1297 = arith.constant 1 : i32
        %dma_wait3A_1298 = arith.constant 48 : i32
        %dma_wait3A_1299 = arith.constant 0 : i32
        %dma_wait3A_1300 = tpu.memref_slice %arg9[%dma_wait3A_1298, %dma_wait3A_1299] : memref<128x129xf32, #tpu.memory_space<vmem>> -> memref<8x128xf32, #tpu.memory_space<vmem>>
        %dma_wait3A_1301 = arith.constant 0 : i32
        %dma_wait3A_1302 = arith.constant 0 : i32
        %dma_wait3A_1303 = tpu.memref_slice %arg4[%sub3A_1192, %dma_wait3A_1297, %add3A_1296, %dma_wait3A_1301, %dma_wait3A_1302] : memref<50x4x128x8x128xf32, #tpu.memory_space<hbm>> -> memref<1x1x1x8x128xf32, #tpu.memory_space<hbm>>
        %dma_wait3A_1304 = tpu.memref_squeeze %dma_wait3A_1303 : memref<1x1x1x8x128xf32, #tpu.memory_space<hbm>> -> memref<8x128xf32, #tpu.memory_space<hbm>>
        %dma_wait3A_1305 = arith.constant 0 : i32
        %dma_wait3A_1306 = arith.constant 0 : i32
        %dma_wait3A_1307 = tpu.memref_slice %arg4[%sub3A_1192, %dma_wait3A_1297, %add3A_1296, %dma_wait3A_1305, %dma_wait3A_1306] : memref<50x4x128x8x128xf32, #tpu.memory_space<hbm>> -> memref<1x1x1x8x128xf32, #tpu.memory_space<hbm>>
        %dma_wait3A_1308 = tpu.memref_squeeze %dma_wait3A_1307 : memref<1x1x1x8x128xf32, #tpu.memory_space<hbm>> -> memref<8x128xf32, #tpu.memory_space<hbm>>
        %dma_wait3A_1309 = arith.constant 48 : i32
        %dma_wait3A_1310 = arith.constant 0 : i32
        %dma_wait3A_1311 = tpu.memref_slice %arg9[%dma_wait3A_1309, %dma_wait3A_1310] : memref<128x129xf32, #tpu.memory_space<vmem>> -> memref<8x128xf32, #tpu.memory_space<vmem>>
        tpu.wait_dma2 semaphore(%arg13 : memref<!tpu.dma_semaphore, #tpu.memory_space<semaphore_mem>>) src(%dma_wait3A_1311 : memref<8x128xf32, #tpu.memory_space<vmem>>) dst(%dma_wait3A_1308 : memref<8x128xf32, #tpu.memory_space<hbm>>)
        %add3A_1312 = arith.constant 3 : i32
        %add3A_1313 = arith.addi %mul3A_4, %add3A_1312 : i32
        %dma_wait3A_1314 = arith.constant 1 : i32
        %dma_wait3A_1315 = arith.constant 56 : i32
        %dma_wait3A_1316 = arith.constant 0 : i32
        %dma_wait3A_1317 = tpu.memref_slice %arg9[%dma_wait3A_1315, %dma_wait3A_1316] : memref<128x129xf32, #tpu.memory_space<vmem>> -> memref<8x128xf32, #tpu.memory_space<vmem>>
        %dma_wait3A_1318 = arith.constant 0 : i32
        %dma_wait3A_1319 = arith.constant 0 : i32
        %dma_wait3A_1320 = tpu.memref_slice %arg4[%sub3A_1192, %dma_wait3A_1314, %add3A_1313, %dma_wait3A_1318, %dma_wait3A_1319] : memref<50x4x128x8x128xf32, #tpu.memory_space<hbm>> -> memref<1x1x1x8x128xf32, #tpu.memory_space<hbm>>
        %dma_wait3A_1321 = tpu.memref_squeeze %dma_wait3A_1320 : memref<1x1x1x8x128xf32, #tpu.memory_space<hbm>> -> memref<8x128xf32, #tpu.memory_space<hbm>>
        %dma_wait3A_1322 = arith.constant 0 : i32
        %dma_wait3A_1323 = arith.constant 0 : i32
        %dma_wait3A_1324 = tpu.memref_slice %arg4[%sub3A_1192, %dma_wait3A_1314, %add3A_1313, %dma_wait3A_1322, %dma_wait3A_1323] : memref<50x4x128x8x128xf32, #tpu.memory_space<hbm>> -> memref<1x1x1x8x128xf32, #tpu.memory_space<hbm>>
        %dma_wait3A_1325 = tpu.memref_squeeze %dma_wait3A_1324 : memref<1x1x1x8x128xf32, #tpu.memory_space<hbm>> -> memref<8x128xf32, #tpu.memory_space<hbm>>
        %dma_wait3A_1326 = arith.constant 56 : i32
        %dma_wait3A_1327 = arith.constant 0 : i32
        %dma_wait3A_1328 = tpu.memref_slice %arg9[%dma_wait3A_1326, %dma_wait3A_1327] : memref<128x129xf32, #tpu.memory_space<vmem>> -> memref<8x128xf32, #tpu.memory_space<vmem>>
        tpu.wait_dma2 semaphore(%arg13 : memref<!tpu.dma_semaphore, #tpu.memory_space<semaphore_mem>>) src(%dma_wait3A_1328 : memref<8x128xf32, #tpu.memory_space<vmem>>) dst(%dma_wait3A_1325 : memref<8x128xf32, #tpu.memory_space<hbm>>)
        %add3A_1329 = arith.constant 0 : i32
        %add3A_1330 = arith.addi %mul3A_4, %add3A_1329 : i32
        %dma_wait3A_1331 = arith.constant 2 : i32
        %dma_wait3A_1332 = arith.constant 64 : i32
        %dma_wait3A_1333 = arith.constant 0 : i32
        %dma_wait3A_1334 = tpu.memref_slice %arg9[%dma_wait3A_1332, %dma_wait3A_1333] : memref<128x129xf32, #tpu.memory_space<vmem>> -> memref<8x128xf32, #tpu.memory_space<vmem>>
        %dma_wait3A_1335 = arith.constant 0 : i32
        %dma_wait3A_1336 = arith.constant 0 : i32
        %dma_wait3A_1337 = tpu.memref_slice %arg4[%sub3A_1192, %dma_wait3A_1331, %add3A_1330, %dma_wait3A_1335, %dma_wait3A_1336] : memref<50x4x128x8x128xf32, #tpu.memory_space<hbm>> -> memref<1x1x1x8x128xf32, #tpu.memory_space<hbm>>
        %dma_wait3A_1338 = tpu.memref_squeeze %dma_wait3A_1337 : memref<1x1x1x8x128xf32, #tpu.memory_space<hbm>> -> memref<8x128xf32, #tpu.memory_space<hbm>>
        %dma_wait3A_1339 = arith.constant 0 : i32
        %dma_wait3A_1340 = arith.constant 0 : i32
        %dma_wait3A_1341 = tpu.memref_slice %arg4[%sub3A_1192, %dma_wait3A_1331, %add3A_1330, %dma_wait3A_1339, %dma_wait3A_1340] : memref<50x4x128x8x128xf32, #tpu.memory_space<hbm>> -> memref<1x1x1x8x128xf32, #tpu.memory_space<hbm>>
        %dma_wait3A_1342 = tpu.memref_squeeze %dma_wait3A_1341 : memref<1x1x1x8x128xf32, #tpu.memory_space<hbm>> -> memref<8x128xf32, #tpu.memory_space<hbm>>
        %dma_wait3A_1343 = arith.constant 64 : i32
        %dma_wait3A_1344 = arith.constant 0 : i32
        %dma_wait3A_1345 = tpu.memref_slice %arg9[%dma_wait3A_1343, %dma_wait3A_1344] : memref<128x129xf32, #tpu.memory_space<vmem>> -> memref<8x128xf32, #tpu.memory_space<vmem>>
        tpu.wait_dma2 semaphore(%arg13 : memref<!tpu.dma_semaphore, #tpu.memory_space<semaphore_mem>>) src(%dma_wait3A_1345 : memref<8x128xf32, #tpu.memory_space<vmem>>) dst(%dma_wait3A_1342 : memref<8x128xf32, #tpu.memory_space<hbm>>)
        %add3A_1346 = arith.constant 1 : i32
        %add3A_1347 = arith.addi %mul3A_4, %add3A_1346 : i32
        %dma_wait3A_1348 = arith.constant 2 : i32
        %dma_wait3A_1349 = arith.constant 72 : i32
        %dma_wait3A_1350 = arith.constant 0 : i32
        %dma_wait3A_1351 = tpu.memref_slice %arg9[%dma_wait3A_1349, %dma_wait3A_1350] : memref<128x129xf32, #tpu.memory_space<vmem>> -> memref<8x128xf32, #tpu.memory_space<vmem>>
        %dma_wait3A_1352 = arith.constant 0 : i32
        %dma_wait3A_1353 = arith.constant 0 : i32
        %dma_wait3A_1354 = tpu.memref_slice %arg4[%sub3A_1192, %dma_wait3A_1348, %add3A_1347, %dma_wait3A_1352, %dma_wait3A_1353] : memref<50x4x128x8x128xf32, #tpu.memory_space<hbm>> -> memref<1x1x1x8x128xf32, #tpu.memory_space<hbm>>
        %dma_wait3A_1355 = tpu.memref_squeeze %dma_wait3A_1354 : memref<1x1x1x8x128xf32, #tpu.memory_space<hbm>> -> memref<8x128xf32, #tpu.memory_space<hbm>>
        %dma_wait3A_1356 = arith.constant 0 : i32
        %dma_wait3A_1357 = arith.constant 0 : i32
        %dma_wait3A_1358 = tpu.memref_slice %arg4[%sub3A_1192, %dma_wait3A_1348, %add3A_1347, %dma_wait3A_1356, %dma_wait3A_1357] : memref<50x4x128x8x128xf32, #tpu.memory_space<hbm>> -> memref<1x1x1x8x128xf32, #tpu.memory_space<hbm>>
        %dma_wait3A_1359 = tpu.memref_squeeze %dma_wait3A_1358 : memref<1x1x1x8x128xf32, #tpu.memory_space<hbm>> -> memref<8x128xf32, #tpu.memory_space<hbm>>
        %dma_wait3A_1360 = arith.constant 72 : i32
        %dma_wait3A_1361 = arith.constant 0 : i32
        %dma_wait3A_1362 = tpu.memref_slice %arg9[%dma_wait3A_1360, %dma_wait3A_1361] : memref<128x129xf32, #tpu.memory_space<vmem>> -> memref<8x128xf32, #tpu.memory_space<vmem>>
        tpu.wait_dma2 semaphore(%arg13 : memref<!tpu.dma_semaphore, #tpu.memory_space<semaphore_mem>>) src(%dma_wait3A_1362 : memref<8x128xf32, #tpu.memory_space<vmem>>) dst(%dma_wait3A_1359 : memref<8x128xf32, #tpu.memory_space<hbm>>)
        %add3A_1363 = arith.constant 2 : i32
        %add3A_1364 = arith.addi %mul3A_4, %add3A_1363 : i32
        %dma_wait3A_1365 = arith.constant 2 : i32
        %dma_wait3A_1366 = arith.constant 80 : i32
        %dma_wait3A_1367 = arith.constant 0 : i32
        %dma_wait3A_1368 = tpu.memref_slice %arg9[%dma_wait3A_1366, %dma_wait3A_1367] : memref<128x129xf32, #tpu.memory_space<vmem>> -> memref<8x128xf32, #tpu.memory_space<vmem>>
        %dma_wait3A_1369 = arith.constant 0 : i32
        %dma_wait3A_1370 = arith.constant 0 : i32
        %dma_wait3A_1371 = tpu.memref_slice %arg4[%sub3A_1192, %dma_wait3A_1365, %add3A_1364, %dma_wait3A_1369, %dma_wait3A_1370] : memref<50x4x128x8x128xf32, #tpu.memory_space<hbm>> -> memref<1x1x1x8x128xf32, #tpu.memory_space<hbm>>
        %dma_wait3A_1372 = tpu.memref_squeeze %dma_wait3A_1371 : memref<1x1x1x8x128xf32, #tpu.memory_space<hbm>> -> memref<8x128xf32, #tpu.memory_space<hbm>>
        %dma_wait3A_1373 = arith.constant 0 : i32
        %dma_wait3A_1374 = arith.constant 0 : i32
        %dma_wait3A_1375 = tpu.memref_slice %arg4[%sub3A_1192, %dma_wait3A_1365, %add3A_1364, %dma_wait3A_1373, %dma_wait3A_1374] : memref<50x4x128x8x128xf32, #tpu.memory_space<hbm>> -> memref<1x1x1x8x128xf32, #tpu.memory_space<hbm>>
        %dma_wait3A_1376 = tpu.memref_squeeze %dma_wait3A_1375 : memref<1x1x1x8x128xf32, #tpu.memory_space<hbm>> -> memref<8x128xf32, #tpu.memory_space<hbm>>
        %dma_wait3A_1377 = arith.constant 80 : i32
        %dma_wait3A_1378 = arith.constant 0 : i32
        %dma_wait3A_1379 = tpu.memref_slice %arg9[%dma_wait3A_1377, %dma_wait3A_1378] : memref<128x129xf32, #tpu.memory_space<vmem>> -> memref<8x128xf32, #tpu.memory_space<vmem>>
        tpu.wait_dma2 semaphore(%arg13 : memref<!tpu.dma_semaphore, #tpu.memory_space<semaphore_mem>>) src(%dma_wait3A_1379 : memref<8x128xf32, #tpu.memory_space<vmem>>) dst(%dma_wait3A_1376 : memref<8x128xf32, #tpu.memory_space<hbm>>)
        %add3A_1380 = arith.constant 3 : i32
        %add3A_1381 = arith.addi %mul3A_4, %add3A_1380 : i32
        %dma_wait3A_1382 = arith.constant 2 : i32
        %dma_wait3A_1383 = arith.constant 88 : i32
        %dma_wait3A_1384 = arith.constant 0 : i32
        %dma_wait3A_1385 = tpu.memref_slice %arg9[%dma_wait3A_1383, %dma_wait3A_1384] : memref<128x129xf32, #tpu.memory_space<vmem>> -> memref<8x128xf32, #tpu.memory_space<vmem>>
        %dma_wait3A_1386 = arith.constant 0 : i32
        %dma_wait3A_1387 = arith.constant 0 : i32
        %dma_wait3A_1388 = tpu.memref_slice %arg4[%sub3A_1192, %dma_wait3A_1382, %add3A_1381, %dma_wait3A_1386, %dma_wait3A_1387] : memref<50x4x128x8x128xf32, #tpu.memory_space<hbm>> -> memref<1x1x1x8x128xf32, #tpu.memory_space<hbm>>
        %dma_wait3A_1389 = tpu.memref_squeeze %dma_wait3A_1388 : memref<1x1x1x8x128xf32, #tpu.memory_space<hbm>> -> memref<8x128xf32, #tpu.memory_space<hbm>>
        %dma_wait3A_1390 = arith.constant 0 : i32
        %dma_wait3A_1391 = arith.constant 0 : i32
        %dma_wait3A_1392 = tpu.memref_slice %arg4[%sub3A_1192, %dma_wait3A_1382, %add3A_1381, %dma_wait3A_1390, %dma_wait3A_1391] : memref<50x4x128x8x128xf32, #tpu.memory_space<hbm>> -> memref<1x1x1x8x128xf32, #tpu.memory_space<hbm>>
        %dma_wait3A_1393 = tpu.memref_squeeze %dma_wait3A_1392 : memref<1x1x1x8x128xf32, #tpu.memory_space<hbm>> -> memref<8x128xf32, #tpu.memory_space<hbm>>
        %dma_wait3A_1394 = arith.constant 88 : i32
        %dma_wait3A_1395 = arith.constant 0 : i32
        %dma_wait3A_1396 = tpu.memref_slice %arg9[%dma_wait3A_1394, %dma_wait3A_1395] : memref<128x129xf32, #tpu.memory_space<vmem>> -> memref<8x128xf32, #tpu.memory_space<vmem>>
        tpu.wait_dma2 semaphore(%arg13 : memref<!tpu.dma_semaphore, #tpu.memory_space<semaphore_mem>>) src(%dma_wait3A_1396 : memref<8x128xf32, #tpu.memory_space<vmem>>) dst(%dma_wait3A_1393 : memref<8x128xf32, #tpu.memory_space<hbm>>)
        %add3A_1397 = arith.constant 0 : i32
        %add3A_1398 = arith.addi %mul3A_4, %add3A_1397 : i32
        %dma_wait3A_1399 = arith.constant 3 : i32
        %dma_wait3A_1400 = arith.constant 96 : i32
        %dma_wait3A_1401 = arith.constant 0 : i32
        %dma_wait3A_1402 = tpu.memref_slice %arg9[%dma_wait3A_1400, %dma_wait3A_1401] : memref<128x129xf32, #tpu.memory_space<vmem>> -> memref<8x128xf32, #tpu.memory_space<vmem>>
        %dma_wait3A_1403 = arith.constant 0 : i32
        %dma_wait3A_1404 = arith.constant 0 : i32
        %dma_wait3A_1405 = tpu.memref_slice %arg4[%sub3A_1192, %dma_wait3A_1399, %add3A_1398, %dma_wait3A_1403, %dma_wait3A_1404] : memref<50x4x128x8x128xf32, #tpu.memory_space<hbm>> -> memref<1x1x1x8x128xf32, #tpu.memory_space<hbm>>
        %dma_wait3A_1406 = tpu.memref_squeeze %dma_wait3A_1405 : memref<1x1x1x8x128xf32, #tpu.memory_space<hbm>> -> memref<8x128xf32, #tpu.memory_space<hbm>>
        %dma_wait3A_1407 = arith.constant 0 : i32
        %dma_wait3A_1408 = arith.constant 0 : i32
        %dma_wait3A_1409 = tpu.memref_slice %arg4[%sub3A_1192, %dma_wait3A_1399, %add3A_1398, %dma_wait3A_1407, %dma_wait3A_1408] : memref<50x4x128x8x128xf32, #tpu.memory_space<hbm>> -> memref<1x1x1x8x128xf32, #tpu.memory_space<hbm>>
        %dma_wait3A_1410 = tpu.memref_squeeze %dma_wait3A_1409 : memref<1x1x1x8x128xf32, #tpu.memory_space<hbm>> -> memref<8x128xf32, #tpu.memory_space<hbm>>
        %dma_wait3A_1411 = arith.constant 96 : i32
        %dma_wait3A_1412 = arith.constant 0 : i32
        %dma_wait3A_1413 = tpu.memref_slice %arg9[%dma_wait3A_1411, %dma_wait3A_1412] : memref<128x129xf32, #tpu.memory_space<vmem>> -> memref<8x128xf32, #tpu.memory_space<vmem>>
        tpu.wait_dma2 semaphore(%arg13 : memref<!tpu.dma_semaphore, #tpu.memory_space<semaphore_mem>>) src(%dma_wait3A_1413 : memref<8x128xf32, #tpu.memory_space<vmem>>) dst(%dma_wait3A_1410 : memref<8x128xf32, #tpu.memory_space<hbm>>)
        %add3A_1414 = arith.constant 1 : i32
        %add3A_1415 = arith.addi %mul3A_4, %add3A_1414 : i32
        %dma_wait3A_1416 = arith.constant 3 : i32
        %dma_wait3A_1417 = arith.constant 104 : i32
        %dma_wait3A_1418 = arith.constant 0 : i32
        %dma_wait3A_1419 = tpu.memref_slice %arg9[%dma_wait3A_1417, %dma_wait3A_1418] : memref<128x129xf32, #tpu.memory_space<vmem>> -> memref<8x128xf32, #tpu.memory_space<vmem>>
        %dma_wait3A_1420 = arith.constant 0 : i32
        %dma_wait3A_1421 = arith.constant 0 : i32
        %dma_wait3A_1422 = tpu.memref_slice %arg4[%sub3A_1192, %dma_wait3A_1416, %add3A_1415, %dma_wait3A_1420, %dma_wait3A_1421] : memref<50x4x128x8x128xf32, #tpu.memory_space<hbm>> -> memref<1x1x1x8x128xf32, #tpu.memory_space<hbm>>
        %dma_wait3A_1423 = tpu.memref_squeeze %dma_wait3A_1422 : memref<1x1x1x8x128xf32, #tpu.memory_space<hbm>> -> memref<8x128xf32, #tpu.memory_space<hbm>>
        %dma_wait3A_1424 = arith.constant 0 : i32
        %dma_wait3A_1425 = arith.constant 0 : i32
        %dma_wait3A_1426 = tpu.memref_slice %arg4[%sub3A_1192, %dma_wait3A_1416, %add3A_1415, %dma_wait3A_1424, %dma_wait3A_1425] : memref<50x4x128x8x128xf32, #tpu.memory_space<hbm>> -> memref<1x1x1x8x128xf32, #tpu.memory_space<hbm>>
        %dma_wait3A_1427 = tpu.memref_squeeze %dma_wait3A_1426 : memref<1x1x1x8x128xf32, #tpu.memory_space<hbm>> -> memref<8x128xf32, #tpu.memory_space<hbm>>
        %dma_wait3A_1428 = arith.constant 104 : i32
        %dma_wait3A_1429 = arith.constant 0 : i32
        %dma_wait3A_1430 = tpu.memref_slice %arg9[%dma_wait3A_1428, %dma_wait3A_1429] : memref<128x129xf32, #tpu.memory_space<vmem>> -> memref<8x128xf32, #tpu.memory_space<vmem>>
        tpu.wait_dma2 semaphore(%arg13 : memref<!tpu.dma_semaphore, #tpu.memory_space<semaphore_mem>>) src(%dma_wait3A_1430 : memref<8x128xf32, #tpu.memory_space<vmem>>) dst(%dma_wait3A_1427 : memref<8x128xf32, #tpu.memory_space<hbm>>)
        %add3A_1431 = arith.constant 2 : i32
        %add3A_1432 = arith.addi %mul3A_4, %add3A_1431 : i32
        %dma_wait3A_1433 = arith.constant 3 : i32
        %dma_wait3A_1434 = arith.constant 112 : i32
        %dma_wait3A_1435 = arith.constant 0 : i32
        %dma_wait3A_1436 = tpu.memref_slice %arg9[%dma_wait3A_1434, %dma_wait3A_1435] : memref<128x129xf32, #tpu.memory_space<vmem>> -> memref<8x128xf32, #tpu.memory_space<vmem>>
        %dma_wait3A_1437 = arith.constant 0 : i32
        %dma_wait3A_1438 = arith.constant 0 : i32
        %dma_wait3A_1439 = tpu.memref_slice %arg4[%sub3A_1192, %dma_wait3A_1433, %add3A_1432, %dma_wait3A_1437, %dma_wait3A_1438] : memref<50x4x128x8x128xf32, #tpu.memory_space<hbm>> -> memref<1x1x1x8x128xf32, #tpu.memory_space<hbm>>
        %dma_wait3A_1440 = tpu.memref_squeeze %dma_wait3A_1439 : memref<1x1x1x8x128xf32, #tpu.memory_space<hbm>> -> memref<8x128xf32, #tpu.memory_space<hbm>>
        %dma_wait3A_1441 = arith.constant 0 : i32
        %dma_wait3A_1442 = arith.constant 0 : i32
        %dma_wait3A_1443 = tpu.memref_slice %arg4[%sub3A_1192, %dma_wait3A_1433, %add3A_1432, %dma_wait3A_1441, %dma_wait3A_1442] : memref<50x4x128x8x128xf32, #tpu.memory_space<hbm>> -> memref<1x1x1x8x128xf32, #tpu.memory_space<hbm>>
        %dma_wait3A_1444 = tpu.memref_squeeze %dma_wait3A_1443 : memref<1x1x1x8x128xf32, #tpu.memory_space<hbm>> -> memref<8x128xf32, #tpu.memory_space<hbm>>
        %dma_wait3A_1445 = arith.constant 112 : i32
        %dma_wait3A_1446 = arith.constant 0 : i32
        %dma_wait3A_1447 = tpu.memref_slice %arg9[%dma_wait3A_1445, %dma_wait3A_1446] : memref<128x129xf32, #tpu.memory_space<vmem>> -> memref<8x128xf32, #tpu.memory_space<vmem>>
        tpu.wait_dma2 semaphore(%arg13 : memref<!tpu.dma_semaphore, #tpu.memory_space<semaphore_mem>>) src(%dma_wait3A_1447 : memref<8x128xf32, #tpu.memory_space<vmem>>) dst(%dma_wait3A_1444 : memref<8x128xf32, #tpu.memory_space<hbm>>)
        %add3A_1448 = arith.constant 3 : i32
        %add3A_1449 = arith.addi %mul3A_4, %add3A_1448 : i32
        %dma_wait3A_1450 = arith.constant 3 : i32
        %dma_wait3A_1451 = arith.constant 120 : i32
        %dma_wait3A_1452 = arith.constant 0 : i32
        %dma_wait3A_1453 = tpu.memref_slice %arg9[%dma_wait3A_1451, %dma_wait3A_1452] : memref<128x129xf32, #tpu.memory_space<vmem>> -> memref<8x128xf32, #tpu.memory_space<vmem>>
        %dma_wait3A_1454 = arith.constant 0 : i32
        %dma_wait3A_1455 = arith.constant 0 : i32
        %dma_wait3A_1456 = tpu.memref_slice %arg4[%sub3A_1192, %dma_wait3A_1450, %add3A_1449, %dma_wait3A_1454, %dma_wait3A_1455] : memref<50x4x128x8x128xf32, #tpu.memory_space<hbm>> -> memref<1x1x1x8x128xf32, #tpu.memory_space<hbm>>
        %dma_wait3A_1457 = tpu.memref_squeeze %dma_wait3A_1456 : memref<1x1x1x8x128xf32, #tpu.memory_space<hbm>> -> memref<8x128xf32, #tpu.memory_space<hbm>>
        %dma_wait3A_1458 = arith.constant 0 : i32
        %dma_wait3A_1459 = arith.constant 0 : i32
        %dma_wait3A_1460 = tpu.memref_slice %arg4[%sub3A_1192, %dma_wait3A_1450, %add3A_1449, %dma_wait3A_1458, %dma_wait3A_1459] : memref<50x4x128x8x128xf32, #tpu.memory_space<hbm>> -> memref<1x1x1x8x128xf32, #tpu.memory_space<hbm>>
        %dma_wait3A_1461 = tpu.memref_squeeze %dma_wait3A_1460 : memref<1x1x1x8x128xf32, #tpu.memory_space<hbm>> -> memref<8x128xf32, #tpu.memory_space<hbm>>
        %dma_wait3A_1462 = arith.constant 120 : i32
        %dma_wait3A_1463 = arith.constant 0 : i32
        %dma_wait3A_1464 = tpu.memref_slice %arg9[%dma_wait3A_1462, %dma_wait3A_1463] : memref<128x129xf32, #tpu.memory_space<vmem>> -> memref<8x128xf32, #tpu.memory_space<vmem>>
        tpu.wait_dma2 semaphore(%arg13 : memref<!tpu.dma_semaphore, #tpu.memory_space<semaphore_mem>>) src(%dma_wait3A_1464 : memref<8x128xf32, #tpu.memory_space<vmem>>) dst(%dma_wait3A_1461 : memref<8x128xf32, #tpu.memory_space<hbm>>)
      } else {
      }
      %scan3A_614 = arith.constant 0 : i32
      %scan3A_615 = arith.constant 0 : i32
      %scan3A_616 = arith.constant 512 : i32
      %scan3A_617 = arith.addi %scan3A_615, %scan3A_616 : i32
      %scan3A_618 = arith.constant 8 : i32
      scf.for %scan3A_1192 = %scan3A_615 to %scan3A_617 step %scan3A_618  : i32 {
        %shift_right_arithmetic3A_1193 = arith.constant 7 : i32
        %shift_right_arithmetic3A_1194 = arith.shrsi %scan3A_1192, %shift_right_arithmetic3A_1193 : i32
        %mul3A_1195 = arith.constant 8 : i32
        %mul3A_1196 = arith.muli %shift_right_arithmetic3A_1194, %mul3A_1195 : i32
        %broadcast_in_dim3A = vector.broadcast %mul3A_1196 : i32 to vector<16xi32>
        %and3A_1197 = arith.constant 127 : i32
        %and3A_1198 = arith.andi %scan3A_1192, %and3A_1197 : i32
        %broadcast_in_dim3A_1199 = vector.broadcast %and3A_1198 : i32 to vector<16xi32>
        %get3A = arith.index_cast %scan3A_1192 : i32 to index
        %get3A_1200 = arith.constant 0 : index
        %get3A_1201 = tpu.vector_load %arg7[%get3A, %get3A_1200] {strides = array<i32>} : memref<512x32xf32, #tpu.memory_space<vmem>>, vector<16xf32>,
        %get3A_1202 = arith.index_cast %scan3A_1192 : i32 to index
        %get3A_1203 = arith.constant 16 : index
        %get3A_1204 = tpu.vector_load %arg7[%get3A_1202, %get3A_1203] {strides = array<i32>} : memref<512x32xf32, #tpu.memory_space<vmem>>, vector<16xf32>,
        %add3A_1205 = arith.addi %add3A_12, %broadcast_in_dim3A : vector<16xi32>
        tpu.vector_store_idx %arg9[%add3A_1205, %broadcast_in_dim3A_1199], %get3A_1201 : memref<128x129xf32, #tpu.memory_space<vmem>>[vector<16xi32>, vector<16xi32>], vector<16xf32>,
        %add3A_1206 = arith.addi %add3A_12, %broadcast_in_dim3A : vector<16xi32>
        %add3A_1207 = arith.constant 64 : i32
        %add3A_1208 = vector.broadcast %add3A_1207 : i32 to vector<16xi32>
        %add3A_1209 = arith.addi %add3A_1206, %add3A_1208 : vector<16xi32>
        tpu.vector_store_idx %arg9[%add3A_1209, %broadcast_in_dim3A_1199], %get3A_1204 : memref<128x129xf32, #tpu.memory_space<vmem>>[vector<16xi32>, vector<16xi32>], vector<16xf32>,
        %scan3A_1210 = arith.constant 1 : i32
        %scan3A_1211 = arith.addi %scan3A_1192, %scan3A_1210 : i32
        %shift_right_arithmetic3A_1212 = arith.constant 7 : i32
        %shift_right_arithmetic3A_1213 = arith.shrsi %scan3A_1211, %shift_right_arithmetic3A_1212 : i32
        %mul3A_1214 = arith.constant 8 : i32
        %mul3A_1215 = arith.muli %shift_right_arithmetic3A_1213, %mul3A_1214 : i32
        %broadcast_in_dim3A_1216 = vector.broadcast %mul3A_1215 : i32 to vector<16xi32>
        %and3A_1217 = arith.constant 127 : i32
        %and3A_1218 = arith.andi %scan3A_1211, %and3A_1217 : i32
        %broadcast_in_dim3A_1219 = vector.broadcast %and3A_1218 : i32 to vector<16xi32>
        %get3A_1220 = arith.index_cast %scan3A_1211 : i32 to index
        %get3A_1221 = arith.constant 0 : index
        %get3A_1222 = tpu.vector_load %arg7[%get3A_1220, %get3A_1221] {strides = array<i32>} : memref<512x32xf32, #tpu.memory_space<vmem>>, vector<16xf32>,
        %get3A_1223 = arith.index_cast %scan3A_1211 : i32 to index
        %get3A_1224 = arith.constant 16 : index
        %get3A_1225 = tpu.vector_load %arg7[%get3A_1223, %get3A_1224] {strides = array<i32>} : memref<512x32xf32, #tpu.memory_space<vmem>>, vector<16xf32>,
        %add3A_1226 = arith.addi %add3A_12, %broadcast_in_dim3A_1216 : vector<16xi32>
        tpu.vector_store_idx %arg9[%add3A_1226, %broadcast_in_dim3A_1219], %get3A_1222 : memref<128x129xf32, #tpu.memory_space<vmem>>[vector<16xi32>, vector<16xi32>], vector<16xf32>,
        %add3A_1227 = arith.addi %add3A_12, %broadcast_in_dim3A_1216 : vector<16xi32>
        %add3A_1228 = arith.constant 64 : i32
        %add3A_1229 = vector.broadcast %add3A_1228 : i32 to vector<16xi32>
        %add3A_1230 = arith.addi %add3A_1227, %add3A_1229 : vector<16xi32>
        tpu.vector_store_idx %arg9[%add3A_1230, %broadcast_in_dim3A_1219], %get3A_1225 : memref<128x129xf32, #tpu.memory_space<vmem>>[vector<16xi32>, vector<16xi32>], vector<16xf32>,
        %scan3A_1231 = arith.constant 2 : i32
        %scan3A_1232 = arith.addi %scan3A_1192, %scan3A_1231 : i32
        %shift_right_arithmetic3A_1233 = arith.constant 7 : i32
        %shift_right_arithmetic3A_1234 = arith.shrsi %scan3A_1232, %shift_right_arithmetic3A_1233 : i32
        %mul3A_1235 = arith.constant 8 : i32
        %mul3A_1236 = arith.muli %shift_right_arithmetic3A_1234, %mul3A_1235 : i32
        %broadcast_in_dim3A_1237 = vector.broadcast %mul3A_1236 : i32 to vector<16xi32>
        %and3A_1238 = arith.constant 127 : i32
        %and3A_1239 = arith.andi %scan3A_1232, %and3A_1238 : i32
        %broadcast_in_dim3A_1240 = vector.broadcast %and3A_1239 : i32 to vector<16xi32>
        %get3A_1241 = arith.index_cast %scan3A_1232 : i32 to index
        %get3A_1242 = arith.constant 0 : index
        %get3A_1243 = tpu.vector_load %arg7[%get3A_1241, %get3A_1242] {strides = array<i32>} : memref<512x32xf32, #tpu.memory_space<vmem>>, vector<16xf32>,
        %get3A_1244 = arith.index_cast %scan3A_1232 : i32 to index
        %get3A_1245 = arith.constant 16 : index
        %get3A_1246 = tpu.vector_load %arg7[%get3A_1244, %get3A_1245] {strides = array<i32>} : memref<512x32xf32, #tpu.memory_space<vmem>>, vector<16xf32>,
        %add3A_1247 = arith.addi %add3A_12, %broadcast_in_dim3A_1237 : vector<16xi32>
        tpu.vector_store_idx %arg9[%add3A_1247, %broadcast_in_dim3A_1240], %get3A_1243 : memref<128x129xf32, #tpu.memory_space<vmem>>[vector<16xi32>, vector<16xi32>], vector<16xf32>,
        %add3A_1248 = arith.addi %add3A_12, %broadcast_in_dim3A_1237 : vector<16xi32>
        %add3A_1249 = arith.constant 64 : i32
        %add3A_1250 = vector.broadcast %add3A_1249 : i32 to vector<16xi32>
        %add3A_1251 = arith.addi %add3A_1248, %add3A_1250 : vector<16xi32>
        tpu.vector_store_idx %arg9[%add3A_1251, %broadcast_in_dim3A_1240], %get3A_1246 : memref<128x129xf32, #tpu.memory_space<vmem>>[vector<16xi32>, vector<16xi32>], vector<16xf32>,
        %scan3A_1252 = arith.constant 3 : i32
        %scan3A_1253 = arith.addi %scan3A_1192, %scan3A_1252 : i32
        %shift_right_arithmetic3A_1254 = arith.constant 7 : i32
        %shift_right_arithmetic3A_1255 = arith.shrsi %scan3A_1253, %shift_right_arithmetic3A_1254 : i32
        %mul3A_1256 = arith.constant 8 : i32
        %mul3A_1257 = arith.muli %shift_right_arithmetic3A_1255, %mul3A_1256 : i32
        %broadcast_in_dim3A_1258 = vector.broadcast %mul3A_1257 : i32 to vector<16xi32>
        %and3A_1259 = arith.constant 127 : i32
        %and3A_1260 = arith.andi %scan3A_1253, %and3A_1259 : i32
        %broadcast_in_dim3A_1261 = vector.broadcast %and3A_1260 : i32 to vector<16xi32>
        %get3A_1262 = arith.index_cast %scan3A_1253 : i32 to index
        %get3A_1263 = arith.constant 0 : index
        %get3A_1264 = tpu.vector_load %arg7[%get3A_1262, %get3A_1263] {strides = array<i32>} : memref<512x32xf32, #tpu.memory_space<vmem>>, vector<16xf32>,
        %get3A_1265 = arith.index_cast %scan3A_1253 : i32 to index
        %get3A_1266 = arith.constant 16 : index
        %get3A_1267 = tpu.vector_load %arg7[%get3A_1265, %get3A_1266] {strides = array<i32>} : memref<512x32xf32, #tpu.memory_space<vmem>>, vector<16xf32>,
        %add3A_1268 = arith.addi %add3A_12, %broadcast_in_dim3A_1258 : vector<16xi32>
        tpu.vector_store_idx %arg9[%add3A_1268, %broadcast_in_dim3A_1261], %get3A_1264 : memref<128x129xf32, #tpu.memory_space<vmem>>[vector<16xi32>, vector<16xi32>], vector<16xf32>,
        %add3A_1269 = arith.addi %add3A_12, %broadcast_in_dim3A_1258 : vector<16xi32>
        %add3A_1270 = arith.constant 64 : i32
        %add3A_1271 = vector.broadcast %add3A_1270 : i32 to vector<16xi32>
        %add3A_1272 = arith.addi %add3A_1269, %add3A_1271 : vector<16xi32>
        tpu.vector_store_idx %arg9[%add3A_1272, %broadcast_in_dim3A_1261], %get3A_1267 : memref<128x129xf32, #tpu.memory_space<vmem>>[vector<16xi32>, vector<16xi32>], vector<16xf32>,
        %scan3A_1273 = arith.constant 4 : i32
        %scan3A_1274 = arith.addi %scan3A_1192, %scan3A_1273 : i32
        %shift_right_arithmetic3A_1275 = arith.constant 7 : i32
        %shift_right_arithmetic3A_1276 = arith.shrsi %scan3A_1274, %shift_right_arithmetic3A_1275 : i32
        %mul3A_1277 = arith.constant 8 : i32
        %mul3A_1278 = arith.muli %shift_right_arithmetic3A_1276, %mul3A_1277 : i32
        %broadcast_in_dim3A_1279 = vector.broadcast %mul3A_1278 : i32 to vector<16xi32>
        %and3A_1280 = arith.constant 127 : i32
        %and3A_1281 = arith.andi %scan3A_1274, %and3A_1280 : i32
        %broadcast_in_dim3A_1282 = vector.broadcast %and3A_1281 : i32 to vector<16xi32>
        %get3A_1283 = arith.index_cast %scan3A_1274 : i32 to index
        %get3A_1284 = arith.constant 0 : index
        %get3A_1285 = tpu.vector_load %arg7[%get3A_1283, %get3A_1284] {strides = array<i32>} : memref<512x32xf32, #tpu.memory_space<vmem>>, vector<16xf32>,
        %get3A_1286 = arith.index_cast %scan3A_1274 : i32 to index
        %get3A_1287 = arith.constant 16 : index
        %get3A_1288 = tpu.vector_load %arg7[%get3A_1286, %get3A_1287] {strides = array<i32>} : memref<512x32xf32, #tpu.memory_space<vmem>>, vector<16xf32>,
        %add3A_1289 = arith.addi %add3A_12, %broadcast_in_dim3A_1279 : vector<16xi32>
        tpu.vector_store_idx %arg9[%add3A_1289, %broadcast_in_dim3A_1282], %get3A_1285 : memref<128x129xf32, #tpu.memory_space<vmem>>[vector<16xi32>, vector<16xi32>], vector<16xf32>,
        %add3A_1290 = arith.addi %add3A_12, %broadcast_in_dim3A_1279 : vector<16xi32>
        %add3A_1291 = arith.constant 64 : i32
        %add3A_1292 = vector.broadcast %add3A_1291 : i32 to vector<16xi32>
        %add3A_1293 = arith.addi %add3A_1290, %add3A_1292 : vector<16xi32>
        tpu.vector_store_idx %arg9[%add3A_1293, %broadcast_in_dim3A_1282], %get3A_1288 : memref<128x129xf32, #tpu.memory_space<vmem>>[vector<16xi32>, vector<16xi32>], vector<16xf32>,
        %scan3A_1294 = arith.constant 5 : i32
        %scan3A_1295 = arith.addi %scan3A_1192, %scan3A_1294 : i32
        %shift_right_arithmetic3A_1296 = arith.constant 7 : i32
        %shift_right_arithmetic3A_1297 = arith.shrsi %scan3A_1295, %shift_right_arithmetic3A_1296 : i32
        %mul3A_1298 = arith.constant 8 : i32
        %mul3A_1299 = arith.muli %shift_right_arithmetic3A_1297, %mul3A_1298 : i32
        %broadcast_in_dim3A_1300 = vector.broadcast %mul3A_1299 : i32 to vector<16xi32>
        %and3A_1301 = arith.constant 127 : i32
        %and3A_1302 = arith.andi %scan3A_1295, %and3A_1301 : i32
        %broadcast_in_dim3A_1303 = vector.broadcast %and3A_1302 : i32 to vector<16xi32>
        %get3A_1304 = arith.index_cast %scan3A_1295 : i32 to index
        %get3A_1305 = arith.constant 0 : index
        %get3A_1306 = tpu.vector_load %arg7[%get3A_1304, %get3A_1305] {strides = array<i32>} : memref<512x32xf32, #tpu.memory_space<vmem>>, vector<16xf32>,
        %get3A_1307 = arith.index_cast %scan3A_1295 : i32 to index
        %get3A_1308 = arith.constant 16 : index
        %get3A_1309 = tpu.vector_load %arg7[%get3A_1307, %get3A_1308] {strides = array<i32>} : memref<512x32xf32, #tpu.memory_space<vmem>>, vector<16xf32>,
        %add3A_1310 = arith.addi %add3A_12, %broadcast_in_dim3A_1300 : vector<16xi32>
        tpu.vector_store_idx %arg9[%add3A_1310, %broadcast_in_dim3A_1303], %get3A_1306 : memref<128x129xf32, #tpu.memory_space<vmem>>[vector<16xi32>, vector<16xi32>], vector<16xf32>,
        %add3A_1311 = arith.addi %add3A_12, %broadcast_in_dim3A_1300 : vector<16xi32>
        %add3A_1312 = arith.constant 64 : i32
        %add3A_1313 = vector.broadcast %add3A_1312 : i32 to vector<16xi32>
        %add3A_1314 = arith.addi %add3A_1311, %add3A_1313 : vector<16xi32>
        tpu.vector_store_idx %arg9[%add3A_1314, %broadcast_in_dim3A_1303], %get3A_1309 : memref<128x129xf32, #tpu.memory_space<vmem>>[vector<16xi32>, vector<16xi32>], vector<16xf32>,
        %scan3A_1315 = arith.constant 6 : i32
        %scan3A_1316 = arith.addi %scan3A_1192, %scan3A_1315 : i32
        %shift_right_arithmetic3A_1317 = arith.constant 7 : i32
        %shift_right_arithmetic3A_1318 = arith.shrsi %scan3A_1316, %shift_right_arithmetic3A_1317 : i32
        %mul3A_1319 = arith.constant 8 : i32
        %mul3A_1320 = arith.muli %shift_right_arithmetic3A_1318, %mul3A_1319 : i32
        %broadcast_in_dim3A_1321 = vector.broadcast %mul3A_1320 : i32 to vector<16xi32>
        %and3A_1322 = arith.constant 127 : i32
        %and3A_1323 = arith.andi %scan3A_1316, %and3A_1322 : i32
        %broadcast_in_dim3A_1324 = vector.broadcast %and3A_1323 : i32 to vector<16xi32>
        %get3A_1325 = arith.index_cast %scan3A_1316 : i32 to index
        %get3A_1326 = arith.constant 0 : index
        %get3A_1327 = tpu.vector_load %arg7[%get3A_1325, %get3A_1326] {strides = array<i32>} : memref<512x32xf32, #tpu.memory_space<vmem>>, vector<16xf32>,
        %get3A_1328 = arith.index_cast %scan3A_1316 : i32 to index
        %get3A_1329 = arith.constant 16 : index
        %get3A_1330 = tpu.vector_load %arg7[%get3A_1328, %get3A_1329] {strides = array<i32>} : memref<512x32xf32, #tpu.memory_space<vmem>>, vector<16xf32>,
        %add3A_1331 = arith.addi %add3A_12, %broadcast_in_dim3A_1321 : vector<16xi32>
        tpu.vector_store_idx %arg9[%add3A_1331, %broadcast_in_dim3A_1324], %get3A_1327 : memref<128x129xf32, #tpu.memory_space<vmem>>[vector<16xi32>, vector<16xi32>], vector<16xf32>,
        %add3A_1332 = arith.addi %add3A_12, %broadcast_in_dim3A_1321 : vector<16xi32>
        %add3A_1333 = arith.constant 64 : i32
        %add3A_1334 = vector.broadcast %add3A_1333 : i32 to vector<16xi32>
        %add3A_1335 = arith.addi %add3A_1332, %add3A_1334 : vector<16xi32>
        tpu.vector_store_idx %arg9[%add3A_1335, %broadcast_in_dim3A_1324], %get3A_1330 : memref<128x129xf32, #tpu.memory_space<vmem>>[vector<16xi32>, vector<16xi32>], vector<16xf32>,
        %scan3A_1336 = arith.constant 7 : i32
        %scan3A_1337 = arith.addi %scan3A_1192, %scan3A_1336 : i32
        %shift_right_arithmetic3A_1338 = arith.constant 7 : i32
        %shift_right_arithmetic3A_1339 = arith.shrsi %scan3A_1337, %shift_right_arithmetic3A_1338 : i32
        %mul3A_1340 = arith.constant 8 : i32
        %mul3A_1341 = arith.muli %shift_right_arithmetic3A_1339, %mul3A_1340 : i32
        %broadcast_in_dim3A_1342 = vector.broadcast %mul3A_1341 : i32 to vector<16xi32>
        %and3A_1343 = arith.constant 127 : i32
        %and3A_1344 = arith.andi %scan3A_1337, %and3A_1343 : i32
        %broadcast_in_dim3A_1345 = vector.broadcast %and3A_1344 : i32 to vector<16xi32>
        %get3A_1346 = arith.index_cast %scan3A_1337 : i32 to index
        %get3A_1347 = arith.constant 0 : index
        %get3A_1348 = tpu.vector_load %arg7[%get3A_1346, %get3A_1347] {strides = array<i32>} : memref<512x32xf32, #tpu.memory_space<vmem>>, vector<16xf32>,
        %get3A_1349 = arith.index_cast %scan3A_1337 : i32 to index
        %get3A_1350 = arith.constant 16 : index
        %get3A_1351 = tpu.vector_load %arg7[%get3A_1349, %get3A_1350] {strides = array<i32>} : memref<512x32xf32, #tpu.memory_space<vmem>>, vector<16xf32>,
        %add3A_1352 = arith.addi %add3A_12, %broadcast_in_dim3A_1342 : vector<16xi32>
        tpu.vector_store_idx %arg9[%add3A_1352, %broadcast_in_dim3A_1345], %get3A_1348 : memref<128x129xf32, #tpu.memory_space<vmem>>[vector<16xi32>, vector<16xi32>], vector<16xf32>,
        %add3A_1353 = arith.addi %add3A_12, %broadcast_in_dim3A_1342 : vector<16xi32>
        %add3A_1354 = arith.constant 64 : i32
        %add3A_1355 = vector.broadcast %add3A_1354 : i32 to vector<16xi32>
        %add3A_1356 = arith.addi %add3A_1353, %add3A_1355 : vector<16xi32>
        tpu.vector_store_idx %arg9[%add3A_1356, %broadcast_in_dim3A_1345], %get3A_1351 : memref<128x129xf32, #tpu.memory_space<vmem>>[vector<16xi32>, vector<16xi32>], vector<16xf32>,
      }
      %scan3A_619 = arith.constant 512 : i32
      %add3A_620 = arith.constant 0 : i32
      %add3A_621 = arith.addi %mul3A_4, %add3A_620 : i32
      %dma_start3A_622 = arith.constant 0 : i32
      %dma_start3A_623 = arith.constant 0 : i32
      %dma_start3A_624 = arith.constant 0 : i32
      %dma_start3A_625 = tpu.memref_slice %arg9[%dma_start3A_623, %dma_start3A_624] : memref<128x129xf32, #tpu.memory_space<vmem>> -> memref<8x128xf32, #tpu.memory_space<vmem>>
      %dma_start3A_626 = arith.constant 0 : i32
      %dma_start3A_627 = arith.constant 0 : i32
      %dma_start3A_628 = tpu.memref_slice %arg4[%add3A_599, %dma_start3A_622, %add3A_621, %dma_start3A_626, %dma_start3A_627] : memref<50x4x128x8x128xf32, #tpu.memory_space<hbm>> -> memref<1x1x1x8x128xf32, #tpu.memory_space<hbm>>
      %dma_start3A_629 = tpu.memref_squeeze %dma_start3A_628 : memref<1x1x1x8x128xf32, #tpu.memory_space<hbm>> -> memref<8x128xf32, #tpu.memory_space<hbm>>
      %dma_start3A_630 = arith.constant 0 : i32
      %dma_start3A_631 = arith.constant 0 : i32
      %dma_start3A_632 = tpu.memref_slice %arg4[%add3A_599, %dma_start3A_622, %add3A_621, %dma_start3A_630, %dma_start3A_631] : memref<50x4x128x8x128xf32, #tpu.memory_space<hbm>> -> memref<1x1x1x8x128xf32, #tpu.memory_space<hbm>>
      %dma_start3A_633 = tpu.memref_squeeze %dma_start3A_632 : memref<1x1x1x8x128xf32, #tpu.memory_space<hbm>> -> memref<8x128xf32, #tpu.memory_space<hbm>>
      %dma_start3A_634 = arith.constant 0 : i32
      %dma_start3A_635 = arith.constant 0 : i32
      %dma_start3A_636 = tpu.memref_slice %arg9[%dma_start3A_634, %dma_start3A_635] : memref<128x129xf32, #tpu.memory_space<vmem>> -> memref<8x128xf32, #tpu.memory_space<vmem>>
      tpu.enqueue_dma source(%dma_start3A_636 : memref<8x128xf32, #tpu.memory_space<vmem>>) target(%dma_start3A_633 : memref<8x128xf32, #tpu.memory_space<hbm>>) target_semaphore(%arg13 : memref<!tpu.dma_semaphore, #tpu.memory_space<semaphore_mem>>)
      %add3A_637 = arith.constant 1 : i32
      %add3A_638 = arith.addi %mul3A_4, %add3A_637 : i32
      %dma_start3A_639 = arith.constant 0 : i32
      %dma_start3A_640 = arith.constant 8 : i32
      %dma_start3A_641 = arith.constant 0 : i32
      %dma_start3A_642 = tpu.memref_slice %arg9[%dma_start3A_640, %dma_start3A_641] : memref<128x129xf32, #tpu.memory_space<vmem>> -> memref<8x128xf32, #tpu.memory_space<vmem>>
      %dma_start3A_643 = arith.constant 0 : i32
      %dma_start3A_644 = arith.constant 0 : i32
      %dma_start3A_645 = tpu.memref_slice %arg4[%add3A_599, %dma_start3A_639, %add3A_638, %dma_start3A_643, %dma_start3A_644] : memref<50x4x128x8x128xf32, #tpu.memory_space<hbm>> -> memref<1x1x1x8x128xf32, #tpu.memory_space<hbm>>
      %dma_start3A_646 = tpu.memref_squeeze %dma_start3A_645 : memref<1x1x1x8x128xf32, #tpu.memory_space<hbm>> -> memref<8x128xf32, #tpu.memory_space<hbm>>
      %dma_start3A_647 = arith.constant 0 : i32
      %dma_start3A_648 = arith.constant 0 : i32
      %dma_start3A_649 = tpu.memref_slice %arg4[%add3A_599, %dma_start3A_639, %add3A_638, %dma_start3A_647, %dma_start3A_648] : memref<50x4x128x8x128xf32, #tpu.memory_space<hbm>> -> memref<1x1x1x8x128xf32, #tpu.memory_space<hbm>>
      %dma_start3A_650 = tpu.memref_squeeze %dma_start3A_649 : memref<1x1x1x8x128xf32, #tpu.memory_space<hbm>> -> memref<8x128xf32, #tpu.memory_space<hbm>>
      %dma_start3A_651 = arith.constant 8 : i32
      %dma_start3A_652 = arith.constant 0 : i32
      %dma_start3A_653 = tpu.memref_slice %arg9[%dma_start3A_651, %dma_start3A_652] : memref<128x129xf32, #tpu.memory_space<vmem>> -> memref<8x128xf32, #tpu.memory_space<vmem>>
      tpu.enqueue_dma source(%dma_start3A_653 : memref<8x128xf32, #tpu.memory_space<vmem>>) target(%dma_start3A_650 : memref<8x128xf32, #tpu.memory_space<hbm>>) target_semaphore(%arg13 : memref<!tpu.dma_semaphore, #tpu.memory_space<semaphore_mem>>)
      %add3A_654 = arith.constant 2 : i32
      %add3A_655 = arith.addi %mul3A_4, %add3A_654 : i32
      %dma_start3A_656 = arith.constant 0 : i32
      %dma_start3A_657 = arith.constant 16 : i32
      %dma_start3A_658 = arith.constant 0 : i32
      %dma_start3A_659 = tpu.memref_slice %arg9[%dma_start3A_657, %dma_start3A_658] : memref<128x129xf32, #tpu.memory_space<vmem>> -> memref<8x128xf32, #tpu.memory_space<vmem>>
      %dma_start3A_660 = arith.constant 0 : i32
      %dma_start3A_661 = arith.constant 0 : i32
      %dma_start3A_662 = tpu.memref_slice %arg4[%add3A_599, %dma_start3A_656, %add3A_655, %dma_start3A_660, %dma_start3A_661] : memref<50x4x128x8x128xf32, #tpu.memory_space<hbm>> -> memref<1x1x1x8x128xf32, #tpu.memory_space<hbm>>
      %dma_start3A_663 = tpu.memref_squeeze %dma_start3A_662 : memref<1x1x1x8x128xf32, #tpu.memory_space<hbm>> -> memref<8x128xf32, #tpu.memory_space<hbm>>
      %dma_start3A_664 = arith.constant 0 : i32
      %dma_start3A_665 = arith.constant 0 : i32
      %dma_start3A_666 = tpu.memref_slice %arg4[%add3A_599, %dma_start3A_656, %add3A_655, %dma_start3A_664, %dma_start3A_665] : memref<50x4x128x8x128xf32, #tpu.memory_space<hbm>> -> memref<1x1x1x8x128xf32, #tpu.memory_space<hbm>>
      %dma_start3A_667 = tpu.memref_squeeze %dma_start3A_666 : memref<1x1x1x8x128xf32, #tpu.memory_space<hbm>> -> memref<8x128xf32, #tpu.memory_space<hbm>>
      %dma_start3A_668 = arith.constant 16 : i32
      %dma_start3A_669 = arith.constant 0 : i32
      %dma_start3A_670 = tpu.memref_slice %arg9[%dma_start3A_668, %dma_start3A_669] : memref<128x129xf32, #tpu.memory_space<vmem>> -> memref<8x128xf32, #tpu.memory_space<vmem>>
      tpu.enqueue_dma source(%dma_start3A_670 : memref<8x128xf32, #tpu.memory_space<vmem>>) target(%dma_start3A_667 : memref<8x128xf32, #tpu.memory_space<hbm>>) target_semaphore(%arg13 : memref<!tpu.dma_semaphore, #tpu.memory_space<semaphore_mem>>)
      %add3A_671 = arith.constant 3 : i32
      %add3A_672 = arith.addi %mul3A_4, %add3A_671 : i32
      %dma_start3A_673 = arith.constant 0 : i32
      %dma_start3A_674 = arith.constant 24 : i32
      %dma_start3A_675 = arith.constant 0 : i32
      %dma_start3A_676 = tpu.memref_slice %arg9[%dma_start3A_674, %dma_start3A_675] : memref<128x129xf32, #tpu.memory_space<vmem>> -> memref<8x128xf32, #tpu.memory_space<vmem>>
      %dma_start3A_677 = arith.constant 0 : i32
      %dma_start3A_678 = arith.constant 0 : i32
      %dma_start3A_679 = tpu.memref_slice %arg4[%add3A_599, %dma_start3A_673, %add3A_672, %dma_start3A_677, %dma_start3A_678] : memref<50x4x128x8x128xf32, #tpu.memory_space<hbm>> -> memref<1x1x1x8x128xf32, #tpu.memory_space<hbm>>
      %dma_start3A_680 = tpu.memref_squeeze %dma_start3A_679 : memref<1x1x1x8x128xf32, #tpu.memory_space<hbm>> -> memref<8x128xf32, #tpu.memory_space<hbm>>
      %dma_start3A_681 = arith.constant 0 : i32
      %dma_start3A_682 = arith.constant 0 : i32
      %dma_start3A_683 = tpu.memref_slice %arg4[%add3A_599, %dma_start3A_673, %add3A_672, %dma_start3A_681, %dma_start3A_682] : memref<50x4x128x8x128xf32, #tpu.memory_space<hbm>> -> memref<1x1x1x8x128xf32, #tpu.memory_space<hbm>>
      %dma_start3A_684 = tpu.memref_squeeze %dma_start3A_683 : memref<1x1x1x8x128xf32, #tpu.memory_space<hbm>> -> memref<8x128xf32, #tpu.memory_space<hbm>>
      %dma_start3A_685 = arith.constant 24 : i32
      %dma_start3A_686 = arith.constant 0 : i32
      %dma_start3A_687 = tpu.memref_slice %arg9[%dma_start3A_685, %dma_start3A_686] : memref<128x129xf32, #tpu.memory_space<vmem>> -> memref<8x128xf32, #tpu.memory_space<vmem>>
      tpu.enqueue_dma source(%dma_start3A_687 : memref<8x128xf32, #tpu.memory_space<vmem>>) target(%dma_start3A_684 : memref<8x128xf32, #tpu.memory_space<hbm>>) target_semaphore(%arg13 : memref<!tpu.dma_semaphore, #tpu.memory_space<semaphore_mem>>)
      %add3A_688 = arith.constant 0 : i32
      %add3A_689 = arith.addi %mul3A_4, %add3A_688 : i32
      %dma_start3A_690 = arith.constant 1 : i32
      %dma_start3A_691 = arith.constant 32 : i32
      %dma_start3A_692 = arith.constant 0 : i32
      %dma_start3A_693 = tpu.memref_slice %arg9[%dma_start3A_691, %dma_start3A_692] : memref<128x129xf32, #tpu.memory_space<vmem>> -> memref<8x128xf32, #tpu.memory_space<vmem>>
      %dma_start3A_694 = arith.constant 0 : i32
      %dma_start3A_695 = arith.constant 0 : i32
      %dma_start3A_696 = tpu.memref_slice %arg4[%add3A_599, %dma_start3A_690, %add3A_689, %dma_start3A_694, %dma_start3A_695] : memref<50x4x128x8x128xf32, #tpu.memory_space<hbm>> -> memref<1x1x1x8x128xf32, #tpu.memory_space<hbm>>
      %dma_start3A_697 = tpu.memref_squeeze %dma_start3A_696 : memref<1x1x1x8x128xf32, #tpu.memory_space<hbm>> -> memref<8x128xf32, #tpu.memory_space<hbm>>
      %dma_start3A_698 = arith.constant 0 : i32
      %dma_start3A_699 = arith.constant 0 : i32
      %dma_start3A_700 = tpu.memref_slice %arg4[%add3A_599, %dma_start3A_690, %add3A_689, %dma_start3A_698, %dma_start3A_699] : memref<50x4x128x8x128xf32, #tpu.memory_space<hbm>> -> memref<1x1x1x8x128xf32, #tpu.memory_space<hbm>>
      %dma_start3A_701 = tpu.memref_squeeze %dma_start3A_700 : memref<1x1x1x8x128xf32, #tpu.memory_space<hbm>> -> memref<8x128xf32, #tpu.memory_space<hbm>>
      %dma_start3A_702 = arith.constant 32 : i32
      %dma_start3A_703 = arith.constant 0 : i32
      %dma_start3A_704 = tpu.memref_slice %arg9[%dma_start3A_702, %dma_start3A_703] : memref<128x129xf32, #tpu.memory_space<vmem>> -> memref<8x128xf32, #tpu.memory_space<vmem>>
      tpu.enqueue_dma source(%dma_start3A_704 : memref<8x128xf32, #tpu.memory_space<vmem>>) target(%dma_start3A_701 : memref<8x128xf32, #tpu.memory_space<hbm>>) target_semaphore(%arg13 : memref<!tpu.dma_semaphore, #tpu.memory_space<semaphore_mem>>)
      %add3A_705 = arith.constant 1 : i32
      %add3A_706 = arith.addi %mul3A_4, %add3A_705 : i32
      %dma_start3A_707 = arith.constant 1 : i32
      %dma_start3A_708 = arith.constant 40 : i32
      %dma_start3A_709 = arith.constant 0 : i32
      %dma_start3A_710 = tpu.memref_slice %arg9[%dma_start3A_708, %dma_start3A_709] : memref<128x129xf32, #tpu.memory_space<vmem>> -> memref<8x128xf32, #tpu.memory_space<vmem>>
      %dma_start3A_711 = arith.constant 0 : i32
      %dma_start3A_712 = arith.constant 0 : i32
      %dma_start3A_713 = tpu.memref_slice %arg4[%add3A_599, %dma_start3A_707, %add3A_706, %dma_start3A_711, %dma_start3A_712] : memref<50x4x128x8x128xf32, #tpu.memory_space<hbm>> -> memref<1x1x1x8x128xf32, #tpu.memory_space<hbm>>
      %dma_start3A_714 = tpu.memref_squeeze %dma_start3A_713 : memref<1x1x1x8x128xf32, #tpu.memory_space<hbm>> -> memref<8x128xf32, #tpu.memory_space<hbm>>
      %dma_start3A_715 = arith.constant 0 : i32
      %dma_start3A_716 = arith.constant 0 : i32
      %dma_start3A_717 = tpu.memref_slice %arg4[%add3A_599, %dma_start3A_707, %add3A_706, %dma_start3A_715, %dma_start3A_716] : memref<50x4x128x8x128xf32, #tpu.memory_space<hbm>> -> memref<1x1x1x8x128xf32, #tpu.memory_space<hbm>>
      %dma_start3A_718 = tpu.memref_squeeze %dma_start3A_717 : memref<1x1x1x8x128xf32, #tpu.memory_space<hbm>> -> memref<8x128xf32, #tpu.memory_space<hbm>>
      %dma_start3A_719 = arith.constant 40 : i32
      %dma_start3A_720 = arith.constant 0 : i32
      %dma_start3A_721 = tpu.memref_slice %arg9[%dma_start3A_719, %dma_start3A_720] : memref<128x129xf32, #tpu.memory_space<vmem>> -> memref<8x128xf32, #tpu.memory_space<vmem>>
      tpu.enqueue_dma source(%dma_start3A_721 : memref<8x128xf32, #tpu.memory_space<vmem>>) target(%dma_start3A_718 : memref<8x128xf32, #tpu.memory_space<hbm>>) target_semaphore(%arg13 : memref<!tpu.dma_semaphore, #tpu.memory_space<semaphore_mem>>)
      %add3A_722 = arith.constant 2 : i32
      %add3A_723 = arith.addi %mul3A_4, %add3A_722 : i32
      %dma_start3A_724 = arith.constant 1 : i32
      %dma_start3A_725 = arith.constant 48 : i32
      %dma_start3A_726 = arith.constant 0 : i32
      %dma_start3A_727 = tpu.memref_slice %arg9[%dma_start3A_725, %dma_start3A_726] : memref<128x129xf32, #tpu.memory_space<vmem>> -> memref<8x128xf32, #tpu.memory_space<vmem>>
      %dma_start3A_728 = arith.constant 0 : i32
      %dma_start3A_729 = arith.constant 0 : i32
      %dma_start3A_730 = tpu.memref_slice %arg4[%add3A_599, %dma_start3A_724, %add3A_723, %dma_start3A_728, %dma_start3A_729] : memref<50x4x128x8x128xf32, #tpu.memory_space<hbm>> -> memref<1x1x1x8x128xf32, #tpu.memory_space<hbm>>
      %dma_start3A_731 = tpu.memref_squeeze %dma_start3A_730 : memref<1x1x1x8x128xf32, #tpu.memory_space<hbm>> -> memref<8x128xf32, #tpu.memory_space<hbm>>
      %dma_start3A_732 = arith.constant 0 : i32
      %dma_start3A_733 = arith.constant 0 : i32
      %dma_start3A_734 = tpu.memref_slice %arg4[%add3A_599, %dma_start3A_724, %add3A_723, %dma_start3A_732, %dma_start3A_733] : memref<50x4x128x8x128xf32, #tpu.memory_space<hbm>> -> memref<1x1x1x8x128xf32, #tpu.memory_space<hbm>>
      %dma_start3A_735 = tpu.memref_squeeze %dma_start3A_734 : memref<1x1x1x8x128xf32, #tpu.memory_space<hbm>> -> memref<8x128xf32, #tpu.memory_space<hbm>>
      %dma_start3A_736 = arith.constant 48 : i32
      %dma_start3A_737 = arith.constant 0 : i32
      %dma_start3A_738 = tpu.memref_slice %arg9[%dma_start3A_736, %dma_start3A_737] : memref<128x129xf32, #tpu.memory_space<vmem>> -> memref<8x128xf32, #tpu.memory_space<vmem>>
      tpu.enqueue_dma source(%dma_start3A_738 : memref<8x128xf32, #tpu.memory_space<vmem>>) target(%dma_start3A_735 : memref<8x128xf32, #tpu.memory_space<hbm>>) target_semaphore(%arg13 : memref<!tpu.dma_semaphore, #tpu.memory_space<semaphore_mem>>)
      %add3A_739 = arith.constant 3 : i32
      %add3A_740 = arith.addi %mul3A_4, %add3A_739 : i32
      %dma_start3A_741 = arith.constant 1 : i32
      %dma_start3A_742 = arith.constant 56 : i32
      %dma_start3A_743 = arith.constant 0 : i32
      %dma_start3A_744 = tpu.memref_slice %arg9[%dma_start3A_742, %dma_start3A_743] : memref<128x129xf32, #tpu.memory_space<vmem>> -> memref<8x128xf32, #tpu.memory_space<vmem>>
      %dma_start3A_745 = arith.constant 0 : i32
      %dma_start3A_746 = arith.constant 0 : i32
      %dma_start3A_747 = tpu.memref_slice %arg4[%add3A_599, %dma_start3A_741, %add3A_740, %dma_start3A_745, %dma_start3A_746] : memref<50x4x128x8x128xf32, #tpu.memory_space<hbm>> -> memref<1x1x1x8x128xf32, #tpu.memory_space<hbm>>
      %dma_start3A_748 = tpu.memref_squeeze %dma_start3A_747 : memref<1x1x1x8x128xf32, #tpu.memory_space<hbm>> -> memref<8x128xf32, #tpu.memory_space<hbm>>
      %dma_start3A_749 = arith.constant 0 : i32
      %dma_start3A_750 = arith.constant 0 : i32
      %dma_start3A_751 = tpu.memref_slice %arg4[%add3A_599, %dma_start3A_741, %add3A_740, %dma_start3A_749, %dma_start3A_750] : memref<50x4x128x8x128xf32, #tpu.memory_space<hbm>> -> memref<1x1x1x8x128xf32, #tpu.memory_space<hbm>>
      %dma_start3A_752 = tpu.memref_squeeze %dma_start3A_751 : memref<1x1x1x8x128xf32, #tpu.memory_space<hbm>> -> memref<8x128xf32, #tpu.memory_space<hbm>>
      %dma_start3A_753 = arith.constant 56 : i32
      %dma_start3A_754 = arith.constant 0 : i32
      %dma_start3A_755 = tpu.memref_slice %arg9[%dma_start3A_753, %dma_start3A_754] : memref<128x129xf32, #tpu.memory_space<vmem>> -> memref<8x128xf32, #tpu.memory_space<vmem>>
      tpu.enqueue_dma source(%dma_start3A_755 : memref<8x128xf32, #tpu.memory_space<vmem>>) target(%dma_start3A_752 : memref<8x128xf32, #tpu.memory_space<hbm>>) target_semaphore(%arg13 : memref<!tpu.dma_semaphore, #tpu.memory_space<semaphore_mem>>)
      %add3A_756 = arith.constant 0 : i32
      %add3A_757 = arith.addi %mul3A_4, %add3A_756 : i32
      %dma_start3A_758 = arith.constant 2 : i32
      %dma_start3A_759 = arith.constant 64 : i32
      %dma_start3A_760 = arith.constant 0 : i32
      %dma_start3A_761 = tpu.memref_slice %arg9[%dma_start3A_759, %dma_start3A_760] : memref<128x129xf32, #tpu.memory_space<vmem>> -> memref<8x128xf32, #tpu.memory_space<vmem>>
      %dma_start3A_762 = arith.constant 0 : i32
      %dma_start3A_763 = arith.constant 0 : i32
      %dma_start3A_764 = tpu.memref_slice %arg4[%add3A_599, %dma_start3A_758, %add3A_757, %dma_start3A_762, %dma_start3A_763] : memref<50x4x128x8x128xf32, #tpu.memory_space<hbm>> -> memref<1x1x1x8x128xf32, #tpu.memory_space<hbm>>
      %dma_start3A_765 = tpu.memref_squeeze %dma_start3A_764 : memref<1x1x1x8x128xf32, #tpu.memory_space<hbm>> -> memref<8x128xf32, #tpu.memory_space<hbm>>
      %dma_start3A_766 = arith.constant 0 : i32
      %dma_start3A_767 = arith.constant 0 : i32
      %dma_start3A_768 = tpu.memref_slice %arg4[%add3A_599, %dma_start3A_758, %add3A_757, %dma_start3A_766, %dma_start3A_767] : memref<50x4x128x8x128xf32, #tpu.memory_space<hbm>> -> memref<1x1x1x8x128xf32, #tpu.memory_space<hbm>>
      %dma_start3A_769 = tpu.memref_squeeze %dma_start3A_768 : memref<1x1x1x8x128xf32, #tpu.memory_space<hbm>> -> memref<8x128xf32, #tpu.memory_space<hbm>>
      %dma_start3A_770 = arith.constant 64 : i32
      %dma_start3A_771 = arith.constant 0 : i32
      %dma_start3A_772 = tpu.memref_slice %arg9[%dma_start3A_770, %dma_start3A_771] : memref<128x129xf32, #tpu.memory_space<vmem>> -> memref<8x128xf32, #tpu.memory_space<vmem>>
      tpu.enqueue_dma source(%dma_start3A_772 : memref<8x128xf32, #tpu.memory_space<vmem>>) target(%dma_start3A_769 : memref<8x128xf32, #tpu.memory_space<hbm>>) target_semaphore(%arg13 : memref<!tpu.dma_semaphore, #tpu.memory_space<semaphore_mem>>)
      %add3A_773 = arith.constant 1 : i32
      %add3A_774 = arith.addi %mul3A_4, %add3A_773 : i32
      %dma_start3A_775 = arith.constant 2 : i32
      %dma_start3A_776 = arith.constant 72 : i32
      %dma_start3A_777 = arith.constant 0 : i32
      %dma_start3A_778 = tpu.memref_slice %arg9[%dma_start3A_776, %dma_start3A_777] : memref<128x129xf32, #tpu.memory_space<vmem>> -> memref<8x128xf32, #tpu.memory_space<vmem>>
      %dma_start3A_779 = arith.constant 0 : i32
      %dma_start3A_780 = arith.constant 0 : i32
      %dma_start3A_781 = tpu.memref_slice %arg4[%add3A_599, %dma_start3A_775, %add3A_774, %dma_start3A_779, %dma_start3A_780] : memref<50x4x128x8x128xf32, #tpu.memory_space<hbm>> -> memref<1x1x1x8x128xf32, #tpu.memory_space<hbm>>
      %dma_start3A_782 = tpu.memref_squeeze %dma_start3A_781 : memref<1x1x1x8x128xf32, #tpu.memory_space<hbm>> -> memref<8x128xf32, #tpu.memory_space<hbm>>
      %dma_start3A_783 = arith.constant 0 : i32
      %dma_start3A_784 = arith.constant 0 : i32
      %dma_start3A_785 = tpu.memref_slice %arg4[%add3A_599, %dma_start3A_775, %add3A_774, %dma_start3A_783, %dma_start3A_784] : memref<50x4x128x8x128xf32, #tpu.memory_space<hbm>> -> memref<1x1x1x8x128xf32, #tpu.memory_space<hbm>>
      %dma_start3A_786 = tpu.memref_squeeze %dma_start3A_785 : memref<1x1x1x8x128xf32, #tpu.memory_space<hbm>> -> memref<8x128xf32, #tpu.memory_space<hbm>>
      %dma_start3A_787 = arith.constant 72 : i32
      %dma_start3A_788 = arith.constant 0 : i32
      %dma_start3A_789 = tpu.memref_slice %arg9[%dma_start3A_787, %dma_start3A_788] : memref<128x129xf32, #tpu.memory_space<vmem>> -> memref<8x128xf32, #tpu.memory_space<vmem>>
      tpu.enqueue_dma source(%dma_start3A_789 : memref<8x128xf32, #tpu.memory_space<vmem>>) target(%dma_start3A_786 : memref<8x128xf32, #tpu.memory_space<hbm>>) target_semaphore(%arg13 : memref<!tpu.dma_semaphore, #tpu.memory_space<semaphore_mem>>)
      %add3A_790 = arith.constant 2 : i32
      %add3A_791 = arith.addi %mul3A_4, %add3A_790 : i32
      %dma_start3A_792 = arith.constant 2 : i32
      %dma_start3A_793 = arith.constant 80 : i32
      %dma_start3A_794 = arith.constant 0 : i32
      %dma_start3A_795 = tpu.memref_slice %arg9[%dma_start3A_793, %dma_start3A_794] : memref<128x129xf32, #tpu.memory_space<vmem>> -> memref<8x128xf32, #tpu.memory_space<vmem>>
      %dma_start3A_796 = arith.constant 0 : i32
      %dma_start3A_797 = arith.constant 0 : i32
      %dma_start3A_798 = tpu.memref_slice %arg4[%add3A_599, %dma_start3A_792, %add3A_791, %dma_start3A_796, %dma_start3A_797] : memref<50x4x128x8x128xf32, #tpu.memory_space<hbm>> -> memref<1x1x1x8x128xf32, #tpu.memory_space<hbm>>
      %dma_start3A_799 = tpu.memref_squeeze %dma_start3A_798 : memref<1x1x1x8x128xf32, #tpu.memory_space<hbm>> -> memref<8x128xf32, #tpu.memory_space<hbm>>
      %dma_start3A_800 = arith.constant 0 : i32
      %dma_start3A_801 = arith.constant 0 : i32
      %dma_start3A_802 = tpu.memref_slice %arg4[%add3A_599, %dma_start3A_792, %add3A_791, %dma_start3A_800, %dma_start3A_801] : memref<50x4x128x8x128xf32, #tpu.memory_space<hbm>> -> memref<1x1x1x8x128xf32, #tpu.memory_space<hbm>>
      %dma_start3A_803 = tpu.memref_squeeze %dma_start3A_802 : memref<1x1x1x8x128xf32, #tpu.memory_space<hbm>> -> memref<8x128xf32, #tpu.memory_space<hbm>>
      %dma_start3A_804 = arith.constant 80 : i32
      %dma_start3A_805 = arith.constant 0 : i32
      %dma_start3A_806 = tpu.memref_slice %arg9[%dma_start3A_804, %dma_start3A_805] : memref<128x129xf32, #tpu.memory_space<vmem>> -> memref<8x128xf32, #tpu.memory_space<vmem>>
      tpu.enqueue_dma source(%dma_start3A_806 : memref<8x128xf32, #tpu.memory_space<vmem>>) target(%dma_start3A_803 : memref<8x128xf32, #tpu.memory_space<hbm>>) target_semaphore(%arg13 : memref<!tpu.dma_semaphore, #tpu.memory_space<semaphore_mem>>)
      %add3A_807 = arith.constant 3 : i32
      %add3A_808 = arith.addi %mul3A_4, %add3A_807 : i32
      %dma_start3A_809 = arith.constant 2 : i32
      %dma_start3A_810 = arith.constant 88 : i32
      %dma_start3A_811 = arith.constant 0 : i32
      %dma_start3A_812 = tpu.memref_slice %arg9[%dma_start3A_810, %dma_start3A_811] : memref<128x129xf32, #tpu.memory_space<vmem>> -> memref<8x128xf32, #tpu.memory_space<vmem>>
      %dma_start3A_813 = arith.constant 0 : i32
      %dma_start3A_814 = arith.constant 0 : i32
      %dma_start3A_815 = tpu.memref_slice %arg4[%add3A_599, %dma_start3A_809, %add3A_808, %dma_start3A_813, %dma_start3A_814] : memref<50x4x128x8x128xf32, #tpu.memory_space<hbm>> -> memref<1x1x1x8x128xf32, #tpu.memory_space<hbm>>
      %dma_start3A_816 = tpu.memref_squeeze %dma_start3A_815 : memref<1x1x1x8x128xf32, #tpu.memory_space<hbm>> -> memref<8x128xf32, #tpu.memory_space<hbm>>
      %dma_start3A_817 = arith.constant 0 : i32
      %dma_start3A_818 = arith.constant 0 : i32
      %dma_start3A_819 = tpu.memref_slice %arg4[%add3A_599, %dma_start3A_809, %add3A_808, %dma_start3A_817, %dma_start3A_818] : memref<50x4x128x8x128xf32, #tpu.memory_space<hbm>> -> memref<1x1x1x8x128xf32, #tpu.memory_space<hbm>>
      %dma_start3A_820 = tpu.memref_squeeze %dma_start3A_819 : memref<1x1x1x8x128xf32, #tpu.memory_space<hbm>> -> memref<8x128xf32, #tpu.memory_space<hbm>>
      %dma_start3A_821 = arith.constant 88 : i32
      %dma_start3A_822 = arith.constant 0 : i32
      %dma_start3A_823 = tpu.memref_slice %arg9[%dma_start3A_821, %dma_start3A_822] : memref<128x129xf32, #tpu.memory_space<vmem>> -> memref<8x128xf32, #tpu.memory_space<vmem>>
      tpu.enqueue_dma source(%dma_start3A_823 : memref<8x128xf32, #tpu.memory_space<vmem>>) target(%dma_start3A_820 : memref<8x128xf32, #tpu.memory_space<hbm>>) target_semaphore(%arg13 : memref<!tpu.dma_semaphore, #tpu.memory_space<semaphore_mem>>)
      %add3A_824 = arith.constant 0 : i32
      %add3A_825 = arith.addi %mul3A_4, %add3A_824 : i32
      %dma_start3A_826 = arith.constant 3 : i32
      %dma_start3A_827 = arith.constant 96 : i32
      %dma_start3A_828 = arith.constant 0 : i32
      %dma_start3A_829 = tpu.memref_slice %arg9[%dma_start3A_827, %dma_start3A_828] : memref<128x129xf32, #tpu.memory_space<vmem>> -> memref<8x128xf32, #tpu.memory_space<vmem>>
      %dma_start3A_830 = arith.constant 0 : i32
      %dma_start3A_831 = arith.constant 0 : i32
      %dma_start3A_832 = tpu.memref_slice %arg4[%add3A_599, %dma_start3A_826, %add3A_825, %dma_start3A_830, %dma_start3A_831] : memref<50x4x128x8x128xf32, #tpu.memory_space<hbm>> -> memref<1x1x1x8x128xf32, #tpu.memory_space<hbm>>
      %dma_start3A_833 = tpu.memref_squeeze %dma_start3A_832 : memref<1x1x1x8x128xf32, #tpu.memory_space<hbm>> -> memref<8x128xf32, #tpu.memory_space<hbm>>
      %dma_start3A_834 = arith.constant 0 : i32
      %dma_start3A_835 = arith.constant 0 : i32
      %dma_start3A_836 = tpu.memref_slice %arg4[%add3A_599, %dma_start3A_826, %add3A_825, %dma_start3A_834, %dma_start3A_835] : memref<50x4x128x8x128xf32, #tpu.memory_space<hbm>> -> memref<1x1x1x8x128xf32, #tpu.memory_space<hbm>>
      %dma_start3A_837 = tpu.memref_squeeze %dma_start3A_836 : memref<1x1x1x8x128xf32, #tpu.memory_space<hbm>> -> memref<8x128xf32, #tpu.memory_space<hbm>>
      %dma_start3A_838 = arith.constant 96 : i32
      %dma_start3A_839 = arith.constant 0 : i32
      %dma_start3A_840 = tpu.memref_slice %arg9[%dma_start3A_838, %dma_start3A_839] : memref<128x129xf32, #tpu.memory_space<vmem>> -> memref<8x128xf32, #tpu.memory_space<vmem>>
      tpu.enqueue_dma source(%dma_start3A_840 : memref<8x128xf32, #tpu.memory_space<vmem>>) target(%dma_start3A_837 : memref<8x128xf32, #tpu.memory_space<hbm>>) target_semaphore(%arg13 : memref<!tpu.dma_semaphore, #tpu.memory_space<semaphore_mem>>)
      %add3A_841 = arith.constant 1 : i32
      %add3A_842 = arith.addi %mul3A_4, %add3A_841 : i32
      %dma_start3A_843 = arith.constant 3 : i32
      %dma_start3A_844 = arith.constant 104 : i32
      %dma_start3A_845 = arith.constant 0 : i32
      %dma_start3A_846 = tpu.memref_slice %arg9[%dma_start3A_844, %dma_start3A_845] : memref<128x129xf32, #tpu.memory_space<vmem>> -> memref<8x128xf32, #tpu.memory_space<vmem>>
      %dma_start3A_847 = arith.constant 0 : i32
      %dma_start3A_848 = arith.constant 0 : i32
      %dma_start3A_849 = tpu.memref_slice %arg4[%add3A_599, %dma_start3A_843, %add3A_842, %dma_start3A_847, %dma_start3A_848] : memref<50x4x128x8x128xf32, #tpu.memory_space<hbm>> -> memref<1x1x1x8x128xf32, #tpu.memory_space<hbm>>
      %dma_start3A_850 = tpu.memref_squeeze %dma_start3A_849 : memref<1x1x1x8x128xf32, #tpu.memory_space<hbm>> -> memref<8x128xf32, #tpu.memory_space<hbm>>
      %dma_start3A_851 = arith.constant 0 : i32
      %dma_start3A_852 = arith.constant 0 : i32
      %dma_start3A_853 = tpu.memref_slice %arg4[%add3A_599, %dma_start3A_843, %add3A_842, %dma_start3A_851, %dma_start3A_852] : memref<50x4x128x8x128xf32, #tpu.memory_space<hbm>> -> memref<1x1x1x8x128xf32, #tpu.memory_space<hbm>>
      %dma_start3A_854 = tpu.memref_squeeze %dma_start3A_853 : memref<1x1x1x8x128xf32, #tpu.memory_space<hbm>> -> memref<8x128xf32, #tpu.memory_space<hbm>>
      %dma_start3A_855 = arith.constant 104 : i32
      %dma_start3A_856 = arith.constant 0 : i32
      %dma_start3A_857 = tpu.memref_slice %arg9[%dma_start3A_855, %dma_start3A_856] : memref<128x129xf32, #tpu.memory_space<vmem>> -> memref<8x128xf32, #tpu.memory_space<vmem>>
      tpu.enqueue_dma source(%dma_start3A_857 : memref<8x128xf32, #tpu.memory_space<vmem>>) target(%dma_start3A_854 : memref<8x128xf32, #tpu.memory_space<hbm>>) target_semaphore(%arg13 : memref<!tpu.dma_semaphore, #tpu.memory_space<semaphore_mem>>)
      %add3A_858 = arith.constant 2 : i32
      %add3A_859 = arith.addi %mul3A_4, %add3A_858 : i32
      %dma_start3A_860 = arith.constant 3 : i32
      %dma_start3A_861 = arith.constant 112 : i32
      %dma_start3A_862 = arith.constant 0 : i32
      %dma_start3A_863 = tpu.memref_slice %arg9[%dma_start3A_861, %dma_start3A_862] : memref<128x129xf32, #tpu.memory_space<vmem>> -> memref<8x128xf32, #tpu.memory_space<vmem>>
      %dma_start3A_864 = arith.constant 0 : i32
      %dma_start3A_865 = arith.constant 0 : i32
      %dma_start3A_866 = tpu.memref_slice %arg4[%add3A_599, %dma_start3A_860, %add3A_859, %dma_start3A_864, %dma_start3A_865] : memref<50x4x128x8x128xf32, #tpu.memory_space<hbm>> -> memref<1x1x1x8x128xf32, #tpu.memory_space<hbm>>
      %dma_start3A_867 = tpu.memref_squeeze %dma_start3A_866 : memref<1x1x1x8x128xf32, #tpu.memory_space<hbm>> -> memref<8x128xf32, #tpu.memory_space<hbm>>
      %dma_start3A_868 = arith.constant 0 : i32
      %dma_start3A_869 = arith.constant 0 : i32
      %dma_start3A_870 = tpu.memref_slice %arg4[%add3A_599, %dma_start3A_860, %add3A_859, %dma_start3A_868, %dma_start3A_869] : memref<50x4x128x8x128xf32, #tpu.memory_space<hbm>> -> memref<1x1x1x8x128xf32, #tpu.memory_space<hbm>>
      %dma_start3A_871 = tpu.memref_squeeze %dma_start3A_870 : memref<1x1x1x8x128xf32, #tpu.memory_space<hbm>> -> memref<8x128xf32, #tpu.memory_space<hbm>>
      %dma_start3A_872 = arith.constant 112 : i32
      %dma_start3A_873 = arith.constant 0 : i32
      %dma_start3A_874 = tpu.memref_slice %arg9[%dma_start3A_872, %dma_start3A_873] : memref<128x129xf32, #tpu.memory_space<vmem>> -> memref<8x128xf32, #tpu.memory_space<vmem>>
      tpu.enqueue_dma source(%dma_start3A_874 : memref<8x128xf32, #tpu.memory_space<vmem>>) target(%dma_start3A_871 : memref<8x128xf32, #tpu.memory_space<hbm>>) target_semaphore(%arg13 : memref<!tpu.dma_semaphore, #tpu.memory_space<semaphore_mem>>)
      %add3A_875 = arith.constant 3 : i32
      %add3A_876 = arith.addi %mul3A_4, %add3A_875 : i32
      %dma_start3A_877 = arith.constant 3 : i32
      %dma_start3A_878 = arith.constant 120 : i32
      %dma_start3A_879 = arith.constant 0 : i32
      %dma_start3A_880 = tpu.memref_slice %arg9[%dma_start3A_878, %dma_start3A_879] : memref<128x129xf32, #tpu.memory_space<vmem>> -> memref<8x128xf32, #tpu.memory_space<vmem>>
      %dma_start3A_881 = arith.constant 0 : i32
      %dma_start3A_882 = arith.constant 0 : i32
      %dma_start3A_883 = tpu.memref_slice %arg4[%add3A_599, %dma_start3A_877, %add3A_876, %dma_start3A_881, %dma_start3A_882] : memref<50x4x128x8x128xf32, #tpu.memory_space<hbm>> -> memref<1x1x1x8x128xf32, #tpu.memory_space<hbm>>
      %dma_start3A_884 = tpu.memref_squeeze %dma_start3A_883 : memref<1x1x1x8x128xf32, #tpu.memory_space<hbm>> -> memref<8x128xf32, #tpu.memory_space<hbm>>
      %dma_start3A_885 = arith.constant 0 : i32
      %dma_start3A_886 = arith.constant 0 : i32
      %dma_start3A_887 = tpu.memref_slice %arg4[%add3A_599, %dma_start3A_877, %add3A_876, %dma_start3A_885, %dma_start3A_886] : memref<50x4x128x8x128xf32, #tpu.memory_space<hbm>> -> memref<1x1x1x8x128xf32, #tpu.memory_space<hbm>>
      %dma_start3A_888 = tpu.memref_squeeze %dma_start3A_887 : memref<1x1x1x8x128xf32, #tpu.memory_space<hbm>> -> memref<8x128xf32, #tpu.memory_space<hbm>>
      %dma_start3A_889 = arith.constant 120 : i32
      %dma_start3A_890 = arith.constant 0 : i32
      %dma_start3A_891 = tpu.memref_slice %arg9[%dma_start3A_889, %dma_start3A_890] : memref<128x129xf32, #tpu.memory_space<vmem>> -> memref<8x128xf32, #tpu.memory_space<vmem>>
      tpu.enqueue_dma source(%dma_start3A_891 : memref<8x128xf32, #tpu.memory_space<vmem>>) target(%dma_start3A_888 : memref<8x128xf32, #tpu.memory_space<hbm>>) target_semaphore(%arg13 : memref<!tpu.dma_semaphore, #tpu.memory_space<semaphore_mem>>)
      %mul3A_892 = arith.constant 2 : i32
      %mul3A_893 = arith.muli %mul3A_892, %scan3A_595 : i32
      %add3A_894 = arith.constant 1 : i32
      %add3A_895 = arith.addi %mul3A_893, %add3A_894 : i32
      %lt3A_896 = arith.constant 49 : i32
      %lt3A_897 = arith.cmpi slt, %add3A_895, %lt3A_896 : i32
      %convert_element_type3A_898 = arith.extui %lt3A_897 : i1 to i32
      %cond3A_899 = arith.constant 0 : i32
      %cond3A_900 = arith.cmpi ne, %convert_element_type3A_898, %cond3A_899 : i32
      scf.if %cond3A_900 {
        %add3A_1192 = arith.constant 1 : i32
        %add3A_1193 = arith.addi %add3A_895, %add3A_1192 : i32
        "tpu.region"() ({
          %run_scoped3A_1194 = tpu.sem_alloc : memref<!tpu.dma_semaphore, #tpu.memory_space<semaphore_mem>>
          %dma_start3A_1195 = tpu.memref_slice %arg2[%add3A_1193, %mul3A_2] : memref<50x16384xi32, #tpu.memory_space<hbm>> -> memref<1x512xi32, #tpu.memory_space<hbm>>
          %dma_start3A_1196 = tpu.memref_squeeze %dma_start3A_1195 : memref<1x512xi32, #tpu.memory_space<hbm>> -> memref<512xi32, #tpu.memory_space<hbm>>
          %dma_start3A_1197 = tpu.memref_slice %arg2[%add3A_1193, %mul3A_2] : memref<50x16384xi32, #tpu.memory_space<hbm>> -> memref<1x512xi32, #tpu.memory_space<hbm>>
          %dma_start3A_1198 = tpu.memref_squeeze %dma_start3A_1197 : memref<1x512xi32, #tpu.memory_space<hbm>> -> memref<512xi32, #tpu.memory_space<hbm>>
          tpu.enqueue_dma source(%dma_start3A_1198 : memref<512xi32, #tpu.memory_space<hbm>>) target(%arg5 : memref<512xi32, #tpu.memory_space<vmem>>) target_semaphore(%run_scoped3A_1194 : memref<!tpu.dma_semaphore, #tpu.memory_space<semaphore_mem>>)
          %dma_wait3A_1199 = tpu.memref_slice %arg2[%add3A_1193, %mul3A_2] : memref<50x16384xi32, #tpu.memory_space<hbm>> -> memref<1x512xi32, #tpu.memory_space<hbm>>
          %dma_wait3A_1200 = tpu.memref_squeeze %dma_wait3A_1199 : memref<1x512xi32, #tpu.memory_space<hbm>> -> memref<512xi32, #tpu.memory_space<hbm>>
          %dma_wait3A_1201 = tpu.memref_slice %arg2[%add3A_1193, %mul3A_2] : memref<50x16384xi32, #tpu.memory_space<hbm>> -> memref<1x512xi32, #tpu.memory_space<hbm>>
          %dma_wait3A_1202 = tpu.memref_squeeze %dma_wait3A_1201 : memref<1x512xi32, #tpu.memory_space<hbm>> -> memref<512xi32, #tpu.memory_space<hbm>>
          tpu.wait_dma2 semaphore(%run_scoped3A_1194 : memref<!tpu.dma_semaphore, #tpu.memory_space<semaphore_mem>>) src(%dma_wait3A_1202 : memref<512xi32, #tpu.memory_space<hbm>>) dst(%arg5 : memref<512xi32, #tpu.memory_space<vmem>>)
          tpu.yield
        }) : () -> ()
      } else {
      }
      %dma_wait3A_901 = arith.constant 0 : i32
      %dma_wait3A_902 = arith.constant 0 : i32
      %dma_wait3A_903 = tpu.memref_slice %arg3[%dma_wait3A_901, %dma_wait3A_902] : memref<1000000x32xf32, #tpu.memory_space<hbm>> -> memref<1000000x32xf32, #tpu.memory_space<hbm>>
      tpu.wait_indirect_dma semaphore(%arg12 : memref<!tpu.dma_semaphore, #tpu.memory_space<semaphore_mem>>) src(%dma_wait3A_903 : memref<1000000x32xf32, #tpu.memory_space<hbm>>) dst(%arg8 : memref<512x32xf32, #tpu.memory_space<vmem>>)
      %lt3A_904 = arith.constant 49 : i32
      %lt3A_905 = arith.cmpi slt, %add3A_895, %lt3A_904 : i32
      %convert_element_type3A_906 = arith.extui %lt3A_905 : i1 to i32
      %cond3A_907 = arith.constant 0 : i32
      %cond3A_908 = arith.cmpi ne, %convert_element_type3A_906, %cond3A_907 : i32
      scf.if %cond3A_908 {
        %dma_start3A_1192 = arith.constant 0 : i32
        %dma_start3A_1193 = arith.constant 0 : i32
        %dma_start3A_1194 = tpu.memref_slice %arg3[%dma_start3A_1192, %dma_start3A_1193] : memref<1000000x32xf32, #tpu.memory_space<hbm>> -> memref<1000000x32xf32, #tpu.memory_space<hbm>>
        tpu.enqueue_indirect_dma source(%dma_start3A_1194 : memref<1000000x32xf32, #tpu.memory_space<hbm>>) target(%arg7 : memref<512x32xf32, #tpu.memory_space<vmem>>) offsets(%arg5 : memref<512xi32, #tpu.memory_space<vmem>>) semaphore(%arg11 : memref<!tpu.dma_semaphore, #tpu.memory_space<semaphore_mem>>)
      } else {
      }
      %ge3A_909 = arith.constant 2 : i32
      %ge3A_910 = arith.cmpi sge, %add3A_895, %ge3A_909 : i32
      %convert_element_type3A_911 = arith.extui %ge3A_910 : i1 to i32
      %cond3A_912 = arith.constant 0 : i32
      %cond3A_913 = arith.cmpi ne, %convert_element_type3A_911, %cond3A_912 : i32
      scf.if %cond3A_913 {
        %sub3A = arith.constant 2 : i32
        %sub3A_1192 = arith.subi %add3A_895, %sub3A : i32
        %add3A_1193 = arith.constant 0 : i32
        %add3A_1194 = arith.addi %mul3A_4, %add3A_1193 : i32
        %dma_wait3A_1195 = arith.constant 0 : i32
        %dma_wait3A_1196 = arith.constant 0 : i32
        %dma_wait3A_1197 = arith.constant 0 : i32
        %dma_wait3A_1198 = tpu.memref_slice %arg10[%dma_wait3A_1196, %dma_wait3A_1197] : memref<128x129xf32, #tpu.memory_space<vmem>> -> memref<8x128xf32, #tpu.memory_space<vmem>>
        %dma_wait3A_1199 = arith.constant 0 : i32
        %dma_wait3A_1200 = arith.constant 0 : i32
        %dma_wait3A_1201 = tpu.memref_slice %arg4[%sub3A_1192, %dma_wait3A_1195, %add3A_1194, %dma_wait3A_1199, %dma_wait3A_1200] : memref<50x4x128x8x128xf32, #tpu.memory_space<hbm>> -> memref<1x1x1x8x128xf32, #tpu.memory_space<hbm>>
        %dma_wait3A_1202 = tpu.memref_squeeze %dma_wait3A_1201 : memref<1x1x1x8x128xf32, #tpu.memory_space<hbm>> -> memref<8x128xf32, #tpu.memory_space<hbm>>
        %dma_wait3A_1203 = arith.constant 0 : i32
        %dma_wait3A_1204 = arith.constant 0 : i32
        %dma_wait3A_1205 = tpu.memref_slice %arg4[%sub3A_1192, %dma_wait3A_1195, %add3A_1194, %dma_wait3A_1203, %dma_wait3A_1204] : memref<50x4x128x8x128xf32, #tpu.memory_space<hbm>> -> memref<1x1x1x8x128xf32, #tpu.memory_space<hbm>>
        %dma_wait3A_1206 = tpu.memref_squeeze %dma_wait3A_1205 : memref<1x1x1x8x128xf32, #tpu.memory_space<hbm>> -> memref<8x128xf32, #tpu.memory_space<hbm>>
        %dma_wait3A_1207 = arith.constant 0 : i32
        %dma_wait3A_1208 = arith.constant 0 : i32
        %dma_wait3A_1209 = tpu.memref_slice %arg10[%dma_wait3A_1207, %dma_wait3A_1208] : memref<128x129xf32, #tpu.memory_space<vmem>> -> memref<8x128xf32, #tpu.memory_space<vmem>>
        tpu.wait_dma2 semaphore(%arg14 : memref<!tpu.dma_semaphore, #tpu.memory_space<semaphore_mem>>) src(%dma_wait3A_1209 : memref<8x128xf32, #tpu.memory_space<vmem>>) dst(%dma_wait3A_1206 : memref<8x128xf32, #tpu.memory_space<hbm>>)
        %add3A_1210 = arith.constant 1 : i32
        %add3A_1211 = arith.addi %mul3A_4, %add3A_1210 : i32
        %dma_wait3A_1212 = arith.constant 0 : i32
        %dma_wait3A_1213 = arith.constant 8 : i32
        %dma_wait3A_1214 = arith.constant 0 : i32
        %dma_wait3A_1215 = tpu.memref_slice %arg10[%dma_wait3A_1213, %dma_wait3A_1214] : memref<128x129xf32, #tpu.memory_space<vmem>> -> memref<8x128xf32, #tpu.memory_space<vmem>>
        %dma_wait3A_1216 = arith.constant 0 : i32
        %dma_wait3A_1217 = arith.constant 0 : i32
        %dma_wait3A_1218 = tpu.memref_slice %arg4[%sub3A_1192, %dma_wait3A_1212, %add3A_1211, %dma_wait3A_1216, %dma_wait3A_1217] : memref<50x4x128x8x128xf32, #tpu.memory_space<hbm>> -> memref<1x1x1x8x128xf32, #tpu.memory_space<hbm>>
        %dma_wait3A_1219 = tpu.memref_squeeze %dma_wait3A_1218 : memref<1x1x1x8x128xf32, #tpu.memory_space<hbm>> -> memref<8x128xf32, #tpu.memory_space<hbm>>
        %dma_wait3A_1220 = arith.constant 0 : i32
        %dma_wait3A_1221 = arith.constant 0 : i32
        %dma_wait3A_1222 = tpu.memref_slice %arg4[%sub3A_1192, %dma_wait3A_1212, %add3A_1211, %dma_wait3A_1220, %dma_wait3A_1221] : memref<50x4x128x8x128xf32, #tpu.memory_space<hbm>> -> memref<1x1x1x8x128xf32, #tpu.memory_space<hbm>>
        %dma_wait3A_1223 = tpu.memref_squeeze %dma_wait3A_1222 : memref<1x1x1x8x128xf32, #tpu.memory_space<hbm>> -> memref<8x128xf32, #tpu.memory_space<hbm>>
        %dma_wait3A_1224 = arith.constant 8 : i32
        %dma_wait3A_1225 = arith.constant 0 : i32
        %dma_wait3A_1226 = tpu.memref_slice %arg10[%dma_wait3A_1224, %dma_wait3A_1225] : memref<128x129xf32, #tpu.memory_space<vmem>> -> memref<8x128xf32, #tpu.memory_space<vmem>>
        tpu.wait_dma2 semaphore(%arg14 : memref<!tpu.dma_semaphore, #tpu.memory_space<semaphore_mem>>) src(%dma_wait3A_1226 : memref<8x128xf32, #tpu.memory_space<vmem>>) dst(%dma_wait3A_1223 : memref<8x128xf32, #tpu.memory_space<hbm>>)
        %add3A_1227 = arith.constant 2 : i32
        %add3A_1228 = arith.addi %mul3A_4, %add3A_1227 : i32
        %dma_wait3A_1229 = arith.constant 0 : i32
        %dma_wait3A_1230 = arith.constant 16 : i32
        %dma_wait3A_1231 = arith.constant 0 : i32
        %dma_wait3A_1232 = tpu.memref_slice %arg10[%dma_wait3A_1230, %dma_wait3A_1231] : memref<128x129xf32, #tpu.memory_space<vmem>> -> memref<8x128xf32, #tpu.memory_space<vmem>>
        %dma_wait3A_1233 = arith.constant 0 : i32
        %dma_wait3A_1234 = arith.constant 0 : i32
        %dma_wait3A_1235 = tpu.memref_slice %arg4[%sub3A_1192, %dma_wait3A_1229, %add3A_1228, %dma_wait3A_1233, %dma_wait3A_1234] : memref<50x4x128x8x128xf32, #tpu.memory_space<hbm>> -> memref<1x1x1x8x128xf32, #tpu.memory_space<hbm>>
        %dma_wait3A_1236 = tpu.memref_squeeze %dma_wait3A_1235 : memref<1x1x1x8x128xf32, #tpu.memory_space<hbm>> -> memref<8x128xf32, #tpu.memory_space<hbm>>
        %dma_wait3A_1237 = arith.constant 0 : i32
        %dma_wait3A_1238 = arith.constant 0 : i32
        %dma_wait3A_1239 = tpu.memref_slice %arg4[%sub3A_1192, %dma_wait3A_1229, %add3A_1228, %dma_wait3A_1237, %dma_wait3A_1238] : memref<50x4x128x8x128xf32, #tpu.memory_space<hbm>> -> memref<1x1x1x8x128xf32, #tpu.memory_space<hbm>>
        %dma_wait3A_1240 = tpu.memref_squeeze %dma_wait3A_1239 : memref<1x1x1x8x128xf32, #tpu.memory_space<hbm>> -> memref<8x128xf32, #tpu.memory_space<hbm>>
        %dma_wait3A_1241 = arith.constant 16 : i32
        %dma_wait3A_1242 = arith.constant 0 : i32
        %dma_wait3A_1243 = tpu.memref_slice %arg10[%dma_wait3A_1241, %dma_wait3A_1242] : memref<128x129xf32, #tpu.memory_space<vmem>> -> memref<8x128xf32, #tpu.memory_space<vmem>>
        tpu.wait_dma2 semaphore(%arg14 : memref<!tpu.dma_semaphore, #tpu.memory_space<semaphore_mem>>) src(%dma_wait3A_1243 : memref<8x128xf32, #tpu.memory_space<vmem>>) dst(%dma_wait3A_1240 : memref<8x128xf32, #tpu.memory_space<hbm>>)
        %add3A_1244 = arith.constant 3 : i32
        %add3A_1245 = arith.addi %mul3A_4, %add3A_1244 : i32
        %dma_wait3A_1246 = arith.constant 0 : i32
        %dma_wait3A_1247 = arith.constant 24 : i32
        %dma_wait3A_1248 = arith.constant 0 : i32
        %dma_wait3A_1249 = tpu.memref_slice %arg10[%dma_wait3A_1247, %dma_wait3A_1248] : memref<128x129xf32, #tpu.memory_space<vmem>> -> memref<8x128xf32, #tpu.memory_space<vmem>>
        %dma_wait3A_1250 = arith.constant 0 : i32
        %dma_wait3A_1251 = arith.constant 0 : i32
        %dma_wait3A_1252 = tpu.memref_slice %arg4[%sub3A_1192, %dma_wait3A_1246, %add3A_1245, %dma_wait3A_1250, %dma_wait3A_1251] : memref<50x4x128x8x128xf32, #tpu.memory_space<hbm>> -> memref<1x1x1x8x128xf32, #tpu.memory_space<hbm>>
        %dma_wait3A_1253 = tpu.memref_squeeze %dma_wait3A_1252 : memref<1x1x1x8x128xf32, #tpu.memory_space<hbm>> -> memref<8x128xf32, #tpu.memory_space<hbm>>
        %dma_wait3A_1254 = arith.constant 0 : i32
        %dma_wait3A_1255 = arith.constant 0 : i32
        %dma_wait3A_1256 = tpu.memref_slice %arg4[%sub3A_1192, %dma_wait3A_1246, %add3A_1245, %dma_wait3A_1254, %dma_wait3A_1255] : memref<50x4x128x8x128xf32, #tpu.memory_space<hbm>> -> memref<1x1x1x8x128xf32, #tpu.memory_space<hbm>>
        %dma_wait3A_1257 = tpu.memref_squeeze %dma_wait3A_1256 : memref<1x1x1x8x128xf32, #tpu.memory_space<hbm>> -> memref<8x128xf32, #tpu.memory_space<hbm>>
        %dma_wait3A_1258 = arith.constant 24 : i32
        %dma_wait3A_1259 = arith.constant 0 : i32
        %dma_wait3A_1260 = tpu.memref_slice %arg10[%dma_wait3A_1258, %dma_wait3A_1259] : memref<128x129xf32, #tpu.memory_space<vmem>> -> memref<8x128xf32, #tpu.memory_space<vmem>>
        tpu.wait_dma2 semaphore(%arg14 : memref<!tpu.dma_semaphore, #tpu.memory_space<semaphore_mem>>) src(%dma_wait3A_1260 : memref<8x128xf32, #tpu.memory_space<vmem>>) dst(%dma_wait3A_1257 : memref<8x128xf32, #tpu.memory_space<hbm>>)
        %add3A_1261 = arith.constant 0 : i32
        %add3A_1262 = arith.addi %mul3A_4, %add3A_1261 : i32
        %dma_wait3A_1263 = arith.constant 1 : i32
        %dma_wait3A_1264 = arith.constant 32 : i32
        %dma_wait3A_1265 = arith.constant 0 : i32
        %dma_wait3A_1266 = tpu.memref_slice %arg10[%dma_wait3A_1264, %dma_wait3A_1265] : memref<128x129xf32, #tpu.memory_space<vmem>> -> memref<8x128xf32, #tpu.memory_space<vmem>>
        %dma_wait3A_1267 = arith.constant 0 : i32
        %dma_wait3A_1268 = arith.constant 0 : i32
        %dma_wait3A_1269 = tpu.memref_slice %arg4[%sub3A_1192, %dma_wait3A_1263, %add3A_1262, %dma_wait3A_1267, %dma_wait3A_1268] : memref<50x4x128x8x128xf32, #tpu.memory_space<hbm>> -> memref<1x1x1x8x128xf32, #tpu.memory_space<hbm>>
        %dma_wait3A_1270 = tpu.memref_squeeze %dma_wait3A_1269 : memref<1x1x1x8x128xf32, #tpu.memory_space<hbm>> -> memref<8x128xf32, #tpu.memory_space<hbm>>
        %dma_wait3A_1271 = arith.constant 0 : i32
        %dma_wait3A_1272 = arith.constant 0 : i32
        %dma_wait3A_1273 = tpu.memref_slice %arg4[%sub3A_1192, %dma_wait3A_1263, %add3A_1262, %dma_wait3A_1271, %dma_wait3A_1272] : memref<50x4x128x8x128xf32, #tpu.memory_space<hbm>> -> memref<1x1x1x8x128xf32, #tpu.memory_space<hbm>>
        %dma_wait3A_1274 = tpu.memref_squeeze %dma_wait3A_1273 : memref<1x1x1x8x128xf32, #tpu.memory_space<hbm>> -> memref<8x128xf32, #tpu.memory_space<hbm>>
        %dma_wait3A_1275 = arith.constant 32 : i32
        %dma_wait3A_1276 = arith.constant 0 : i32
        %dma_wait3A_1277 = tpu.memref_slice %arg10[%dma_wait3A_1275, %dma_wait3A_1276] : memref<128x129xf32, #tpu.memory_space<vmem>> -> memref<8x128xf32, #tpu.memory_space<vmem>>
        tpu.wait_dma2 semaphore(%arg14 : memref<!tpu.dma_semaphore, #tpu.memory_space<semaphore_mem>>) src(%dma_wait3A_1277 : memref<8x128xf32, #tpu.memory_space<vmem>>) dst(%dma_wait3A_1274 : memref<8x128xf32, #tpu.memory_space<hbm>>)
        %add3A_1278 = arith.constant 1 : i32
        %add3A_1279 = arith.addi %mul3A_4, %add3A_1278 : i32
        %dma_wait3A_1280 = arith.constant 1 : i32
        %dma_wait3A_1281 = arith.constant 40 : i32
        %dma_wait3A_1282 = arith.constant 0 : i32
        %dma_wait3A_1283 = tpu.memref_slice %arg10[%dma_wait3A_1281, %dma_wait3A_1282] : memref<128x129xf32, #tpu.memory_space<vmem>> -> memref<8x128xf32, #tpu.memory_space<vmem>>
        %dma_wait3A_1284 = arith.constant 0 : i32
        %dma_wait3A_1285 = arith.constant 0 : i32
        %dma_wait3A_1286 = tpu.memref_slice %arg4[%sub3A_1192, %dma_wait3A_1280, %add3A_1279, %dma_wait3A_1284, %dma_wait3A_1285] : memref<50x4x128x8x128xf32, #tpu.memory_space<hbm>> -> memref<1x1x1x8x128xf32, #tpu.memory_space<hbm>>
        %dma_wait3A_1287 = tpu.memref_squeeze %dma_wait3A_1286 : memref<1x1x1x8x128xf32, #tpu.memory_space<hbm>> -> memref<8x128xf32, #tpu.memory_space<hbm>>
        %dma_wait3A_1288 = arith.constant 0 : i32
        %dma_wait3A_1289 = arith.constant 0 : i32
        %dma_wait3A_1290 = tpu.memref_slice %arg4[%sub3A_1192, %dma_wait3A_1280, %add3A_1279, %dma_wait3A_1288, %dma_wait3A_1289] : memref<50x4x128x8x128xf32, #tpu.memory_space<hbm>> -> memref<1x1x1x8x128xf32, #tpu.memory_space<hbm>>
        %dma_wait3A_1291 = tpu.memref_squeeze %dma_wait3A_1290 : memref<1x1x1x8x128xf32, #tpu.memory_space<hbm>> -> memref<8x128xf32, #tpu.memory_space<hbm>>
        %dma_wait3A_1292 = arith.constant 40 : i32
        %dma_wait3A_1293 = arith.constant 0 : i32
        %dma_wait3A_1294 = tpu.memref_slice %arg10[%dma_wait3A_1292, %dma_wait3A_1293] : memref<128x129xf32, #tpu.memory_space<vmem>> -> memref<8x128xf32, #tpu.memory_space<vmem>>
        tpu.wait_dma2 semaphore(%arg14 : memref<!tpu.dma_semaphore, #tpu.memory_space<semaphore_mem>>) src(%dma_wait3A_1294 : memref<8x128xf32, #tpu.memory_space<vmem>>) dst(%dma_wait3A_1291 : memref<8x128xf32, #tpu.memory_space<hbm>>)
        %add3A_1295 = arith.constant 2 : i32
        %add3A_1296 = arith.addi %mul3A_4, %add3A_1295 : i32
        %dma_wait3A_1297 = arith.constant 1 : i32
        %dma_wait3A_1298 = arith.constant 48 : i32
        %dma_wait3A_1299 = arith.constant 0 : i32
        %dma_wait3A_1300 = tpu.memref_slice %arg10[%dma_wait3A_1298, %dma_wait3A_1299] : memref<128x129xf32, #tpu.memory_space<vmem>> -> memref<8x128xf32, #tpu.memory_space<vmem>>
        %dma_wait3A_1301 = arith.constant 0 : i32
        %dma_wait3A_1302 = arith.constant 0 : i32
        %dma_wait3A_1303 = tpu.memref_slice %arg4[%sub3A_1192, %dma_wait3A_1297, %add3A_1296, %dma_wait3A_1301, %dma_wait3A_1302] : memref<50x4x128x8x128xf32, #tpu.memory_space<hbm>> -> memref<1x1x1x8x128xf32, #tpu.memory_space<hbm>>
        %dma_wait3A_1304 = tpu.memref_squeeze %dma_wait3A_1303 : memref<1x1x1x8x128xf32, #tpu.memory_space<hbm>> -> memref<8x128xf32, #tpu.memory_space<hbm>>
        %dma_wait3A_1305 = arith.constant 0 : i32
        %dma_wait3A_1306 = arith.constant 0 : i32
        %dma_wait3A_1307 = tpu.memref_slice %arg4[%sub3A_1192, %dma_wait3A_1297, %add3A_1296, %dma_wait3A_1305, %dma_wait3A_1306] : memref<50x4x128x8x128xf32, #tpu.memory_space<hbm>> -> memref<1x1x1x8x128xf32, #tpu.memory_space<hbm>>
        %dma_wait3A_1308 = tpu.memref_squeeze %dma_wait3A_1307 : memref<1x1x1x8x128xf32, #tpu.memory_space<hbm>> -> memref<8x128xf32, #tpu.memory_space<hbm>>
        %dma_wait3A_1309 = arith.constant 48 : i32
        %dma_wait3A_1310 = arith.constant 0 : i32
        %dma_wait3A_1311 = tpu.memref_slice %arg10[%dma_wait3A_1309, %dma_wait3A_1310] : memref<128x129xf32, #tpu.memory_space<vmem>> -> memref<8x128xf32, #tpu.memory_space<vmem>>
        tpu.wait_dma2 semaphore(%arg14 : memref<!tpu.dma_semaphore, #tpu.memory_space<semaphore_mem>>) src(%dma_wait3A_1311 : memref<8x128xf32, #tpu.memory_space<vmem>>) dst(%dma_wait3A_1308 : memref<8x128xf32, #tpu.memory_space<hbm>>)
        %add3A_1312 = arith.constant 3 : i32
        %add3A_1313 = arith.addi %mul3A_4, %add3A_1312 : i32
        %dma_wait3A_1314 = arith.constant 1 : i32
        %dma_wait3A_1315 = arith.constant 56 : i32
        %dma_wait3A_1316 = arith.constant 0 : i32
        %dma_wait3A_1317 = tpu.memref_slice %arg10[%dma_wait3A_1315, %dma_wait3A_1316] : memref<128x129xf32, #tpu.memory_space<vmem>> -> memref<8x128xf32, #tpu.memory_space<vmem>>
        %dma_wait3A_1318 = arith.constant 0 : i32
        %dma_wait3A_1319 = arith.constant 0 : i32
        %dma_wait3A_1320 = tpu.memref_slice %arg4[%sub3A_1192, %dma_wait3A_1314, %add3A_1313, %dma_wait3A_1318, %dma_wait3A_1319] : memref<50x4x128x8x128xf32, #tpu.memory_space<hbm>> -> memref<1x1x1x8x128xf32, #tpu.memory_space<hbm>>
        %dma_wait3A_1321 = tpu.memref_squeeze %dma_wait3A_1320 : memref<1x1x1x8x128xf32, #tpu.memory_space<hbm>> -> memref<8x128xf32, #tpu.memory_space<hbm>>
        %dma_wait3A_1322 = arith.constant 0 : i32
        %dma_wait3A_1323 = arith.constant 0 : i32
        %dma_wait3A_1324 = tpu.memref_slice %arg4[%sub3A_1192, %dma_wait3A_1314, %add3A_1313, %dma_wait3A_1322, %dma_wait3A_1323] : memref<50x4x128x8x128xf32, #tpu.memory_space<hbm>> -> memref<1x1x1x8x128xf32, #tpu.memory_space<hbm>>
        %dma_wait3A_1325 = tpu.memref_squeeze %dma_wait3A_1324 : memref<1x1x1x8x128xf32, #tpu.memory_space<hbm>> -> memref<8x128xf32, #tpu.memory_space<hbm>>
        %dma_wait3A_1326 = arith.constant 56 : i32
        %dma_wait3A_1327 = arith.constant 0 : i32
        %dma_wait3A_1328 = tpu.memref_slice %arg10[%dma_wait3A_1326, %dma_wait3A_1327] : memref<128x129xf32, #tpu.memory_space<vmem>> -> memref<8x128xf32, #tpu.memory_space<vmem>>
        tpu.wait_dma2 semaphore(%arg14 : memref<!tpu.dma_semaphore, #tpu.memory_space<semaphore_mem>>) src(%dma_wait3A_1328 : memref<8x128xf32, #tpu.memory_space<vmem>>) dst(%dma_wait3A_1325 : memref<8x128xf32, #tpu.memory_space<hbm>>)
        %add3A_1329 = arith.constant 0 : i32
        %add3A_1330 = arith.addi %mul3A_4, %add3A_1329 : i32
        %dma_wait3A_1331 = arith.constant 2 : i32
        %dma_wait3A_1332 = arith.constant 64 : i32
        %dma_wait3A_1333 = arith.constant 0 : i32
        %dma_wait3A_1334 = tpu.memref_slice %arg10[%dma_wait3A_1332, %dma_wait3A_1333] : memref<128x129xf32, #tpu.memory_space<vmem>> -> memref<8x128xf32, #tpu.memory_space<vmem>>
        %dma_wait3A_1335 = arith.constant 0 : i32
        %dma_wait3A_1336 = arith.constant 0 : i32
        %dma_wait3A_1337 = tpu.memref_slice %arg4[%sub3A_1192, %dma_wait3A_1331, %add3A_1330, %dma_wait3A_1335, %dma_wait3A_1336] : memref<50x4x128x8x128xf32, #tpu.memory_space<hbm>> -> memref<1x1x1x8x128xf32, #tpu.memory_space<hbm>>
        %dma_wait3A_1338 = tpu.memref_squeeze %dma_wait3A_1337 : memref<1x1x1x8x128xf32, #tpu.memory_space<hbm>> -> memref<8x128xf32, #tpu.memory_space<hbm>>
        %dma_wait3A_1339 = arith.constant 0 : i32
        %dma_wait3A_1340 = arith.constant 0 : i32
        %dma_wait3A_1341 = tpu.memref_slice %arg4[%sub3A_1192, %dma_wait3A_1331, %add3A_1330, %dma_wait3A_1339, %dma_wait3A_1340] : memref<50x4x128x8x128xf32, #tpu.memory_space<hbm>> -> memref<1x1x1x8x128xf32, #tpu.memory_space<hbm>>
        %dma_wait3A_1342 = tpu.memref_squeeze %dma_wait3A_1341 : memref<1x1x1x8x128xf32, #tpu.memory_space<hbm>> -> memref<8x128xf32, #tpu.memory_space<hbm>>
        %dma_wait3A_1343 = arith.constant 64 : i32
        %dma_wait3A_1344 = arith.constant 0 : i32
        %dma_wait3A_1345 = tpu.memref_slice %arg10[%dma_wait3A_1343, %dma_wait3A_1344] : memref<128x129xf32, #tpu.memory_space<vmem>> -> memref<8x128xf32, #tpu.memory_space<vmem>>
        tpu.wait_dma2 semaphore(%arg14 : memref<!tpu.dma_semaphore, #tpu.memory_space<semaphore_mem>>) src(%dma_wait3A_1345 : memref<8x128xf32, #tpu.memory_space<vmem>>) dst(%dma_wait3A_1342 : memref<8x128xf32, #tpu.memory_space<hbm>>)
        %add3A_1346 = arith.constant 1 : i32
        %add3A_1347 = arith.addi %mul3A_4, %add3A_1346 : i32
        %dma_wait3A_1348 = arith.constant 2 : i32
        %dma_wait3A_1349 = arith.constant 72 : i32
        %dma_wait3A_1350 = arith.constant 0 : i32
        %dma_wait3A_1351 = tpu.memref_slice %arg10[%dma_wait3A_1349, %dma_wait3A_1350] : memref<128x129xf32, #tpu.memory_space<vmem>> -> memref<8x128xf32, #tpu.memory_space<vmem>>
        %dma_wait3A_1352 = arith.constant 0 : i32
        %dma_wait3A_1353 = arith.constant 0 : i32
        %dma_wait3A_1354 = tpu.memref_slice %arg4[%sub3A_1192, %dma_wait3A_1348, %add3A_1347, %dma_wait3A_1352, %dma_wait3A_1353] : memref<50x4x128x8x128xf32, #tpu.memory_space<hbm>> -> memref<1x1x1x8x128xf32, #tpu.memory_space<hbm>>
        %dma_wait3A_1355 = tpu.memref_squeeze %dma_wait3A_1354 : memref<1x1x1x8x128xf32, #tpu.memory_space<hbm>> -> memref<8x128xf32, #tpu.memory_space<hbm>>
        %dma_wait3A_1356 = arith.constant 0 : i32
        %dma_wait3A_1357 = arith.constant 0 : i32
        %dma_wait3A_1358 = tpu.memref_slice %arg4[%sub3A_1192, %dma_wait3A_1348, %add3A_1347, %dma_wait3A_1356, %dma_wait3A_1357] : memref<50x4x128x8x128xf32, #tpu.memory_space<hbm>> -> memref<1x1x1x8x128xf32, #tpu.memory_space<hbm>>
        %dma_wait3A_1359 = tpu.memref_squeeze %dma_wait3A_1358 : memref<1x1x1x8x128xf32, #tpu.memory_space<hbm>> -> memref<8x128xf32, #tpu.memory_space<hbm>>
        %dma_wait3A_1360 = arith.constant 72 : i32
        %dma_wait3A_1361 = arith.constant 0 : i32
        %dma_wait3A_1362 = tpu.memref_slice %arg10[%dma_wait3A_1360, %dma_wait3A_1361] : memref<128x129xf32, #tpu.memory_space<vmem>> -> memref<8x128xf32, #tpu.memory_space<vmem>>
        tpu.wait_dma2 semaphore(%arg14 : memref<!tpu.dma_semaphore, #tpu.memory_space<semaphore_mem>>) src(%dma_wait3A_1362 : memref<8x128xf32, #tpu.memory_space<vmem>>) dst(%dma_wait3A_1359 : memref<8x128xf32, #tpu.memory_space<hbm>>)
        %add3A_1363 = arith.constant 2 : i32
        %add3A_1364 = arith.addi %mul3A_4, %add3A_1363 : i32
        %dma_wait3A_1365 = arith.constant 2 : i32
        %dma_wait3A_1366 = arith.constant 80 : i32
        %dma_wait3A_1367 = arith.constant 0 : i32
        %dma_wait3A_1368 = tpu.memref_slice %arg10[%dma_wait3A_1366, %dma_wait3A_1367] : memref<128x129xf32, #tpu.memory_space<vmem>> -> memref<8x128xf32, #tpu.memory_space<vmem>>
        %dma_wait3A_1369 = arith.constant 0 : i32
        %dma_wait3A_1370 = arith.constant 0 : i32
        %dma_wait3A_1371 = tpu.memref_slice %arg4[%sub3A_1192, %dma_wait3A_1365, %add3A_1364, %dma_wait3A_1369, %dma_wait3A_1370] : memref<50x4x128x8x128xf32, #tpu.memory_space<hbm>> -> memref<1x1x1x8x128xf32, #tpu.memory_space<hbm>>
        %dma_wait3A_1372 = tpu.memref_squeeze %dma_wait3A_1371 : memref<1x1x1x8x128xf32, #tpu.memory_space<hbm>> -> memref<8x128xf32, #tpu.memory_space<hbm>>
        %dma_wait3A_1373 = arith.constant 0 : i32
        %dma_wait3A_1374 = arith.constant 0 : i32
        %dma_wait3A_1375 = tpu.memref_slice %arg4[%sub3A_1192, %dma_wait3A_1365, %add3A_1364, %dma_wait3A_1373, %dma_wait3A_1374] : memref<50x4x128x8x128xf32, #tpu.memory_space<hbm>> -> memref<1x1x1x8x128xf32, #tpu.memory_space<hbm>>
        %dma_wait3A_1376 = tpu.memref_squeeze %dma_wait3A_1375 : memref<1x1x1x8x128xf32, #tpu.memory_space<hbm>> -> memref<8x128xf32, #tpu.memory_space<hbm>>
        %dma_wait3A_1377 = arith.constant 80 : i32
        %dma_wait3A_1378 = arith.constant 0 : i32
        %dma_wait3A_1379 = tpu.memref_slice %arg10[%dma_wait3A_1377, %dma_wait3A_1378] : memref<128x129xf32, #tpu.memory_space<vmem>> -> memref<8x128xf32, #tpu.memory_space<vmem>>
        tpu.wait_dma2 semaphore(%arg14 : memref<!tpu.dma_semaphore, #tpu.memory_space<semaphore_mem>>) src(%dma_wait3A_1379 : memref<8x128xf32, #tpu.memory_space<vmem>>) dst(%dma_wait3A_1376 : memref<8x128xf32, #tpu.memory_space<hbm>>)
        %add3A_1380 = arith.constant 3 : i32
        %add3A_1381 = arith.addi %mul3A_4, %add3A_1380 : i32
        %dma_wait3A_1382 = arith.constant 2 : i32
        %dma_wait3A_1383 = arith.constant 88 : i32
        %dma_wait3A_1384 = arith.constant 0 : i32
        %dma_wait3A_1385 = tpu.memref_slice %arg10[%dma_wait3A_1383, %dma_wait3A_1384] : memref<128x129xf32, #tpu.memory_space<vmem>> -> memref<8x128xf32, #tpu.memory_space<vmem>>
        %dma_wait3A_1386 = arith.constant 0 : i32
        %dma_wait3A_1387 = arith.constant 0 : i32
        %dma_wait3A_1388 = tpu.memref_slice %arg4[%sub3A_1192, %dma_wait3A_1382, %add3A_1381, %dma_wait3A_1386, %dma_wait3A_1387] : memref<50x4x128x8x128xf32, #tpu.memory_space<hbm>> -> memref<1x1x1x8x128xf32, #tpu.memory_space<hbm>>
        %dma_wait3A_1389 = tpu.memref_squeeze %dma_wait3A_1388 : memref<1x1x1x8x128xf32, #tpu.memory_space<hbm>> -> memref<8x128xf32, #tpu.memory_space<hbm>>
        %dma_wait3A_1390 = arith.constant 0 : i32
        %dma_wait3A_1391 = arith.constant 0 : i32
        %dma_wait3A_1392 = tpu.memref_slice %arg4[%sub3A_1192, %dma_wait3A_1382, %add3A_1381, %dma_wait3A_1390, %dma_wait3A_1391] : memref<50x4x128x8x128xf32, #tpu.memory_space<hbm>> -> memref<1x1x1x8x128xf32, #tpu.memory_space<hbm>>
        %dma_wait3A_1393 = tpu.memref_squeeze %dma_wait3A_1392 : memref<1x1x1x8x128xf32, #tpu.memory_space<hbm>> -> memref<8x128xf32, #tpu.memory_space<hbm>>
        %dma_wait3A_1394 = arith.constant 88 : i32
        %dma_wait3A_1395 = arith.constant 0 : i32
        %dma_wait3A_1396 = tpu.memref_slice %arg10[%dma_wait3A_1394, %dma_wait3A_1395] : memref<128x129xf32, #tpu.memory_space<vmem>> -> memref<8x128xf32, #tpu.memory_space<vmem>>
        tpu.wait_dma2 semaphore(%arg14 : memref<!tpu.dma_semaphore, #tpu.memory_space<semaphore_mem>>) src(%dma_wait3A_1396 : memref<8x128xf32, #tpu.memory_space<vmem>>) dst(%dma_wait3A_1393 : memref<8x128xf32, #tpu.memory_space<hbm>>)
        %add3A_1397 = arith.constant 0 : i32
        %add3A_1398 = arith.addi %mul3A_4, %add3A_1397 : i32
        %dma_wait3A_1399 = arith.constant 3 : i32
        %dma_wait3A_1400 = arith.constant 96 : i32
        %dma_wait3A_1401 = arith.constant 0 : i32
        %dma_wait3A_1402 = tpu.memref_slice %arg10[%dma_wait3A_1400, %dma_wait3A_1401] : memref<128x129xf32, #tpu.memory_space<vmem>> -> memref<8x128xf32, #tpu.memory_space<vmem>>
        %dma_wait3A_1403 = arith.constant 0 : i32
        %dma_wait3A_1404 = arith.constant 0 : i32
        %dma_wait3A_1405 = tpu.memref_slice %arg4[%sub3A_1192, %dma_wait3A_1399, %add3A_1398, %dma_wait3A_1403, %dma_wait3A_1404] : memref<50x4x128x8x128xf32, #tpu.memory_space<hbm>> -> memref<1x1x1x8x128xf32, #tpu.memory_space<hbm>>
        %dma_wait3A_1406 = tpu.memref_squeeze %dma_wait3A_1405 : memref<1x1x1x8x128xf32, #tpu.memory_space<hbm>> -> memref<8x128xf32, #tpu.memory_space<hbm>>
        %dma_wait3A_1407 = arith.constant 0 : i32
        %dma_wait3A_1408 = arith.constant 0 : i32
        %dma_wait3A_1409 = tpu.memref_slice %arg4[%sub3A_1192, %dma_wait3A_1399, %add3A_1398, %dma_wait3A_1407, %dma_wait3A_1408] : memref<50x4x128x8x128xf32, #tpu.memory_space<hbm>> -> memref<1x1x1x8x128xf32, #tpu.memory_space<hbm>>
        %dma_wait3A_1410 = tpu.memref_squeeze %dma_wait3A_1409 : memref<1x1x1x8x128xf32, #tpu.memory_space<hbm>> -> memref<8x128xf32, #tpu.memory_space<hbm>>
        %dma_wait3A_1411 = arith.constant 96 : i32
        %dma_wait3A_1412 = arith.constant 0 : i32
        %dma_wait3A_1413 = tpu.memref_slice %arg10[%dma_wait3A_1411, %dma_wait3A_1412] : memref<128x129xf32, #tpu.memory_space<vmem>> -> memref<8x128xf32, #tpu.memory_space<vmem>>
        tpu.wait_dma2 semaphore(%arg14 : memref<!tpu.dma_semaphore, #tpu.memory_space<semaphore_mem>>) src(%dma_wait3A_1413 : memref<8x128xf32, #tpu.memory_space<vmem>>) dst(%dma_wait3A_1410 : memref<8x128xf32, #tpu.memory_space<hbm>>)
        %add3A_1414 = arith.constant 1 : i32
        %add3A_1415 = arith.addi %mul3A_4, %add3A_1414 : i32
        %dma_wait3A_1416 = arith.constant 3 : i32
        %dma_wait3A_1417 = arith.constant 104 : i32
        %dma_wait3A_1418 = arith.constant 0 : i32
        %dma_wait3A_1419 = tpu.memref_slice %arg10[%dma_wait3A_1417, %dma_wait3A_1418] : memref<128x129xf32, #tpu.memory_space<vmem>> -> memref<8x128xf32, #tpu.memory_space<vmem>>
        %dma_wait3A_1420 = arith.constant 0 : i32
        %dma_wait3A_1421 = arith.constant 0 : i32
        %dma_wait3A_1422 = tpu.memref_slice %arg4[%sub3A_1192, %dma_wait3A_1416, %add3A_1415, %dma_wait3A_1420, %dma_wait3A_1421] : memref<50x4x128x8x128xf32, #tpu.memory_space<hbm>> -> memref<1x1x1x8x128xf32, #tpu.memory_space<hbm>>
        %dma_wait3A_1423 = tpu.memref_squeeze %dma_wait3A_1422 : memref<1x1x1x8x128xf32, #tpu.memory_space<hbm>> -> memref<8x128xf32, #tpu.memory_space<hbm>>
        %dma_wait3A_1424 = arith.constant 0 : i32
        %dma_wait3A_1425 = arith.constant 0 : i32
        %dma_wait3A_1426 = tpu.memref_slice %arg4[%sub3A_1192, %dma_wait3A_1416, %add3A_1415, %dma_wait3A_1424, %dma_wait3A_1425] : memref<50x4x128x8x128xf32, #tpu.memory_space<hbm>> -> memref<1x1x1x8x128xf32, #tpu.memory_space<hbm>>
        %dma_wait3A_1427 = tpu.memref_squeeze %dma_wait3A_1426 : memref<1x1x1x8x128xf32, #tpu.memory_space<hbm>> -> memref<8x128xf32, #tpu.memory_space<hbm>>
        %dma_wait3A_1428 = arith.constant 104 : i32
        %dma_wait3A_1429 = arith.constant 0 : i32
        %dma_wait3A_1430 = tpu.memref_slice %arg10[%dma_wait3A_1428, %dma_wait3A_1429] : memref<128x129xf32, #tpu.memory_space<vmem>> -> memref<8x128xf32, #tpu.memory_space<vmem>>
        tpu.wait_dma2 semaphore(%arg14 : memref<!tpu.dma_semaphore, #tpu.memory_space<semaphore_mem>>) src(%dma_wait3A_1430 : memref<8x128xf32, #tpu.memory_space<vmem>>) dst(%dma_wait3A_1427 : memref<8x128xf32, #tpu.memory_space<hbm>>)
        %add3A_1431 = arith.constant 2 : i32
        %add3A_1432 = arith.addi %mul3A_4, %add3A_1431 : i32
        %dma_wait3A_1433 = arith.constant 3 : i32
        %dma_wait3A_1434 = arith.constant 112 : i32
        %dma_wait3A_1435 = arith.constant 0 : i32
        %dma_wait3A_1436 = tpu.memref_slice %arg10[%dma_wait3A_1434, %dma_wait3A_1435] : memref<128x129xf32, #tpu.memory_space<vmem>> -> memref<8x128xf32, #tpu.memory_space<vmem>>
        %dma_wait3A_1437 = arith.constant 0 : i32
        %dma_wait3A_1438 = arith.constant 0 : i32
        %dma_wait3A_1439 = tpu.memref_slice %arg4[%sub3A_1192, %dma_wait3A_1433, %add3A_1432, %dma_wait3A_1437, %dma_wait3A_1438] : memref<50x4x128x8x128xf32, #tpu.memory_space<hbm>> -> memref<1x1x1x8x128xf32, #tpu.memory_space<hbm>>
        %dma_wait3A_1440 = tpu.memref_squeeze %dma_wait3A_1439 : memref<1x1x1x8x128xf32, #tpu.memory_space<hbm>> -> memref<8x128xf32, #tpu.memory_space<hbm>>
        %dma_wait3A_1441 = arith.constant 0 : i32
        %dma_wait3A_1442 = arith.constant 0 : i32
        %dma_wait3A_1443 = tpu.memref_slice %arg4[%sub3A_1192, %dma_wait3A_1433, %add3A_1432, %dma_wait3A_1441, %dma_wait3A_1442] : memref<50x4x128x8x128xf32, #tpu.memory_space<hbm>> -> memref<1x1x1x8x128xf32, #tpu.memory_space<hbm>>
        %dma_wait3A_1444 = tpu.memref_squeeze %dma_wait3A_1443 : memref<1x1x1x8x128xf32, #tpu.memory_space<hbm>> -> memref<8x128xf32, #tpu.memory_space<hbm>>
        %dma_wait3A_1445 = arith.constant 112 : i32
        %dma_wait3A_1446 = arith.constant 0 : i32
        %dma_wait3A_1447 = tpu.memref_slice %arg10[%dma_wait3A_1445, %dma_wait3A_1446] : memref<128x129xf32, #tpu.memory_space<vmem>> -> memref<8x128xf32, #tpu.memory_space<vmem>>
        tpu.wait_dma2 semaphore(%arg14 : memref<!tpu.dma_semaphore, #tpu.memory_space<semaphore_mem>>) src(%dma_wait3A_1447 : memref<8x128xf32, #tpu.memory_space<vmem>>) dst(%dma_wait3A_1444 : memref<8x128xf32, #tpu.memory_space<hbm>>)
        %add3A_1448 = arith.constant 3 : i32
        %add3A_1449 = arith.addi %mul3A_4, %add3A_1448 : i32
        %dma_wait3A_1450 = arith.constant 3 : i32
        %dma_wait3A_1451 = arith.constant 120 : i32
        %dma_wait3A_1452 = arith.constant 0 : i32
        %dma_wait3A_1453 = tpu.memref_slice %arg10[%dma_wait3A_1451, %dma_wait3A_1452] : memref<128x129xf32, #tpu.memory_space<vmem>> -> memref<8x128xf32, #tpu.memory_space<vmem>>
        %dma_wait3A_1454 = arith.constant 0 : i32
        %dma_wait3A_1455 = arith.constant 0 : i32
        %dma_wait3A_1456 = tpu.memref_slice %arg4[%sub3A_1192, %dma_wait3A_1450, %add3A_1449, %dma_wait3A_1454, %dma_wait3A_1455] : memref<50x4x128x8x128xf32, #tpu.memory_space<hbm>> -> memref<1x1x1x8x128xf32, #tpu.memory_space<hbm>>
        %dma_wait3A_1457 = tpu.memref_squeeze %dma_wait3A_1456 : memref<1x1x1x8x128xf32, #tpu.memory_space<hbm>> -> memref<8x128xf32, #tpu.memory_space<hbm>>
        %dma_wait3A_1458 = arith.constant 0 : i32
        %dma_wait3A_1459 = arith.constant 0 : i32
        %dma_wait3A_1460 = tpu.memref_slice %arg4[%sub3A_1192, %dma_wait3A_1450, %add3A_1449, %dma_wait3A_1458, %dma_wait3A_1459] : memref<50x4x128x8x128xf32, #tpu.memory_space<hbm>> -> memref<1x1x1x8x128xf32, #tpu.memory_space<hbm>>
        %dma_wait3A_1461 = tpu.memref_squeeze %dma_wait3A_1460 : memref<1x1x1x8x128xf32, #tpu.memory_space<hbm>> -> memref<8x128xf32, #tpu.memory_space<hbm>>
        %dma_wait3A_1462 = arith.constant 120 : i32
        %dma_wait3A_1463 = arith.constant 0 : i32
        %dma_wait3A_1464 = tpu.memref_slice %arg10[%dma_wait3A_1462, %dma_wait3A_1463] : memref<128x129xf32, #tpu.memory_space<vmem>> -> memref<8x128xf32, #tpu.memory_space<vmem>>
        tpu.wait_dma2 semaphore(%arg14 : memref<!tpu.dma_semaphore, #tpu.memory_space<semaphore_mem>>) src(%dma_wait3A_1464 : memref<8x128xf32, #tpu.memory_space<vmem>>) dst(%dma_wait3A_1461 : memref<8x128xf32, #tpu.memory_space<hbm>>)
      } else {
      }
      %scan3A_914 = arith.constant 0 : i32
      %scan3A_915 = arith.constant 0 : i32
      %scan3A_916 = arith.constant 512 : i32
      %scan3A_917 = arith.addi %scan3A_915, %scan3A_916 : i32
      %scan3A_918 = arith.constant 8 : i32
      scf.for %scan3A_1192 = %scan3A_915 to %scan3A_917 step %scan3A_918  : i32 {
        %shift_right_arithmetic3A_1193 = arith.constant 7 : i32
        %shift_right_arithmetic3A_1194 = arith.shrsi %scan3A_1192, %shift_right_arithmetic3A_1193 : i32
        %mul3A_1195 = arith.constant 8 : i32
        %mul3A_1196 = arith.muli %shift_right_arithmetic3A_1194, %mul3A_1195 : i32
        %broadcast_in_dim3A = vector.broadcast %mul3A_1196 : i32 to vector<16xi32>
        %and3A_1197 = arith.constant 127 : i32
        %and3A_1198 = arith.andi %scan3A_1192, %and3A_1197 : i32
        %broadcast_in_dim3A_1199 = vector.broadcast %and3A_1198 : i32 to vector<16xi32>
        %get3A = arith.index_cast %scan3A_1192 : i32 to index
        %get3A_1200 = arith.constant 0 : index
        %get3A_1201 = tpu.vector_load %arg8[%get3A, %get3A_1200] {strides = array<i32>} : memref<512x32xf32, #tpu.memory_space<vmem>>, vector<16xf32>,
        %get3A_1202 = arith.index_cast %scan3A_1192 : i32 to index
        %get3A_1203 = arith.constant 16 : index
        %get3A_1204 = tpu.vector_load %arg8[%get3A_1202, %get3A_1203] {strides = array<i32>} : memref<512x32xf32, #tpu.memory_space<vmem>>, vector<16xf32>,
        %add3A_1205 = arith.addi %add3A_12, %broadcast_in_dim3A : vector<16xi32>
        tpu.vector_store_idx %arg10[%add3A_1205, %broadcast_in_dim3A_1199], %get3A_1201 : memref<128x129xf32, #tpu.memory_space<vmem>>[vector<16xi32>, vector<16xi32>], vector<16xf32>,
        %add3A_1206 = arith.addi %add3A_12, %broadcast_in_dim3A : vector<16xi32>
        %add3A_1207 = arith.constant 64 : i32
        %add3A_1208 = vector.broadcast %add3A_1207 : i32 to vector<16xi32>
        %add3A_1209 = arith.addi %add3A_1206, %add3A_1208 : vector<16xi32>
        tpu.vector_store_idx %arg10[%add3A_1209, %broadcast_in_dim3A_1199], %get3A_1204 : memref<128x129xf32, #tpu.memory_space<vmem>>[vector<16xi32>, vector<16xi32>], vector<16xf32>,
        %scan3A_1210 = arith.constant 1 : i32
        %scan3A_1211 = arith.addi %scan3A_1192, %scan3A_1210 : i32
        %shift_right_arithmetic3A_1212 = arith.constant 7 : i32
        %shift_right_arithmetic3A_1213 = arith.shrsi %scan3A_1211, %shift_right_arithmetic3A_1212 : i32
        %mul3A_1214 = arith.constant 8 : i32
        %mul3A_1215 = arith.muli %shift_right_arithmetic3A_1213, %mul3A_1214 : i32
        %broadcast_in_dim3A_1216 = vector.broadcast %mul3A_1215 : i32 to vector<16xi32>
        %and3A_1217 = arith.constant 127 : i32
        %and3A_1218 = arith.andi %scan3A_1211, %and3A_1217 : i32
        %broadcast_in_dim3A_1219 = vector.broadcast %and3A_1218 : i32 to vector<16xi32>
        %get3A_1220 = arith.index_cast %scan3A_1211 : i32 to index
        %get3A_1221 = arith.constant 0 : index
        %get3A_1222 = tpu.vector_load %arg8[%get3A_1220, %get3A_1221] {strides = array<i32>} : memref<512x32xf32, #tpu.memory_space<vmem>>, vector<16xf32>,
        %get3A_1223 = arith.index_cast %scan3A_1211 : i32 to index
        %get3A_1224 = arith.constant 16 : index
        %get3A_1225 = tpu.vector_load %arg8[%get3A_1223, %get3A_1224] {strides = array<i32>} : memref<512x32xf32, #tpu.memory_space<vmem>>, vector<16xf32>,
        %add3A_1226 = arith.addi %add3A_12, %broadcast_in_dim3A_1216 : vector<16xi32>
        tpu.vector_store_idx %arg10[%add3A_1226, %broadcast_in_dim3A_1219], %get3A_1222 : memref<128x129xf32, #tpu.memory_space<vmem>>[vector<16xi32>, vector<16xi32>], vector<16xf32>,
        %add3A_1227 = arith.addi %add3A_12, %broadcast_in_dim3A_1216 : vector<16xi32>
        %add3A_1228 = arith.constant 64 : i32
        %add3A_1229 = vector.broadcast %add3A_1228 : i32 to vector<16xi32>
        %add3A_1230 = arith.addi %add3A_1227, %add3A_1229 : vector<16xi32>
        tpu.vector_store_idx %arg10[%add3A_1230, %broadcast_in_dim3A_1219], %get3A_1225 : memref<128x129xf32, #tpu.memory_space<vmem>>[vector<16xi32>, vector<16xi32>], vector<16xf32>,
        %scan3A_1231 = arith.constant 2 : i32
        %scan3A_1232 = arith.addi %scan3A_1192, %scan3A_1231 : i32
        %shift_right_arithmetic3A_1233 = arith.constant 7 : i32
        %shift_right_arithmetic3A_1234 = arith.shrsi %scan3A_1232, %shift_right_arithmetic3A_1233 : i32
        %mul3A_1235 = arith.constant 8 : i32
        %mul3A_1236 = arith.muli %shift_right_arithmetic3A_1234, %mul3A_1235 : i32
        %broadcast_in_dim3A_1237 = vector.broadcast %mul3A_1236 : i32 to vector<16xi32>
        %and3A_1238 = arith.constant 127 : i32
        %and3A_1239 = arith.andi %scan3A_1232, %and3A_1238 : i32
        %broadcast_in_dim3A_1240 = vector.broadcast %and3A_1239 : i32 to vector<16xi32>
        %get3A_1241 = arith.index_cast %scan3A_1232 : i32 to index
        %get3A_1242 = arith.constant 0 : index
        %get3A_1243 = tpu.vector_load %arg8[%get3A_1241, %get3A_1242] {strides = array<i32>} : memref<512x32xf32, #tpu.memory_space<vmem>>, vector<16xf32>,
        %get3A_1244 = arith.index_cast %scan3A_1232 : i32 to index
        %get3A_1245 = arith.constant 16 : index
        %get3A_1246 = tpu.vector_load %arg8[%get3A_1244, %get3A_1245] {strides = array<i32>} : memref<512x32xf32, #tpu.memory_space<vmem>>, vector<16xf32>,
        %add3A_1247 = arith.addi %add3A_12, %broadcast_in_dim3A_1237 : vector<16xi32>
        tpu.vector_store_idx %arg10[%add3A_1247, %broadcast_in_dim3A_1240], %get3A_1243 : memref<128x129xf32, #tpu.memory_space<vmem>>[vector<16xi32>, vector<16xi32>], vector<16xf32>,
        %add3A_1248 = arith.addi %add3A_12, %broadcast_in_dim3A_1237 : vector<16xi32>
        %add3A_1249 = arith.constant 64 : i32
        %add3A_1250 = vector.broadcast %add3A_1249 : i32 to vector<16xi32>
        %add3A_1251 = arith.addi %add3A_1248, %add3A_1250 : vector<16xi32>
        tpu.vector_store_idx %arg10[%add3A_1251, %broadcast_in_dim3A_1240], %get3A_1246 : memref<128x129xf32, #tpu.memory_space<vmem>>[vector<16xi32>, vector<16xi32>], vector<16xf32>,
        %scan3A_1252 = arith.constant 3 : i32
        %scan3A_1253 = arith.addi %scan3A_1192, %scan3A_1252 : i32
        %shift_right_arithmetic3A_1254 = arith.constant 7 : i32
        %shift_right_arithmetic3A_1255 = arith.shrsi %scan3A_1253, %shift_right_arithmetic3A_1254 : i32
        %mul3A_1256 = arith.constant 8 : i32
        %mul3A_1257 = arith.muli %shift_right_arithmetic3A_1255, %mul3A_1256 : i32
        %broadcast_in_dim3A_1258 = vector.broadcast %mul3A_1257 : i32 to vector<16xi32>
        %and3A_1259 = arith.constant 127 : i32
        %and3A_1260 = arith.andi %scan3A_1253, %and3A_1259 : i32
        %broadcast_in_dim3A_1261 = vector.broadcast %and3A_1260 : i32 to vector<16xi32>
        %get3A_1262 = arith.index_cast %scan3A_1253 : i32 to index
        %get3A_1263 = arith.constant 0 : index
        %get3A_1264 = tpu.vector_load %arg8[%get3A_1262, %get3A_1263] {strides = array<i32>} : memref<512x32xf32, #tpu.memory_space<vmem>>, vector<16xf32>,
        %get3A_1265 = arith.index_cast %scan3A_1253 : i32 to index
        %get3A_1266 = arith.constant 16 : index
        %get3A_1267 = tpu.vector_load %arg8[%get3A_1265, %get3A_1266] {strides = array<i32>} : memref<512x32xf32, #tpu.memory_space<vmem>>, vector<16xf32>,
        %add3A_1268 = arith.addi %add3A_12, %broadcast_in_dim3A_1258 : vector<16xi32>
        tpu.vector_store_idx %arg10[%add3A_1268, %broadcast_in_dim3A_1261], %get3A_1264 : memref<128x129xf32, #tpu.memory_space<vmem>>[vector<16xi32>, vector<16xi32>], vector<16xf32>,
        %add3A_1269 = arith.addi %add3A_12, %broadcast_in_dim3A_1258 : vector<16xi32>
        %add3A_1270 = arith.constant 64 : i32
        %add3A_1271 = vector.broadcast %add3A_1270 : i32 to vector<16xi32>
        %add3A_1272 = arith.addi %add3A_1269, %add3A_1271 : vector<16xi32>
        tpu.vector_store_idx %arg10[%add3A_1272, %broadcast_in_dim3A_1261], %get3A_1267 : memref<128x129xf32, #tpu.memory_space<vmem>>[vector<16xi32>, vector<16xi32>], vector<16xf32>,
        %scan3A_1273 = arith.constant 4 : i32
        %scan3A_1274 = arith.addi %scan3A_1192, %scan3A_1273 : i32
        %shift_right_arithmetic3A_1275 = arith.constant 7 : i32
        %shift_right_arithmetic3A_1276 = arith.shrsi %scan3A_1274, %shift_right_arithmetic3A_1275 : i32
        %mul3A_1277 = arith.constant 8 : i32
        %mul3A_1278 = arith.muli %shift_right_arithmetic3A_1276, %mul3A_1277 : i32
        %broadcast_in_dim3A_1279 = vector.broadcast %mul3A_1278 : i32 to vector<16xi32>
        %and3A_1280 = arith.constant 127 : i32
        %and3A_1281 = arith.andi %scan3A_1274, %and3A_1280 : i32
        %broadcast_in_dim3A_1282 = vector.broadcast %and3A_1281 : i32 to vector<16xi32>
        %get3A_1283 = arith.index_cast %scan3A_1274 : i32 to index
        %get3A_1284 = arith.constant 0 : index
        %get3A_1285 = tpu.vector_load %arg8[%get3A_1283, %get3A_1284] {strides = array<i32>} : memref<512x32xf32, #tpu.memory_space<vmem>>, vector<16xf32>,
        %get3A_1286 = arith.index_cast %scan3A_1274 : i32 to index
        %get3A_1287 = arith.constant 16 : index
        %get3A_1288 = tpu.vector_load %arg8[%get3A_1286, %get3A_1287] {strides = array<i32>} : memref<512x32xf32, #tpu.memory_space<vmem>>, vector<16xf32>,
        %add3A_1289 = arith.addi %add3A_12, %broadcast_in_dim3A_1279 : vector<16xi32>
        tpu.vector_store_idx %arg10[%add3A_1289, %broadcast_in_dim3A_1282], %get3A_1285 : memref<128x129xf32, #tpu.memory_space<vmem>>[vector<16xi32>, vector<16xi32>], vector<16xf32>,
        %add3A_1290 = arith.addi %add3A_12, %broadcast_in_dim3A_1279 : vector<16xi32>
        %add3A_1291 = arith.constant 64 : i32
        %add3A_1292 = vector.broadcast %add3A_1291 : i32 to vector<16xi32>
        %add3A_1293 = arith.addi %add3A_1290, %add3A_1292 : vector<16xi32>
        tpu.vector_store_idx %arg10[%add3A_1293, %broadcast_in_dim3A_1282], %get3A_1288 : memref<128x129xf32, #tpu.memory_space<vmem>>[vector<16xi32>, vector<16xi32>], vector<16xf32>,
        %scan3A_1294 = arith.constant 5 : i32
        %scan3A_1295 = arith.addi %scan3A_1192, %scan3A_1294 : i32
        %shift_right_arithmetic3A_1296 = arith.constant 7 : i32
        %shift_right_arithmetic3A_1297 = arith.shrsi %scan3A_1295, %shift_right_arithmetic3A_1296 : i32
        %mul3A_1298 = arith.constant 8 : i32
        %mul3A_1299 = arith.muli %shift_right_arithmetic3A_1297, %mul3A_1298 : i32
        %broadcast_in_dim3A_1300 = vector.broadcast %mul3A_1299 : i32 to vector<16xi32>
        %and3A_1301 = arith.constant 127 : i32
        %and3A_1302 = arith.andi %scan3A_1295, %and3A_1301 : i32
        %broadcast_in_dim3A_1303 = vector.broadcast %and3A_1302 : i32 to vector<16xi32>
        %get3A_1304 = arith.index_cast %scan3A_1295 : i32 to index
        %get3A_1305 = arith.constant 0 : index
        %get3A_1306 = tpu.vector_load %arg8[%get3A_1304, %get3A_1305] {strides = array<i32>} : memref<512x32xf32, #tpu.memory_space<vmem>>, vector<16xf32>,
        %get3A_1307 = arith.index_cast %scan3A_1295 : i32 to index
        %get3A_1308 = arith.constant 16 : index
        %get3A_1309 = tpu.vector_load %arg8[%get3A_1307, %get3A_1308] {strides = array<i32>} : memref<512x32xf32, #tpu.memory_space<vmem>>, vector<16xf32>,
        %add3A_1310 = arith.addi %add3A_12, %broadcast_in_dim3A_1300 : vector<16xi32>
        tpu.vector_store_idx %arg10[%add3A_1310, %broadcast_in_dim3A_1303], %get3A_1306 : memref<128x129xf32, #tpu.memory_space<vmem>>[vector<16xi32>, vector<16xi32>], vector<16xf32>,
        %add3A_1311 = arith.addi %add3A_12, %broadcast_in_dim3A_1300 : vector<16xi32>
        %add3A_1312 = arith.constant 64 : i32
        %add3A_1313 = vector.broadcast %add3A_1312 : i32 to vector<16xi32>
        %add3A_1314 = arith.addi %add3A_1311, %add3A_1313 : vector<16xi32>
        tpu.vector_store_idx %arg10[%add3A_1314, %broadcast_in_dim3A_1303], %get3A_1309 : memref<128x129xf32, #tpu.memory_space<vmem>>[vector<16xi32>, vector<16xi32>], vector<16xf32>,
        %scan3A_1315 = arith.constant 6 : i32
        %scan3A_1316 = arith.addi %scan3A_1192, %scan3A_1315 : i32
        %shift_right_arithmetic3A_1317 = arith.constant 7 : i32
        %shift_right_arithmetic3A_1318 = arith.shrsi %scan3A_1316, %shift_right_arithmetic3A_1317 : i32
        %mul3A_1319 = arith.constant 8 : i32
        %mul3A_1320 = arith.muli %shift_right_arithmetic3A_1318, %mul3A_1319 : i32
        %broadcast_in_dim3A_1321 = vector.broadcast %mul3A_1320 : i32 to vector<16xi32>
        %and3A_1322 = arith.constant 127 : i32
        %and3A_1323 = arith.andi %scan3A_1316, %and3A_1322 : i32
        %broadcast_in_dim3A_1324 = vector.broadcast %and3A_1323 : i32 to vector<16xi32>
        %get3A_1325 = arith.index_cast %scan3A_1316 : i32 to index
        %get3A_1326 = arith.constant 0 : index
        %get3A_1327 = tpu.vector_load %arg8[%get3A_1325, %get3A_1326] {strides = array<i32>} : memref<512x32xf32, #tpu.memory_space<vmem>>, vector<16xf32>,
        %get3A_1328 = arith.index_cast %scan3A_1316 : i32 to index
        %get3A_1329 = arith.constant 16 : index
        %get3A_1330 = tpu.vector_load %arg8[%get3A_1328, %get3A_1329] {strides = array<i32>} : memref<512x32xf32, #tpu.memory_space<vmem>>, vector<16xf32>,
        %add3A_1331 = arith.addi %add3A_12, %broadcast_in_dim3A_1321 : vector<16xi32>
        tpu.vector_store_idx %arg10[%add3A_1331, %broadcast_in_dim3A_1324], %get3A_1327 : memref<128x129xf32, #tpu.memory_space<vmem>>[vector<16xi32>, vector<16xi32>], vector<16xf32>,
        %add3A_1332 = arith.addi %add3A_12, %broadcast_in_dim3A_1321 : vector<16xi32>
        %add3A_1333 = arith.constant 64 : i32
        %add3A_1334 = vector.broadcast %add3A_1333 : i32 to vector<16xi32>
        %add3A_1335 = arith.addi %add3A_1332, %add3A_1334 : vector<16xi32>
        tpu.vector_store_idx %arg10[%add3A_1335, %broadcast_in_dim3A_1324], %get3A_1330 : memref<128x129xf32, #tpu.memory_space<vmem>>[vector<16xi32>, vector<16xi32>], vector<16xf32>,
        %scan3A_1336 = arith.constant 7 : i32
        %scan3A_1337 = arith.addi %scan3A_1192, %scan3A_1336 : i32
        %shift_right_arithmetic3A_1338 = arith.constant 7 : i32
        %shift_right_arithmetic3A_1339 = arith.shrsi %scan3A_1337, %shift_right_arithmetic3A_1338 : i32
        %mul3A_1340 = arith.constant 8 : i32
        %mul3A_1341 = arith.muli %shift_right_arithmetic3A_1339, %mul3A_1340 : i32
        %broadcast_in_dim3A_1342 = vector.broadcast %mul3A_1341 : i32 to vector<16xi32>
        %and3A_1343 = arith.constant 127 : i32
        %and3A_1344 = arith.andi %scan3A_1337, %and3A_1343 : i32
        %broadcast_in_dim3A_1345 = vector.broadcast %and3A_1344 : i32 to vector<16xi32>
        %get3A_1346 = arith.index_cast %scan3A_1337 : i32 to index
        %get3A_1347 = arith.constant 0 : index
        %get3A_1348 = tpu.vector_load %arg8[%get3A_1346, %get3A_1347] {strides = array<i32>} : memref<512x32xf32, #tpu.memory_space<vmem>>, vector<16xf32>,
        %get3A_1349 = arith.index_cast %scan3A_1337 : i32 to index
        %get3A_1350 = arith.constant 16 : index
        %get3A_1351 = tpu.vector_load %arg8[%get3A_1349, %get3A_1350] {strides = array<i32>} : memref<512x32xf32, #tpu.memory_space<vmem>>, vector<16xf32>,
        %add3A_1352 = arith.addi %add3A_12, %broadcast_in_dim3A_1342 : vector<16xi32>
        tpu.vector_store_idx %arg10[%add3A_1352, %broadcast_in_dim3A_1345], %get3A_1348 : memref<128x129xf32, #tpu.memory_space<vmem>>[vector<16xi32>, vector<16xi32>], vector<16xf32>,
        %add3A_1353 = arith.addi %add3A_12, %broadcast_in_dim3A_1342 : vector<16xi32>
        %add3A_1354 = arith.constant 64 : i32
        %add3A_1355 = vector.broadcast %add3A_1354 : i32 to vector<16xi32>
        %add3A_1356 = arith.addi %add3A_1353, %add3A_1355 : vector<16xi32>
        tpu.vector_store_idx %arg10[%add3A_1356, %broadcast_in_dim3A_1345], %get3A_1351 : memref<128x129xf32, #tpu.memory_space<vmem>>[vector<16xi32>, vector<16xi32>], vector<16xf32>,
      }
      %scan3A_919 = arith.constant 512 : i32
      %add3A_920 = arith.constant 0 : i32
      %add3A_921 = arith.addi %mul3A_4, %add3A_920 : i32
      %dma_start3A_922 = arith.constant 0 : i32
      %dma_start3A_923 = arith.constant 0 : i32
      %dma_start3A_924 = arith.constant 0 : i32
      %dma_start3A_925 = tpu.memref_slice %arg10[%dma_start3A_923, %dma_start3A_924] : memref<128x129xf32, #tpu.memory_space<vmem>> -> memref<8x128xf32, #tpu.memory_space<vmem>>
      %dma_start3A_926 = arith.constant 0 : i32
      %dma_start3A_927 = arith.constant 0 : i32
      %dma_start3A_928 = tpu.memref_slice %arg4[%add3A_895, %dma_start3A_922, %add3A_921, %dma_start3A_926, %dma_start3A_927] : memref<50x4x128x8x128xf32, #tpu.memory_space<hbm>> -> memref<1x1x1x8x128xf32, #tpu.memory_space<hbm>>
      %dma_start3A_929 = tpu.memref_squeeze %dma_start3A_928 : memref<1x1x1x8x128xf32, #tpu.memory_space<hbm>> -> memref<8x128xf32, #tpu.memory_space<hbm>>
      %dma_start3A_930 = arith.constant 0 : i32
      %dma_start3A_931 = arith.constant 0 : i32
      %dma_start3A_932 = tpu.memref_slice %arg4[%add3A_895, %dma_start3A_922, %add3A_921, %dma_start3A_930, %dma_start3A_931] : memref<50x4x128x8x128xf32, #tpu.memory_space<hbm>> -> memref<1x1x1x8x128xf32, #tpu.memory_space<hbm>>
      %dma_start3A_933 = tpu.memref_squeeze %dma_start3A_932 : memref<1x1x1x8x128xf32, #tpu.memory_space<hbm>> -> memref<8x128xf32, #tpu.memory_space<hbm>>
      %dma_start3A_934 = arith.constant 0 : i32
      %dma_start3A_935 = arith.constant 0 : i32
      %dma_start3A_936 = tpu.memref_slice %arg10[%dma_start3A_934, %dma_start3A_935] : memref<128x129xf32, #tpu.memory_space<vmem>> -> memref<8x128xf32, #tpu.memory_space<vmem>>
      tpu.enqueue_dma source(%dma_start3A_936 : memref<8x128xf32, #tpu.memory_space<vmem>>) target(%dma_start3A_933 : memref<8x128xf32, #tpu.memory_space<hbm>>) target_semaphore(%arg14 : memref<!tpu.dma_semaphore, #tpu.memory_space<semaphore_mem>>)
      %add3A_937 = arith.constant 1 : i32
      %add3A_938 = arith.addi %mul3A_4, %add3A_937 : i32
      %dma_start3A_939 = arith.constant 0 : i32
      %dma_start3A_940 = arith.constant 8 : i32
      %dma_start3A_941 = arith.constant 0 : i32
      %dma_start3A_942 = tpu.memref_slice %arg10[%dma_start3A_940, %dma_start3A_941] : memref<128x129xf32, #tpu.memory_space<vmem>> -> memref<8x128xf32, #tpu.memory_space<vmem>>
      %dma_start3A_943 = arith.constant 0 : i32
      %dma_start3A_944 = arith.constant 0 : i32
      %dma_start3A_945 = tpu.memref_slice %arg4[%add3A_895, %dma_start3A_939, %add3A_938, %dma_start3A_943, %dma_start3A_944] : memref<50x4x128x8x128xf32, #tpu.memory_space<hbm>> -> memref<1x1x1x8x128xf32, #tpu.memory_space<hbm>>
      %dma_start3A_946 = tpu.memref_squeeze %dma_start3A_945 : memref<1x1x1x8x128xf32, #tpu.memory_space<hbm>> -> memref<8x128xf32, #tpu.memory_space<hbm>>
      %dma_start3A_947 = arith.constant 0 : i32
      %dma_start3A_948 = arith.constant 0 : i32
      %dma_start3A_949 = tpu.memref_slice %arg4[%add3A_895, %dma_start3A_939, %add3A_938, %dma_start3A_947, %dma_start3A_948] : memref<50x4x128x8x128xf32, #tpu.memory_space<hbm>> -> memref<1x1x1x8x128xf32, #tpu.memory_space<hbm>>
      %dma_start3A_950 = tpu.memref_squeeze %dma_start3A_949 : memref<1x1x1x8x128xf32, #tpu.memory_space<hbm>> -> memref<8x128xf32, #tpu.memory_space<hbm>>
      %dma_start3A_951 = arith.constant 8 : i32
      %dma_start3A_952 = arith.constant 0 : i32
      %dma_start3A_953 = tpu.memref_slice %arg10[%dma_start3A_951, %dma_start3A_952] : memref<128x129xf32, #tpu.memory_space<vmem>> -> memref<8x128xf32, #tpu.memory_space<vmem>>
      tpu.enqueue_dma source(%dma_start3A_953 : memref<8x128xf32, #tpu.memory_space<vmem>>) target(%dma_start3A_950 : memref<8x128xf32, #tpu.memory_space<hbm>>) target_semaphore(%arg14 : memref<!tpu.dma_semaphore, #tpu.memory_space<semaphore_mem>>)
      %add3A_954 = arith.constant 2 : i32
      %add3A_955 = arith.addi %mul3A_4, %add3A_954 : i32
      %dma_start3A_956 = arith.constant 0 : i32
      %dma_start3A_957 = arith.constant 16 : i32
      %dma_start3A_958 = arith.constant 0 : i32
      %dma_start3A_959 = tpu.memref_slice %arg10[%dma_start3A_957, %dma_start3A_958] : memref<128x129xf32, #tpu.memory_space<vmem>> -> memref<8x128xf32, #tpu.memory_space<vmem>>
      %dma_start3A_960 = arith.constant 0 : i32
      %dma_start3A_961 = arith.constant 0 : i32
      %dma_start3A_962 = tpu.memref_slice %arg4[%add3A_895, %dma_start3A_956, %add3A_955, %dma_start3A_960, %dma_start3A_961] : memref<50x4x128x8x128xf32, #tpu.memory_space<hbm>> -> memref<1x1x1x8x128xf32, #tpu.memory_space<hbm>>
      %dma_start3A_963 = tpu.memref_squeeze %dma_start3A_962 : memref<1x1x1x8x128xf32, #tpu.memory_space<hbm>> -> memref<8x128xf32, #tpu.memory_space<hbm>>
      %dma_start3A_964 = arith.constant 0 : i32
      %dma_start3A_965 = arith.constant 0 : i32
      %dma_start3A_966 = tpu.memref_slice %arg4[%add3A_895, %dma_start3A_956, %add3A_955, %dma_start3A_964, %dma_start3A_965] : memref<50x4x128x8x128xf32, #tpu.memory_space<hbm>> -> memref<1x1x1x8x128xf32, #tpu.memory_space<hbm>>
      %dma_start3A_967 = tpu.memref_squeeze %dma_start3A_966 : memref<1x1x1x8x128xf32, #tpu.memory_space<hbm>> -> memref<8x128xf32, #tpu.memory_space<hbm>>
      %dma_start3A_968 = arith.constant 16 : i32
      %dma_start3A_969 = arith.constant 0 : i32
      %dma_start3A_970 = tpu.memref_slice %arg10[%dma_start3A_968, %dma_start3A_969] : memref<128x129xf32, #tpu.memory_space<vmem>> -> memref<8x128xf32, #tpu.memory_space<vmem>>
      tpu.enqueue_dma source(%dma_start3A_970 : memref<8x128xf32, #tpu.memory_space<vmem>>) target(%dma_start3A_967 : memref<8x128xf32, #tpu.memory_space<hbm>>) target_semaphore(%arg14 : memref<!tpu.dma_semaphore, #tpu.memory_space<semaphore_mem>>)
      %add3A_971 = arith.constant 3 : i32
      %add3A_972 = arith.addi %mul3A_4, %add3A_971 : i32
      %dma_start3A_973 = arith.constant 0 : i32
      %dma_start3A_974 = arith.constant 24 : i32
      %dma_start3A_975 = arith.constant 0 : i32
      %dma_start3A_976 = tpu.memref_slice %arg10[%dma_start3A_974, %dma_start3A_975] : memref<128x129xf32, #tpu.memory_space<vmem>> -> memref<8x128xf32, #tpu.memory_space<vmem>>
      %dma_start3A_977 = arith.constant 0 : i32
      %dma_start3A_978 = arith.constant 0 : i32
      %dma_start3A_979 = tpu.memref_slice %arg4[%add3A_895, %dma_start3A_973, %add3A_972, %dma_start3A_977, %dma_start3A_978] : memref<50x4x128x8x128xf32, #tpu.memory_space<hbm>> -> memref<1x1x1x8x128xf32, #tpu.memory_space<hbm>>
      %dma_start3A_980 = tpu.memref_squeeze %dma_start3A_979 : memref<1x1x1x8x128xf32, #tpu.memory_space<hbm>> -> memref<8x128xf32, #tpu.memory_space<hbm>>
      %dma_start3A_981 = arith.constant 0 : i32
      %dma_start3A_982 = arith.constant 0 : i32
      %dma_start3A_983 = tpu.memref_slice %arg4[%add3A_895, %dma_start3A_973, %add3A_972, %dma_start3A_981, %dma_start3A_982] : memref<50x4x128x8x128xf32, #tpu.memory_space<hbm>> -> memref<1x1x1x8x128xf32, #tpu.memory_space<hbm>>
      %dma_start3A_984 = tpu.memref_squeeze %dma_start3A_983 : memref<1x1x1x8x128xf32, #tpu.memory_space<hbm>> -> memref<8x128xf32, #tpu.memory_space<hbm>>
      %dma_start3A_985 = arith.constant 24 : i32
      %dma_start3A_986 = arith.constant 0 : i32
      %dma_start3A_987 = tpu.memref_slice %arg10[%dma_start3A_985, %dma_start3A_986] : memref<128x129xf32, #tpu.memory_space<vmem>> -> memref<8x128xf32, #tpu.memory_space<vmem>>
      tpu.enqueue_dma source(%dma_start3A_987 : memref<8x128xf32, #tpu.memory_space<vmem>>) target(%dma_start3A_984 : memref<8x128xf32, #tpu.memory_space<hbm>>) target_semaphore(%arg14 : memref<!tpu.dma_semaphore, #tpu.memory_space<semaphore_mem>>)
      %add3A_988 = arith.constant 0 : i32
      %add3A_989 = arith.addi %mul3A_4, %add3A_988 : i32
      %dma_start3A_990 = arith.constant 1 : i32
      %dma_start3A_991 = arith.constant 32 : i32
      %dma_start3A_992 = arith.constant 0 : i32
      %dma_start3A_993 = tpu.memref_slice %arg10[%dma_start3A_991, %dma_start3A_992] : memref<128x129xf32, #tpu.memory_space<vmem>> -> memref<8x128xf32, #tpu.memory_space<vmem>>
      %dma_start3A_994 = arith.constant 0 : i32
      %dma_start3A_995 = arith.constant 0 : i32
      %dma_start3A_996 = tpu.memref_slice %arg4[%add3A_895, %dma_start3A_990, %add3A_989, %dma_start3A_994, %dma_start3A_995] : memref<50x4x128x8x128xf32, #tpu.memory_space<hbm>> -> memref<1x1x1x8x128xf32, #tpu.memory_space<hbm>>
      %dma_start3A_997 = tpu.memref_squeeze %dma_start3A_996 : memref<1x1x1x8x128xf32, #tpu.memory_space<hbm>> -> memref<8x128xf32, #tpu.memory_space<hbm>>
      %dma_start3A_998 = arith.constant 0 : i32
      %dma_start3A_999 = arith.constant 0 : i32
      %dma_start3A_1000 = tpu.memref_slice %arg4[%add3A_895, %dma_start3A_990, %add3A_989, %dma_start3A_998, %dma_start3A_999] : memref<50x4x128x8x128xf32, #tpu.memory_space<hbm>> -> memref<1x1x1x8x128xf32, #tpu.memory_space<hbm>>
      %dma_start3A_1001 = tpu.memref_squeeze %dma_start3A_1000 : memref<1x1x1x8x128xf32, #tpu.memory_space<hbm>> -> memref<8x128xf32, #tpu.memory_space<hbm>>
      %dma_start3A_1002 = arith.constant 32 : i32
      %dma_start3A_1003 = arith.constant 0 : i32
      %dma_start3A_1004 = tpu.memref_slice %arg10[%dma_start3A_1002, %dma_start3A_1003] : memref<128x129xf32, #tpu.memory_space<vmem>> -> memref<8x128xf32, #tpu.memory_space<vmem>>
      tpu.enqueue_dma source(%dma_start3A_1004 : memref<8x128xf32, #tpu.memory_space<vmem>>) target(%dma_start3A_1001 : memref<8x128xf32, #tpu.memory_space<hbm>>) target_semaphore(%arg14 : memref<!tpu.dma_semaphore, #tpu.memory_space<semaphore_mem>>)
      %add3A_1005 = arith.constant 1 : i32
      %add3A_1006 = arith.addi %mul3A_4, %add3A_1005 : i32
      %dma_start3A_1007 = arith.constant 1 : i32
      %dma_start3A_1008 = arith.constant 40 : i32
      %dma_start3A_1009 = arith.constant 0 : i32
      %dma_start3A_1010 = tpu.memref_slice %arg10[%dma_start3A_1008, %dma_start3A_1009] : memref<128x129xf32, #tpu.memory_space<vmem>> -> memref<8x128xf32, #tpu.memory_space<vmem>>
      %dma_start3A_1011 = arith.constant 0 : i32
      %dma_start3A_1012 = arith.constant 0 : i32
      %dma_start3A_1013 = tpu.memref_slice %arg4[%add3A_895, %dma_start3A_1007, %add3A_1006, %dma_start3A_1011, %dma_start3A_1012] : memref<50x4x128x8x128xf32, #tpu.memory_space<hbm>> -> memref<1x1x1x8x128xf32, #tpu.memory_space<hbm>>
      %dma_start3A_1014 = tpu.memref_squeeze %dma_start3A_1013 : memref<1x1x1x8x128xf32, #tpu.memory_space<hbm>> -> memref<8x128xf32, #tpu.memory_space<hbm>>
      %dma_start3A_1015 = arith.constant 0 : i32
      %dma_start3A_1016 = arith.constant 0 : i32
      %dma_start3A_1017 = tpu.memref_slice %arg4[%add3A_895, %dma_start3A_1007, %add3A_1006, %dma_start3A_1015, %dma_start3A_1016] : memref<50x4x128x8x128xf32, #tpu.memory_space<hbm>> -> memref<1x1x1x8x128xf32, #tpu.memory_space<hbm>>
      %dma_start3A_1018 = tpu.memref_squeeze %dma_start3A_1017 : memref<1x1x1x8x128xf32, #tpu.memory_space<hbm>> -> memref<8x128xf32, #tpu.memory_space<hbm>>
      %dma_start3A_1019 = arith.constant 40 : i32
      %dma_start3A_1020 = arith.constant 0 : i32
      %dma_start3A_1021 = tpu.memref_slice %arg10[%dma_start3A_1019, %dma_start3A_1020] : memref<128x129xf32, #tpu.memory_space<vmem>> -> memref<8x128xf32, #tpu.memory_space<vmem>>
      tpu.enqueue_dma source(%dma_start3A_1021 : memref<8x128xf32, #tpu.memory_space<vmem>>) target(%dma_start3A_1018 : memref<8x128xf32, #tpu.memory_space<hbm>>) target_semaphore(%arg14 : memref<!tpu.dma_semaphore, #tpu.memory_space<semaphore_mem>>)
      %add3A_1022 = arith.constant 2 : i32
      %add3A_1023 = arith.addi %mul3A_4, %add3A_1022 : i32
      %dma_start3A_1024 = arith.constant 1 : i32
      %dma_start3A_1025 = arith.constant 48 : i32
      %dma_start3A_1026 = arith.constant 0 : i32
      %dma_start3A_1027 = tpu.memref_slice %arg10[%dma_start3A_1025, %dma_start3A_1026] : memref<128x129xf32, #tpu.memory_space<vmem>> -> memref<8x128xf32, #tpu.memory_space<vmem>>
      %dma_start3A_1028 = arith.constant 0 : i32
      %dma_start3A_1029 = arith.constant 0 : i32
      %dma_start3A_1030 = tpu.memref_slice %arg4[%add3A_895, %dma_start3A_1024, %add3A_1023, %dma_start3A_1028, %dma_start3A_1029] : memref<50x4x128x8x128xf32, #tpu.memory_space<hbm>> -> memref<1x1x1x8x128xf32, #tpu.memory_space<hbm>>
      %dma_start3A_1031 = tpu.memref_squeeze %dma_start3A_1030 : memref<1x1x1x8x128xf32, #tpu.memory_space<hbm>> -> memref<8x128xf32, #tpu.memory_space<hbm>>
      %dma_start3A_1032 = arith.constant 0 : i32
      %dma_start3A_1033 = arith.constant 0 : i32
      %dma_start3A_1034 = tpu.memref_slice %arg4[%add3A_895, %dma_start3A_1024, %add3A_1023, %dma_start3A_1032, %dma_start3A_1033] : memref<50x4x128x8x128xf32, #tpu.memory_space<hbm>> -> memref<1x1x1x8x128xf32, #tpu.memory_space<hbm>>
      %dma_start3A_1035 = tpu.memref_squeeze %dma_start3A_1034 : memref<1x1x1x8x128xf32, #tpu.memory_space<hbm>> -> memref<8x128xf32, #tpu.memory_space<hbm>>
      %dma_start3A_1036 = arith.constant 48 : i32
      %dma_start3A_1037 = arith.constant 0 : i32
      %dma_start3A_1038 = tpu.memref_slice %arg10[%dma_start3A_1036, %dma_start3A_1037] : memref<128x129xf32, #tpu.memory_space<vmem>> -> memref<8x128xf32, #tpu.memory_space<vmem>>
      tpu.enqueue_dma source(%dma_start3A_1038 : memref<8x128xf32, #tpu.memory_space<vmem>>) target(%dma_start3A_1035 : memref<8x128xf32, #tpu.memory_space<hbm>>) target_semaphore(%arg14 : memref<!tpu.dma_semaphore, #tpu.memory_space<semaphore_mem>>)
      %add3A_1039 = arith.constant 3 : i32
      %add3A_1040 = arith.addi %mul3A_4, %add3A_1039 : i32
      %dma_start3A_1041 = arith.constant 1 : i32
      %dma_start3A_1042 = arith.constant 56 : i32
      %dma_start3A_1043 = arith.constant 0 : i32
      %dma_start3A_1044 = tpu.memref_slice %arg10[%dma_start3A_1042, %dma_start3A_1043] : memref<128x129xf32, #tpu.memory_space<vmem>> -> memref<8x128xf32, #tpu.memory_space<vmem>>
      %dma_start3A_1045 = arith.constant 0 : i32
      %dma_start3A_1046 = arith.constant 0 : i32
      %dma_start3A_1047 = tpu.memref_slice %arg4[%add3A_895, %dma_start3A_1041, %add3A_1040, %dma_start3A_1045, %dma_start3A_1046] : memref<50x4x128x8x128xf32, #tpu.memory_space<hbm>> -> memref<1x1x1x8x128xf32, #tpu.memory_space<hbm>>
      %dma_start3A_1048 = tpu.memref_squeeze %dma_start3A_1047 : memref<1x1x1x8x128xf32, #tpu.memory_space<hbm>> -> memref<8x128xf32, #tpu.memory_space<hbm>>
      %dma_start3A_1049 = arith.constant 0 : i32
      %dma_start3A_1050 = arith.constant 0 : i32
      %dma_start3A_1051 = tpu.memref_slice %arg4[%add3A_895, %dma_start3A_1041, %add3A_1040, %dma_start3A_1049, %dma_start3A_1050] : memref<50x4x128x8x128xf32, #tpu.memory_space<hbm>> -> memref<1x1x1x8x128xf32, #tpu.memory_space<hbm>>
      %dma_start3A_1052 = tpu.memref_squeeze %dma_start3A_1051 : memref<1x1x1x8x128xf32, #tpu.memory_space<hbm>> -> memref<8x128xf32, #tpu.memory_space<hbm>>
      %dma_start3A_1053 = arith.constant 56 : i32
      %dma_start3A_1054 = arith.constant 0 : i32
      %dma_start3A_1055 = tpu.memref_slice %arg10[%dma_start3A_1053, %dma_start3A_1054] : memref<128x129xf32, #tpu.memory_space<vmem>> -> memref<8x128xf32, #tpu.memory_space<vmem>>
      tpu.enqueue_dma source(%dma_start3A_1055 : memref<8x128xf32, #tpu.memory_space<vmem>>) target(%dma_start3A_1052 : memref<8x128xf32, #tpu.memory_space<hbm>>) target_semaphore(%arg14 : memref<!tpu.dma_semaphore, #tpu.memory_space<semaphore_mem>>)
      %add3A_1056 = arith.constant 0 : i32
      %add3A_1057 = arith.addi %mul3A_4, %add3A_1056 : i32
      %dma_start3A_1058 = arith.constant 2 : i32
      %dma_start3A_1059 = arith.constant 64 : i32
      %dma_start3A_1060 = arith.constant 0 : i32
      %dma_start3A_1061 = tpu.memref_slice %arg10[%dma_start3A_1059, %dma_start3A_1060] : memref<128x129xf32, #tpu.memory_space<vmem>> -> memref<8x128xf32, #tpu.memory_space<vmem>>
      %dma_start3A_1062 = arith.constant 0 : i32
      %dma_start3A_1063 = arith.constant 0 : i32
      %dma_start3A_1064 = tpu.memref_slice %arg4[%add3A_895, %dma_start3A_1058, %add3A_1057, %dma_start3A_1062, %dma_start3A_1063] : memref<50x4x128x8x128xf32, #tpu.memory_space<hbm>> -> memref<1x1x1x8x128xf32, #tpu.memory_space<hbm>>
      %dma_start3A_1065 = tpu.memref_squeeze %dma_start3A_1064 : memref<1x1x1x8x128xf32, #tpu.memory_space<hbm>> -> memref<8x128xf32, #tpu.memory_space<hbm>>
      %dma_start3A_1066 = arith.constant 0 : i32
      %dma_start3A_1067 = arith.constant 0 : i32
      %dma_start3A_1068 = tpu.memref_slice %arg4[%add3A_895, %dma_start3A_1058, %add3A_1057, %dma_start3A_1066, %dma_start3A_1067] : memref<50x4x128x8x128xf32, #tpu.memory_space<hbm>> -> memref<1x1x1x8x128xf32, #tpu.memory_space<hbm>>
      %dma_start3A_1069 = tpu.memref_squeeze %dma_start3A_1068 : memref<1x1x1x8x128xf32, #tpu.memory_space<hbm>> -> memref<8x128xf32, #tpu.memory_space<hbm>>
      %dma_start3A_1070 = arith.constant 64 : i32
      %dma_start3A_1071 = arith.constant 0 : i32
      %dma_start3A_1072 = tpu.memref_slice %arg10[%dma_start3A_1070, %dma_start3A_1071] : memref<128x129xf32, #tpu.memory_space<vmem>> -> memref<8x128xf32, #tpu.memory_space<vmem>>
      tpu.enqueue_dma source(%dma_start3A_1072 : memref<8x128xf32, #tpu.memory_space<vmem>>) target(%dma_start3A_1069 : memref<8x128xf32, #tpu.memory_space<hbm>>) target_semaphore(%arg14 : memref<!tpu.dma_semaphore, #tpu.memory_space<semaphore_mem>>)
      %add3A_1073 = arith.constant 1 : i32
      %add3A_1074 = arith.addi %mul3A_4, %add3A_1073 : i32
      %dma_start3A_1075 = arith.constant 2 : i32
      %dma_start3A_1076 = arith.constant 72 : i32
      %dma_start3A_1077 = arith.constant 0 : i32
      %dma_start3A_1078 = tpu.memref_slice %arg10[%dma_start3A_1076, %dma_start3A_1077] : memref<128x129xf32, #tpu.memory_space<vmem>> -> memref<8x128xf32, #tpu.memory_space<vmem>>
      %dma_start3A_1079 = arith.constant 0 : i32
      %dma_start3A_1080 = arith.constant 0 : i32
      %dma_start3A_1081 = tpu.memref_slice %arg4[%add3A_895, %dma_start3A_1075, %add3A_1074, %dma_start3A_1079, %dma_start3A_1080] : memref<50x4x128x8x128xf32, #tpu.memory_space<hbm>> -> memref<1x1x1x8x128xf32, #tpu.memory_space<hbm>>
      %dma_start3A_1082 = tpu.memref_squeeze %dma_start3A_1081 : memref<1x1x1x8x128xf32, #tpu.memory_space<hbm>> -> memref<8x128xf32, #tpu.memory_space<hbm>>
      %dma_start3A_1083 = arith.constant 0 : i32
      %dma_start3A_1084 = arith.constant 0 : i32
      %dma_start3A_1085 = tpu.memref_slice %arg4[%add3A_895, %dma_start3A_1075, %add3A_1074, %dma_start3A_1083, %dma_start3A_1084] : memref<50x4x128x8x128xf32, #tpu.memory_space<hbm>> -> memref<1x1x1x8x128xf32, #tpu.memory_space<hbm>>
      %dma_start3A_1086 = tpu.memref_squeeze %dma_start3A_1085 : memref<1x1x1x8x128xf32, #tpu.memory_space<hbm>> -> memref<8x128xf32, #tpu.memory_space<hbm>>
      %dma_start3A_1087 = arith.constant 72 : i32
      %dma_start3A_1088 = arith.constant 0 : i32
      %dma_start3A_1089 = tpu.memref_slice %arg10[%dma_start3A_1087, %dma_start3A_1088] : memref<128x129xf32, #tpu.memory_space<vmem>> -> memref<8x128xf32, #tpu.memory_space<vmem>>
      tpu.enqueue_dma source(%dma_start3A_1089 : memref<8x128xf32, #tpu.memory_space<vmem>>) target(%dma_start3A_1086 : memref<8x128xf32, #tpu.memory_space<hbm>>) target_semaphore(%arg14 : memref<!tpu.dma_semaphore, #tpu.memory_space<semaphore_mem>>)
      %add3A_1090 = arith.constant 2 : i32
      %add3A_1091 = arith.addi %mul3A_4, %add3A_1090 : i32
      %dma_start3A_1092 = arith.constant 2 : i32
      %dma_start3A_1093 = arith.constant 80 : i32
      %dma_start3A_1094 = arith.constant 0 : i32
      %dma_start3A_1095 = tpu.memref_slice %arg10[%dma_start3A_1093, %dma_start3A_1094] : memref<128x129xf32, #tpu.memory_space<vmem>> -> memref<8x128xf32, #tpu.memory_space<vmem>>
      %dma_start3A_1096 = arith.constant 0 : i32
      %dma_start3A_1097 = arith.constant 0 : i32
      %dma_start3A_1098 = tpu.memref_slice %arg4[%add3A_895, %dma_start3A_1092, %add3A_1091, %dma_start3A_1096, %dma_start3A_1097] : memref<50x4x128x8x128xf32, #tpu.memory_space<hbm>> -> memref<1x1x1x8x128xf32, #tpu.memory_space<hbm>>
      %dma_start3A_1099 = tpu.memref_squeeze %dma_start3A_1098 : memref<1x1x1x8x128xf32, #tpu.memory_space<hbm>> -> memref<8x128xf32, #tpu.memory_space<hbm>>
      %dma_start3A_1100 = arith.constant 0 : i32
      %dma_start3A_1101 = arith.constant 0 : i32
      %dma_start3A_1102 = tpu.memref_slice %arg4[%add3A_895, %dma_start3A_1092, %add3A_1091, %dma_start3A_1100, %dma_start3A_1101] : memref<50x4x128x8x128xf32, #tpu.memory_space<hbm>> -> memref<1x1x1x8x128xf32, #tpu.memory_space<hbm>>
      %dma_start3A_1103 = tpu.memref_squeeze %dma_start3A_1102 : memref<1x1x1x8x128xf32, #tpu.memory_space<hbm>> -> memref<8x128xf32, #tpu.memory_space<hbm>>
      %dma_start3A_1104 = arith.constant 80 : i32
      %dma_start3A_1105 = arith.constant 0 : i32
      %dma_start3A_1106 = tpu.memref_slice %arg10[%dma_start3A_1104, %dma_start3A_1105] : memref<128x129xf32, #tpu.memory_space<vmem>> -> memref<8x128xf32, #tpu.memory_space<vmem>>
      tpu.enqueue_dma source(%dma_start3A_1106 : memref<8x128xf32, #tpu.memory_space<vmem>>) target(%dma_start3A_1103 : memref<8x128xf32, #tpu.memory_space<hbm>>) target_semaphore(%arg14 : memref<!tpu.dma_semaphore, #tpu.memory_space<semaphore_mem>>)
      %add3A_1107 = arith.constant 3 : i32
      %add3A_1108 = arith.addi %mul3A_4, %add3A_1107 : i32
      %dma_start3A_1109 = arith.constant 2 : i32
      %dma_start3A_1110 = arith.constant 88 : i32
      %dma_start3A_1111 = arith.constant 0 : i32
      %dma_start3A_1112 = tpu.memref_slice %arg10[%dma_start3A_1110, %dma_start3A_1111] : memref<128x129xf32, #tpu.memory_space<vmem>> -> memref<8x128xf32, #tpu.memory_space<vmem>>
      %dma_start3A_1113 = arith.constant 0 : i32
      %dma_start3A_1114 = arith.constant 0 : i32
      %dma_start3A_1115 = tpu.memref_slice %arg4[%add3A_895, %dma_start3A_1109, %add3A_1108, %dma_start3A_1113, %dma_start3A_1114] : memref<50x4x128x8x128xf32, #tpu.memory_space<hbm>> -> memref<1x1x1x8x128xf32, #tpu.memory_space<hbm>>
      %dma_start3A_1116 = tpu.memref_squeeze %dma_start3A_1115 : memref<1x1x1x8x128xf32, #tpu.memory_space<hbm>> -> memref<8x128xf32, #tpu.memory_space<hbm>>
      %dma_start3A_1117 = arith.constant 0 : i32
      %dma_start3A_1118 = arith.constant 0 : i32
      %dma_start3A_1119 = tpu.memref_slice %arg4[%add3A_895, %dma_start3A_1109, %add3A_1108, %dma_start3A_1117, %dma_start3A_1118] : memref<50x4x128x8x128xf32, #tpu.memory_space<hbm>> -> memref<1x1x1x8x128xf32, #tpu.memory_space<hbm>>
      %dma_start3A_1120 = tpu.memref_squeeze %dma_start3A_1119 : memref<1x1x1x8x128xf32, #tpu.memory_space<hbm>> -> memref<8x128xf32, #tpu.memory_space<hbm>>
      %dma_start3A_1121 = arith.constant 88 : i32
      %dma_start3A_1122 = arith.constant 0 : i32
      %dma_start3A_1123 = tpu.memref_slice %arg10[%dma_start3A_1121, %dma_start3A_1122] : memref<128x129xf32, #tpu.memory_space<vmem>> -> memref<8x128xf32, #tpu.memory_space<vmem>>
      tpu.enqueue_dma source(%dma_start3A_1123 : memref<8x128xf32, #tpu.memory_space<vmem>>) target(%dma_start3A_1120 : memref<8x128xf32, #tpu.memory_space<hbm>>) target_semaphore(%arg14 : memref<!tpu.dma_semaphore, #tpu.memory_space<semaphore_mem>>)
      %add3A_1124 = arith.constant 0 : i32
      %add3A_1125 = arith.addi %mul3A_4, %add3A_1124 : i32
      %dma_start3A_1126 = arith.constant 3 : i32
      %dma_start3A_1127 = arith.constant 96 : i32
      %dma_start3A_1128 = arith.constant 0 : i32
      %dma_start3A_1129 = tpu.memref_slice %arg10[%dma_start3A_1127, %dma_start3A_1128] : memref<128x129xf32, #tpu.memory_space<vmem>> -> memref<8x128xf32, #tpu.memory_space<vmem>>
      %dma_start3A_1130 = arith.constant 0 : i32
      %dma_start3A_1131 = arith.constant 0 : i32
      %dma_start3A_1132 = tpu.memref_slice %arg4[%add3A_895, %dma_start3A_1126, %add3A_1125, %dma_start3A_1130, %dma_start3A_1131] : memref<50x4x128x8x128xf32, #tpu.memory_space<hbm>> -> memref<1x1x1x8x128xf32, #tpu.memory_space<hbm>>
      %dma_start3A_1133 = tpu.memref_squeeze %dma_start3A_1132 : memref<1x1x1x8x128xf32, #tpu.memory_space<hbm>> -> memref<8x128xf32, #tpu.memory_space<hbm>>
      %dma_start3A_1134 = arith.constant 0 : i32
      %dma_start3A_1135 = arith.constant 0 : i32
      %dma_start3A_1136 = tpu.memref_slice %arg4[%add3A_895, %dma_start3A_1126, %add3A_1125, %dma_start3A_1134, %dma_start3A_1135] : memref<50x4x128x8x128xf32, #tpu.memory_space<hbm>> -> memref<1x1x1x8x128xf32, #tpu.memory_space<hbm>>
      %dma_start3A_1137 = tpu.memref_squeeze %dma_start3A_1136 : memref<1x1x1x8x128xf32, #tpu.memory_space<hbm>> -> memref<8x128xf32, #tpu.memory_space<hbm>>
      %dma_start3A_1138 = arith.constant 96 : i32
      %dma_start3A_1139 = arith.constant 0 : i32
      %dma_start3A_1140 = tpu.memref_slice %arg10[%dma_start3A_1138, %dma_start3A_1139] : memref<128x129xf32, #tpu.memory_space<vmem>> -> memref<8x128xf32, #tpu.memory_space<vmem>>
      tpu.enqueue_dma source(%dma_start3A_1140 : memref<8x128xf32, #tpu.memory_space<vmem>>) target(%dma_start3A_1137 : memref<8x128xf32, #tpu.memory_space<hbm>>) target_semaphore(%arg14 : memref<!tpu.dma_semaphore, #tpu.memory_space<semaphore_mem>>)
      %add3A_1141 = arith.constant 1 : i32
      %add3A_1142 = arith.addi %mul3A_4, %add3A_1141 : i32
      %dma_start3A_1143 = arith.constant 3 : i32
      %dma_start3A_1144 = arith.constant 104 : i32
      %dma_start3A_1145 = arith.constant 0 : i32
      %dma_start3A_1146 = tpu.memref_slice %arg10[%dma_start3A_1144, %dma_start3A_1145] : memref<128x129xf32, #tpu.memory_space<vmem>> -> memref<8x128xf32, #tpu.memory_space<vmem>>
      %dma_start3A_1147 = arith.constant 0 : i32
      %dma_start3A_1148 = arith.constant 0 : i32
      %dma_start3A_1149 = tpu.memref_slice %arg4[%add3A_895, %dma_start3A_1143, %add3A_1142, %dma_start3A_1147, %dma_start3A_1148] : memref<50x4x128x8x128xf32, #tpu.memory_space<hbm>> -> memref<1x1x1x8x128xf32, #tpu.memory_space<hbm>>
      %dma_start3A_1150 = tpu.memref_squeeze %dma_start3A_1149 : memref<1x1x1x8x128xf32, #tpu.memory_space<hbm>> -> memref<8x128xf32, #tpu.memory_space<hbm>>
      %dma_start3A_1151 = arith.constant 0 : i32
      %dma_start3A_1152 = arith.constant 0 : i32
      %dma_start3A_1153 = tpu.memref_slice %arg4[%add3A_895, %dma_start3A_1143, %add3A_1142, %dma_start3A_1151, %dma_start3A_1152] : memref<50x4x128x8x128xf32, #tpu.memory_space<hbm>> -> memref<1x1x1x8x128xf32, #tpu.memory_space<hbm>>
      %dma_start3A_1154 = tpu.memref_squeeze %dma_start3A_1153 : memref<1x1x1x8x128xf32, #tpu.memory_space<hbm>> -> memref<8x128xf32, #tpu.memory_space<hbm>>
      %dma_start3A_1155 = arith.constant 104 : i32
      %dma_start3A_1156 = arith.constant 0 : i32
      %dma_start3A_1157 = tpu.memref_slice %arg10[%dma_start3A_1155, %dma_start3A_1156] : memref<128x129xf32, #tpu.memory_space<vmem>> -> memref<8x128xf32, #tpu.memory_space<vmem>>
      tpu.enqueue_dma source(%dma_start3A_1157 : memref<8x128xf32, #tpu.memory_space<vmem>>) target(%dma_start3A_1154 : memref<8x128xf32, #tpu.memory_space<hbm>>) target_semaphore(%arg14 : memref<!tpu.dma_semaphore, #tpu.memory_space<semaphore_mem>>)
      %add3A_1158 = arith.constant 2 : i32
      %add3A_1159 = arith.addi %mul3A_4, %add3A_1158 : i32
      %dma_start3A_1160 = arith.constant 3 : i32
      %dma_start3A_1161 = arith.constant 112 : i32
      %dma_start3A_1162 = arith.constant 0 : i32
      %dma_start3A_1163 = tpu.memref_slice %arg10[%dma_start3A_1161, %dma_start3A_1162] : memref<128x129xf32, #tpu.memory_space<vmem>> -> memref<8x128xf32, #tpu.memory_space<vmem>>
      %dma_start3A_1164 = arith.constant 0 : i32
      %dma_start3A_1165 = arith.constant 0 : i32
      %dma_start3A_1166 = tpu.memref_slice %arg4[%add3A_895, %dma_start3A_1160, %add3A_1159, %dma_start3A_1164, %dma_start3A_1165] : memref<50x4x128x8x128xf32, #tpu.memory_space<hbm>> -> memref<1x1x1x8x128xf32, #tpu.memory_space<hbm>>
      %dma_start3A_1167 = tpu.memref_squeeze %dma_start3A_1166 : memref<1x1x1x8x128xf32, #tpu.memory_space<hbm>> -> memref<8x128xf32, #tpu.memory_space<hbm>>
      %dma_start3A_1168 = arith.constant 0 : i32
      %dma_start3A_1169 = arith.constant 0 : i32
      %dma_start3A_1170 = tpu.memref_slice %arg4[%add3A_895, %dma_start3A_1160, %add3A_1159, %dma_start3A_1168, %dma_start3A_1169] : memref<50x4x128x8x128xf32, #tpu.memory_space<hbm>> -> memref<1x1x1x8x128xf32, #tpu.memory_space<hbm>>
      %dma_start3A_1171 = tpu.memref_squeeze %dma_start3A_1170 : memref<1x1x1x8x128xf32, #tpu.memory_space<hbm>> -> memref<8x128xf32, #tpu.memory_space<hbm>>
      %dma_start3A_1172 = arith.constant 112 : i32
      %dma_start3A_1173 = arith.constant 0 : i32
      %dma_start3A_1174 = tpu.memref_slice %arg10[%dma_start3A_1172, %dma_start3A_1173] : memref<128x129xf32, #tpu.memory_space<vmem>> -> memref<8x128xf32, #tpu.memory_space<vmem>>
      tpu.enqueue_dma source(%dma_start3A_1174 : memref<8x128xf32, #tpu.memory_space<vmem>>) target(%dma_start3A_1171 : memref<8x128xf32, #tpu.memory_space<hbm>>) target_semaphore(%arg14 : memref<!tpu.dma_semaphore, #tpu.memory_space<semaphore_mem>>)
      %add3A_1175 = arith.constant 3 : i32
      %add3A_1176 = arith.addi %mul3A_4, %add3A_1175 : i32
      %dma_start3A_1177 = arith.constant 3 : i32
      %dma_start3A_1178 = arith.constant 120 : i32
      %dma_start3A_1179 = arith.constant 0 : i32
      %dma_start3A_1180 = tpu.memref_slice %arg10[%dma_start3A_1178, %dma_start3A_1179] : memref<128x129xf32, #tpu.memory_space<vmem>> -> memref<8x128xf32, #tpu.memory_space<vmem>>
      %dma_start3A_1181 = arith.constant 0 : i32
      %dma_start3A_1182 = arith.constant 0 : i32
      %dma_start3A_1183 = tpu.memref_slice %arg4[%add3A_895, %dma_start3A_1177, %add3A_1176, %dma_start3A_1181, %dma_start3A_1182] : memref<50x4x128x8x128xf32, #tpu.memory_space<hbm>> -> memref<1x1x1x8x128xf32, #tpu.memory_space<hbm>>
      %dma_start3A_1184 = tpu.memref_squeeze %dma_start3A_1183 : memref<1x1x1x8x128xf32, #tpu.memory_space<hbm>> -> memref<8x128xf32, #tpu.memory_space<hbm>>
      %dma_start3A_1185 = arith.constant 0 : i32
      %dma_start3A_1186 = arith.constant 0 : i32
      %dma_start3A_1187 = tpu.memref_slice %arg4[%add3A_895, %dma_start3A_1177, %add3A_1176, %dma_start3A_1185, %dma_start3A_1186] : memref<50x4x128x8x128xf32, #tpu.memory_space<hbm>> -> memref<1x1x1x8x128xf32, #tpu.memory_space<hbm>>
      %dma_start3A_1188 = tpu.memref_squeeze %dma_start3A_1187 : memref<1x1x1x8x128xf32, #tpu.memory_space<hbm>> -> memref<8x128xf32, #tpu.memory_space<hbm>>
      %dma_start3A_1189 = arith.constant 120 : i32
      %dma_start3A_1190 = arith.constant 0 : i32
      %dma_start3A_1191 = tpu.memref_slice %arg10[%dma_start3A_1189, %dma_start3A_1190] : memref<128x129xf32, #tpu.memory_space<vmem>> -> memref<8x128xf32, #tpu.memory_space<vmem>>
      tpu.enqueue_dma source(%dma_start3A_1191 : memref<8x128xf32, #tpu.memory_space<vmem>>) target(%dma_start3A_1188 : memref<8x128xf32, #tpu.memory_space<hbm>>) target_semaphore(%arg14 : memref<!tpu.dma_semaphore, #tpu.memory_space<semaphore_mem>>)
    }
    %scan3A_19 = arith.constant 25 : i32
    %add3A_20 = arith.constant 0 : i32
    %add3A_21 = arith.addi %mul3A_4, %add3A_20 : i32
    %dma_wait3A = arith.constant 48 : i32
    %dma_wait3A_22 = arith.constant 0 : i32
    %dma_wait3A_23 = arith.constant 0 : i32
    %dma_wait3A_24 = arith.constant 0 : i32
    %dma_wait3A_25 = tpu.memref_slice %arg9[%dma_wait3A_23, %dma_wait3A_24] : memref<128x129xf32, #tpu.memory_space<vmem>> -> memref<8x128xf32, #tpu.memory_space<vmem>>
    %dma_wait3A_26 = arith.constant 0 : i32
    %dma_wait3A_27 = arith.constant 0 : i32
    %dma_wait3A_28 = tpu.memref_slice %arg4[%dma_wait3A, %dma_wait3A_22, %add3A_21, %dma_wait3A_26, %dma_wait3A_27] : memref<50x4x128x8x128xf32, #tpu.memory_space<hbm>> -> memref<1x1x1x8x128xf32, #tpu.memory_space<hbm>>
    %dma_wait3A_29 = tpu.memref_squeeze %dma_wait3A_28 : memref<1x1x1x8x128xf32, #tpu.memory_space<hbm>> -> memref<8x128xf32, #tpu.memory_space<hbm>>
    %dma_wait3A_30 = arith.constant 0 : i32
    %dma_wait3A_31 = arith.constant 0 : i32
    %dma_wait3A_32 = tpu.memref_slice %arg4[%dma_wait3A, %dma_wait3A_22, %add3A_21, %dma_wait3A_30, %dma_wait3A_31] : memref<50x4x128x8x128xf32, #tpu.memory_space<hbm>> -> memref<1x1x1x8x128xf32, #tpu.memory_space<hbm>>
    %dma_wait3A_33 = tpu.memref_squeeze %dma_wait3A_32 : memref<1x1x1x8x128xf32, #tpu.memory_space<hbm>> -> memref<8x128xf32, #tpu.memory_space<hbm>>
    %dma_wait3A_34 = arith.constant 0 : i32
    %dma_wait3A_35 = arith.constant 0 : i32
    %dma_wait3A_36 = tpu.memref_slice %arg9[%dma_wait3A_34, %dma_wait3A_35] : memref<128x129xf32, #tpu.memory_space<vmem>> -> memref<8x128xf32, #tpu.memory_space<vmem>>
    tpu.wait_dma2 semaphore(%arg13 : memref<!tpu.dma_semaphore, #tpu.memory_space<semaphore_mem>>) src(%dma_wait3A_36 : memref<8x128xf32, #tpu.memory_space<vmem>>) dst(%dma_wait3A_33 : memref<8x128xf32, #tpu.memory_space<hbm>>)
    %add3A_37 = arith.constant 1 : i32
    %add3A_38 = arith.addi %mul3A_4, %add3A_37 : i32
    %dma_wait3A_39 = arith.constant 48 : i32
    %dma_wait3A_40 = arith.constant 0 : i32
    %dma_wait3A_41 = arith.constant 8 : i32
    %dma_wait3A_42 = arith.constant 0 : i32
    %dma_wait3A_43 = tpu.memref_slice %arg9[%dma_wait3A_41, %dma_wait3A_42] : memref<128x129xf32, #tpu.memory_space<vmem>> -> memref<8x128xf32, #tpu.memory_space<vmem>>
    %dma_wait3A_44 = arith.constant 0 : i32
    %dma_wait3A_45 = arith.constant 0 : i32
    %dma_wait3A_46 = tpu.memref_slice %arg4[%dma_wait3A_39, %dma_wait3A_40, %add3A_38, %dma_wait3A_44, %dma_wait3A_45] : memref<50x4x128x8x128xf32, #tpu.memory_space<hbm>> -> memref<1x1x1x8x128xf32, #tpu.memory_space<hbm>>
    %dma_wait3A_47 = tpu.memref_squeeze %dma_wait3A_46 : memref<1x1x1x8x128xf32, #tpu.memory_space<hbm>> -> memref<8x128xf32, #tpu.memory_space<hbm>>
    %dma_wait3A_48 = arith.constant 0 : i32
    %dma_wait3A_49 = arith.constant 0 : i32
    %dma_wait3A_50 = tpu.memref_slice %arg4[%dma_wait3A_39, %dma_wait3A_40, %add3A_38, %dma_wait3A_48, %dma_wait3A_49] : memref<50x4x128x8x128xf32, #tpu.memory_space<hbm>> -> memref<1x1x1x8x128xf32, #tpu.memory_space<hbm>>
    %dma_wait3A_51 = tpu.memref_squeeze %dma_wait3A_50 : memref<1x1x1x8x128xf32, #tpu.memory_space<hbm>> -> memref<8x128xf32, #tpu.memory_space<hbm>>
    %dma_wait3A_52 = arith.constant 8 : i32
    %dma_wait3A_53 = arith.constant 0 : i32
    %dma_wait3A_54 = tpu.memref_slice %arg9[%dma_wait3A_52, %dma_wait3A_53] : memref<128x129xf32, #tpu.memory_space<vmem>> -> memref<8x128xf32, #tpu.memory_space<vmem>>
    tpu.wait_dma2 semaphore(%arg13 : memref<!tpu.dma_semaphore, #tpu.memory_space<semaphore_mem>>) src(%dma_wait3A_54 : memref<8x128xf32, #tpu.memory_space<vmem>>) dst(%dma_wait3A_51 : memref<8x128xf32, #tpu.memory_space<hbm>>)
    %add3A_55 = arith.constant 2 : i32
    %add3A_56 = arith.addi %mul3A_4, %add3A_55 : i32
    %dma_wait3A_57 = arith.constant 48 : i32
    %dma_wait3A_58 = arith.constant 0 : i32
    %dma_wait3A_59 = arith.constant 16 : i32
    %dma_wait3A_60 = arith.constant 0 : i32
    %dma_wait3A_61 = tpu.memref_slice %arg9[%dma_wait3A_59, %dma_wait3A_60] : memref<128x129xf32, #tpu.memory_space<vmem>> -> memref<8x128xf32, #tpu.memory_space<vmem>>
    %dma_wait3A_62 = arith.constant 0 : i32
    %dma_wait3A_63 = arith.constant 0 : i32
    %dma_wait3A_64 = tpu.memref_slice %arg4[%dma_wait3A_57, %dma_wait3A_58, %add3A_56, %dma_wait3A_62, %dma_wait3A_63] : memref<50x4x128x8x128xf32, #tpu.memory_space<hbm>> -> memref<1x1x1x8x128xf32, #tpu.memory_space<hbm>>
    %dma_wait3A_65 = tpu.memref_squeeze %dma_wait3A_64 : memref<1x1x1x8x128xf32, #tpu.memory_space<hbm>> -> memref<8x128xf32, #tpu.memory_space<hbm>>
    %dma_wait3A_66 = arith.constant 0 : i32
    %dma_wait3A_67 = arith.constant 0 : i32
    %dma_wait3A_68 = tpu.memref_slice %arg4[%dma_wait3A_57, %dma_wait3A_58, %add3A_56, %dma_wait3A_66, %dma_wait3A_67] : memref<50x4x128x8x128xf32, #tpu.memory_space<hbm>> -> memref<1x1x1x8x128xf32, #tpu.memory_space<hbm>>
    %dma_wait3A_69 = tpu.memref_squeeze %dma_wait3A_68 : memref<1x1x1x8x128xf32, #tpu.memory_space<hbm>> -> memref<8x128xf32, #tpu.memory_space<hbm>>
    %dma_wait3A_70 = arith.constant 16 : i32
    %dma_wait3A_71 = arith.constant 0 : i32
    %dma_wait3A_72 = tpu.memref_slice %arg9[%dma_wait3A_70, %dma_wait3A_71] : memref<128x129xf32, #tpu.memory_space<vmem>> -> memref<8x128xf32, #tpu.memory_space<vmem>>
    tpu.wait_dma2 semaphore(%arg13 : memref<!tpu.dma_semaphore, #tpu.memory_space<semaphore_mem>>) src(%dma_wait3A_72 : memref<8x128xf32, #tpu.memory_space<vmem>>) dst(%dma_wait3A_69 : memref<8x128xf32, #tpu.memory_space<hbm>>)
    %add3A_73 = arith.constant 3 : i32
    %add3A_74 = arith.addi %mul3A_4, %add3A_73 : i32
    %dma_wait3A_75 = arith.constant 48 : i32
    %dma_wait3A_76 = arith.constant 0 : i32
    %dma_wait3A_77 = arith.constant 24 : i32
    %dma_wait3A_78 = arith.constant 0 : i32
    %dma_wait3A_79 = tpu.memref_slice %arg9[%dma_wait3A_77, %dma_wait3A_78] : memref<128x129xf32, #tpu.memory_space<vmem>> -> memref<8x128xf32, #tpu.memory_space<vmem>>
    %dma_wait3A_80 = arith.constant 0 : i32
    %dma_wait3A_81 = arith.constant 0 : i32
    %dma_wait3A_82 = tpu.memref_slice %arg4[%dma_wait3A_75, %dma_wait3A_76, %add3A_74, %dma_wait3A_80, %dma_wait3A_81] : memref<50x4x128x8x128xf32, #tpu.memory_space<hbm>> -> memref<1x1x1x8x128xf32, #tpu.memory_space<hbm>>
    %dma_wait3A_83 = tpu.memref_squeeze %dma_wait3A_82 : memref<1x1x1x8x128xf32, #tpu.memory_space<hbm>> -> memref<8x128xf32, #tpu.memory_space<hbm>>
    %dma_wait3A_84 = arith.constant 0 : i32
    %dma_wait3A_85 = arith.constant 0 : i32
    %dma_wait3A_86 = tpu.memref_slice %arg4[%dma_wait3A_75, %dma_wait3A_76, %add3A_74, %dma_wait3A_84, %dma_wait3A_85] : memref<50x4x128x8x128xf32, #tpu.memory_space<hbm>> -> memref<1x1x1x8x128xf32, #tpu.memory_space<hbm>>
    %dma_wait3A_87 = tpu.memref_squeeze %dma_wait3A_86 : memref<1x1x1x8x128xf32, #tpu.memory_space<hbm>> -> memref<8x128xf32, #tpu.memory_space<hbm>>
    %dma_wait3A_88 = arith.constant 24 : i32
    %dma_wait3A_89 = arith.constant 0 : i32
    %dma_wait3A_90 = tpu.memref_slice %arg9[%dma_wait3A_88, %dma_wait3A_89] : memref<128x129xf32, #tpu.memory_space<vmem>> -> memref<8x128xf32, #tpu.memory_space<vmem>>
    tpu.wait_dma2 semaphore(%arg13 : memref<!tpu.dma_semaphore, #tpu.memory_space<semaphore_mem>>) src(%dma_wait3A_90 : memref<8x128xf32, #tpu.memory_space<vmem>>) dst(%dma_wait3A_87 : memref<8x128xf32, #tpu.memory_space<hbm>>)
    %add3A_91 = arith.constant 0 : i32
    %add3A_92 = arith.addi %mul3A_4, %add3A_91 : i32
    %dma_wait3A_93 = arith.constant 48 : i32
    %dma_wait3A_94 = arith.constant 1 : i32
    %dma_wait3A_95 = arith.constant 32 : i32
    %dma_wait3A_96 = arith.constant 0 : i32
    %dma_wait3A_97 = tpu.memref_slice %arg9[%dma_wait3A_95, %dma_wait3A_96] : memref<128x129xf32, #tpu.memory_space<vmem>> -> memref<8x128xf32, #tpu.memory_space<vmem>>
    %dma_wait3A_98 = arith.constant 0 : i32
    %dma_wait3A_99 = arith.constant 0 : i32
    %dma_wait3A_100 = tpu.memref_slice %arg4[%dma_wait3A_93, %dma_wait3A_94, %add3A_92, %dma_wait3A_98, %dma_wait3A_99] : memref<50x4x128x8x128xf32, #tpu.memory_space<hbm>> -> memref<1x1x1x8x128xf32, #tpu.memory_space<hbm>>
    %dma_wait3A_101 = tpu.memref_squeeze %dma_wait3A_100 : memref<1x1x1x8x128xf32, #tpu.memory_space<hbm>> -> memref<8x128xf32, #tpu.memory_space<hbm>>
    %dma_wait3A_102 = arith.constant 0 : i32
    %dma_wait3A_103 = arith.constant 0 : i32
    %dma_wait3A_104 = tpu.memref_slice %arg4[%dma_wait3A_93, %dma_wait3A_94, %add3A_92, %dma_wait3A_102, %dma_wait3A_103] : memref<50x4x128x8x128xf32, #tpu.memory_space<hbm>> -> memref<1x1x1x8x128xf32, #tpu.memory_space<hbm>>
    %dma_wait3A_105 = tpu.memref_squeeze %dma_wait3A_104 : memref<1x1x1x8x128xf32, #tpu.memory_space<hbm>> -> memref<8x128xf32, #tpu.memory_space<hbm>>
    %dma_wait3A_106 = arith.constant 32 : i32
    %dma_wait3A_107 = arith.constant 0 : i32
    %dma_wait3A_108 = tpu.memref_slice %arg9[%dma_wait3A_106, %dma_wait3A_107] : memref<128x129xf32, #tpu.memory_space<vmem>> -> memref<8x128xf32, #tpu.memory_space<vmem>>
    tpu.wait_dma2 semaphore(%arg13 : memref<!tpu.dma_semaphore, #tpu.memory_space<semaphore_mem>>) src(%dma_wait3A_108 : memref<8x128xf32, #tpu.memory_space<vmem>>) dst(%dma_wait3A_105 : memref<8x128xf32, #tpu.memory_space<hbm>>)
    %add3A_109 = arith.constant 1 : i32
    %add3A_110 = arith.addi %mul3A_4, %add3A_109 : i32
    %dma_wait3A_111 = arith.constant 48 : i32
    %dma_wait3A_112 = arith.constant 1 : i32
    %dma_wait3A_113 = arith.constant 40 : i32
    %dma_wait3A_114 = arith.constant 0 : i32
    %dma_wait3A_115 = tpu.memref_slice %arg9[%dma_wait3A_113, %dma_wait3A_114] : memref<128x129xf32, #tpu.memory_space<vmem>> -> memref<8x128xf32, #tpu.memory_space<vmem>>
    %dma_wait3A_116 = arith.constant 0 : i32
    %dma_wait3A_117 = arith.constant 0 : i32
    %dma_wait3A_118 = tpu.memref_slice %arg4[%dma_wait3A_111, %dma_wait3A_112, %add3A_110, %dma_wait3A_116, %dma_wait3A_117] : memref<50x4x128x8x128xf32, #tpu.memory_space<hbm>> -> memref<1x1x1x8x128xf32, #tpu.memory_space<hbm>>
    %dma_wait3A_119 = tpu.memref_squeeze %dma_wait3A_118 : memref<1x1x1x8x128xf32, #tpu.memory_space<hbm>> -> memref<8x128xf32, #tpu.memory_space<hbm>>
    %dma_wait3A_120 = arith.constant 0 : i32
    %dma_wait3A_121 = arith.constant 0 : i32
    %dma_wait3A_122 = tpu.memref_slice %arg4[%dma_wait3A_111, %dma_wait3A_112, %add3A_110, %dma_wait3A_120, %dma_wait3A_121] : memref<50x4x128x8x128xf32, #tpu.memory_space<hbm>> -> memref<1x1x1x8x128xf32, #tpu.memory_space<hbm>>
    %dma_wait3A_123 = tpu.memref_squeeze %dma_wait3A_122 : memref<1x1x1x8x128xf32, #tpu.memory_space<hbm>> -> memref<8x128xf32, #tpu.memory_space<hbm>>
    %dma_wait3A_124 = arith.constant 40 : i32
    %dma_wait3A_125 = arith.constant 0 : i32
    %dma_wait3A_126 = tpu.memref_slice %arg9[%dma_wait3A_124, %dma_wait3A_125] : memref<128x129xf32, #tpu.memory_space<vmem>> -> memref<8x128xf32, #tpu.memory_space<vmem>>
    tpu.wait_dma2 semaphore(%arg13 : memref<!tpu.dma_semaphore, #tpu.memory_space<semaphore_mem>>) src(%dma_wait3A_126 : memref<8x128xf32, #tpu.memory_space<vmem>>) dst(%dma_wait3A_123 : memref<8x128xf32, #tpu.memory_space<hbm>>)
    %add3A_127 = arith.constant 2 : i32
    %add3A_128 = arith.addi %mul3A_4, %add3A_127 : i32
    %dma_wait3A_129 = arith.constant 48 : i32
    %dma_wait3A_130 = arith.constant 1 : i32
    %dma_wait3A_131 = arith.constant 48 : i32
    %dma_wait3A_132 = arith.constant 0 : i32
    %dma_wait3A_133 = tpu.memref_slice %arg9[%dma_wait3A_131, %dma_wait3A_132] : memref<128x129xf32, #tpu.memory_space<vmem>> -> memref<8x128xf32, #tpu.memory_space<vmem>>
    %dma_wait3A_134 = arith.constant 0 : i32
    %dma_wait3A_135 = arith.constant 0 : i32
    %dma_wait3A_136 = tpu.memref_slice %arg4[%dma_wait3A_129, %dma_wait3A_130, %add3A_128, %dma_wait3A_134, %dma_wait3A_135] : memref<50x4x128x8x128xf32, #tpu.memory_space<hbm>> -> memref<1x1x1x8x128xf32, #tpu.memory_space<hbm>>
    %dma_wait3A_137 = tpu.memref_squeeze %dma_wait3A_136 : memref<1x1x1x8x128xf32, #tpu.memory_space<hbm>> -> memref<8x128xf32, #tpu.memory_space<hbm>>
    %dma_wait3A_138 = arith.constant 0 : i32
    %dma_wait3A_139 = arith.constant 0 : i32
    %dma_wait3A_140 = tpu.memref_slice %arg4[%dma_wait3A_129, %dma_wait3A_130, %add3A_128, %dma_wait3A_138, %dma_wait3A_139] : memref<50x4x128x8x128xf32, #tpu.memory_space<hbm>> -> memref<1x1x1x8x128xf32, #tpu.memory_space<hbm>>
    %dma_wait3A_141 = tpu.memref_squeeze %dma_wait3A_140 : memref<1x1x1x8x128xf32, #tpu.memory_space<hbm>> -> memref<8x128xf32, #tpu.memory_space<hbm>>
    %dma_wait3A_142 = arith.constant 48 : i32
    %dma_wait3A_143 = arith.constant 0 : i32
    %dma_wait3A_144 = tpu.memref_slice %arg9[%dma_wait3A_142, %dma_wait3A_143] : memref<128x129xf32, #tpu.memory_space<vmem>> -> memref<8x128xf32, #tpu.memory_space<vmem>>
    tpu.wait_dma2 semaphore(%arg13 : memref<!tpu.dma_semaphore, #tpu.memory_space<semaphore_mem>>) src(%dma_wait3A_144 : memref<8x128xf32, #tpu.memory_space<vmem>>) dst(%dma_wait3A_141 : memref<8x128xf32, #tpu.memory_space<hbm>>)
    %add3A_145 = arith.constant 3 : i32
    %add3A_146 = arith.addi %mul3A_4, %add3A_145 : i32
    %dma_wait3A_147 = arith.constant 48 : i32
    %dma_wait3A_148 = arith.constant 1 : i32
    %dma_wait3A_149 = arith.constant 56 : i32
    %dma_wait3A_150 = arith.constant 0 : i32
    %dma_wait3A_151 = tpu.memref_slice %arg9[%dma_wait3A_149, %dma_wait3A_150] : memref<128x129xf32, #tpu.memory_space<vmem>> -> memref<8x128xf32, #tpu.memory_space<vmem>>
    %dma_wait3A_152 = arith.constant 0 : i32
    %dma_wait3A_153 = arith.constant 0 : i32
    %dma_wait3A_154 = tpu.memref_slice %arg4[%dma_wait3A_147, %dma_wait3A_148, %add3A_146, %dma_wait3A_152, %dma_wait3A_153] : memref<50x4x128x8x128xf32, #tpu.memory_space<hbm>> -> memref<1x1x1x8x128xf32, #tpu.memory_space<hbm>>
    %dma_wait3A_155 = tpu.memref_squeeze %dma_wait3A_154 : memref<1x1x1x8x128xf32, #tpu.memory_space<hbm>> -> memref<8x128xf32, #tpu.memory_space<hbm>>
    %dma_wait3A_156 = arith.constant 0 : i32
    %dma_wait3A_157 = arith.constant 0 : i32
    %dma_wait3A_158 = tpu.memref_slice %arg4[%dma_wait3A_147, %dma_wait3A_148, %add3A_146, %dma_wait3A_156, %dma_wait3A_157] : memref<50x4x128x8x128xf32, #tpu.memory_space<hbm>> -> memref<1x1x1x8x128xf32, #tpu.memory_space<hbm>>
    %dma_wait3A_159 = tpu.memref_squeeze %dma_wait3A_158 : memref<1x1x1x8x128xf32, #tpu.memory_space<hbm>> -> memref<8x128xf32, #tpu.memory_space<hbm>>
    %dma_wait3A_160 = arith.constant 56 : i32
    %dma_wait3A_161 = arith.constant 0 : i32
    %dma_wait3A_162 = tpu.memref_slice %arg9[%dma_wait3A_160, %dma_wait3A_161] : memref<128x129xf32, #tpu.memory_space<vmem>> -> memref<8x128xf32, #tpu.memory_space<vmem>>
    tpu.wait_dma2 semaphore(%arg13 : memref<!tpu.dma_semaphore, #tpu.memory_space<semaphore_mem>>) src(%dma_wait3A_162 : memref<8x128xf32, #tpu.memory_space<vmem>>) dst(%dma_wait3A_159 : memref<8x128xf32, #tpu.memory_space<hbm>>)
    %add3A_163 = arith.constant 0 : i32
    %add3A_164 = arith.addi %mul3A_4, %add3A_163 : i32
    %dma_wait3A_165 = arith.constant 48 : i32
    %dma_wait3A_166 = arith.constant 2 : i32
    %dma_wait3A_167 = arith.constant 64 : i32
    %dma_wait3A_168 = arith.constant 0 : i32
    %dma_wait3A_169 = tpu.memref_slice %arg9[%dma_wait3A_167, %dma_wait3A_168] : memref<128x129xf32, #tpu.memory_space<vmem>> -> memref<8x128xf32, #tpu.memory_space<vmem>>
    %dma_wait3A_170 = arith.constant 0 : i32
    %dma_wait3A_171 = arith.constant 0 : i32
    %dma_wait3A_172 = tpu.memref_slice %arg4[%dma_wait3A_165, %dma_wait3A_166, %add3A_164, %dma_wait3A_170, %dma_wait3A_171] : memref<50x4x128x8x128xf32, #tpu.memory_space<hbm>> -> memref<1x1x1x8x128xf32, #tpu.memory_space<hbm>>
    %dma_wait3A_173 = tpu.memref_squeeze %dma_wait3A_172 : memref<1x1x1x8x128xf32, #tpu.memory_space<hbm>> -> memref<8x128xf32, #tpu.memory_space<hbm>>
    %dma_wait3A_174 = arith.constant 0 : i32
    %dma_wait3A_175 = arith.constant 0 : i32
    %dma_wait3A_176 = tpu.memref_slice %arg4[%dma_wait3A_165, %dma_wait3A_166, %add3A_164, %dma_wait3A_174, %dma_wait3A_175] : memref<50x4x128x8x128xf32, #tpu.memory_space<hbm>> -> memref<1x1x1x8x128xf32, #tpu.memory_space<hbm>>
    %dma_wait3A_177 = tpu.memref_squeeze %dma_wait3A_176 : memref<1x1x1x8x128xf32, #tpu.memory_space<hbm>> -> memref<8x128xf32, #tpu.memory_space<hbm>>
    %dma_wait3A_178 = arith.constant 64 : i32
    %dma_wait3A_179 = arith.constant 0 : i32
    %dma_wait3A_180 = tpu.memref_slice %arg9[%dma_wait3A_178, %dma_wait3A_179] : memref<128x129xf32, #tpu.memory_space<vmem>> -> memref<8x128xf32, #tpu.memory_space<vmem>>
    tpu.wait_dma2 semaphore(%arg13 : memref<!tpu.dma_semaphore, #tpu.memory_space<semaphore_mem>>) src(%dma_wait3A_180 : memref<8x128xf32, #tpu.memory_space<vmem>>) dst(%dma_wait3A_177 : memref<8x128xf32, #tpu.memory_space<hbm>>)
    %add3A_181 = arith.constant 1 : i32
    %add3A_182 = arith.addi %mul3A_4, %add3A_181 : i32
    %dma_wait3A_183 = arith.constant 48 : i32
    %dma_wait3A_184 = arith.constant 2 : i32
    %dma_wait3A_185 = arith.constant 72 : i32
    %dma_wait3A_186 = arith.constant 0 : i32
    %dma_wait3A_187 = tpu.memref_slice %arg9[%dma_wait3A_185, %dma_wait3A_186] : memref<128x129xf32, #tpu.memory_space<vmem>> -> memref<8x128xf32, #tpu.memory_space<vmem>>
    %dma_wait3A_188 = arith.constant 0 : i32
    %dma_wait3A_189 = arith.constant 0 : i32
    %dma_wait3A_190 = tpu.memref_slice %arg4[%dma_wait3A_183, %dma_wait3A_184, %add3A_182, %dma_wait3A_188, %dma_wait3A_189] : memref<50x4x128x8x128xf32, #tpu.memory_space<hbm>> -> memref<1x1x1x8x128xf32, #tpu.memory_space<hbm>>
    %dma_wait3A_191 = tpu.memref_squeeze %dma_wait3A_190 : memref<1x1x1x8x128xf32, #tpu.memory_space<hbm>> -> memref<8x128xf32, #tpu.memory_space<hbm>>
    %dma_wait3A_192 = arith.constant 0 : i32
    %dma_wait3A_193 = arith.constant 0 : i32
    %dma_wait3A_194 = tpu.memref_slice %arg4[%dma_wait3A_183, %dma_wait3A_184, %add3A_182, %dma_wait3A_192, %dma_wait3A_193] : memref<50x4x128x8x128xf32, #tpu.memory_space<hbm>> -> memref<1x1x1x8x128xf32, #tpu.memory_space<hbm>>
    %dma_wait3A_195 = tpu.memref_squeeze %dma_wait3A_194 : memref<1x1x1x8x128xf32, #tpu.memory_space<hbm>> -> memref<8x128xf32, #tpu.memory_space<hbm>>
    %dma_wait3A_196 = arith.constant 72 : i32
    %dma_wait3A_197 = arith.constant 0 : i32
    %dma_wait3A_198 = tpu.memref_slice %arg9[%dma_wait3A_196, %dma_wait3A_197] : memref<128x129xf32, #tpu.memory_space<vmem>> -> memref<8x128xf32, #tpu.memory_space<vmem>>
    tpu.wait_dma2 semaphore(%arg13 : memref<!tpu.dma_semaphore, #tpu.memory_space<semaphore_mem>>) src(%dma_wait3A_198 : memref<8x128xf32, #tpu.memory_space<vmem>>) dst(%dma_wait3A_195 : memref<8x128xf32, #tpu.memory_space<hbm>>)
    %add3A_199 = arith.constant 2 : i32
    %add3A_200 = arith.addi %mul3A_4, %add3A_199 : i32
    %dma_wait3A_201 = arith.constant 48 : i32
    %dma_wait3A_202 = arith.constant 2 : i32
    %dma_wait3A_203 = arith.constant 80 : i32
    %dma_wait3A_204 = arith.constant 0 : i32
    %dma_wait3A_205 = tpu.memref_slice %arg9[%dma_wait3A_203, %dma_wait3A_204] : memref<128x129xf32, #tpu.memory_space<vmem>> -> memref<8x128xf32, #tpu.memory_space<vmem>>
    %dma_wait3A_206 = arith.constant 0 : i32
    %dma_wait3A_207 = arith.constant 0 : i32
    %dma_wait3A_208 = tpu.memref_slice %arg4[%dma_wait3A_201, %dma_wait3A_202, %add3A_200, %dma_wait3A_206, %dma_wait3A_207] : memref<50x4x128x8x128xf32, #tpu.memory_space<hbm>> -> memref<1x1x1x8x128xf32, #tpu.memory_space<hbm>>
    %dma_wait3A_209 = tpu.memref_squeeze %dma_wait3A_208 : memref<1x1x1x8x128xf32, #tpu.memory_space<hbm>> -> memref<8x128xf32, #tpu.memory_space<hbm>>
    %dma_wait3A_210 = arith.constant 0 : i32
    %dma_wait3A_211 = arith.constant 0 : i32
    %dma_wait3A_212 = tpu.memref_slice %arg4[%dma_wait3A_201, %dma_wait3A_202, %add3A_200, %dma_wait3A_210, %dma_wait3A_211] : memref<50x4x128x8x128xf32, #tpu.memory_space<hbm>> -> memref<1x1x1x8x128xf32, #tpu.memory_space<hbm>>
    %dma_wait3A_213 = tpu.memref_squeeze %dma_wait3A_212 : memref<1x1x1x8x128xf32, #tpu.memory_space<hbm>> -> memref<8x128xf32, #tpu.memory_space<hbm>>
    %dma_wait3A_214 = arith.constant 80 : i32
    %dma_wait3A_215 = arith.constant 0 : i32
    %dma_wait3A_216 = tpu.memref_slice %arg9[%dma_wait3A_214, %dma_wait3A_215] : memref<128x129xf32, #tpu.memory_space<vmem>> -> memref<8x128xf32, #tpu.memory_space<vmem>>
    tpu.wait_dma2 semaphore(%arg13 : memref<!tpu.dma_semaphore, #tpu.memory_space<semaphore_mem>>) src(%dma_wait3A_216 : memref<8x128xf32, #tpu.memory_space<vmem>>) dst(%dma_wait3A_213 : memref<8x128xf32, #tpu.memory_space<hbm>>)
    %add3A_217 = arith.constant 3 : i32
    %add3A_218 = arith.addi %mul3A_4, %add3A_217 : i32
    %dma_wait3A_219 = arith.constant 48 : i32
    %dma_wait3A_220 = arith.constant 2 : i32
    %dma_wait3A_221 = arith.constant 88 : i32
    %dma_wait3A_222 = arith.constant 0 : i32
    %dma_wait3A_223 = tpu.memref_slice %arg9[%dma_wait3A_221, %dma_wait3A_222] : memref<128x129xf32, #tpu.memory_space<vmem>> -> memref<8x128xf32, #tpu.memory_space<vmem>>
    %dma_wait3A_224 = arith.constant 0 : i32
    %dma_wait3A_225 = arith.constant 0 : i32
    %dma_wait3A_226 = tpu.memref_slice %arg4[%dma_wait3A_219, %dma_wait3A_220, %add3A_218, %dma_wait3A_224, %dma_wait3A_225] : memref<50x4x128x8x128xf32, #tpu.memory_space<hbm>> -> memref<1x1x1x8x128xf32, #tpu.memory_space<hbm>>
    %dma_wait3A_227 = tpu.memref_squeeze %dma_wait3A_226 : memref<1x1x1x8x128xf32, #tpu.memory_space<hbm>> -> memref<8x128xf32, #tpu.memory_space<hbm>>
    %dma_wait3A_228 = arith.constant 0 : i32
    %dma_wait3A_229 = arith.constant 0 : i32
    %dma_wait3A_230 = tpu.memref_slice %arg4[%dma_wait3A_219, %dma_wait3A_220, %add3A_218, %dma_wait3A_228, %dma_wait3A_229] : memref<50x4x128x8x128xf32, #tpu.memory_space<hbm>> -> memref<1x1x1x8x128xf32, #tpu.memory_space<hbm>>
    %dma_wait3A_231 = tpu.memref_squeeze %dma_wait3A_230 : memref<1x1x1x8x128xf32, #tpu.memory_space<hbm>> -> memref<8x128xf32, #tpu.memory_space<hbm>>
    %dma_wait3A_232 = arith.constant 88 : i32
    %dma_wait3A_233 = arith.constant 0 : i32
    %dma_wait3A_234 = tpu.memref_slice %arg9[%dma_wait3A_232, %dma_wait3A_233] : memref<128x129xf32, #tpu.memory_space<vmem>> -> memref<8x128xf32, #tpu.memory_space<vmem>>
    tpu.wait_dma2 semaphore(%arg13 : memref<!tpu.dma_semaphore, #tpu.memory_space<semaphore_mem>>) src(%dma_wait3A_234 : memref<8x128xf32, #tpu.memory_space<vmem>>) dst(%dma_wait3A_231 : memref<8x128xf32, #tpu.memory_space<hbm>>)
    %add3A_235 = arith.constant 0 : i32
    %add3A_236 = arith.addi %mul3A_4, %add3A_235 : i32
    %dma_wait3A_237 = arith.constant 48 : i32
    %dma_wait3A_238 = arith.constant 3 : i32
    %dma_wait3A_239 = arith.constant 96 : i32
    %dma_wait3A_240 = arith.constant 0 : i32
    %dma_wait3A_241 = tpu.memref_slice %arg9[%dma_wait3A_239, %dma_wait3A_240] : memref<128x129xf32, #tpu.memory_space<vmem>> -> memref<8x128xf32, #tpu.memory_space<vmem>>
    %dma_wait3A_242 = arith.constant 0 : i32
    %dma_wait3A_243 = arith.constant 0 : i32
    %dma_wait3A_244 = tpu.memref_slice %arg4[%dma_wait3A_237, %dma_wait3A_238, %add3A_236, %dma_wait3A_242, %dma_wait3A_243] : memref<50x4x128x8x128xf32, #tpu.memory_space<hbm>> -> memref<1x1x1x8x128xf32, #tpu.memory_space<hbm>>
    %dma_wait3A_245 = tpu.memref_squeeze %dma_wait3A_244 : memref<1x1x1x8x128xf32, #tpu.memory_space<hbm>> -> memref<8x128xf32, #tpu.memory_space<hbm>>
    %dma_wait3A_246 = arith.constant 0 : i32
    %dma_wait3A_247 = arith.constant 0 : i32
    %dma_wait3A_248 = tpu.memref_slice %arg4[%dma_wait3A_237, %dma_wait3A_238, %add3A_236, %dma_wait3A_246, %dma_wait3A_247] : memref<50x4x128x8x128xf32, #tpu.memory_space<hbm>> -> memref<1x1x1x8x128xf32, #tpu.memory_space<hbm>>
    %dma_wait3A_249 = tpu.memref_squeeze %dma_wait3A_248 : memref<1x1x1x8x128xf32, #tpu.memory_space<hbm>> -> memref<8x128xf32, #tpu.memory_space<hbm>>
    %dma_wait3A_250 = arith.constant 96 : i32
    %dma_wait3A_251 = arith.constant 0 : i32
    %dma_wait3A_252 = tpu.memref_slice %arg9[%dma_wait3A_250, %dma_wait3A_251] : memref<128x129xf32, #tpu.memory_space<vmem>> -> memref<8x128xf32, #tpu.memory_space<vmem>>
    tpu.wait_dma2 semaphore(%arg13 : memref<!tpu.dma_semaphore, #tpu.memory_space<semaphore_mem>>) src(%dma_wait3A_252 : memref<8x128xf32, #tpu.memory_space<vmem>>) dst(%dma_wait3A_249 : memref<8x128xf32, #tpu.memory_space<hbm>>)
    %add3A_253 = arith.constant 1 : i32
    %add3A_254 = arith.addi %mul3A_4, %add3A_253 : i32
    %dma_wait3A_255 = arith.constant 48 : i32
    %dma_wait3A_256 = arith.constant 3 : i32
    %dma_wait3A_257 = arith.constant 104 : i32
    %dma_wait3A_258 = arith.constant 0 : i32
    %dma_wait3A_259 = tpu.memref_slice %arg9[%dma_wait3A_257, %dma_wait3A_258] : memref<128x129xf32, #tpu.memory_space<vmem>> -> memref<8x128xf32, #tpu.memory_space<vmem>>
    %dma_wait3A_260 = arith.constant 0 : i32
    %dma_wait3A_261 = arith.constant 0 : i32
    %dma_wait3A_262 = tpu.memref_slice %arg4[%dma_wait3A_255, %dma_wait3A_256, %add3A_254, %dma_wait3A_260, %dma_wait3A_261] : memref<50x4x128x8x128xf32, #tpu.memory_space<hbm>> -> memref<1x1x1x8x128xf32, #tpu.memory_space<hbm>>
    %dma_wait3A_263 = tpu.memref_squeeze %dma_wait3A_262 : memref<1x1x1x8x128xf32, #tpu.memory_space<hbm>> -> memref<8x128xf32, #tpu.memory_space<hbm>>
    %dma_wait3A_264 = arith.constant 0 : i32
    %dma_wait3A_265 = arith.constant 0 : i32
    %dma_wait3A_266 = tpu.memref_slice %arg4[%dma_wait3A_255, %dma_wait3A_256, %add3A_254, %dma_wait3A_264, %dma_wait3A_265] : memref<50x4x128x8x128xf32, #tpu.memory_space<hbm>> -> memref<1x1x1x8x128xf32, #tpu.memory_space<hbm>>
    %dma_wait3A_267 = tpu.memref_squeeze %dma_wait3A_266 : memref<1x1x1x8x128xf32, #tpu.memory_space<hbm>> -> memref<8x128xf32, #tpu.memory_space<hbm>>
    %dma_wait3A_268 = arith.constant 104 : i32
    %dma_wait3A_269 = arith.constant 0 : i32
    %dma_wait3A_270 = tpu.memref_slice %arg9[%dma_wait3A_268, %dma_wait3A_269] : memref<128x129xf32, #tpu.memory_space<vmem>> -> memref<8x128xf32, #tpu.memory_space<vmem>>
    tpu.wait_dma2 semaphore(%arg13 : memref<!tpu.dma_semaphore, #tpu.memory_space<semaphore_mem>>) src(%dma_wait3A_270 : memref<8x128xf32, #tpu.memory_space<vmem>>) dst(%dma_wait3A_267 : memref<8x128xf32, #tpu.memory_space<hbm>>)
    %add3A_271 = arith.constant 2 : i32
    %add3A_272 = arith.addi %mul3A_4, %add3A_271 : i32
    %dma_wait3A_273 = arith.constant 48 : i32
    %dma_wait3A_274 = arith.constant 3 : i32
    %dma_wait3A_275 = arith.constant 112 : i32
    %dma_wait3A_276 = arith.constant 0 : i32
    %dma_wait3A_277 = tpu.memref_slice %arg9[%dma_wait3A_275, %dma_wait3A_276] : memref<128x129xf32, #tpu.memory_space<vmem>> -> memref<8x128xf32, #tpu.memory_space<vmem>>
    %dma_wait3A_278 = arith.constant 0 : i32
    %dma_wait3A_279 = arith.constant 0 : i32
    %dma_wait3A_280 = tpu.memref_slice %arg4[%dma_wait3A_273, %dma_wait3A_274, %add3A_272, %dma_wait3A_278, %dma_wait3A_279] : memref<50x4x128x8x128xf32, #tpu.memory_space<hbm>> -> memref<1x1x1x8x128xf32, #tpu.memory_space<hbm>>
    %dma_wait3A_281 = tpu.memref_squeeze %dma_wait3A_280 : memref<1x1x1x8x128xf32, #tpu.memory_space<hbm>> -> memref<8x128xf32, #tpu.memory_space<hbm>>
    %dma_wait3A_282 = arith.constant 0 : i32
    %dma_wait3A_283 = arith.constant 0 : i32
    %dma_wait3A_284 = tpu.memref_slice %arg4[%dma_wait3A_273, %dma_wait3A_274, %add3A_272, %dma_wait3A_282, %dma_wait3A_283] : memref<50x4x128x8x128xf32, #tpu.memory_space<hbm>> -> memref<1x1x1x8x128xf32, #tpu.memory_space<hbm>>
    %dma_wait3A_285 = tpu.memref_squeeze %dma_wait3A_284 : memref<1x1x1x8x128xf32, #tpu.memory_space<hbm>> -> memref<8x128xf32, #tpu.memory_space<hbm>>
    %dma_wait3A_286 = arith.constant 112 : i32
    %dma_wait3A_287 = arith.constant 0 : i32
    %dma_wait3A_288 = tpu.memref_slice %arg9[%dma_wait3A_286, %dma_wait3A_287] : memref<128x129xf32, #tpu.memory_space<vmem>> -> memref<8x128xf32, #tpu.memory_space<vmem>>
    tpu.wait_dma2 semaphore(%arg13 : memref<!tpu.dma_semaphore, #tpu.memory_space<semaphore_mem>>) src(%dma_wait3A_288 : memref<8x128xf32, #tpu.memory_space<vmem>>) dst(%dma_wait3A_285 : memref<8x128xf32, #tpu.memory_space<hbm>>)
    %add3A_289 = arith.constant 3 : i32
    %add3A_290 = arith.addi %mul3A_4, %add3A_289 : i32
    %dma_wait3A_291 = arith.constant 48 : i32
    %dma_wait3A_292 = arith.constant 3 : i32
    %dma_wait3A_293 = arith.constant 120 : i32
    %dma_wait3A_294 = arith.constant 0 : i32
    %dma_wait3A_295 = tpu.memref_slice %arg9[%dma_wait3A_293, %dma_wait3A_294] : memref<128x129xf32, #tpu.memory_space<vmem>> -> memref<8x128xf32, #tpu.memory_space<vmem>>
    %dma_wait3A_296 = arith.constant 0 : i32
    %dma_wait3A_297 = arith.constant 0 : i32
    %dma_wait3A_298 = tpu.memref_slice %arg4[%dma_wait3A_291, %dma_wait3A_292, %add3A_290, %dma_wait3A_296, %dma_wait3A_297] : memref<50x4x128x8x128xf32, #tpu.memory_space<hbm>> -> memref<1x1x1x8x128xf32, #tpu.memory_space<hbm>>
    %dma_wait3A_299 = tpu.memref_squeeze %dma_wait3A_298 : memref<1x1x1x8x128xf32, #tpu.memory_space<hbm>> -> memref<8x128xf32, #tpu.memory_space<hbm>>
    %dma_wait3A_300 = arith.constant 0 : i32
    %dma_wait3A_301 = arith.constant 0 : i32
    %dma_wait3A_302 = tpu.memref_slice %arg4[%dma_wait3A_291, %dma_wait3A_292, %add3A_290, %dma_wait3A_300, %dma_wait3A_301] : memref<50x4x128x8x128xf32, #tpu.memory_space<hbm>> -> memref<1x1x1x8x128xf32, #tpu.memory_space<hbm>>
    %dma_wait3A_303 = tpu.memref_squeeze %dma_wait3A_302 : memref<1x1x1x8x128xf32, #tpu.memory_space<hbm>> -> memref<8x128xf32, #tpu.memory_space<hbm>>
    %dma_wait3A_304 = arith.constant 120 : i32
    %dma_wait3A_305 = arith.constant 0 : i32
    %dma_wait3A_306 = tpu.memref_slice %arg9[%dma_wait3A_304, %dma_wait3A_305] : memref<128x129xf32, #tpu.memory_space<vmem>> -> memref<8x128xf32, #tpu.memory_space<vmem>>
    tpu.wait_dma2 semaphore(%arg13 : memref<!tpu.dma_semaphore, #tpu.memory_space<semaphore_mem>>) src(%dma_wait3A_306 : memref<8x128xf32, #tpu.memory_space<vmem>>) dst(%dma_wait3A_303 : memref<8x128xf32, #tpu.memory_space<hbm>>)
    %add3A_307 = arith.constant 0 : i32
    %add3A_308 = arith.addi %mul3A_4, %add3A_307 : i32
    %dma_wait3A_309 = arith.constant 49 : i32
    %dma_wait3A_310 = arith.constant 0 : i32
    %dma_wait3A_311 = arith.constant 0 : i32
    %dma_wait3A_312 = arith.constant 0 : i32
    %dma_wait3A_313 = tpu.memref_slice %arg10[%dma_wait3A_311, %dma_wait3A_312] : memref<128x129xf32, #tpu.memory_space<vmem>> -> memref<8x128xf32, #tpu.memory_space<vmem>>
    %dma_wait3A_314 = arith.constant 0 : i32
    %dma_wait3A_315 = arith.constant 0 : i32
    %dma_wait3A_316 = tpu.memref_slice %arg4[%dma_wait3A_309, %dma_wait3A_310, %add3A_308, %dma_wait3A_314, %dma_wait3A_315] : memref<50x4x128x8x128xf32, #tpu.memory_space<hbm>> -> memref<1x1x1x8x128xf32, #tpu.memory_space<hbm>>
    %dma_wait3A_317 = tpu.memref_squeeze %dma_wait3A_316 : memref<1x1x1x8x128xf32, #tpu.memory_space<hbm>> -> memref<8x128xf32, #tpu.memory_space<hbm>>
    %dma_wait3A_318 = arith.constant 0 : i32
    %dma_wait3A_319 = arith.constant 0 : i32
    %dma_wait3A_320 = tpu.memref_slice %arg4[%dma_wait3A_309, %dma_wait3A_310, %add3A_308, %dma_wait3A_318, %dma_wait3A_319] : memref<50x4x128x8x128xf32, #tpu.memory_space<hbm>> -> memref<1x1x1x8x128xf32, #tpu.memory_space<hbm>>
    %dma_wait3A_321 = tpu.memref_squeeze %dma_wait3A_320 : memref<1x1x1x8x128xf32, #tpu.memory_space<hbm>> -> memref<8x128xf32, #tpu.memory_space<hbm>>
    %dma_wait3A_322 = arith.constant 0 : i32
    %dma_wait3A_323 = arith.constant 0 : i32
    %dma_wait3A_324 = tpu.memref_slice %arg10[%dma_wait3A_322, %dma_wait3A_323] : memref<128x129xf32, #tpu.memory_space<vmem>> -> memref<8x128xf32, #tpu.memory_space<vmem>>
    tpu.wait_dma2 semaphore(%arg14 : memref<!tpu.dma_semaphore, #tpu.memory_space<semaphore_mem>>) src(%dma_wait3A_324 : memref<8x128xf32, #tpu.memory_space<vmem>>) dst(%dma_wait3A_321 : memref<8x128xf32, #tpu.memory_space<hbm>>)
    %add3A_325 = arith.constant 1 : i32
    %add3A_326 = arith.addi %mul3A_4, %add3A_325 : i32
    %dma_wait3A_327 = arith.constant 49 : i32
    %dma_wait3A_328 = arith.constant 0 : i32
    %dma_wait3A_329 = arith.constant 8 : i32
    %dma_wait3A_330 = arith.constant 0 : i32
    %dma_wait3A_331 = tpu.memref_slice %arg10[%dma_wait3A_329, %dma_wait3A_330] : memref<128x129xf32, #tpu.memory_space<vmem>> -> memref<8x128xf32, #tpu.memory_space<vmem>>
    %dma_wait3A_332 = arith.constant 0 : i32
    %dma_wait3A_333 = arith.constant 0 : i32
    %dma_wait3A_334 = tpu.memref_slice %arg4[%dma_wait3A_327, %dma_wait3A_328, %add3A_326, %dma_wait3A_332, %dma_wait3A_333] : memref<50x4x128x8x128xf32, #tpu.memory_space<hbm>> -> memref<1x1x1x8x128xf32, #tpu.memory_space<hbm>>
    %dma_wait3A_335 = tpu.memref_squeeze %dma_wait3A_334 : memref<1x1x1x8x128xf32, #tpu.memory_space<hbm>> -> memref<8x128xf32, #tpu.memory_space<hbm>>
    %dma_wait3A_336 = arith.constant 0 : i32
    %dma_wait3A_337 = arith.constant 0 : i32
    %dma_wait3A_338 = tpu.memref_slice %arg4[%dma_wait3A_327, %dma_wait3A_328, %add3A_326, %dma_wait3A_336, %dma_wait3A_337] : memref<50x4x128x8x128xf32, #tpu.memory_space<hbm>> -> memref<1x1x1x8x128xf32, #tpu.memory_space<hbm>>
    %dma_wait3A_339 = tpu.memref_squeeze %dma_wait3A_338 : memref<1x1x1x8x128xf32, #tpu.memory_space<hbm>> -> memref<8x128xf32, #tpu.memory_space<hbm>>
    %dma_wait3A_340 = arith.constant 8 : i32
    %dma_wait3A_341 = arith.constant 0 : i32
    %dma_wait3A_342 = tpu.memref_slice %arg10[%dma_wait3A_340, %dma_wait3A_341] : memref<128x129xf32, #tpu.memory_space<vmem>> -> memref<8x128xf32, #tpu.memory_space<vmem>>
    tpu.wait_dma2 semaphore(%arg14 : memref<!tpu.dma_semaphore, #tpu.memory_space<semaphore_mem>>) src(%dma_wait3A_342 : memref<8x128xf32, #tpu.memory_space<vmem>>) dst(%dma_wait3A_339 : memref<8x128xf32, #tpu.memory_space<hbm>>)
    %add3A_343 = arith.constant 2 : i32
    %add3A_344 = arith.addi %mul3A_4, %add3A_343 : i32
    %dma_wait3A_345 = arith.constant 49 : i32
    %dma_wait3A_346 = arith.constant 0 : i32
    %dma_wait3A_347 = arith.constant 16 : i32
    %dma_wait3A_348 = arith.constant 0 : i32
    %dma_wait3A_349 = tpu.memref_slice %arg10[%dma_wait3A_347, %dma_wait3A_348] : memref<128x129xf32, #tpu.memory_space<vmem>> -> memref<8x128xf32, #tpu.memory_space<vmem>>
    %dma_wait3A_350 = arith.constant 0 : i32
    %dma_wait3A_351 = arith.constant 0 : i32
    %dma_wait3A_352 = tpu.memref_slice %arg4[%dma_wait3A_345, %dma_wait3A_346, %add3A_344, %dma_wait3A_350, %dma_wait3A_351] : memref<50x4x128x8x128xf32, #tpu.memory_space<hbm>> -> memref<1x1x1x8x128xf32, #tpu.memory_space<hbm>>
    %dma_wait3A_353 = tpu.memref_squeeze %dma_wait3A_352 : memref<1x1x1x8x128xf32, #tpu.memory_space<hbm>> -> memref<8x128xf32, #tpu.memory_space<hbm>>
    %dma_wait3A_354 = arith.constant 0 : i32
    %dma_wait3A_355 = arith.constant 0 : i32
    %dma_wait3A_356 = tpu.memref_slice %arg4[%dma_wait3A_345, %dma_wait3A_346, %add3A_344, %dma_wait3A_354, %dma_wait3A_355] : memref<50x4x128x8x128xf32, #tpu.memory_space<hbm>> -> memref<1x1x1x8x128xf32, #tpu.memory_space<hbm>>
    %dma_wait3A_357 = tpu.memref_squeeze %dma_wait3A_356 : memref<1x1x1x8x128xf32, #tpu.memory_space<hbm>> -> memref<8x128xf32, #tpu.memory_space<hbm>>
    %dma_wait3A_358 = arith.constant 16 : i32
    %dma_wait3A_359 = arith.constant 0 : i32
    %dma_wait3A_360 = tpu.memref_slice %arg10[%dma_wait3A_358, %dma_wait3A_359] : memref<128x129xf32, #tpu.memory_space<vmem>> -> memref<8x128xf32, #tpu.memory_space<vmem>>
    tpu.wait_dma2 semaphore(%arg14 : memref<!tpu.dma_semaphore, #tpu.memory_space<semaphore_mem>>) src(%dma_wait3A_360 : memref<8x128xf32, #tpu.memory_space<vmem>>) dst(%dma_wait3A_357 : memref<8x128xf32, #tpu.memory_space<hbm>>)
    %add3A_361 = arith.constant 3 : i32
    %add3A_362 = arith.addi %mul3A_4, %add3A_361 : i32
    %dma_wait3A_363 = arith.constant 49 : i32
    %dma_wait3A_364 = arith.constant 0 : i32
    %dma_wait3A_365 = arith.constant 24 : i32
    %dma_wait3A_366 = arith.constant 0 : i32
    %dma_wait3A_367 = tpu.memref_slice %arg10[%dma_wait3A_365, %dma_wait3A_366] : memref<128x129xf32, #tpu.memory_space<vmem>> -> memref<8x128xf32, #tpu.memory_space<vmem>>
    %dma_wait3A_368 = arith.constant 0 : i32
    %dma_wait3A_369 = arith.constant 0 : i32
    %dma_wait3A_370 = tpu.memref_slice %arg4[%dma_wait3A_363, %dma_wait3A_364, %add3A_362, %dma_wait3A_368, %dma_wait3A_369] : memref<50x4x128x8x128xf32, #tpu.memory_space<hbm>> -> memref<1x1x1x8x128xf32, #tpu.memory_space<hbm>>
    %dma_wait3A_371 = tpu.memref_squeeze %dma_wait3A_370 : memref<1x1x1x8x128xf32, #tpu.memory_space<hbm>> -> memref<8x128xf32, #tpu.memory_space<hbm>>
    %dma_wait3A_372 = arith.constant 0 : i32
    %dma_wait3A_373 = arith.constant 0 : i32
    %dma_wait3A_374 = tpu.memref_slice %arg4[%dma_wait3A_363, %dma_wait3A_364, %add3A_362, %dma_wait3A_372, %dma_wait3A_373] : memref<50x4x128x8x128xf32, #tpu.memory_space<hbm>> -> memref<1x1x1x8x128xf32, #tpu.memory_space<hbm>>
    %dma_wait3A_375 = tpu.memref_squeeze %dma_wait3A_374 : memref<1x1x1x8x128xf32, #tpu.memory_space<hbm>> -> memref<8x128xf32, #tpu.memory_space<hbm>>
    %dma_wait3A_376 = arith.constant 24 : i32
    %dma_wait3A_377 = arith.constant 0 : i32
    %dma_wait3A_378 = tpu.memref_slice %arg10[%dma_wait3A_376, %dma_wait3A_377] : memref<128x129xf32, #tpu.memory_space<vmem>> -> memref<8x128xf32, #tpu.memory_space<vmem>>
    tpu.wait_dma2 semaphore(%arg14 : memref<!tpu.dma_semaphore, #tpu.memory_space<semaphore_mem>>) src(%dma_wait3A_378 : memref<8x128xf32, #tpu.memory_space<vmem>>) dst(%dma_wait3A_375 : memref<8x128xf32, #tpu.memory_space<hbm>>)
    %add3A_379 = arith.constant 0 : i32
    %add3A_380 = arith.addi %mul3A_4, %add3A_379 : i32
    %dma_wait3A_381 = arith.constant 49 : i32
    %dma_wait3A_382 = arith.constant 1 : i32
    %dma_wait3A_383 = arith.constant 32 : i32
    %dma_wait3A_384 = arith.constant 0 : i32
    %dma_wait3A_385 = tpu.memref_slice %arg10[%dma_wait3A_383, %dma_wait3A_384] : memref<128x129xf32, #tpu.memory_space<vmem>> -> memref<8x128xf32, #tpu.memory_space<vmem>>
    %dma_wait3A_386 = arith.constant 0 : i32
    %dma_wait3A_387 = arith.constant 0 : i32
    %dma_wait3A_388 = tpu.memref_slice %arg4[%dma_wait3A_381, %dma_wait3A_382, %add3A_380, %dma_wait3A_386, %dma_wait3A_387] : memref<50x4x128x8x128xf32, #tpu.memory_space<hbm>> -> memref<1x1x1x8x128xf32, #tpu.memory_space<hbm>>
    %dma_wait3A_389 = tpu.memref_squeeze %dma_wait3A_388 : memref<1x1x1x8x128xf32, #tpu.memory_space<hbm>> -> memref<8x128xf32, #tpu.memory_space<hbm>>
    %dma_wait3A_390 = arith.constant 0 : i32
    %dma_wait3A_391 = arith.constant 0 : i32
    %dma_wait3A_392 = tpu.memref_slice %arg4[%dma_wait3A_381, %dma_wait3A_382, %add3A_380, %dma_wait3A_390, %dma_wait3A_391] : memref<50x4x128x8x128xf32, #tpu.memory_space<hbm>> -> memref<1x1x1x8x128xf32, #tpu.memory_space<hbm>>
    %dma_wait3A_393 = tpu.memref_squeeze %dma_wait3A_392 : memref<1x1x1x8x128xf32, #tpu.memory_space<hbm>> -> memref<8x128xf32, #tpu.memory_space<hbm>>
    %dma_wait3A_394 = arith.constant 32 : i32
    %dma_wait3A_395 = arith.constant 0 : i32
    %dma_wait3A_396 = tpu.memref_slice %arg10[%dma_wait3A_394, %dma_wait3A_395] : memref<128x129xf32, #tpu.memory_space<vmem>> -> memref<8x128xf32, #tpu.memory_space<vmem>>
    tpu.wait_dma2 semaphore(%arg14 : memref<!tpu.dma_semaphore, #tpu.memory_space<semaphore_mem>>) src(%dma_wait3A_396 : memref<8x128xf32, #tpu.memory_space<vmem>>) dst(%dma_wait3A_393 : memref<8x128xf32, #tpu.memory_space<hbm>>)
    %add3A_397 = arith.constant 1 : i32
    %add3A_398 = arith.addi %mul3A_4, %add3A_397 : i32
    %dma_wait3A_399 = arith.constant 49 : i32
    %dma_wait3A_400 = arith.constant 1 : i32
    %dma_wait3A_401 = arith.constant 40 : i32
    %dma_wait3A_402 = arith.constant 0 : i32
    %dma_wait3A_403 = tpu.memref_slice %arg10[%dma_wait3A_401, %dma_wait3A_402] : memref<128x129xf32, #tpu.memory_space<vmem>> -> memref<8x128xf32, #tpu.memory_space<vmem>>
    %dma_wait3A_404 = arith.constant 0 : i32
    %dma_wait3A_405 = arith.constant 0 : i32
    %dma_wait3A_406 = tpu.memref_slice %arg4[%dma_wait3A_399, %dma_wait3A_400, %add3A_398, %dma_wait3A_404, %dma_wait3A_405] : memref<50x4x128x8x128xf32, #tpu.memory_space<hbm>> -> memref<1x1x1x8x128xf32, #tpu.memory_space<hbm>>
    %dma_wait3A_407 = tpu.memref_squeeze %dma_wait3A_406 : memref<1x1x1x8x128xf32, #tpu.memory_space<hbm>> -> memref<8x128xf32, #tpu.memory_space<hbm>>
    %dma_wait3A_408 = arith.constant 0 : i32
    %dma_wait3A_409 = arith.constant 0 : i32
    %dma_wait3A_410 = tpu.memref_slice %arg4[%dma_wait3A_399, %dma_wait3A_400, %add3A_398, %dma_wait3A_408, %dma_wait3A_409] : memref<50x4x128x8x128xf32, #tpu.memory_space<hbm>> -> memref<1x1x1x8x128xf32, #tpu.memory_space<hbm>>
    %dma_wait3A_411 = tpu.memref_squeeze %dma_wait3A_410 : memref<1x1x1x8x128xf32, #tpu.memory_space<hbm>> -> memref<8x128xf32, #tpu.memory_space<hbm>>
    %dma_wait3A_412 = arith.constant 40 : i32
    %dma_wait3A_413 = arith.constant 0 : i32
    %dma_wait3A_414 = tpu.memref_slice %arg10[%dma_wait3A_412, %dma_wait3A_413] : memref<128x129xf32, #tpu.memory_space<vmem>> -> memref<8x128xf32, #tpu.memory_space<vmem>>
    tpu.wait_dma2 semaphore(%arg14 : memref<!tpu.dma_semaphore, #tpu.memory_space<semaphore_mem>>) src(%dma_wait3A_414 : memref<8x128xf32, #tpu.memory_space<vmem>>) dst(%dma_wait3A_411 : memref<8x128xf32, #tpu.memory_space<hbm>>)
    %add3A_415 = arith.constant 2 : i32
    %add3A_416 = arith.addi %mul3A_4, %add3A_415 : i32
    %dma_wait3A_417 = arith.constant 49 : i32
    %dma_wait3A_418 = arith.constant 1 : i32
    %dma_wait3A_419 = arith.constant 48 : i32
    %dma_wait3A_420 = arith.constant 0 : i32
    %dma_wait3A_421 = tpu.memref_slice %arg10[%dma_wait3A_419, %dma_wait3A_420] : memref<128x129xf32, #tpu.memory_space<vmem>> -> memref<8x128xf32, #tpu.memory_space<vmem>>
    %dma_wait3A_422 = arith.constant 0 : i32
    %dma_wait3A_423 = arith.constant 0 : i32
    %dma_wait3A_424 = tpu.memref_slice %arg4[%dma_wait3A_417, %dma_wait3A_418, %add3A_416, %dma_wait3A_422, %dma_wait3A_423] : memref<50x4x128x8x128xf32, #tpu.memory_space<hbm>> -> memref<1x1x1x8x128xf32, #tpu.memory_space<hbm>>
    %dma_wait3A_425 = tpu.memref_squeeze %dma_wait3A_424 : memref<1x1x1x8x128xf32, #tpu.memory_space<hbm>> -> memref<8x128xf32, #tpu.memory_space<hbm>>
    %dma_wait3A_426 = arith.constant 0 : i32
    %dma_wait3A_427 = arith.constant 0 : i32
    %dma_wait3A_428 = tpu.memref_slice %arg4[%dma_wait3A_417, %dma_wait3A_418, %add3A_416, %dma_wait3A_426, %dma_wait3A_427] : memref<50x4x128x8x128xf32, #tpu.memory_space<hbm>> -> memref<1x1x1x8x128xf32, #tpu.memory_space<hbm>>
    %dma_wait3A_429 = tpu.memref_squeeze %dma_wait3A_428 : memref<1x1x1x8x128xf32, #tpu.memory_space<hbm>> -> memref<8x128xf32, #tpu.memory_space<hbm>>
    %dma_wait3A_430 = arith.constant 48 : i32
    %dma_wait3A_431 = arith.constant 0 : i32
    %dma_wait3A_432 = tpu.memref_slice %arg10[%dma_wait3A_430, %dma_wait3A_431] : memref<128x129xf32, #tpu.memory_space<vmem>> -> memref<8x128xf32, #tpu.memory_space<vmem>>
    tpu.wait_dma2 semaphore(%arg14 : memref<!tpu.dma_semaphore, #tpu.memory_space<semaphore_mem>>) src(%dma_wait3A_432 : memref<8x128xf32, #tpu.memory_space<vmem>>) dst(%dma_wait3A_429 : memref<8x128xf32, #tpu.memory_space<hbm>>)
    %add3A_433 = arith.constant 3 : i32
    %add3A_434 = arith.addi %mul3A_4, %add3A_433 : i32
    %dma_wait3A_435 = arith.constant 49 : i32
    %dma_wait3A_436 = arith.constant 1 : i32
    %dma_wait3A_437 = arith.constant 56 : i32
    %dma_wait3A_438 = arith.constant 0 : i32
    %dma_wait3A_439 = tpu.memref_slice %arg10[%dma_wait3A_437, %dma_wait3A_438] : memref<128x129xf32, #tpu.memory_space<vmem>> -> memref<8x128xf32, #tpu.memory_space<vmem>>
    %dma_wait3A_440 = arith.constant 0 : i32
    %dma_wait3A_441 = arith.constant 0 : i32
    %dma_wait3A_442 = tpu.memref_slice %arg4[%dma_wait3A_435, %dma_wait3A_436, %add3A_434, %dma_wait3A_440, %dma_wait3A_441] : memref<50x4x128x8x128xf32, #tpu.memory_space<hbm>> -> memref<1x1x1x8x128xf32, #tpu.memory_space<hbm>>
    %dma_wait3A_443 = tpu.memref_squeeze %dma_wait3A_442 : memref<1x1x1x8x128xf32, #tpu.memory_space<hbm>> -> memref<8x128xf32, #tpu.memory_space<hbm>>
    %dma_wait3A_444 = arith.constant 0 : i32
    %dma_wait3A_445 = arith.constant 0 : i32
    %dma_wait3A_446 = tpu.memref_slice %arg4[%dma_wait3A_435, %dma_wait3A_436, %add3A_434, %dma_wait3A_444, %dma_wait3A_445] : memref<50x4x128x8x128xf32, #tpu.memory_space<hbm>> -> memref<1x1x1x8x128xf32, #tpu.memory_space<hbm>>
    %dma_wait3A_447 = tpu.memref_squeeze %dma_wait3A_446 : memref<1x1x1x8x128xf32, #tpu.memory_space<hbm>> -> memref<8x128xf32, #tpu.memory_space<hbm>>
    %dma_wait3A_448 = arith.constant 56 : i32
    %dma_wait3A_449 = arith.constant 0 : i32
    %dma_wait3A_450 = tpu.memref_slice %arg10[%dma_wait3A_448, %dma_wait3A_449] : memref<128x129xf32, #tpu.memory_space<vmem>> -> memref<8x128xf32, #tpu.memory_space<vmem>>
    tpu.wait_dma2 semaphore(%arg14 : memref<!tpu.dma_semaphore, #tpu.memory_space<semaphore_mem>>) src(%dma_wait3A_450 : memref<8x128xf32, #tpu.memory_space<vmem>>) dst(%dma_wait3A_447 : memref<8x128xf32, #tpu.memory_space<hbm>>)
    %add3A_451 = arith.constant 0 : i32
    %add3A_452 = arith.addi %mul3A_4, %add3A_451 : i32
    %dma_wait3A_453 = arith.constant 49 : i32
    %dma_wait3A_454 = arith.constant 2 : i32
    %dma_wait3A_455 = arith.constant 64 : i32
    %dma_wait3A_456 = arith.constant 0 : i32
    %dma_wait3A_457 = tpu.memref_slice %arg10[%dma_wait3A_455, %dma_wait3A_456] : memref<128x129xf32, #tpu.memory_space<vmem>> -> memref<8x128xf32, #tpu.memory_space<vmem>>
    %dma_wait3A_458 = arith.constant 0 : i32
    %dma_wait3A_459 = arith.constant 0 : i32
    %dma_wait3A_460 = tpu.memref_slice %arg4[%dma_wait3A_453, %dma_wait3A_454, %add3A_452, %dma_wait3A_458, %dma_wait3A_459] : memref<50x4x128x8x128xf32, #tpu.memory_space<hbm>> -> memref<1x1x1x8x128xf32, #tpu.memory_space<hbm>>
    %dma_wait3A_461 = tpu.memref_squeeze %dma_wait3A_460 : memref<1x1x1x8x128xf32, #tpu.memory_space<hbm>> -> memref<8x128xf32, #tpu.memory_space<hbm>>
    %dma_wait3A_462 = arith.constant 0 : i32
    %dma_wait3A_463 = arith.constant 0 : i32
    %dma_wait3A_464 = tpu.memref_slice %arg4[%dma_wait3A_453, %dma_wait3A_454, %add3A_452, %dma_wait3A_462, %dma_wait3A_463] : memref<50x4x128x8x128xf32, #tpu.memory_space<hbm>> -> memref<1x1x1x8x128xf32, #tpu.memory_space<hbm>>
    %dma_wait3A_465 = tpu.memref_squeeze %dma_wait3A_464 : memref<1x1x1x8x128xf32, #tpu.memory_space<hbm>> -> memref<8x128xf32, #tpu.memory_space<hbm>>
    %dma_wait3A_466 = arith.constant 64 : i32
    %dma_wait3A_467 = arith.constant 0 : i32
    %dma_wait3A_468 = tpu.memref_slice %arg10[%dma_wait3A_466, %dma_wait3A_467] : memref<128x129xf32, #tpu.memory_space<vmem>> -> memref<8x128xf32, #tpu.memory_space<vmem>>
    tpu.wait_dma2 semaphore(%arg14 : memref<!tpu.dma_semaphore, #tpu.memory_space<semaphore_mem>>) src(%dma_wait3A_468 : memref<8x128xf32, #tpu.memory_space<vmem>>) dst(%dma_wait3A_465 : memref<8x128xf32, #tpu.memory_space<hbm>>)
    %add3A_469 = arith.constant 1 : i32
    %add3A_470 = arith.addi %mul3A_4, %add3A_469 : i32
    %dma_wait3A_471 = arith.constant 49 : i32
    %dma_wait3A_472 = arith.constant 2 : i32
    %dma_wait3A_473 = arith.constant 72 : i32
    %dma_wait3A_474 = arith.constant 0 : i32
    %dma_wait3A_475 = tpu.memref_slice %arg10[%dma_wait3A_473, %dma_wait3A_474] : memref<128x129xf32, #tpu.memory_space<vmem>> -> memref<8x128xf32, #tpu.memory_space<vmem>>
    %dma_wait3A_476 = arith.constant 0 : i32
    %dma_wait3A_477 = arith.constant 0 : i32
    %dma_wait3A_478 = tpu.memref_slice %arg4[%dma_wait3A_471, %dma_wait3A_472, %add3A_470, %dma_wait3A_476, %dma_wait3A_477] : memref<50x4x128x8x128xf32, #tpu.memory_space<hbm>> -> memref<1x1x1x8x128xf32, #tpu.memory_space<hbm>>
    %dma_wait3A_479 = tpu.memref_squeeze %dma_wait3A_478 : memref<1x1x1x8x128xf32, #tpu.memory_space<hbm>> -> memref<8x128xf32, #tpu.memory_space<hbm>>
    %dma_wait3A_480 = arith.constant 0 : i32
    %dma_wait3A_481 = arith.constant 0 : i32
    %dma_wait3A_482 = tpu.memref_slice %arg4[%dma_wait3A_471, %dma_wait3A_472, %add3A_470, %dma_wait3A_480, %dma_wait3A_481] : memref<50x4x128x8x128xf32, #tpu.memory_space<hbm>> -> memref<1x1x1x8x128xf32, #tpu.memory_space<hbm>>
    %dma_wait3A_483 = tpu.memref_squeeze %dma_wait3A_482 : memref<1x1x1x8x128xf32, #tpu.memory_space<hbm>> -> memref<8x128xf32, #tpu.memory_space<hbm>>
    %dma_wait3A_484 = arith.constant 72 : i32
    %dma_wait3A_485 = arith.constant 0 : i32
    %dma_wait3A_486 = tpu.memref_slice %arg10[%dma_wait3A_484, %dma_wait3A_485] : memref<128x129xf32, #tpu.memory_space<vmem>> -> memref<8x128xf32, #tpu.memory_space<vmem>>
    tpu.wait_dma2 semaphore(%arg14 : memref<!tpu.dma_semaphore, #tpu.memory_space<semaphore_mem>>) src(%dma_wait3A_486 : memref<8x128xf32, #tpu.memory_space<vmem>>) dst(%dma_wait3A_483 : memref<8x128xf32, #tpu.memory_space<hbm>>)
    %add3A_487 = arith.constant 2 : i32
    %add3A_488 = arith.addi %mul3A_4, %add3A_487 : i32
    %dma_wait3A_489 = arith.constant 49 : i32
    %dma_wait3A_490 = arith.constant 2 : i32
    %dma_wait3A_491 = arith.constant 80 : i32
    %dma_wait3A_492 = arith.constant 0 : i32
    %dma_wait3A_493 = tpu.memref_slice %arg10[%dma_wait3A_491, %dma_wait3A_492] : memref<128x129xf32, #tpu.memory_space<vmem>> -> memref<8x128xf32, #tpu.memory_space<vmem>>
    %dma_wait3A_494 = arith.constant 0 : i32
    %dma_wait3A_495 = arith.constant 0 : i32
    %dma_wait3A_496 = tpu.memref_slice %arg4[%dma_wait3A_489, %dma_wait3A_490, %add3A_488, %dma_wait3A_494, %dma_wait3A_495] : memref<50x4x128x8x128xf32, #tpu.memory_space<hbm>> -> memref<1x1x1x8x128xf32, #tpu.memory_space<hbm>>
    %dma_wait3A_497 = tpu.memref_squeeze %dma_wait3A_496 : memref<1x1x1x8x128xf32, #tpu.memory_space<hbm>> -> memref<8x128xf32, #tpu.memory_space<hbm>>
    %dma_wait3A_498 = arith.constant 0 : i32
    %dma_wait3A_499 = arith.constant 0 : i32
    %dma_wait3A_500 = tpu.memref_slice %arg4[%dma_wait3A_489, %dma_wait3A_490, %add3A_488, %dma_wait3A_498, %dma_wait3A_499] : memref<50x4x128x8x128xf32, #tpu.memory_space<hbm>> -> memref<1x1x1x8x128xf32, #tpu.memory_space<hbm>>
    %dma_wait3A_501 = tpu.memref_squeeze %dma_wait3A_500 : memref<1x1x1x8x128xf32, #tpu.memory_space<hbm>> -> memref<8x128xf32, #tpu.memory_space<hbm>>
    %dma_wait3A_502 = arith.constant 80 : i32
    %dma_wait3A_503 = arith.constant 0 : i32
    %dma_wait3A_504 = tpu.memref_slice %arg10[%dma_wait3A_502, %dma_wait3A_503] : memref<128x129xf32, #tpu.memory_space<vmem>> -> memref<8x128xf32, #tpu.memory_space<vmem>>
    tpu.wait_dma2 semaphore(%arg14 : memref<!tpu.dma_semaphore, #tpu.memory_space<semaphore_mem>>) src(%dma_wait3A_504 : memref<8x128xf32, #tpu.memory_space<vmem>>) dst(%dma_wait3A_501 : memref<8x128xf32, #tpu.memory_space<hbm>>)
    %add3A_505 = arith.constant 3 : i32
    %add3A_506 = arith.addi %mul3A_4, %add3A_505 : i32
    %dma_wait3A_507 = arith.constant 49 : i32
    %dma_wait3A_508 = arith.constant 2 : i32
    %dma_wait3A_509 = arith.constant 88 : i32
    %dma_wait3A_510 = arith.constant 0 : i32
    %dma_wait3A_511 = tpu.memref_slice %arg10[%dma_wait3A_509, %dma_wait3A_510] : memref<128x129xf32, #tpu.memory_space<vmem>> -> memref<8x128xf32, #tpu.memory_space<vmem>>
    %dma_wait3A_512 = arith.constant 0 : i32
    %dma_wait3A_513 = arith.constant 0 : i32
    %dma_wait3A_514 = tpu.memref_slice %arg4[%dma_wait3A_507, %dma_wait3A_508, %add3A_506, %dma_wait3A_512, %dma_wait3A_513] : memref<50x4x128x8x128xf32, #tpu.memory_space<hbm>> -> memref<1x1x1x8x128xf32, #tpu.memory_space<hbm>>
    %dma_wait3A_515 = tpu.memref_squeeze %dma_wait3A_514 : memref<1x1x1x8x128xf32, #tpu.memory_space<hbm>> -> memref<8x128xf32, #tpu.memory_space<hbm>>
    %dma_wait3A_516 = arith.constant 0 : i32
    %dma_wait3A_517 = arith.constant 0 : i32
    %dma_wait3A_518 = tpu.memref_slice %arg4[%dma_wait3A_507, %dma_wait3A_508, %add3A_506, %dma_wait3A_516, %dma_wait3A_517] : memref<50x4x128x8x128xf32, #tpu.memory_space<hbm>> -> memref<1x1x1x8x128xf32, #tpu.memory_space<hbm>>
    %dma_wait3A_519 = tpu.memref_squeeze %dma_wait3A_518 : memref<1x1x1x8x128xf32, #tpu.memory_space<hbm>> -> memref<8x128xf32, #tpu.memory_space<hbm>>
    %dma_wait3A_520 = arith.constant 88 : i32
    %dma_wait3A_521 = arith.constant 0 : i32
    %dma_wait3A_522 = tpu.memref_slice %arg10[%dma_wait3A_520, %dma_wait3A_521] : memref<128x129xf32, #tpu.memory_space<vmem>> -> memref<8x128xf32, #tpu.memory_space<vmem>>
    tpu.wait_dma2 semaphore(%arg14 : memref<!tpu.dma_semaphore, #tpu.memory_space<semaphore_mem>>) src(%dma_wait3A_522 : memref<8x128xf32, #tpu.memory_space<vmem>>) dst(%dma_wait3A_519 : memref<8x128xf32, #tpu.memory_space<hbm>>)
    %add3A_523 = arith.constant 0 : i32
    %add3A_524 = arith.addi %mul3A_4, %add3A_523 : i32
    %dma_wait3A_525 = arith.constant 49 : i32
    %dma_wait3A_526 = arith.constant 3 : i32
    %dma_wait3A_527 = arith.constant 96 : i32
    %dma_wait3A_528 = arith.constant 0 : i32
    %dma_wait3A_529 = tpu.memref_slice %arg10[%dma_wait3A_527, %dma_wait3A_528] : memref<128x129xf32, #tpu.memory_space<vmem>> -> memref<8x128xf32, #tpu.memory_space<vmem>>
    %dma_wait3A_530 = arith.constant 0 : i32
    %dma_wait3A_531 = arith.constant 0 : i32
    %dma_wait3A_532 = tpu.memref_slice %arg4[%dma_wait3A_525, %dma_wait3A_526, %add3A_524, %dma_wait3A_530, %dma_wait3A_531] : memref<50x4x128x8x128xf32, #tpu.memory_space<hbm>> -> memref<1x1x1x8x128xf32, #tpu.memory_space<hbm>>
    %dma_wait3A_533 = tpu.memref_squeeze %dma_wait3A_532 : memref<1x1x1x8x128xf32, #tpu.memory_space<hbm>> -> memref<8x128xf32, #tpu.memory_space<hbm>>
    %dma_wait3A_534 = arith.constant 0 : i32
    %dma_wait3A_535 = arith.constant 0 : i32
    %dma_wait3A_536 = tpu.memref_slice %arg4[%dma_wait3A_525, %dma_wait3A_526, %add3A_524, %dma_wait3A_534, %dma_wait3A_535] : memref<50x4x128x8x128xf32, #tpu.memory_space<hbm>> -> memref<1x1x1x8x128xf32, #tpu.memory_space<hbm>>
    %dma_wait3A_537 = tpu.memref_squeeze %dma_wait3A_536 : memref<1x1x1x8x128xf32, #tpu.memory_space<hbm>> -> memref<8x128xf32, #tpu.memory_space<hbm>>
    %dma_wait3A_538 = arith.constant 96 : i32
    %dma_wait3A_539 = arith.constant 0 : i32
    %dma_wait3A_540 = tpu.memref_slice %arg10[%dma_wait3A_538, %dma_wait3A_539] : memref<128x129xf32, #tpu.memory_space<vmem>> -> memref<8x128xf32, #tpu.memory_space<vmem>>
    tpu.wait_dma2 semaphore(%arg14 : memref<!tpu.dma_semaphore, #tpu.memory_space<semaphore_mem>>) src(%dma_wait3A_540 : memref<8x128xf32, #tpu.memory_space<vmem>>) dst(%dma_wait3A_537 : memref<8x128xf32, #tpu.memory_space<hbm>>)
    %add3A_541 = arith.constant 1 : i32
    %add3A_542 = arith.addi %mul3A_4, %add3A_541 : i32
    %dma_wait3A_543 = arith.constant 49 : i32
    %dma_wait3A_544 = arith.constant 3 : i32
    %dma_wait3A_545 = arith.constant 104 : i32
    %dma_wait3A_546 = arith.constant 0 : i32
    %dma_wait3A_547 = tpu.memref_slice %arg10[%dma_wait3A_545, %dma_wait3A_546] : memref<128x129xf32, #tpu.memory_space<vmem>> -> memref<8x128xf32, #tpu.memory_space<vmem>>
    %dma_wait3A_548 = arith.constant 0 : i32
    %dma_wait3A_549 = arith.constant 0 : i32
    %dma_wait3A_550 = tpu.memref_slice %arg4[%dma_wait3A_543, %dma_wait3A_544, %add3A_542, %dma_wait3A_548, %dma_wait3A_549] : memref<50x4x128x8x128xf32, #tpu.memory_space<hbm>> -> memref<1x1x1x8x128xf32, #tpu.memory_space<hbm>>
    %dma_wait3A_551 = tpu.memref_squeeze %dma_wait3A_550 : memref<1x1x1x8x128xf32, #tpu.memory_space<hbm>> -> memref<8x128xf32, #tpu.memory_space<hbm>>
    %dma_wait3A_552 = arith.constant 0 : i32
    %dma_wait3A_553 = arith.constant 0 : i32
    %dma_wait3A_554 = tpu.memref_slice %arg4[%dma_wait3A_543, %dma_wait3A_544, %add3A_542, %dma_wait3A_552, %dma_wait3A_553] : memref<50x4x128x8x128xf32, #tpu.memory_space<hbm>> -> memref<1x1x1x8x128xf32, #tpu.memory_space<hbm>>
    %dma_wait3A_555 = tpu.memref_squeeze %dma_wait3A_554 : memref<1x1x1x8x128xf32, #tpu.memory_space<hbm>> -> memref<8x128xf32, #tpu.memory_space<hbm>>
    %dma_wait3A_556 = arith.constant 104 : i32
    %dma_wait3A_557 = arith.constant 0 : i32
    %dma_wait3A_558 = tpu.memref_slice %arg10[%dma_wait3A_556, %dma_wait3A_557] : memref<128x129xf32, #tpu.memory_space<vmem>> -> memref<8x128xf32, #tpu.memory_space<vmem>>
    tpu.wait_dma2 semaphore(%arg14 : memref<!tpu.dma_semaphore, #tpu.memory_space<semaphore_mem>>) src(%dma_wait3A_558 : memref<8x128xf32, #tpu.memory_space<vmem>>) dst(%dma_wait3A_555 : memref<8x128xf32, #tpu.memory_space<hbm>>)
    %add3A_559 = arith.constant 2 : i32
    %add3A_560 = arith.addi %mul3A_4, %add3A_559 : i32
    %dma_wait3A_561 = arith.constant 49 : i32
    %dma_wait3A_562 = arith.constant 3 : i32
    %dma_wait3A_563 = arith.constant 112 : i32
    %dma_wait3A_564 = arith.constant 0 : i32
    %dma_wait3A_565 = tpu.memref_slice %arg10[%dma_wait3A_563, %dma_wait3A_564] : memref<128x129xf32, #tpu.memory_space<vmem>> -> memref<8x128xf32, #tpu.memory_space<vmem>>
    %dma_wait3A_566 = arith.constant 0 : i32
    %dma_wait3A_567 = arith.constant 0 : i32
    %dma_wait3A_568 = tpu.memref_slice %arg4[%dma_wait3A_561, %dma_wait3A_562, %add3A_560, %dma_wait3A_566, %dma_wait3A_567] : memref<50x4x128x8x128xf32, #tpu.memory_space<hbm>> -> memref<1x1x1x8x128xf32, #tpu.memory_space<hbm>>
    %dma_wait3A_569 = tpu.memref_squeeze %dma_wait3A_568 : memref<1x1x1x8x128xf32, #tpu.memory_space<hbm>> -> memref<8x128xf32, #tpu.memory_space<hbm>>
    %dma_wait3A_570 = arith.constant 0 : i32
    %dma_wait3A_571 = arith.constant 0 : i32
    %dma_wait3A_572 = tpu.memref_slice %arg4[%dma_wait3A_561, %dma_wait3A_562, %add3A_560, %dma_wait3A_570, %dma_wait3A_571] : memref<50x4x128x8x128xf32, #tpu.memory_space<hbm>> -> memref<1x1x1x8x128xf32, #tpu.memory_space<hbm>>
    %dma_wait3A_573 = tpu.memref_squeeze %dma_wait3A_572 : memref<1x1x1x8x128xf32, #tpu.memory_space<hbm>> -> memref<8x128xf32, #tpu.memory_space<hbm>>
    %dma_wait3A_574 = arith.constant 112 : i32
    %dma_wait3A_575 = arith.constant 0 : i32
    %dma_wait3A_576 = tpu.memref_slice %arg10[%dma_wait3A_574, %dma_wait3A_575] : memref<128x129xf32, #tpu.memory_space<vmem>> -> memref<8x128xf32, #tpu.memory_space<vmem>>
    tpu.wait_dma2 semaphore(%arg14 : memref<!tpu.dma_semaphore, #tpu.memory_space<semaphore_mem>>) src(%dma_wait3A_576 : memref<8x128xf32, #tpu.memory_space<vmem>>) dst(%dma_wait3A_573 : memref<8x128xf32, #tpu.memory_space<hbm>>)
    %add3A_577 = arith.constant 3 : i32
    %add3A_578 = arith.addi %mul3A_4, %add3A_577 : i32
    %dma_wait3A_579 = arith.constant 49 : i32
    %dma_wait3A_580 = arith.constant 3 : i32
    %dma_wait3A_581 = arith.constant 120 : i32
    %dma_wait3A_582 = arith.constant 0 : i32
    %dma_wait3A_583 = tpu.memref_slice %arg10[%dma_wait3A_581, %dma_wait3A_582] : memref<128x129xf32, #tpu.memory_space<vmem>> -> memref<8x128xf32, #tpu.memory_space<vmem>>
    %dma_wait3A_584 = arith.constant 0 : i32
    %dma_wait3A_585 = arith.constant 0 : i32
    %dma_wait3A_586 = tpu.memref_slice %arg4[%dma_wait3A_579, %dma_wait3A_580, %add3A_578, %dma_wait3A_584, %dma_wait3A_585] : memref<50x4x128x8x128xf32, #tpu.memory_space<hbm>> -> memref<1x1x1x8x128xf32, #tpu.memory_space<hbm>>
    %dma_wait3A_587 = tpu.memref_squeeze %dma_wait3A_586 : memref<1x1x1x8x128xf32, #tpu.memory_space<hbm>> -> memref<8x128xf32, #tpu.memory_space<hbm>>
    %dma_wait3A_588 = arith.constant 0 : i32
    %dma_wait3A_589 = arith.constant 0 : i32
    %dma_wait3A_590 = tpu.memref_slice %arg4[%dma_wait3A_579, %dma_wait3A_580, %add3A_578, %dma_wait3A_588, %dma_wait3A_589] : memref<50x4x128x8x128xf32, #tpu.memory_space<hbm>> -> memref<1x1x1x8x128xf32, #tpu.memory_space<hbm>>
    %dma_wait3A_591 = tpu.memref_squeeze %dma_wait3A_590 : memref<1x1x1x8x128xf32, #tpu.memory_space<hbm>> -> memref<8x128xf32, #tpu.memory_space<hbm>>
    %dma_wait3A_592 = arith.constant 120 : i32
    %dma_wait3A_593 = arith.constant 0 : i32
    %dma_wait3A_594 = tpu.memref_slice %arg10[%dma_wait3A_592, %dma_wait3A_593] : memref<128x129xf32, #tpu.memory_space<vmem>> -> memref<8x128xf32, #tpu.memory_space<vmem>>
    tpu.wait_dma2 semaphore(%arg14 : memref<!tpu.dma_semaphore, #tpu.memory_space<semaphore_mem>>) src(%dma_wait3A_594 : memref<8x128xf32, #tpu.memory_space<vmem>>) dst(%dma_wait3A_591 : memref<8x128xf32, #tpu.memory_space<hbm>>)
    return
  }
}

</mosaic_0001>

<sc_bundles>
// kernel: kernel.3.cloned.1.call-start
scs
__scs_entry_jumppad:
0x0: {  	(pc) =	sbr.rel $0x88, $3  }
0x1: {  	(tag) =	ssettag $0x0;
	lr =	simm.s32 $0x1  }
0x2: {  	[smem:$0x3F9F] =	sst lr;
	_ =	strace $0xD0000000  }
0x3: {  	_ = 	snop  }
0x4: {  	_ = 	snop  }
0x5: {  	_ = 	snop  }
0x6: {  	_ = 	snop  }
0x7: {  	_ = 	snop  }
__scs_overlays_trampoline_lowered:
0x8: {  	[smem:$0x3FAE] =	sst s0  }
0x9: {  	[smem:$0x3FAF] =	sst s1  }
0xa: {  	[smem:$0x3FB0] =	sst s2  }
0xb: {  	[smem:$0x3FB1] =	sst s3  }
0xc: {  	[smem:$0x3FB2] =	sst s4  }
0xd: {  	[smem:$0x3FB3] =	sst s5  }
0xe: {  	[smem:$0x3FB4] =	sst s6  }
0xf: {  	[smem:$0x3FB5] =	sst s7  }
0x10: {  	[smem:$0x3FB6] =	sst s8  }
0x11: {  	[smem:$0x3FB7] =	sst s9;
	s0 =	simm.s32 @!p0 $0x0  }
0x12: {  	s1 =	sld [smem:$0x3F9D];
	s0 =	simm.s32 @p0 $0x1  }
0x13: {  	[smem:$0x3FB8] =	sst s0;
	s0 =	simm.s32 @!p1 $0x0  }
0x14: {  	s2 =	sld [smem:$0x3F9C];
	s0 =	simm.s32 @p1 $0x1  }
0x15: {  	[smem:$0x3FB9] =	sst s0;
	s0 =	simm.s32 @!p2 $0x0  }
0x16: {  	s3 =	sld [smem:$0x3FDB];
	s0 =	simm.s32 @p2 $0x1  }
0x17: {  	s4 =	simm.s32 $0x1BF5;
	[smem:$0x3FBB] =	sst s0  }
0x18: {  	s0 =	sld [smem:$0x3F9E];
	_ =	swait.ge [sflag:s4], $0x0  }
0x19: {  	s7 =	sld [smem:$0x3F9F]  }
0x1a: {  	s8 =	sadd.s32 $0xFFFFE003, lr  }
0x1b: {  	s9 =	sadd.s32 $0xFFFFFEF7, lr;
	s5 =	simm.s32 $0xFFFFFFFF;
	p2 =	slt.u32 s8, $0xFFFFF086  }
0x1c: {  	p1 =	slt.u32 s9, $0xF7A;
	s5 =	simm.s32 @!p2 $0x0  }
0x1d: {  	s5 =	simm.s32 @p1 $0x1;
	p0 =	seq.s32 s7, s2  }
0x1e: {  	s7 =	smul.u32 @!p0 $0xF7A, s2;
	p2 =	seq.s32 @!p0 s5, $0x0  }
0x1f: {  	s9 =	smul.u32 $0xF7A, s1;
	s8 =	simm.s32 @!p0 $0x1BF5;
	p2 =	por !p2, p0  }
0x20: {  	[sflag:s8] =	ssyncset.s32 @!p0 $0xFFFFF086;
	s6 =	sadd.s32 @!p0 s3, s7;
	s7 =	simm.s32 @!p0 $0x108  }
0x21: {  	s3 =	sadd.s32 s3, s9;
	s6 =	sadd.s32 @!p0 $0x88, s6;
	s7 =	simm.s32 @p2 $0x1082  }
0x22: {  	[simem:s7], [sflag:s8] =	dma.local @!p0 [hbm:s6], $0xF7A  }
0x23: {  	s9 =	sor.u32 $0xD0000000, s2;
	s6 =	simm.s32 $0x108;
	_ =	swait.ge @!p0 [sflag:s8], $0x0  }
0x24: {  	s3 =	sadd.s32 $0x88, s3;
	s6 =	simm.s32 @!p1 $0x1082;
	[sflag:s4] =	ssyncset.s32 $0xFFFFF086  }
0x25: {  	[simem:s6], [sflag:s4] =	dma.local [hbm:s3], $0xF7A  }
0x26: {  	[smem:$0x3F9F] =	sst s1;
	(tag) =	ssettag s2;
	_ =	strace s9  }
0x27: {  	s1 =	sld [smem:$0x3FAF]  }
0x28: {  	s2 =	sld [smem:$0x3FB0]  }
0x29: {  	s4 =	sld [smem:$0x3FB2]  }
0x2a: {  	p0 =	seq.s32 s5, $0x0;
	s5 =	sld [smem:$0x3FB3]  }
0x2b: {  	s6 =	sld [smem:$0x3FB4]  }
0x2c: {  	s7 =	sld [smem:$0x3FB5]  }
0x2d: {  	s3 =	simm.s32 $0x108;
	s8 =	sld [smem:$0x3FB6]  }
0x2e: {  	s3 =	simm.s32 @!p0 $0x1082;
	s9 =	sld [smem:$0x3FB7]  }
0x2f: {  	lr =	sadd.s32 s0, s3;
	s0 =	sld [smem:$0x3FAE]  }
0x30: {  	s3 =	sld [smem:$0x3FB1]  }
0x31: {  	[smem:$0x3FBA] =	sst s10  }
0x32: {  	s10 =	sld [smem:$0x3FB8];
	_ =	sdelay $0x3  }
0x33: {  	p0 =	seq.s32 s10, $0x1;
	s10 =	sld [smem:$0x3FBA];
	_ =	sdelay $0x3  }
0x34: {  	[smem:$0x3FBA] =	sst s10  }
0x35: {  	s10 =	sld [smem:$0x3FB9];
	_ =	sdelay $0x3  }
0x36: {  	p1 =	seq.s32 s10, $0x1;
	s10 =	sld [smem:$0x3FBA];
	_ =	sdelay $0x3  }
0x37: {  	[smem:$0x3FBA] =	sst s10  }
0x38: {  	s10 =	sld [smem:$0x3FBB]  }
0x39: {  	_ = 	snop;
	(pc) =	sbr.ind lr, $3  }
0x3a: {  	_ = 	snop  }
0x3b: {  	_ = 	snop  }
0x3c: {  	p2 =	seq.s32 s10, $0x1;
	s10 =	sld [smem:$0x3FBA]  }
0x3d: {  	_ =	shalt  }
0x3e: {  	_ =	shalt  }
0x3f: {  	_ =	shalt  }
0x40: {  	_ =	shalt  }
0x41: {  	_ =	shalt  }
0x42: {  	_ =	shalt  }
0x43: {  	_ =	shalt  }
0x44: {  	_ =	shalt  }
0x45: {  	_ =	shalt  }
0x46: {  	_ =	shalt  }
0x47: {  	_ =	shalt  }
0x48: {  	_ =	shalt  }
0x49: {  	_ =	shalt  }
0x4a: {  	_ =	shalt  }
0x4b: {  	_ =	shalt  }
0x4c: {  	_ =	shalt  }
0x4d: {  	_ =	shalt  }
0x4e: {  	_ =	shalt  }
0x4f: {  	_ =	shalt  }
0x50: {  	_ =	shalt  }
0x51: {  	_ =	shalt  }
0x52: {  	_ =	shalt  }
0x53: {  	_ =	shalt  }
0x54: {  	_ =	shalt  }
0x55: {  	_ =	shalt  }
0x56: {  	_ =	shalt  }
0x57: {  	_ =	shalt  }
0x58: {  	_ =	shalt  }
0x59: {  	_ =	shalt  }
0x5a: {  	_ =	shalt  }
0x5b: {  	_ =	shalt  }
0x5c: {  	_ =	shalt  }
0x5d: {  	_ =	shalt  }
0x5e: {  	_ =	shalt  }
0x5f: {  	_ =	shalt  }
0x60: {  	_ =	shalt  }
0x61: {  	_ =	shalt  }
0x62: {  	_ =	shalt  }
0x63: {  	_ =	shalt  }
0x64: {  	_ =	shalt  }
0x65: {  	_ =	shalt  }
0x66: {  	_ =	shalt  }
0x67: {  	_ =	shalt  }
0x68: {  	_ =	shalt  }
0x69: {  	_ =	shalt  }
0x6a: {  	_ =	shalt  }
0x6b: {  	_ =	shalt  }
0x6c: {  	_ =	shalt  }
0x6d: {  	_ =	shalt  }
0x6e: {  	_ =	shalt  }
0x6f: {  	_ =	shalt  }
0x70: {  	_ =	shalt  }
0x71: {  	_ =	shalt  }
0x72: {  	_ =	shalt  }
0x73: {  	_ =	shalt  }
0x74: {  	_ =	shalt  }
0x75: {  	_ =	shalt  }
0x76: {  	_ =	shalt  }
0x77: {  	_ =	shalt  }
0x78: {  	_ =	shalt  }
0x79: {  	_ =	shalt  }
0x7a: {  	_ =	shalt  }
0x7b: {  	_ =	shalt  }
0x7c: {  	_ =	shalt  }
0x7d: {  	_ =	shalt  }
0x7e: {  	_ =	shalt  }
0x7f: {  	_ =	shalt  }
0x80: {  	_ =	shalt  }
0x81: {  	_ =	shalt  }
0x82: {  	_ =	shalt  }
0x83: {  	_ =	shalt  }
0x84: {  	_ =	shalt  }
0x85: {  	_ =	shalt  }
0x86: {  	_ =	shalt  }
0x87: {  	_ =	shalt  }
.Lfunc_end0:
.L_simem_size_0:
called_computation_lowered:
.L_overlay_start_0:
0x88: {  	s2 =	sld [smem:$0x3FD9]  }
0x89: {  	s3 =	sld [smem:$0x3FFE];
	_ =	sdelay $0x1  }
0x8a: {  	s1 =	srdreg.scid  }
0x8b: {  	s0 =	sand.u32 $0x1, s1  }
0x8c: {  	s17 =	sshll.u32 s0, $0xA;
	s2 =	sadd.s32 s3, s2  }
0x8d: {  	s2 =	sadd.s32 s2, s17  }
0x8e: {  	[smem:$0x3FC6] =	sst s2  }
0x8f: {  	_ = 	snop  }
0x90: {  	s2 =	sld [smem:$0x3FD0];
	(tm) =	ssettm $0x1  }
0x91: {  	s18 =	sld [smem:$0x3FFB];
	_ =	sdelay $0x3  }
0x92: {  	_ =	strace s18  }
0x93: {  	s3 =	sld [smem:$0x3FFC];
	_ =	sdelay $0x3  }
0x94: {  	_ =	strace s3  }
0x95: {  	s3 =	sld [smem:$0x3FFD];
	_ =	sdelay $0x3  }
0x96: {  	_ =	strace s3  }
0x97: {  	_ =	strace $0x8FFFFFFF  }
0x98: {  	s19 =	sld [smem:$0x3FDB];
	_ =	sdelay $0x1  }
0x99: {  	s4 =	simm.s32 $_scs_section_size  }
0x9a: {  	s5 =	simm.s32 $_size__tile_overlayer_lowered;
	s6 =	simm.s32 $_tile_overlayer_lowered  }
0x9b: {  	s22 =	simm.s32 $0x1BFF;
	s21 =	sshll.u32 s6, $0x1;
	s3 =	sadd.s32 s4, s19  }
0x9c: {  	s7 =	simm.s32 $0x0;
	s20 =	sshll.u32 s5, $0x1;
	s5 =	sadd.s32 s21, s3  }
0x9d: {  	[timem:s7], [sflag:s22] =	dma.local [hbm:s5], s20  }
0x9e: {  	_ =	swait.ge [sflag:s22], s20  }
0x9f: {  	s4 =	ssub.s32 $0x0, s20;
	[sflag:s22] =	ssyncset.done $0x0  }
0xa0: {  	[sflag:s22] =	ssyncadd.s32 s4;
	_ =	sdelay $0x1  }
0xa1: {  	s23 =	simm.s32 $0x1B8B  }
0xa2: {  	_ =	swait.ge [sflag:s23], $0x1  }
0xa3: {  	[sflag:s23] =	ssyncset.done $0x0  }
0xa4: {  	s25 =	simm.s32 $0x1B8E;
	s24 =	sld [smem:$0x3FFE];
	[sflag:s23] =	ssyncadd.s32 $0xFFFFFFFF  }
0xa5: {  	s26 =	simm.s32 $execute0_lowered;
	[smem:$0x3FD2] =	sst s25  }
0xa6: {  	s5 =	sshll.u32 s26, $0x1;
	_ =	strace $0x80000046;
	[dreg:$0x1] =	wrdreg $0xFFFFFFFF  }
0xa7: {  	s28 =	simm.s32 $_size_execute0_lowered;
	s3 =	sadd.s32 s3, s5;
	[dreg:$0x0] =	wrdreg $0x0  }
0xa8: {  	s5 =	sshll.u32 s28, $0x1;
	[dreg:$0x2] =	wrdreg s3  }
0xa9: {  	[dreg:$0x3] =	wrdreg s5  }
0xaa: {  	[dreg:$0x4] =	wrdreg $0xC0  }
0xab: {  	_ =	task [dreg:s7], $0x5FFFF  }
0xac: {  	[dreg:$0x1] =	wrdreg $0xFFFFFFFF  }
0xad: {  	[dreg:$0x0] =	wrdreg $0x60  }
0xae: {  	[dreg:$0x2] =	wrdreg s24  }
0xaf: {  	[dreg:$0x3] =	wrdreg s2  }
0xb0: {  	[dreg:$0x4] =	wrdreg $0x9  }
0xb1: {  	_ =	task.clear_ibuf [dreg:s7], $0x5FFFF;
	_ =	strace $0x90000046  }
0xb2: {  	s29 =	simm.s32 $0x9;
	_ =	strace $0x80000048  }
0xb3: {  	_ =	swait.ge [sflag:s29], $0x1  }
0xb4: {  	[sflag:s29] =	ssyncadd.s32 $0xFFFFFFFF  }
0xb5: {  	_ =	strace $0x90000048  }
0xb6: {  	_ =	sfence  }
0xb7: {  	s30 =	sld [smem:$0x0];
	_ =	sdelay $0x2  }
0xb8: {  	s31 =	sshll.u32 s1, $0xD;
	s1 =	sshrl.u32 s1, $0x2  }
0xb9: {  	s3 =	sand.u32 $0x4000, s31;
	s1 =	sadd.s32 s1, s30  }
0xba: {  	s0 =	sor.u32 s3, s0;
	s1 =	sshll.u32 s1, $0x11  }
0xbb: {  	s0 =	sor.u32 s1, s0  }
0xbc: {  	s0 =	sadd.s32 $0x8F2B, s0  }
0xbd: {  	[sflag:s0] =	ssyncadd.remote.s32 $0x1  }
0xbe: {  	_ =	sfence.sel $0xFFFF  }
0xbf: {  	[dreg:$0x0] =	wrdreg $0xFFFFFFFF;
	(pc) =	sbr.abs _section_cstart, $3  }
0xc0: {  	[dreg:$0x1] =	wrdreg $0xFFFFFFFF  }
0xc1: {  	_ =	task.clear_ibuf [dreg:s7], $0x2FFFF;
	_ =	strace $0x9FFFFFFF  }
0xc2: {  	(tm) =	ssettm $0x7FFFFFFF  }
0xc3: {  	_ =	shalt  }
tec
execute0_lowered:
.L_overlay_start_1:
0x0: {  	(tag) =	ssettag $0x1  }
0x1: {  	v0 =	vimm.s32 $0x14B8  }
0x2: {  	vm0 =	vcmask $0x300;
	vm1 =	vcmask $0x704;
	v1 =	vimm.s32 $0x36B8  }
0x3: {  	vm2 =	vcmask $0xB08;
	v0 =	vsel vm0, $0x0, v0;
	v1 =	vsel vm0, $0x2200, v1  }
0x4: {  	s0 =	rddreg [dreg:$0x0];
	vm3 =	vcmask $0xF0C;
	v0 =	vsel vm1, $0x88, v0;
	v1 =	vsel vm1, $0x2288, v1  }
0x5: {  	s1 =	rddreg [dreg:$0x1];
	vm15 =	vcmask $0x1310;
	v0 =	vsel vm2, $0x110, v0;
	v1 =	vsel vm2, $0x2310, v1  }
0x6: {  	s3 =	simm.s32 $0x0;
	s2 =	srdreg.scid;
	s4 =	stileid.u32;
	vm6 =	vcmask $0x1714;
	v0 =	vsel vm3, $0x198, v0;
	v1 =	vsel vm3, $0x2398, v1  }
0x7: {  	s18 =	simm.s32 $0x5;
	s19 =	simm.s32 $0x200;
	s21 =	simm.s32 $0x1;
	vm7 =	vcmask $0x1B18;
	v0 =	vsel vm15, $0x220, v0;
	v1 =	vsel vm15, $0x2420, v1  }
0x8: {  	s23 =	simm.s32 $0x8400;
	vm8 =	vcmask $0x1F1C;
	s30 =	simm.s32 $0x3;
	s31 =	simm.s32 $0x4;
	v0 =	vsel vm6, $0x2A8, v0;
	v1 =	vsel vm6, $0x24A8, v1  }
0x9: {  	vm9 =	vcmask $0x2320;
	[smem:$0x7FF] =	sst s3;
	s2 =	sand.u32 $0x1, s2;
	s5 =	sshll.u32 s4, $0x1;
	v0 =	vsel vm7, $0x330, v0;
	v1 =	vsel vm7, $0x2530, v1  }
0xa: {  	vm10 =	vcmask $0x2724;
	s4 =	sadd.s32 $0x600, s0;
	s14 =	sadd.s32 $0x4000, s1;
	s15 =	sadd.s32 $0x8000, s1;
	v0 =	vsel vm8, $0x3B8, v0;
	v1 =	vsel vm8, $0x25B8, v1  }
0xb: {  	vm11 =	vcmask $0x2B28;
	s16 =	sadd.s32 $0xC000, s1;
	_ =	strace $0x80000047;
	s6 =	ssub.s32 $0x2, s2;
	v0 =	vsel vm9, $0x1100, v0;
	v1 =	vsel vm9, $0x3300, v1  }
0xc: {  	vm12 =	vcmask $0x2F2C;
	s2 =	sor.u32 s2, s5;
	s5 =	sadd.s32 $0xF42A00, s0;
	s7 =	sshrl.u32 s6, $0x1;
	v0 =	vsel vm10, $0x1188, v0;
	v1 =	vsel vm10, $0x3388, v1  }
0xd: {  	vm13 =	vcmask $0x3330;
	s9 =	sshll.u32 s2, $0x6;
	s8 =	ssub.s32 s6, s7;
	s6 =	sshll.u32 s2, $0xC;
	v0 =	vsel vm11, $0x1210, v0;
	v1 =	vsel vm11, $0x3410, v1  }
0xe: {  	vm14 =	vcmask $0x3734;
	s7 =	sshll.u32 s2, $0x9;
	s28 =	sadd.s32 s4, s9;
	s9 =	sadd.s32 $0xE00, s0;
	v0 =	vsel vm12, $0x1298, v0;
	v1 =	vsel vm12, $0x3498, v1  }
0xf: {  	v2 =	vimm.s32 $0x0;
	s2 =	simm.s32 $0x0;
	[dreg:$0x3] =	wrdreg s28;
	s10 =	sor.u32 $0x8000, s7;
	v0 =	vsel vm13, $0x1320, v0;
	v1 =	vsel vm13, $0x3520, v1  }
0x10: {  	s11 =	sor.u32 $0x400, s6;
	s12 =	sor.u32 $0x800, s6;
	s29 =	smax.u32 s8, $0x1;
	vm15 =	vcmask $0x3B38;
	v0 =	vsel vm14, $0x13A8, v0;
	v3 =	vsel vm14, $0x35A8, v1  }
0x11: {  	s13 =	sor.u32 $0xC00, s6;
	s8 =	simm.s32 $0xC800;
	[dreg:$0x4] =	wrdreg s29;
	v1 =	vsel vm0, $0x3, v2;
	v0 =	vsel vm15, $0x1430, v0;
	v2 =	vsel vm15, $0x3630, v3  }
.LBB2_1:
0x12: {  	[dreg:$0x5] =	wrdreg s2  }
0x13: {  	s0 =	rddreg [dreg:$0x3]  }
0x14: {  	[tilespmem:s3], [sflag:$0x5] =	stream.linear.gather [hbm4b:s0+s3], $0x200, $0x38;
	[tilespmem:$0x10C00] =	vst v63  }
0x15: {  	_ =	swait.ge [sflag:s18], $0x200  }
0x16: {  	[sflag:s18] =	ssyncset.done $0x0  }
0x17: {  	s29 =	simm.s32 $0x400;
	s0 =	simm.s32 $0x0;
	[sflag:s18] =	ssyncadd.s32 $0xFFFFFE00  }
0x18: {  	[tilespmem:s29], [sflag:$0x1] =	stream.indirect.gather [hbm4b:s5+s19], $0x20, s3, s19, $0xb8;
	[tilespmem:$0x10C00] =	vst v63  }
.LBB2_2:
0x19: {  	s2 =	sshll.u32 s0, $0xF  }
0x1a: {  	s17 =	sor.u32 s7, s2  }
0x1b: {  	s17 =	sshrl.u32 s17, $0x3  }
0x1c: {  	s17 =	sadd.s32 s17, s9  }
0x1d: {  	[tilespmem:s19], [sflag:$0x5] =	stream.linear.gather [hbm4b:s17+s3], $0x200, $0x38;
	[tilespmem:$0x10C00] =	vst v63  }
0x1e: {  	_ =	swait.ge [sflag:s18], $0x200  }
0x1f: {  	[sflag:s18] =	ssyncset.done $0x0  }
0x20: {  	[sflag:s18] =	ssyncadd.s32 $0xFFFFFE00  }
0x21: {  	_ =	swait.ge [sflag:s21], $0x4000  }
0x22: {  	p0 =	seq.s32 s0, $0x0;
	[sflag:s21] =	ssyncset.done $0x0  }
0x23: {  	s26 =	simm.s32 $0x4400;
	s20 =	simm.s32 @!p0 $0x3;
	[sflag:s21] =	ssyncadd.s32 $0xFFFFC000  }
0x24: {  	[tilespmem:s26], [sflag:$0x2] =	stream.indirect.gather [hbm4b:s5+s19], $0x20, s19, s19, $0xb8;
	[tilespmem:$0x10C00] =	vst v63  }
0x25: {  	_ =	swait.ge @!p0 [sflag:s20], $0x400  }
0x26: {  	[sflag:s20] =	ssyncset.done @!p0 $0x0  }
0x27: {  	[sflag:s20] =	ssyncadd.s32 @!p0 $0xFFFFFC00  }
0x28: {  	_ =	swait.ge @!p0 [sflag:s20], $0x400  }
0x29: {  	[sflag:s20] =	ssyncset.done @!p0 $0x0  }
0x2a: {  	[sflag:s20] =	ssyncadd.s32 @!p0 $0xFFFFFC00  }
0x2b: {  	_ =	swait.ge @!p0 [sflag:s20], $0x400  }
0x2c: {  	[sflag:s20] =	ssyncset.done @!p0 $0x0  }
0x2d: {  	[sflag:s20] =	ssyncadd.s32 @!p0 $0xFFFFFC00  }
0x2e: {  	_ =	swait.ge @!p0 [sflag:s20], $0x400  }
0x2f: {  	[sflag:s20] =	ssyncset.done @!p0 $0x0  }
0x30: {  	[sflag:s20] =	ssyncadd.s32 @!p0 $0xFFFFFC00  }
0x31: {  	_ =	swait.ge @!p0 [sflag:s20], $0x400  }
0x32: {  	[sflag:s20] =	ssyncset.done @!p0 $0x0  }
0x33: {  	[sflag:s20] =	ssyncadd.s32 @!p0 $0xFFFFFC00  }
0x34: {  	_ =	swait.ge @!p0 [sflag:s20], $0x400  }
0x35: {  	[sflag:s20] =	ssyncset.done @!p0 $0x0  }
0x36: {  	[sflag:s20] =	ssyncadd.s32 @!p0 $0xFFFFFC00  }
0x37: {  	_ =	swait.ge @!p0 [sflag:s20], $0x400  }
0x38: {  	[sflag:s20] =	ssyncset.done @!p0 $0x0  }
0x39: {  	[sflag:s20] =	ssyncadd.s32 @!p0 $0xFFFFFC00  }
0x3a: {  	_ =	swait.ge @!p0 [sflag:s20], $0x400  }
0x3b: {  	[sflag:s20] =	ssyncset.done @!p0 $0x0  }
0x3c: {  	[sflag:s20] =	ssyncadd.s32 @!p0 $0xFFFFFC00  }
0x3d: {  	_ =	swait.ge @!p0 [sflag:s20], $0x400  }
0x3e: {  	[sflag:s20] =	ssyncset.done @!p0 $0x0  }
0x3f: {  	[sflag:s20] =	ssyncadd.s32 @!p0 $0xFFFFFC00  }
0x40: {  	_ =	swait.ge @!p0 [sflag:s20], $0x400  }
0x41: {  	[sflag:s20] =	ssyncset.done @!p0 $0x0  }
0x42: {  	[sflag:s20] =	ssyncadd.s32 @!p0 $0xFFFFFC00  }
0x43: {  	_ =	swait.ge @!p0 [sflag:s20], $0x400  }
0x44: {  	[sflag:s20] =	ssyncset.done @!p0 $0x0  }
0x45: {  	[sflag:s20] =	ssyncadd.s32 @!p0 $0xFFFFFC00  }
0x46: {  	_ =	swait.ge @!p0 [sflag:s20], $0x400  }
0x47: {  	[sflag:s20] =	ssyncset.done @!p0 $0x0  }
0x48: {  	[sflag:s20] =	ssyncadd.s32 @!p0 $0xFFFFFC00  }
0x49: {  	_ =	swait.ge @!p0 [sflag:s20], $0x400  }
0x4a: {  	[sflag:s20] =	ssyncset.done @!p0 $0x0  }
0x4b: {  	[sflag:s20] =	ssyncadd.s32 @!p0 $0xFFFFFC00  }
0x4c: {  	_ =	swait.ge @!p0 [sflag:s20], $0x400  }
0x4d: {  	s22 =	simm.s32 $0x0;
	[sflag:s20] =	ssyncset.done @!p0 $0x0  }
0x4e: {  	s22 =	sand.u32 $0x18, s22;
	s17 =	simm.s32 $0x0;
	[sflag:s20] =	ssyncadd.s32 @!p0 $0xFFFFFC00  }
0x4f: {  	v3 =	vmov s22;
	s24 =	sand.u32 $0x78, s17;
	_ =	swait.ge @!p0 [sflag:s20], $0x400  }
0x50: {  	v3 =	vmul.u32 $0x88, v3;
	v4 =	vmov s24;
	[sflag:s20] =	ssyncset.done @!p0 $0x0  }
0x51: {  	v4 =	vshrl.u32 v4, $0x3;
	[sflag:s20] =	ssyncadd.s32 @!p0 $0xFFFFFC00  }
0x52: {  	v3 =	vbroadcast v3, $0x0;
	v4 =	vshll.u32 v4, v1;
	_ =	swait.ge @!p0 [sflag:s20], $0x400  }
0x53: {  	v4 =	vbroadcast v4, $0x0;
	[sflag:s20] =	ssyncset.done @!p0 $0x0  }
0x54: {  	s28 =	simm.s32 $0x1;
	s22 =	simm.s32 $0x480;
	v5 =	vadd.s32 v0, v3;
	[sflag:s20] =	ssyncadd.s32 @!p0 $0xFFFFFC00  }
0x55: {  	v6 =	vadd.s32 v2, v3;
	v3 =	vadd.s32 v4, v5;
	s20 =	sand.u32 $0x78, s28;
	v7 =	vld [tilespmem:s22+$0xFFFFFF80]  }
0x56: {  	v4 =	vadd.s32 v4, v6;
	v8 =	vmov s20;
	v9 =	vld [tilespmem:s22+$0xFFFFFF90]  }
0x57: {  	v8 =	vshrl.u32 v8, $0x3  }
0x58: {  	v8 =	vshll.u32 v8, v1  }
0x59: {  	v8 =	vbroadcast v8, $0x0  }
0x5a: {  	[tilespmem:v3+s23+$0x0] =	vst.idx.msk $0xffff, v7  }
0x5b: {  	s29 =	simm.s32 $0x2;
	v3 =	vadd.s32 v8, v5;
	[tilespmem:v4+s23+$0x0] =	vst.idx.msk $0xffff, v9  }
0x5c: {  	s20 =	sand.u32 $0x78, s29;
	v4 =	vadd.s32 v8, v6;
	v3 =	vor.u32 $0x1, v3;
	v7 =	vld [tilespmem:s22+$0xFFFFFFA0]  }
0x5d: {  	v8 =	vmov s20;
	v4 =	vor.u32 $0x1, v4;
	v9 =	vld [tilespmem:s22+$0xFFFFFFB0]  }
0x5e: {  	v8 =	vshrl.u32 v8, $0x3  }
0x5f: {  	v8 =	vshll.u32 v8, v1  }
0x60: {  	v8 =	vbroadcast v8, $0x0  }
0x61: {  	[tilespmem:v3+s23+$0x0] =	vst.idx.msk $0xffff, v7  }
0x62: {  	s24 =	simm.s32 $0x3;
	v3 =	vadd.s32 v8, v5;
	[tilespmem:v4+s23+$0x0] =	vst.idx.msk $0xffff, v9  }
0x63: {  	s20 =	sand.u32 $0x78, s24;
	v4 =	vadd.s32 v8, v6;
	v3 =	vor.u32 $0x2, v3;
	v7 =	vld [tilespmem:s22+$0xFFFFFFC0]  }
0x64: {  	v8 =	vmov s20;
	v4 =	vor.u32 $0x2, v4;
	v9 =	vld [tilespmem:s22+$0xFFFFFFD0]  }
0x65: {  	v8 =	vshrl.u32 v8, $0x3  }
0x66: {  	v8 =	vshll.u32 v8, v1  }
0x67: {  	v8 =	vbroadcast v8, $0x0  }
0x68: {  	[tilespmem:v3+s23+$0x0] =	vst.idx.msk $0xffff, v7  }
0x69: {  	s25 =	simm.s32 $0x4;
	v3 =	vadd.s32 v8, v5;
	[tilespmem:v4+s23+$0x0] =	vst.idx.msk $0xffff, v9  }
0x6a: {  	s20 =	sand.u32 $0x78, s25;
	v4 =	vadd.s32 v8, v6;
	v3 =	vor.u32 $0x3, v3;
	v7 =	vld [tilespmem:s22+$0xFFFFFFE0]  }
0x6b: {  	v8 =	vmov s20;
	v4 =	vor.u32 $0x3, v4;
	v9 =	vld [tilespmem:s22+$0xFFFFFFF0]  }
0x6c: {  	v8 =	vshrl.u32 v8, $0x3  }
0x6d: {  	v8 =	vshll.u32 v8, v1  }
0x6e: {  	v8 =	vbroadcast v8, $0x0  }
0x6f: {  	[tilespmem:v3+s23+$0x0] =	vst.idx.msk $0xffff, v7  }
0x70: {  	s26 =	simm.s32 $0x5;
	v3 =	vadd.s32 v8, v5;
	[tilespmem:v4+s23+$0x0] =	vst.idx.msk $0xffff, v9  }
0x71: {  	s20 =	sand.u32 $0x78, s26;
	v4 =	vadd.s32 v8, v6;
	v3 =	vor.u32 $0x4, v3;
	v7 =	vld [tilespmem:s22+$0x0]  }
0x72: {  	v8 =	vmov s20;
	v4 =	vor.u32 $0x4, v4;
	v9 =	vld [tilespmem:s22+$0x10]  }
0x73: {  	v8 =	vshrl.u32 v8, $0x3  }
0x74: {  	v8 =	vshll.u32 v8, v1  }
0x75: {  	s28 =	simm.s32 $0x7;
	s29 =	simm.s32 $0x6;
	v8 =	vbroadcast v8, $0x0  }
0x76: {  	s24 =	sand.u32 $0x78, s29;
	s20 =	sand.u32 $0x78, s28;
	[tilespmem:v3+s23+$0x0] =	vst.idx.msk $0xffff, v7  }
0x77: {  	v10 =	vadd.s32 v8, v5;
	v3 =	vmov s20;
	v7 =	vmov s24;
	[tilespmem:v4+s23+$0x0] =	vst.idx.msk $0xffff, v9  }
0x78: {  	v3 =	vshrl.u32 v3, $0x3;
	v4 =	vadd.s32 v8, v6;
	v8 =	vor.u32 $0x5, v10;
	v9 =	vld [tilespmem:s22+$0x20]  }
0x79: {  	v7 =	vshrl.u32 v7, $0x3;
	v3 =	vshll.u32 v3, v1;
	v63 =	vor.u32 $0x5, v4;
	v11 =	vld [tilespmem:s22+$0x30]  }
0x7a: {  	v4 =	vbroadcast v3, $0x0;
	v3 =	vshll.u32 v7, v1  }
0x7b: {  	v7 =	vbroadcast v3, $0x0  }
0x7c: {  	v3 =	vadd.s32 v4, v5  }
0x7d: {  	v5 =	vadd.s32 v7, v5;
	v7 =	vadd.s32 v7, v6;
	[tilespmem:v8+s23+$0x0] =	vst.idx.msk $0xffff, v9  }
0x7e: {  	s20 =	sshll.u32 s0, $0x1;
	v4 =	vadd.s32 v4, v6;
	v6 =	vor.u32 $0x6, v5;
	v5 =	vor.u32 $0x6, v7;
	[tilespmem:v63+s23+$0x0] =	vst.idx.msk $0xffff, v11  }
.LBB2_3:
0x7f: {  	s24 =	sadd.s32 $0xB, s17  }
0x80: {  	s25 =	sadd.s32 $0xF, s17;
	v7 =	vld [tilespmem:s22+$0x40];
	s26 =	smov.u32 s17;
	s17 =	sadd.s32 $0x8, s17  }
0x81: {  	v4 =	vor.u32 $0x7, v4;
	s28 =	sshrl.u32 s17, $0x4;
	s29 =	sand.u32 $0x78, s17;
	s24 =	sand.u32 $0x78, s24;
	v8 =	vld [tilespmem:s22+$0x50]  }
0x82: {  	v3 =	vor.u32 $0x7, v3;
	s28 =	sand.u32 $0x18, s28;
	v9 =	vmov s29;
	s29 =	sadd.s32 $0x9, s26;
	v10 =	vmov s24;
	s24 =	sand.u32 $0x78, s25  }
0x83: {  	p1 =	slt.u32 s17, $0x1F8;
	v11 =	vmov s28;
	v9 =	vshrl.u32 v9, $0x3;
	s25 =	sand.u32 $0x78, s29;
	s28 =	sadd.s32 $0xA, s26;
	v10 =	vshrl.u32 v10, $0x3  }
0x84: {  	v11 =	vmul.u32 $0x88, v11;
	v9 =	vshll.u32 v9, v1;
	s28 =	sand.u32 $0x78, s28;
	v10 =	vshll.u32 v10, v1  }
0x85: {  	v14 =	vmov s24;
	v12 =	vmov s25;
	s25 =	sadd.s32 $0xC, s26;
	v13 =	vmov s28;
	[tilespmem:v6+s23+$0x0] =	vst.idx.msk $0xffff, v7  }
0x86: {  	v7 =	vshrl.u32 v12, $0x3;
	s24 =	sand.u32 $0x78, s25;
	v6 =	vbroadcast v11, $0x0;
	v11 =	vshrl.u32 v13, $0x3;
	[tilespmem:v5+s23+$0x0] =	vst.idx.msk $0xffff, v8  }
0x87: {  	v5 =	vbroadcast v9, $0x0;
	v9 =	vmov s24;
	s24 =	sadd.s32 $0xD, s26;
	v8 =	vshll.u32 v11, v1;
	v11 =	vld [tilespmem:s22+$0x60]  }
0x88: {  	s25 =	sadd.s32 $0xE, s26;
	v9 =	vshrl.u32 v9, $0x3;
	s24 =	sand.u32 $0x78, s24;
	v12 =	vadd.s32 v0, v6;
	v6 =	vadd.s32 v2, v6;
	v13 =	vld [tilespmem:s22+$0x70];
	s22 =	sadd.s32 $0x100, s22  }
0x89: {  	v9 =	vshll.u32 v9, v1;
	v16 =	vmov s24;
	s24 =	sand.u32 $0x78, s25;
	v15 =	vadd.s32 v5, v12  }
0x8a: {  	v5 =	vadd.s32 v5, v6;
	v9 =	vbroadcast v9, $0x0;
	v17 =	vmov s24  }
0x8b: {  	v7 =	vshll.u32 v7, v1;
	v8 =	vbroadcast v8, $0x0;
	v16 =	vshrl.u32 v16, $0x3  }
0x8c: {  	v10 =	vbroadcast v10, $0x0;
	v17 =	vshrl.u32 v17, $0x3;
	v18 =	vadd.s32 v9, v12;
	[tilespmem:v3+s23+$0x0] =	vst.idx.msk $0xffff, v11  }
0x8d: {  	v3 =	vbroadcast v7, $0x0;
	v7 =	vadd.s32 v8, v12;
	v11 =	vshrl.u32 v14, $0x3;
	[tilespmem:v4+s23+$0x0] =	vst.idx.msk $0xffff, v13  }
0x8e: {  	v13 =	vadd.s32 v10, v12;
	v10 =	vadd.s32 v10, v6;
	v11 =	vshll.u32 v11, v1;
	v4 =	vld [tilespmem:s22+$0xFFFFFF80]  }
0x8f: {  	v16 =	vshll.u32 v16, v1;
	v8 =	vadd.s32 v8, v6;
	v11 =	vbroadcast v11, $0x0;
	v14 =	vld [tilespmem:s22+$0xFFFFFF90]  }
0x90: {  	v9 =	vadd.s32 v9, v6;
	v16 =	vbroadcast v16, $0x0;
	v19 =	vadd.s32 v3, v12  }
0x91: {  	v17 =	vshll.u32 v17, v1;
	v20 =	vadd.s32 v3, v6;
	v3 =	vadd.s32 v11, v12  }
0x92: {  	v17 =	vbroadcast v17, $0x0;
	v21 =	vadd.s32 v16, v12;
	v16 =	vadd.s32 v16, v6  }
0x93: {  	[tilespmem:v15+s23+$0x0] =	vst.idx.msk $0xffff, v4;
	v15 =	vor.u32 $0x1, v20;
	v4 =	vadd.s32 v11, v6  }
0x94: {  	v11 =	vadd.s32 v17, v12;
	v12 =	vadd.s32 v17, v6;
	[tilespmem:v5+s23+$0x0] =	vst.idx.msk $0xffff, v14;
	v5 =	vor.u32 $0x1, v19  }
0x95: {  	v6 =	vld [tilespmem:s22+$0xFFFFFFA0]  }
0x96: {  	v14 =	vld [tilespmem:s22+$0xFFFFFFB0]  }
0x97: {  	v7 =	vor.u32 $0x2, v7  }
0x98: {  	v8 =	vor.u32 $0x2, v8;
	_ =	sdelay $0x1  }
0x99: {  	[tilespmem:v5+s23+$0x0] =	vst.idx.msk $0xffff, v6  }
0x9a: {  	[tilespmem:v15+s23+$0x0] =	vst.idx.msk $0xffff, v14  }
0x9b: {  	v5 =	vld [tilespmem:s22+$0xFFFFFFC0]  }
0x9c: {  	v6 =	vld [tilespmem:s22+$0xFFFFFFD0]  }
0x9d: {  	v13 =	vor.u32 $0x3, v13  }
0x9e: {  	v10 =	vor.u32 $0x3, v10;
	_ =	sdelay $0x1  }
0x9f: {  	[tilespmem:v7+s23+$0x0] =	vst.idx.msk $0xffff, v5  }
0xa0: {  	[tilespmem:v8+s23+$0x0] =	vst.idx.msk $0xffff, v6  }
0xa1: {  	v5 =	vld [tilespmem:s22+$0xFFFFFFE0]  }
0xa2: {  	v6 =	vld [tilespmem:s22+$0xFFFFFFF0]  }
0xa3: {  	v7 =	vor.u32 $0x4, v18  }
0xa4: {  	v8 =	vor.u32 $0x4, v9;
	_ =	sdelay $0x1  }
0xa5: {  	[tilespmem:v13+s23+$0x0] =	vst.idx.msk $0xffff, v5  }
0xa6: {  	[tilespmem:v10+s23+$0x0] =	vst.idx.msk $0xffff, v6  }
0xa7: {  	v5 =	vld [tilespmem:s22+$0x0]  }
0xa8: {  	v6 =	vld [tilespmem:s22+$0x10]  }
0xa9: {  	v9 =	vor.u32 $0x5, v21  }
0xaa: {  	v10 =	vor.u32 $0x5, v16;
	_ =	sdelay $0x1  }
0xab: {  	[tilespmem:v7+s23+$0x0] =	vst.idx.msk $0xffff, v5  }
0xac: {  	[tilespmem:v8+s23+$0x0] =	vst.idx.msk $0xffff, v6  }
0xad: {  	v7 =	vld [tilespmem:s22+$0x20]  }
0xae: {  	v8 =	vld [tilespmem:s22+$0x30]  }
.Ltmp0:
0xaf: {  	v6 =	vor.u32 $0x6, v11;
	(pc) =	sbr.rel @p1 .LBB2_3-.Ltmp0, $3  }
0xb0: {  	v5 =	vor.u32 $0x6, v12;
	_ =	sdelay $0x1  }
0xb1: {  	[tilespmem:v9+s23+$0x0] =	vst.idx.msk $0xffff, v7  }
0xb2: {  	[tilespmem:v10+s23+$0x0] =	vst.idx.msk $0xffff, v8  }
0xb3: {  	v7 =	vld [tilespmem:s22+$0x40]  }
0xb4: {  	v8 =	vld [tilespmem:s22+$0x50];
	_ =	sdelay $0x3  }
0xb5: {  	[tilespmem:v6+s23+$0x0] =	vst.idx.msk $0xffff, v7  }
0xb6: {  	[tilespmem:v5+s23+$0x0] =	vst.idx.msk $0xffff, v8  }
0xb7: {  	v3 =	vor.u32 $0x7, v3;
	v5 =	vld [tilespmem:s22+$0x60]  }
0xb8: {  	v4 =	vor.u32 $0x7, v4;
	v6 =	vld [tilespmem:s22+$0x70];
	_ =	sdelay $0x1  }
0xb9: {  	s24 =	sshll.u32 s0, $0x14  }
0xba: {  	s17 =	sor.u32 s6, s24  }
0xbb: {  	s25 =	sshrl.u32 s17, $0x3;
	[tilespmem:v3+s23+$0x0] =	vst.idx.msk $0xffff, v5  }
0xbc: {  	s17 =	sadd.s32 s1, s25;
	[tilespmem:v4+s23+$0x0] =	vst.idx.msk $0xffff, v6  }
0xbd: {  	[hbm4b:s17+s3] =	stream.linear.scatter [tilespmem:s23], [sflag:$0x3], $0x80, $0x38;
	[tilespmem:$0x10C00] =	vst v63  }
0xbe: {  	s26 =	simm.s32 $0x8488;
	s29 =	sadd.s32 $0x10, s17  }
0xbf: {  	[hbm4b:s29+s3] =	stream.linear.scatter [tilespmem:s26], [sflag:$0x3], $0x80, $0x38;
	[tilespmem:$0x10C00] =	vst v63  }
0xc0: {  	s28 =	sadd.s32 $0x20, s17;
	s29 =	simm.s32 $0x8510  }
0xc1: {  	[hbm4b:s28+s3] =	stream.linear.scatter [tilespmem:s29], [sflag:$0x3], $0x80, $0x38;
	[tilespmem:$0x10C00] =	vst v63  }
0xc2: {  	s28 =	sadd.s32 $0x30, s17;
	s29 =	simm.s32 $0x8598  }
0xc3: {  	[hbm4b:s28+s3] =	stream.linear.scatter [tilespmem:s29], [sflag:$0x3], $0x80, $0x38;
	[tilespmem:$0x10C00] =	vst v63  }
0xc4: {  	s28 =	sadd.s32 $0x40, s17;
	s29 =	simm.s32 $0x8620  }
0xc5: {  	[hbm4b:s28+s3] =	stream.linear.scatter [tilespmem:s29], [sflag:$0x3], $0x80, $0x38;
	[tilespmem:$0x10C00] =	vst v63  }
0xc6: {  	s28 =	sadd.s32 $0x50, s17;
	s29 =	simm.s32 $0x86A8  }
0xc7: {  	[hbm4b:s28+s3] =	stream.linear.scatter [tilespmem:s29], [sflag:$0x3], $0x80, $0x38;
	[tilespmem:$0x10C00] =	vst v63  }
0xc8: {  	s26 =	sadd.s32 $0x60, s17;
	s28 =	simm.s32 $0x8730  }
0xc9: {  	[hbm4b:s26+s3] =	stream.linear.scatter [tilespmem:s28], [sflag:$0x3], $0x80, $0x38;
	[tilespmem:$0x10C00] =	vst v63  }
0xca: {  	s22 =	sor.u32 s11, s24;
	s17 =	sadd.s32 $0x70, s17;
	s29 =	simm.s32 $0x87B8  }
0xcb: {  	[hbm4b:s17+s3] =	stream.linear.scatter [tilespmem:s29], [sflag:$0x3], $0x80, $0x38;
	[tilespmem:$0x10C00] =	vst v63  }
0xcc: {  	s17 =	sshrl.u32 s22, $0x3  }
0xcd: {  	s26 =	simm.s32 $0x8840;
	s17 =	sadd.s32 s1, s17  }
0xce: {  	[hbm4b:s17+s3] =	stream.linear.scatter [tilespmem:s26], [sflag:$0x3], $0x80, $0x38;
	[tilespmem:$0x10C00] =	vst v63  }
0xcf: {  	s29 =	simm.s32 $0x88C8;
	s28 =	sadd.s32 $0x10, s17  }
0xd0: {  	[hbm4b:s28+s3] =	stream.linear.scatter [tilespmem:s29], [sflag:$0x3], $0x80, $0x38;
	[tilespmem:$0x10C00] =	vst v63  }
0xd1: {  	s28 =	sadd.s32 $0x20, s17;
	s29 =	simm.s32 $0x8950  }
0xd2: {  	[hbm4b:s28+s3] =	stream.linear.scatter [tilespmem:s29], [sflag:$0x3], $0x80, $0x38;
	[tilespmem:$0x10C00] =	vst v63  }
0xd3: {  	s28 =	sadd.s32 $0x30, s17;
	s29 =	simm.s32 $0x89D8  }
0xd4: {  	[hbm4b:s28+s3] =	stream.linear.scatter [tilespmem:s29], [sflag:$0x3], $0x80, $0x38;
	[tilespmem:$0x10C00] =	vst v63  }
0xd5: {  	s28 =	sadd.s32 $0x40, s17;
	s29 =	simm.s32 $0x8A60  }
0xd6: {  	[hbm4b:s28+s3] =	stream.linear.scatter [tilespmem:s29], [sflag:$0x3], $0x80, $0x38;
	[tilespmem:$0x10C00] =	vst v63  }
0xd7: {  	s28 =	sadd.s32 $0x50, s17;
	s29 =	simm.s32 $0x8AE8  }
0xd8: {  	[hbm4b:s28+s3] =	stream.linear.scatter [tilespmem:s29], [sflag:$0x3], $0x80, $0x38;
	[tilespmem:$0x10C00] =	vst v63  }
0xd9: {  	s26 =	sor.u32 s12, s24;
	s28 =	sadd.s32 $0x60, s17;
	s29 =	simm.s32 $0x8B70  }
0xda: {  	[hbm4b:s28+s3] =	stream.linear.scatter [tilespmem:s29], [sflag:$0x3], $0x80, $0x38;
	[tilespmem:$0x10C00] =	vst v63  }
0xdb: {  	s22 =	sshrl.u32 s26, $0x3;
	s28 =	sadd.s32 $0x70, s17;
	s29 =	simm.s32 $0x8BF8  }
0xdc: {  	[hbm4b:s28+s3] =	stream.linear.scatter [tilespmem:s29], [sflag:$0x3], $0x80, $0x38;
	[tilespmem:$0x10C00] =	vst v63  }
0xdd: {  	s22 =	sadd.s32 s1, s22;
	s28 =	simm.s32 $0x8C80  }
0xde: {  	[hbm4b:s22+s3] =	stream.linear.scatter [tilespmem:s28], [sflag:$0x3], $0x80, $0x38;
	[tilespmem:$0x10C00] =	vst v63  }
0xdf: {  	s29 =	sadd.s32 $0x10, s22;
	s28 =	simm.s32 $0x8D08  }
0xe0: {  	[hbm4b:s29+s3] =	stream.linear.scatter [tilespmem:s28], [sflag:$0x3], $0x80, $0x38;
	[tilespmem:$0x10C00] =	vst v63  }
0xe1: {  	s26 =	sadd.s32 $0x20, s22;
	s29 =	simm.s32 $0x8D90  }
0xe2: {  	[hbm4b:s26+s3] =	stream.linear.scatter [tilespmem:s29], [sflag:$0x3], $0x80, $0x38;
	[tilespmem:$0x10C00] =	vst v63  }
0xe3: {  	s26 =	sadd.s32 $0x30, s22;
	s29 =	simm.s32 $0x8E18  }
0xe4: {  	[hbm4b:s26+s3] =	stream.linear.scatter [tilespmem:s29], [sflag:$0x3], $0x80, $0x38;
	[tilespmem:$0x10C00] =	vst v63  }
0xe5: {  	s26 =	sadd.s32 $0x40, s22;
	s29 =	simm.s32 $0x8EA0  }
0xe6: {  	[hbm4b:s26+s3] =	stream.linear.scatter [tilespmem:s29], [sflag:$0x3], $0x80, $0x38;
	[tilespmem:$0x10C00] =	vst v63  }
0xe7: {  	s26 =	sadd.s32 $0x50, s22;
	s29 =	simm.s32 $0x8F28  }
0xe8: {  	[hbm4b:s26+s3] =	stream.linear.scatter [tilespmem:s29], [sflag:$0x3], $0x80, $0x38;
	[tilespmem:$0x10C00] =	vst v63  }
0xe9: {  	s24 =	sor.u32 s13, s24;
	s26 =	sadd.s32 $0x60, s22;
	s29 =	simm.s32 $0x8FB0  }
0xea: {  	[hbm4b:s26+s3] =	stream.linear.scatter [tilespmem:s29], [sflag:$0x3], $0x80, $0x38;
	[tilespmem:$0x10C00] =	vst v63  }
0xeb: {  	s24 =	sshrl.u32 s24, $0x3;
	s26 =	sadd.s32 $0x70, s22;
	s29 =	simm.s32 $0x9038  }
0xec: {  	[hbm4b:s26+s3] =	stream.linear.scatter [tilespmem:s29], [sflag:$0x3], $0x80, $0x38;
	[tilespmem:$0x10C00] =	vst v63  }
0xed: {  	s24 =	sadd.s32 s1, s24;
	s28 =	simm.s32 $0x90C0  }
0xee: {  	[hbm4b:s24+s3] =	stream.linear.scatter [tilespmem:s28], [sflag:$0x3], $0x80, $0x38;
	[tilespmem:$0x10C00] =	vst v63  }
0xef: {  	s26 =	sadd.s32 $0x10, s24;
	s29 =	simm.s32 $0x9148  }
0xf0: {  	[hbm4b:s26+s3] =	stream.linear.scatter [tilespmem:s29], [sflag:$0x3], $0x80, $0x38;
	[tilespmem:$0x10C00] =	vst v63  }
0xf1: {  	s26 =	sadd.s32 $0x20, s24;
	s29 =	simm.s32 $0x91D0  }
0xf2: {  	[hbm4b:s26+s3] =	stream.linear.scatter [tilespmem:s29], [sflag:$0x3], $0x80, $0x38;
	[tilespmem:$0x10C00] =	vst v63  }
0xf3: {  	s26 =	sadd.s32 $0x30, s24;
	s29 =	simm.s32 $0x9258  }
0xf4: {  	[hbm4b:s26+s3] =	stream.linear.scatter [tilespmem:s29], [sflag:$0x3], $0x80, $0x38;
	[tilespmem:$0x10C00] =	vst v63  }
0xf5: {  	s26 =	sadd.s32 $0x40, s24;
	s29 =	simm.s32 $0x92E0  }
0xf6: {  	[hbm4b:s26+s3] =	stream.linear.scatter [tilespmem:s29], [sflag:$0x3], $0x80, $0x38;
	[tilespmem:$0x10C00] =	vst v63  }
0xf7: {  	s26 =	sadd.s32 $0x50, s24;
	s29 =	simm.s32 $0x9368  }
0xf8: {  	[hbm4b:s26+s3] =	stream.linear.scatter [tilespmem:s29], [sflag:$0x3], $0x80, $0x38;
	[tilespmem:$0x10C00] =	vst v63  }
0xf9: {  	s26 =	sadd.s32 $0x60, s24;
	s29 =	simm.s32 $0x93F0  }
0xfa: {  	[hbm4b:s26+s3] =	stream.linear.scatter [tilespmem:s29], [sflag:$0x3], $0x80, $0x38;
	[tilespmem:$0x10C00] =	vst v63  }
0xfb: {  	s26 =	sadd.s32 $0x70, s24;
	s29 =	simm.s32 $0x9478  }
0xfc: {  	[hbm4b:s26+s3] =	stream.linear.scatter [tilespmem:s29], [sflag:$0x3], $0x80, $0x38;
	[tilespmem:$0x10C00] =	vst v63  }
0xfd: {  	s26 =	sadd.s32 s25, s14;
	s29 =	simm.s32 $0x9500  }
0xfe: {  	[hbm4b:s26+s3] =	stream.linear.scatter [tilespmem:s29], [sflag:$0x3], $0x80, $0x38;
	[tilespmem:$0x10C00] =	vst v63  }
0xff: {  	s28 =	sadd.s32 $0x10, s26;
	s29 =	simm.s32 $0x9588  }
0x100: {  	[hbm4b:s28+s3] =	stream.linear.scatter [tilespmem:s29], [sflag:$0x3], $0x80, $0x38;
	[tilespmem:$0x10C00] =	vst v63  }
0x101: {  	s28 =	sadd.s32 $0x20, s26;
	s29 =	simm.s32 $0x9610  }
0x102: {  	[hbm4b:s28+s3] =	stream.linear.scatter [tilespmem:s29], [sflag:$0x3], $0x80, $0x38;
	[tilespmem:$0x10C00] =	vst v63  }
0x103: {  	s28 =	sadd.s32 $0x30, s26;
	s29 =	simm.s32 $0x9698  }
0x104: {  	[hbm4b:s28+s3] =	stream.linear.scatter [tilespmem:s29], [sflag:$0x3], $0x80, $0x38;
	[tilespmem:$0x10C00] =	vst v63  }
0x105: {  	s28 =	sadd.s32 $0x40, s26;
	s29 =	simm.s32 $0x9720  }
0x106: {  	[hbm4b:s28+s3] =	stream.linear.scatter [tilespmem:s29], [sflag:$0x3], $0x80, $0x38;
	[tilespmem:$0x10C00] =	vst v63  }
0x107: {  	s28 =	sadd.s32 $0x50, s26;
	s29 =	simm.s32 $0x97A8  }
0x108: {  	[hbm4b:s28+s3] =	stream.linear.scatter [tilespmem:s29], [sflag:$0x3], $0x80, $0x38;
	[tilespmem:$0x10C00] =	vst v63  }
0x109: {  	s28 =	sadd.s32 $0x60, s26;
	s29 =	simm.s32 $0x9830  }
0x10a: {  	[hbm4b:s28+s3] =	stream.linear.scatter [tilespmem:s29], [sflag:$0x3], $0x80, $0x38;
	[tilespmem:$0x10C00] =	vst v63  }
0x10b: {  	s26 =	sadd.s32 $0x70, s26;
	s29 =	simm.s32 $0x98B8  }
0x10c: {  	[hbm4b:s26+s3] =	stream.linear.scatter [tilespmem:s29], [sflag:$0x3], $0x80, $0x38;
	[tilespmem:$0x10C00] =	vst v63  }
0x10d: {  	s26 =	sadd.s32 $0x4000, s17;
	s29 =	simm.s32 $0x9940  }
0x10e: {  	[hbm4b:s26+s3] =	stream.linear.scatter [tilespmem:s29], [sflag:$0x3], $0x80, $0x38;
	[tilespmem:$0x10C00] =	vst v63  }
0x10f: {  	s26 =	sadd.s32 $0x4010, s17;
	s29 =	simm.s32 $0x99C8  }
0x110: {  	[hbm4b:s26+s3] =	stream.linear.scatter [tilespmem:s29], [sflag:$0x3], $0x80, $0x38;
	[tilespmem:$0x10C00] =	vst v63  }
0x111: {  	s26 =	sadd.s32 $0x4020, s17;
	s29 =	simm.s32 $0x9A50  }
0x112: {  	[hbm4b:s26+s3] =	stream.linear.scatter [tilespmem:s29], [sflag:$0x3], $0x80, $0x38;
	[tilespmem:$0x10C00] =	vst v63  }
0x113: {  	s26 =	sadd.s32 $0x4030, s17;
	s29 =	simm.s32 $0x9AD8  }
0x114: {  	[hbm4b:s26+s3] =	stream.linear.scatter [tilespmem:s29], [sflag:$0x3], $0x80, $0x38;
	[tilespmem:$0x10C00] =	vst v63  }
0x115: {  	s26 =	sadd.s32 $0x4040, s17;
	s29 =	simm.s32 $0x9B60  }
0x116: {  	[hbm4b:s26+s3] =	stream.linear.scatter [tilespmem:s29], [sflag:$0x3], $0x80, $0x38;
	[tilespmem:$0x10C00] =	vst v63  }
0x117: {  	s26 =	sadd.s32 $0x4050, s17;
	s29 =	simm.s32 $0x9BE8  }
0x118: {  	[hbm4b:s26+s3] =	stream.linear.scatter [tilespmem:s29], [sflag:$0x3], $0x80, $0x38;
	[tilespmem:$0x10C00] =	vst v63  }
0x119: {  	s26 =	sadd.s32 $0x4060, s17;
	s29 =	simm.s32 $0x9C70  }
0x11a: {  	[hbm4b:s26+s3] =	stream.linear.scatter [tilespmem:s29], [sflag:$0x3], $0x80, $0x38;
	[tilespmem:$0x10C00] =	vst v63  }
0x11b: {  	s26 =	sadd.s32 $0x4070, s17;
	s29 =	simm.s32 $0x9CF8  }
0x11c: {  	[hbm4b:s26+s3] =	stream.linear.scatter [tilespmem:s29], [sflag:$0x3], $0x80, $0x38;
	[tilespmem:$0x10C00] =	vst v63  }
0x11d: {  	s26 =	sadd.s32 $0x4000, s22;
	s29 =	simm.s32 $0x9D80  }
0x11e: {  	[hbm4b:s26+s3] =	stream.linear.scatter [tilespmem:s29], [sflag:$0x3], $0x80, $0x38;
	[tilespmem:$0x10C00] =	vst v63  }
0x11f: {  	s26 =	sadd.s32 $0x4010, s22;
	s29 =	simm.s32 $0x9E08  }
0x120: {  	[hbm4b:s26+s3] =	stream.linear.scatter [tilespmem:s29], [sflag:$0x3], $0x80, $0x38;
	[tilespmem:$0x10C00] =	vst v63  }
0x121: {  	s26 =	sadd.s32 $0x4020, s22;
	s29 =	simm.s32 $0x9E90  }
0x122: {  	[hbm4b:s26+s3] =	stream.linear.scatter [tilespmem:s29], [sflag:$0x3], $0x80, $0x38;
	[tilespmem:$0x10C00] =	vst v63  }
0x123: {  	s26 =	sadd.s32 $0x4030, s22;
	s29 =	simm.s32 $0x9F18  }
0x124: {  	[hbm4b:s26+s3] =	stream.linear.scatter [tilespmem:s29], [sflag:$0x3], $0x80, $0x38;
	[tilespmem:$0x10C00] =	vst v63  }
0x125: {  	s26 =	sadd.s32 $0x4040, s22;
	s29 =	simm.s32 $0x9FA0  }
0x126: {  	[hbm4b:s26+s3] =	stream.linear.scatter [tilespmem:s29], [sflag:$0x3], $0x80, $0x38;
	[tilespmem:$0x10C00] =	vst v63  }
0x127: {  	s26 =	sadd.s32 $0x4050, s22;
	s29 =	simm.s32 $0xA028  }
0x128: {  	[hbm4b:s26+s3] =	stream.linear.scatter [tilespmem:s29], [sflag:$0x3], $0x80, $0x38;
	[tilespmem:$0x10C00] =	vst v63  }
0x129: {  	s26 =	sadd.s32 $0x4060, s22;
	s29 =	simm.s32 $0xA0B0  }
0x12a: {  	[hbm4b:s26+s3] =	stream.linear.scatter [tilespmem:s29], [sflag:$0x3], $0x80, $0x38;
	[tilespmem:$0x10C00] =	vst v63  }
0x12b: {  	s26 =	sadd.s32 $0x4070, s22;
	s29 =	simm.s32 $0xA138  }
0x12c: {  	[hbm4b:s26+s3] =	stream.linear.scatter [tilespmem:s29], [sflag:$0x3], $0x80, $0x38;
	[tilespmem:$0x10C00] =	vst v63  }
0x12d: {  	s26 =	sadd.s32 $0x4000, s24;
	s29 =	simm.s32 $0xA1C0  }
0x12e: {  	[hbm4b:s26+s3] =	stream.linear.scatter [tilespmem:s29], [sflag:$0x3], $0x80, $0x38;
	[tilespmem:$0x10C00] =	vst v63  }
0x12f: {  	s26 =	sadd.s32 $0x4010, s24;
	s29 =	simm.s32 $0xA248  }
0x130: {  	[hbm4b:s26+s3] =	stream.linear.scatter [tilespmem:s29], [sflag:$0x3], $0x80, $0x38;
	[tilespmem:$0x10C00] =	vst v63  }
0x131: {  	s26 =	sadd.s32 $0x4020, s24;
	s29 =	simm.s32 $0xA2D0  }
0x132: {  	[hbm4b:s26+s3] =	stream.linear.scatter [tilespmem:s29], [sflag:$0x3], $0x80, $0x38;
	[tilespmem:$0x10C00] =	vst v63  }
0x133: {  	s26 =	sadd.s32 $0x4030, s24;
	s29 =	simm.s32 $0xA358  }
0x134: {  	[hbm4b:s26+s3] =	stream.linear.scatter [tilespmem:s29], [sflag:$0x3], $0x80, $0x38;
	[tilespmem:$0x10C00] =	vst v63  }
0x135: {  	s26 =	sadd.s32 $0x4040, s24;
	s29 =	simm.s32 $0xA3E0  }
0x136: {  	[hbm4b:s26+s3] =	stream.linear.scatter [tilespmem:s29], [sflag:$0x3], $0x80, $0x38;
	[tilespmem:$0x10C00] =	vst v63  }
0x137: {  	s26 =	sadd.s32 $0x4050, s24;
	s29 =	simm.s32 $0xA468  }
0x138: {  	[hbm4b:s26+s3] =	stream.linear.scatter [tilespmem:s29], [sflag:$0x3], $0x80, $0x38;
	[tilespmem:$0x10C00] =	vst v63  }
0x139: {  	s26 =	sadd.s32 $0x4060, s24;
	s29 =	simm.s32 $0xA4F0  }
0x13a: {  	[hbm4b:s26+s3] =	stream.linear.scatter [tilespmem:s29], [sflag:$0x3], $0x80, $0x38;
	[tilespmem:$0x10C00] =	vst v63  }
0x13b: {  	s26 =	sadd.s32 $0x4070, s24;
	s29 =	simm.s32 $0xA578  }
0x13c: {  	[hbm4b:s26+s3] =	stream.linear.scatter [tilespmem:s29], [sflag:$0x3], $0x80, $0x38;
	[tilespmem:$0x10C00] =	vst v63  }
0x13d: {  	s26 =	sadd.s32 s25, s15;
	s29 =	simm.s32 $0xA600  }
0x13e: {  	[hbm4b:s26+s3] =	stream.linear.scatter [tilespmem:s29], [sflag:$0x3], $0x80, $0x38;
	[tilespmem:$0x10C00] =	vst v63  }
0x13f: {  	s28 =	sadd.s32 $0x10, s26;
	s29 =	simm.s32 $0xA688  }
0x140: {  	[hbm4b:s28+s3] =	stream.linear.scatter [tilespmem:s29], [sflag:$0x3], $0x80, $0x38;
	[tilespmem:$0x10C00] =	vst v63  }
0x141: {  	s28 =	sadd.s32 $0x20, s26;
	s29 =	simm.s32 $0xA710  }
0x142: {  	[hbm4b:s28+s3] =	stream.linear.scatter [tilespmem:s29], [sflag:$0x3], $0x80, $0x38;
	[tilespmem:$0x10C00] =	vst v63  }
0x143: {  	s28 =	sadd.s32 $0x30, s26;
	s29 =	simm.s32 $0xA798  }
0x144: {  	[hbm4b:s28+s3] =	stream.linear.scatter [tilespmem:s29], [sflag:$0x3], $0x80, $0x38;
	[tilespmem:$0x10C00] =	vst v63  }
0x145: {  	s28 =	sadd.s32 $0x40, s26;
	s29 =	simm.s32 $0xA820  }
0x146: {  	[hbm4b:s28+s3] =	stream.linear.scatter [tilespmem:s29], [sflag:$0x3], $0x80, $0x38;
	[tilespmem:$0x10C00] =	vst v63  }
0x147: {  	s28 =	sadd.s32 $0x50, s26;
	s29 =	simm.s32 $0xA8A8  }
0x148: {  	[hbm4b:s28+s3] =	stream.linear.scatter [tilespmem:s29], [sflag:$0x3], $0x80, $0x38;
	[tilespmem:$0x10C00] =	vst v63  }
0x149: {  	s28 =	sadd.s32 $0x60, s26;
	s29 =	simm.s32 $0xA930  }
0x14a: {  	[hbm4b:s28+s3] =	stream.linear.scatter [tilespmem:s29], [sflag:$0x3], $0x80, $0x38;
	[tilespmem:$0x10C00] =	vst v63  }
0x14b: {  	s26 =	sadd.s32 $0x70, s26;
	s29 =	simm.s32 $0xA9B8  }
0x14c: {  	[hbm4b:s26+s3] =	stream.linear.scatter [tilespmem:s29], [sflag:$0x3], $0x80, $0x38;
	[tilespmem:$0x10C00] =	vst v63  }
0x14d: {  	s26 =	sadd.s32 $0x8000, s17;
	s29 =	simm.s32 $0xAA40  }
0x14e: {  	[hbm4b:s26+s3] =	stream.linear.scatter [tilespmem:s29], [sflag:$0x3], $0x80, $0x38;
	[tilespmem:$0x10C00] =	vst v63  }
0x14f: {  	s26 =	sadd.s32 $0x8010, s17;
	s29 =	simm.s32 $0xAAC8  }
0x150: {  	[hbm4b:s26+s3] =	stream.linear.scatter [tilespmem:s29], [sflag:$0x3], $0x80, $0x38;
	[tilespmem:$0x10C00] =	vst v63  }
0x151: {  	s26 =	sadd.s32 $0x8020, s17;
	s29 =	simm.s32 $0xAB50  }
0x152: {  	[hbm4b:s26+s3] =	stream.linear.scatter [tilespmem:s29], [sflag:$0x3], $0x80, $0x38;
	[tilespmem:$0x10C00] =	vst v63  }
0x153: {  	s26 =	sadd.s32 $0x8030, s17;
	s29 =	simm.s32 $0xABD8  }
0x154: {  	[hbm4b:s26+s3] =	stream.linear.scatter [tilespmem:s29], [sflag:$0x3], $0x80, $0x38;
	[tilespmem:$0x10C00] =	vst v63  }
0x155: {  	s26 =	sadd.s32 $0x8040, s17;
	s29 =	simm.s32 $0xAC60  }
0x156: {  	[hbm4b:s26+s3] =	stream.linear.scatter [tilespmem:s29], [sflag:$0x3], $0x80, $0x38;
	[tilespmem:$0x10C00] =	vst v63  }
0x157: {  	s26 =	sadd.s32 $0x8050, s17;
	s29 =	simm.s32 $0xACE8  }
0x158: {  	[hbm4b:s26+s3] =	stream.linear.scatter [tilespmem:s29], [sflag:$0x3], $0x80, $0x38;
	[tilespmem:$0x10C00] =	vst v63  }
0x159: {  	s26 =	sadd.s32 $0x8060, s17;
	s29 =	simm.s32 $0xAD70  }
0x15a: {  	[hbm4b:s26+s3] =	stream.linear.scatter [tilespmem:s29], [sflag:$0x3], $0x80, $0x38;
	[tilespmem:$0x10C00] =	vst v63  }
0x15b: {  	s26 =	sadd.s32 $0x8070, s17;
	s29 =	simm.s32 $0xADF8  }
0x15c: {  	[hbm4b:s26+s3] =	stream.linear.scatter [tilespmem:s29], [sflag:$0x3], $0x80, $0x38;
	[tilespmem:$0x10C00] =	vst v63  }
0x15d: {  	s26 =	sadd.s32 $0x8000, s22;
	s29 =	simm.s32 $0xAE80  }
0x15e: {  	[hbm4b:s26+s3] =	stream.linear.scatter [tilespmem:s29], [sflag:$0x3], $0x80, $0x38;
	[tilespmem:$0x10C00] =	vst v63  }
0x15f: {  	s26 =	sadd.s32 $0x8010, s22;
	s29 =	simm.s32 $0xAF08  }
0x160: {  	[hbm4b:s26+s3] =	stream.linear.scatter [tilespmem:s29], [sflag:$0x3], $0x80, $0x38;
	[tilespmem:$0x10C00] =	vst v63  }
0x161: {  	s26 =	sadd.s32 $0x8020, s22;
	s29 =	simm.s32 $0xAF90  }
0x162: {  	[hbm4b:s26+s3] =	stream.linear.scatter [tilespmem:s29], [sflag:$0x3], $0x80, $0x38;
	[tilespmem:$0x10C00] =	vst v63  }
0x163: {  	s26 =	sadd.s32 $0x8030, s22;
	s29 =	simm.s32 $0xB018  }
0x164: {  	[hbm4b:s26+s3] =	stream.linear.scatter [tilespmem:s29], [sflag:$0x3], $0x80, $0x38;
	[tilespmem:$0x10C00] =	vst v63  }
0x165: {  	s26 =	sadd.s32 $0x8040, s22;
	s29 =	simm.s32 $0xB0A0  }
0x166: {  	[hbm4b:s26+s3] =	stream.linear.scatter [tilespmem:s29], [sflag:$0x3], $0x80, $0x38;
	[tilespmem:$0x10C00] =	vst v63  }
0x167: {  	s26 =	sadd.s32 $0x8050, s22;
	s29 =	simm.s32 $0xB128  }
0x168: {  	[hbm4b:s26+s3] =	stream.linear.scatter [tilespmem:s29], [sflag:$0x3], $0x80, $0x38;
	[tilespmem:$0x10C00] =	vst v63  }
0x169: {  	s26 =	sadd.s32 $0x8060, s22;
	s29 =	simm.s32 $0xB1B0  }
0x16a: {  	[hbm4b:s26+s3] =	stream.linear.scatter [tilespmem:s29], [sflag:$0x3], $0x80, $0x38;
	[tilespmem:$0x10C00] =	vst v63  }
0x16b: {  	s26 =	sadd.s32 $0x8070, s22;
	s29 =	simm.s32 $0xB238  }
0x16c: {  	[hbm4b:s26+s3] =	stream.linear.scatter [tilespmem:s29], [sflag:$0x3], $0x80, $0x38;
	[tilespmem:$0x10C00] =	vst v63  }
0x16d: {  	s26 =	sadd.s32 $0x8000, s24;
	s29 =	simm.s32 $0xB2C0  }
0x16e: {  	[hbm4b:s26+s3] =	stream.linear.scatter [tilespmem:s29], [sflag:$0x3], $0x80, $0x38;
	[tilespmem:$0x10C00] =	vst v63  }
0x16f: {  	s26 =	sadd.s32 $0x8010, s24;
	s29 =	simm.s32 $0xB348  }
0x170: {  	[hbm4b:s26+s3] =	stream.linear.scatter [tilespmem:s29], [sflag:$0x3], $0x80, $0x38;
	[tilespmem:$0x10C00] =	vst v63  }
0x171: {  	s26 =	sadd.s32 $0x8020, s24;
	s29 =	simm.s32 $0xB3D0  }
0x172: {  	[hbm4b:s26+s3] =	stream.linear.scatter [tilespmem:s29], [sflag:$0x3], $0x80, $0x38;
	[tilespmem:$0x10C00] =	vst v63  }
0x173: {  	s26 =	sadd.s32 $0x8030, s24;
	s29 =	simm.s32 $0xB458  }
0x174: {  	[hbm4b:s26+s3] =	stream.linear.scatter [tilespmem:s29], [sflag:$0x3], $0x80, $0x38;
	[tilespmem:$0x10C00] =	vst v63  }
0x175: {  	s26 =	sadd.s32 $0x8040, s24;
	s29 =	simm.s32 $0xB4E0  }
0x176: {  	[hbm4b:s26+s3] =	stream.linear.scatter [tilespmem:s29], [sflag:$0x3], $0x80, $0x38;
	[tilespmem:$0x10C00] =	vst v63  }
0x177: {  	s26 =	sadd.s32 $0x8050, s24;
	s29 =	simm.s32 $0xB568  }
0x178: {  	[hbm4b:s26+s3] =	stream.linear.scatter [tilespmem:s29], [sflag:$0x3], $0x80, $0x38;
	[tilespmem:$0x10C00] =	vst v63  }
0x179: {  	s26 =	sadd.s32 $0x8060, s24;
	s29 =	simm.s32 $0xB5F0  }
0x17a: {  	[hbm4b:s26+s3] =	stream.linear.scatter [tilespmem:s29], [sflag:$0x3], $0x80, $0x38;
	[tilespmem:$0x10C00] =	vst v63  }
0x17b: {  	s26 =	sadd.s32 $0x8070, s24;
	s29 =	simm.s32 $0xB678  }
0x17c: {  	[hbm4b:s26+s3] =	stream.linear.scatter [tilespmem:s29], [sflag:$0x3], $0x80, $0x38;
	[tilespmem:$0x10C00] =	vst v63  }
0x17d: {  	s25 =	sadd.s32 s25, s16;
	s28 =	simm.s32 $0xB700  }
0x17e: {  	[hbm4b:s25+s3] =	stream.linear.scatter [tilespmem:s28], [sflag:$0x3], $0x80, $0x38;
	[tilespmem:$0x10C00] =	vst v63  }
0x17f: {  	s26 =	sadd.s32 $0x10, s25;
	s29 =	simm.s32 $0xB788  }
0x180: {  	[hbm4b:s26+s3] =	stream.linear.scatter [tilespmem:s29], [sflag:$0x3], $0x80, $0x38;
	[tilespmem:$0x10C00] =	vst v63  }
0x181: {  	s26 =	sadd.s32 $0x20, s25;
	s29 =	simm.s32 $0xB810  }
0x182: {  	[hbm4b:s26+s3] =	stream.linear.scatter [tilespmem:s29], [sflag:$0x3], $0x80, $0x38;
	[tilespmem:$0x10C00] =	vst v63  }
0x183: {  	s26 =	sadd.s32 $0x30, s25;
	s29 =	simm.s32 $0xB898  }
0x184: {  	[hbm4b:s26+s3] =	stream.linear.scatter [tilespmem:s29], [sflag:$0x3], $0x80, $0x38;
	[tilespmem:$0x10C00] =	vst v63  }
0x185: {  	s26 =	sadd.s32 $0x40, s25;
	s29 =	simm.s32 $0xB920  }
0x186: {  	[hbm4b:s26+s3] =	stream.linear.scatter [tilespmem:s29], [sflag:$0x3], $0x80, $0x38;
	[tilespmem:$0x10C00] =	vst v63  }
0x187: {  	s26 =	sadd.s32 $0x50, s25;
	s29 =	simm.s32 $0xB9A8  }
0x188: {  	[hbm4b:s26+s3] =	stream.linear.scatter [tilespmem:s29], [sflag:$0x3], $0x80, $0x38;
	[tilespmem:$0x10C00] =	vst v63  }
0x189: {  	s26 =	sadd.s32 $0x60, s25;
	s29 =	simm.s32 $0xBA30  }
0x18a: {  	[hbm4b:s26+s3] =	stream.linear.scatter [tilespmem:s29], [sflag:$0x3], $0x80, $0x38;
	[tilespmem:$0x10C00] =	vst v63  }
0x18b: {  	s25 =	sadd.s32 $0x70, s25;
	s29 =	simm.s32 $0xBAB8  }
0x18c: {  	[hbm4b:s25+s3] =	stream.linear.scatter [tilespmem:s29], [sflag:$0x3], $0x80, $0x38;
	[tilespmem:$0x10C00] =	vst v63  }
0x18d: {  	s28 =	sadd.s32 $0xC000, s17;
	s29 =	simm.s32 $0xBB40  }
0x18e: {  	[hbm4b:s28+s3] =	stream.linear.scatter [tilespmem:s29], [sflag:$0x3], $0x80, $0x38;
	[tilespmem:$0x10C00] =	vst v63  }
0x18f: {  	s28 =	sadd.s32 $0xC010, s17;
	s29 =	simm.s32 $0xBBC8  }
0x190: {  	[hbm4b:s28+s3] =	stream.linear.scatter [tilespmem:s29], [sflag:$0x3], $0x80, $0x38;
	[tilespmem:$0x10C00] =	vst v63  }
0x191: {  	s28 =	sadd.s32 $0xC020, s17;
	s29 =	simm.s32 $0xBC50  }
0x192: {  	[hbm4b:s28+s3] =	stream.linear.scatter [tilespmem:s29], [sflag:$0x3], $0x80, $0x38;
	[tilespmem:$0x10C00] =	vst v63  }
0x193: {  	s28 =	sadd.s32 $0xC030, s17;
	s29 =	simm.s32 $0xBCD8  }
0x194: {  	[hbm4b:s28+s3] =	stream.linear.scatter [tilespmem:s29], [sflag:$0x3], $0x80, $0x38;
	[tilespmem:$0x10C00] =	vst v63  }
0x195: {  	s28 =	sadd.s32 $0xC040, s17;
	s29 =	simm.s32 $0xBD60  }
0x196: {  	[hbm4b:s28+s3] =	stream.linear.scatter [tilespmem:s29], [sflag:$0x3], $0x80, $0x38;
	[tilespmem:$0x10C00] =	vst v63  }
0x197: {  	s28 =	sadd.s32 $0xC050, s17;
	s29 =	simm.s32 $0xBDE8  }
0x198: {  	[hbm4b:s28+s3] =	stream.linear.scatter [tilespmem:s29], [sflag:$0x3], $0x80, $0x38;
	[tilespmem:$0x10C00] =	vst v63  }
0x199: {  	s28 =	sadd.s32 $0xC060, s17;
	s29 =	simm.s32 $0xBE70  }
0x19a: {  	[hbm4b:s28+s3] =	stream.linear.scatter [tilespmem:s29], [sflag:$0x3], $0x80, $0x38;
	[tilespmem:$0x10C00] =	vst v63  }
0x19b: {  	s26 =	simm.s32 $0xBEF8;
	s17 =	sadd.s32 $0xC070, s17  }
0x19c: {  	[hbm4b:s17+s3] =	stream.linear.scatter [tilespmem:s26], [sflag:$0x3], $0x80, $0x38;
	[tilespmem:$0x10C00] =	vst v63  }
0x19d: {  	s28 =	sadd.s32 $0xC000, s22;
	s29 =	simm.s32 $0xBF80  }
0x19e: {  	[hbm4b:s28+s3] =	stream.linear.scatter [tilespmem:s29], [sflag:$0x3], $0x80, $0x38;
	[tilespmem:$0x10C00] =	vst v63  }
0x19f: {  	s25 =	sadd.s32 $0xC010, s22;
	s26 =	simm.s32 $0xC008  }
0x1a0: {  	[hbm4b:s25+s3] =	stream.linear.scatter [tilespmem:s26], [sflag:$0x3], $0x80, $0x38;
	[tilespmem:$0x10C00] =	vst v63  }
0x1a1: {  	s28 =	sadd.s32 $0xC020, s22;
	s29 =	simm.s32 $0xC090  }
0x1a2: {  	[hbm4b:s28+s3] =	stream.linear.scatter [tilespmem:s29], [sflag:$0x3], $0x80, $0x38;
	[tilespmem:$0x10C00] =	vst v63  }
0x1a3: {  	s25 =	sadd.s32 $0xC030, s22;
	s26 =	simm.s32 $0xC118  }
0x1a4: {  	[hbm4b:s25+s3] =	stream.linear.scatter [tilespmem:s26], [sflag:$0x3], $0x80, $0x38;
	[tilespmem:$0x10C00] =	vst v63  }
0x1a5: {  	s28 =	sadd.s32 $0xC040, s22;
	s29 =	simm.s32 $0xC1A0  }
0x1a6: {  	[hbm4b:s28+s3] =	stream.linear.scatter [tilespmem:s29], [sflag:$0x3], $0x80, $0x38;
	[tilespmem:$0x10C00] =	vst v63  }
0x1a7: {  	s25 =	sadd.s32 $0xC050, s22;
	s26 =	simm.s32 $0xC228  }
0x1a8: {  	[hbm4b:s25+s3] =	stream.linear.scatter [tilespmem:s26], [sflag:$0x3], $0x80, $0x38;
	[tilespmem:$0x10C00] =	vst v63  }
0x1a9: {  	s28 =	sadd.s32 $0xC060, s22;
	s29 =	simm.s32 $0xC2B0  }
0x1aa: {  	[hbm4b:s28+s3] =	stream.linear.scatter [tilespmem:s29], [sflag:$0x3], $0x80, $0x38;
	[tilespmem:$0x10C00] =	vst v63  }
0x1ab: {  	s25 =	sadd.s32 $0xC070, s22;
	s26 =	simm.s32 $0xC338  }
0x1ac: {  	[hbm4b:s25+s3] =	stream.linear.scatter [tilespmem:s26], [sflag:$0x3], $0x80, $0x38;
	[tilespmem:$0x10C00] =	vst v63  }
0x1ad: {  	s28 =	sadd.s32 $0xC000, s24;
	s29 =	simm.s32 $0xC3C0  }
0x1ae: {  	[hbm4b:s28+s3] =	stream.linear.scatter [tilespmem:s29], [sflag:$0x3], $0x80, $0x38;
	[tilespmem:$0x10C00] =	vst v63  }
0x1af: {  	s25 =	sadd.s32 $0xC010, s24;
	s26 =	simm.s32 $0xC448  }
0x1b0: {  	[hbm4b:s25+s3] =	stream.linear.scatter [tilespmem:s26], [sflag:$0x3], $0x80, $0x38;
	[tilespmem:$0x10C00] =	vst v63  }
0x1b1: {  	s28 =	sadd.s32 $0xC020, s24;
	s29 =	simm.s32 $0xC4D0  }
0x1b2: {  	[hbm4b:s28+s3] =	stream.linear.scatter [tilespmem:s29], [sflag:$0x3], $0x80, $0x38;
	[tilespmem:$0x10C00] =	vst v63  }
0x1b3: {  	s25 =	sadd.s32 $0xC030, s24;
	s26 =	simm.s32 $0xC558  }
0x1b4: {  	[hbm4b:s25+s3] =	stream.linear.scatter [tilespmem:s26], [sflag:$0x3], $0x80, $0x38;
	[tilespmem:$0x10C00] =	vst v63  }
0x1b5: {  	s28 =	sadd.s32 $0xC040, s24;
	s29 =	simm.s32 $0xC5E0  }
0x1b6: {  	[hbm4b:s28+s3] =	stream.linear.scatter [tilespmem:s29], [sflag:$0x3], $0x80, $0x38;
	[tilespmem:$0x10C00] =	vst v63  }
0x1b7: {  	s20 =	sor.u32 $0x1, s20;
	s25 =	sadd.s32 $0xC050, s24;
	s26 =	simm.s32 $0xC668  }
0x1b8: {  	[hbm4b:s25+s3] =	stream.linear.scatter [tilespmem:s26], [sflag:$0x3], $0x80, $0x38;
	[tilespmem:$0x10C00] =	vst v63  }
0x1b9: {  	p1 =	sgt.u32 s20, $0x30;
	s28 =	sadd.s32 $0xC060, s24;
	s29 =	simm.s32 $0xC6F0  }
0x1ba: {  	[hbm4b:s28+s3] =	stream.linear.scatter [tilespmem:s29], [sflag:$0x3], $0x80, $0x38;
	[tilespmem:$0x10C00] =	vst v63  }
0x1bb: {  	s17 =	simm.s32 @p1 $0x2;
	s22 =	sadd.s32 $0xC070, s24;
	s24 =	simm.s32 $0xC778  }
0x1bc: {  	[hbm4b:s22+s3] =	stream.linear.scatter [tilespmem:s24], [sflag:$0x3], $0x80, $0x38;
	[tilespmem:$0x10C00] =	vst v63  }
0x1bd: {  	s2 =	sadd.s32 @!p1 s10, s2;
	_ =	swait.ge @p1 [sflag:s17], $0x4000  }
0x1be: {  	s2 =	sshrl.u32 @!p1 s2, $0x3;
	[sflag:s17] =	ssyncset.done @p1 $0x0  }
0x1bf: {  	s2 =	sadd.s32 @!p1 s4, s2;
	[sflag:s17] =	ssyncadd.s32 @p1 $0xFFFFC000;
	s17 =	simm.s32 @!p1 $0x0  }
0x1c0: {  	[tilespmem:s17], [sflag:$0x5] =	stream.linear.gather @!p1 [hbm4b:s2+s17], $0x200, $0x38;
	[tilespmem:$0x10C00] =	vst v63  }
0x1c1: {  	s2 =	simm.s32 @!p1 $0x5  }
0x1c2: {  	_ =	swait.ge @!p1 [sflag:s2], $0x200  }
0x1c3: {  	[sflag:s2] =	ssyncset.done @!p1 $0x0  }
0x1c4: {  	[sflag:s2] =	ssyncadd.s32 @!p1 $0xFFFFFE00;
	s2 =	simm.s32 @!p1 $0x2  }
0x1c5: {  	_ =	swait.ge @!p1 [sflag:s2], $0x4000  }
0x1c6: {  	[sflag:s2] =	ssyncset.done @!p1 $0x0  }
0x1c7: {  	s22 =	simm.s32 @!p1 $0x400;
	[sflag:s2] =	ssyncadd.s32 @!p1 $0xFFFFC000;
	s2 =	simm.s32 @!p1 $0x200  }
0x1c8: {  	[tilespmem:s22], [sflag:$0x1] =	stream.indirect.gather @!p1 [hbm4b:s5+s2], $0x20, s17, s2, $0xb8;
	[tilespmem:$0x10C00] =	vst v63  }
0x1c9: {  	s17 =	simm.s32 @!p0 $0x4  }
0x1ca: {  	_ =	swait.ge @!p0 [sflag:s17], $0x400  }
0x1cb: {  	[sflag:s17] =	ssyncset.done @!p0 $0x0  }
0x1cc: {  	[sflag:s17] =	ssyncadd.s32 @!p0 $0xFFFFFC00  }
0x1cd: {  	_ =	swait.ge @!p0 [sflag:s17], $0x400  }
0x1ce: {  	[sflag:s17] =	ssyncset.done @!p0 $0x0  }
0x1cf: {  	[sflag:s17] =	ssyncadd.s32 @!p0 $0xFFFFFC00  }
0x1d0: {  	_ =	swait.ge @!p0 [sflag:s17], $0x400  }
0x1d1: {  	[sflag:s17] =	ssyncset.done @!p0 $0x0  }
0x1d2: {  	[sflag:s17] =	ssyncadd.s32 @!p0 $0xFFFFFC00  }
0x1d3: {  	_ =	swait.ge @!p0 [sflag:s17], $0x400  }
0x1d4: {  	[sflag:s17] =	ssyncset.done @!p0 $0x0  }
0x1d5: {  	[sflag:s17] =	ssyncadd.s32 @!p0 $0xFFFFFC00  }
0x1d6: {  	_ =	swait.ge @!p0 [sflag:s17], $0x400  }
0x1d7: {  	[sflag:s17] =	ssyncset.done @!p0 $0x0  }
0x1d8: {  	[sflag:s17] =	ssyncadd.s32 @!p0 $0xFFFFFC00  }
0x1d9: {  	_ =	swait.ge @!p0 [sflag:s17], $0x400  }
0x1da: {  	[sflag:s17] =	ssyncset.done @!p0 $0x0  }
0x1db: {  	[sflag:s17] =	ssyncadd.s32 @!p0 $0xFFFFFC00  }
0x1dc: {  	_ =	swait.ge @!p0 [sflag:s17], $0x400  }
0x1dd: {  	[sflag:s17] =	ssyncset.done @!p0 $0x0  }
0x1de: {  	[sflag:s17] =	ssyncadd.s32 @!p0 $0xFFFFFC00  }
0x1df: {  	_ =	swait.ge @!p0 [sflag:s17], $0x400  }
0x1e0: {  	[sflag:s17] =	ssyncset.done @!p0 $0x0  }
0x1e1: {  	[sflag:s17] =	ssyncadd.s32 @!p0 $0xFFFFFC00  }
0x1e2: {  	_ =	swait.ge @!p0 [sflag:s17], $0x400  }
0x1e3: {  	[sflag:s17] =	ssyncset.done @!p0 $0x0  }
0x1e4: {  	[sflag:s17] =	ssyncadd.s32 @!p0 $0xFFFFFC00  }
0x1e5: {  	_ =	swait.ge @!p0 [sflag:s17], $0x400  }
0x1e6: {  	[sflag:s17] =	ssyncset.done @!p0 $0x0  }
0x1e7: {  	[sflag:s17] =	ssyncadd.s32 @!p0 $0xFFFFFC00  }
0x1e8: {  	_ =	swait.ge @!p0 [sflag:s17], $0x400  }
0x1e9: {  	[sflag:s17] =	ssyncset.done @!p0 $0x0  }
0x1ea: {  	[sflag:s17] =	ssyncadd.s32 @!p0 $0xFFFFFC00  }
0x1eb: {  	_ =	swait.ge @!p0 [sflag:s17], $0x400  }
0x1ec: {  	[sflag:s17] =	ssyncset.done @!p0 $0x0  }
0x1ed: {  	[sflag:s17] =	ssyncadd.s32 @!p0 $0xFFFFFC00  }
0x1ee: {  	_ =	swait.ge @!p0 [sflag:s17], $0x400  }
0x1ef: {  	[sflag:s17] =	ssyncset.done @!p0 $0x0  }
0x1f0: {  	[sflag:s17] =	ssyncadd.s32 @!p0 $0xFFFFFC00  }
0x1f1: {  	_ =	swait.ge @!p0 [sflag:s17], $0x400  }
0x1f2: {  	s25 =	simm.s32 $0x0;
	[sflag:s17] =	ssyncset.done @!p0 $0x0  }
0x1f3: {  	s2 =	simm.s32 $0x0;
	s22 =	sand.u32 $0x18, s25;
	[sflag:s17] =	ssyncadd.s32 @!p0 $0xFFFFFC00  }
0x1f4: {  	s26 =	sand.u32 $0x78, s2;
	v3 =	vmov s22;
	_ =	swait.ge @!p0 [sflag:s17], $0x400  }
0x1f5: {  	v4 =	vmov s26;
	v3 =	vmul.u32 $0x88, v3;
	[sflag:s17] =	ssyncset.done @!p0 $0x0  }
0x1f6: {  	v4 =	vshrl.u32 v4, $0x3;
	[sflag:s17] =	ssyncadd.s32 @!p0 $0xFFFFFC00  }
0x1f7: {  	v4 =	vshll.u32 v4, v1;
	v3 =	vbroadcast v3, $0x0;
	_ =	swait.ge @!p0 [sflag:s17], $0x400  }
0x1f8: {  	v4 =	vbroadcast v4, $0x0;
	[sflag:s17] =	ssyncset.done @!p0 $0x0  }
0x1f9: {  	s28 =	simm.s32 $0x1;
	v5 =	vadd.s32 v0, v3;
	[sflag:s17] =	ssyncadd.s32 @!p0 $0xFFFFFC00;
	s17 =	simm.s32 $0x4480  }
0x1fa: {  	s22 =	sand.u32 $0x78, s28;
	v6 =	vadd.s32 v2, v3;
	v3 =	vadd.s32 v4, v5;
	v7 =	vld [tilespmem:s17+$0xFFFFFF80]  }
0x1fb: {  	v8 =	vmov s22;
	v4 =	vadd.s32 v4, v6;
	v9 =	vld [tilespmem:s17+$0xFFFFFF90]  }
0x1fc: {  	v8 =	vshrl.u32 v8, $0x3  }
0x1fd: {  	v8 =	vshll.u32 v8, v1  }
0x1fe: {  	v8 =	vbroadcast v8, $0x0  }
0x1ff: {  	[tilespmem:v3+s8+$0x0] =	vst.idx.msk $0xffff, v7  }
0x200: {  	s29 =	simm.s32 $0x2;
	v3 =	vadd.s32 v8, v5;
	[tilespmem:v4+s8+$0x0] =	vst.idx.msk $0xffff, v9  }
0x201: {  	s22 =	sand.u32 $0x78, s29;
	v4 =	vadd.s32 v8, v6;
	v3 =	vor.u32 $0x1, v3;
	v7 =	vld [tilespmem:s17+$0xFFFFFFA0]  }
0x202: {  	v8 =	vmov s22;
	v4 =	vor.u32 $0x1, v4;
	v9 =	vld [tilespmem:s17+$0xFFFFFFB0]  }
0x203: {  	v8 =	vshrl.u32 v8, $0x3  }
0x204: {  	v8 =	vshll.u32 v8, v1  }
0x205: {  	v8 =	vbroadcast v8, $0x0  }
0x206: {  	[tilespmem:v3+s8+$0x0] =	vst.idx.msk $0xffff, v7  }
0x207: {  	s24 =	simm.s32 $0x3;
	v3 =	vadd.s32 v8, v5;
	[tilespmem:v4+s8+$0x0] =	vst.idx.msk $0xffff, v9  }
0x208: {  	s22 =	sand.u32 $0x78, s24;
	v4 =	vadd.s32 v8, v6;
	v3 =	vor.u32 $0x2, v3;
	v7 =	vld [tilespmem:s17+$0xFFFFFFC0]  }
0x209: {  	v8 =	vmov s22;
	v4 =	vor.u32 $0x2, v4;
	v9 =	vld [tilespmem:s17+$0xFFFFFFD0]  }
0x20a: {  	v8 =	vshrl.u32 v8, $0x3  }
0x20b: {  	v8 =	vshll.u32 v8, v1  }
0x20c: {  	v8 =	vbroadcast v8, $0x0  }
0x20d: {  	[tilespmem:v3+s8+$0x0] =	vst.idx.msk $0xffff, v7  }
0x20e: {  	s25 =	simm.s32 $0x4;
	v3 =	vadd.s32 v8, v5;
	[tilespmem:v4+s8+$0x0] =	vst.idx.msk $0xffff, v9  }
0x20f: {  	s22 =	sand.u32 $0x78, s25;
	v4 =	vadd.s32 v8, v6;
	v3 =	vor.u32 $0x3, v3;
	v7 =	vld [tilespmem:s17+$0xFFFFFFE0]  }
0x210: {  	v8 =	vmov s22;
	v4 =	vor.u32 $0x3, v4;
	v9 =	vld [tilespmem:s17+$0xFFFFFFF0]  }
0x211: {  	v8 =	vshrl.u32 v8, $0x3  }
0x212: {  	v8 =	vshll.u32 v8, v1  }
0x213: {  	v8 =	vbroadcast v8, $0x0  }
0x214: {  	[tilespmem:v3+s8+$0x0] =	vst.idx.msk $0xffff, v7  }
0x215: {  	s26 =	simm.s32 $0x5;
	v3 =	vadd.s32 v8, v5;
	[tilespmem:v4+s8+$0x0] =	vst.idx.msk $0xffff, v9  }
0x216: {  	s22 =	sand.u32 $0x78, s26;
	v4 =	vadd.s32 v8, v6;
	v3 =	vor.u32 $0x4, v3;
	v7 =	vld [tilespmem:s17+$0x0]  }
0x217: {  	v8 =	vmov s22;
	v4 =	vor.u32 $0x4, v4;
	v9 =	vld [tilespmem:s17+$0x10]  }
0x218: {  	v8 =	vshrl.u32 v8, $0x3  }
0x219: {  	v8 =	vshll.u32 v8, v1  }
0x21a: {  	s28 =	simm.s32 $0x7;
	s29 =	simm.s32 $0x6;
	v8 =	vbroadcast v8, $0x0  }
0x21b: {  	s24 =	sand.u32 $0x78, s29;
	s22 =	sand.u32 $0x78, s28;
	[tilespmem:v3+s8+$0x0] =	vst.idx.msk $0xffff, v7  }
0x21c: {  	v10 =	vadd.s32 v8, v5;
	v3 =	vmov s22;
	v7 =	vmov s24;
	[tilespmem:v4+s8+$0x0] =	vst.idx.msk $0xffff, v9  }
0x21d: {  	v3 =	vshrl.u32 v3, $0x3;
	v4 =	vadd.s32 v8, v6;
	v8 =	vor.u32 $0x5, v10;
	v9 =	vld [tilespmem:s17+$0x20]  }
0x21e: {  	v7 =	vshrl.u32 v7, $0x3;
	v3 =	vshll.u32 v3, v1;
	v63 =	vor.u32 $0x5, v4;
	v11 =	vld [tilespmem:s17+$0x30]  }
0x21f: {  	v4 =	vbroadcast v3, $0x0;
	v3 =	vshll.u32 v7, v1  }
0x220: {  	v7 =	vbroadcast v3, $0x0  }
0x221: {  	v3 =	vadd.s32 v4, v5  }
0x222: {  	v5 =	vadd.s32 v7, v5;
	v7 =	vadd.s32 v7, v6;
	[tilespmem:v8+s8+$0x0] =	vst.idx.msk $0xffff, v9  }
0x223: {  	v4 =	vadd.s32 v4, v6;
	v6 =	vor.u32 $0x6, v5;
	v5 =	vor.u32 $0x6, v7;
	[tilespmem:v63+s8+$0x0] =	vst.idx.msk $0xffff, v11  }
.LBB2_5:
0x224: {  	s22 =	sadd.s32 $0xB, s2  }
0x225: {  	s24 =	sadd.s32 $0xF, s2;
	v7 =	vld [tilespmem:s17+$0x40];
	s25 =	smov.u32 s2;
	s2 =	sadd.s32 $0x8, s2  }
0x226: {  	v4 =	vor.u32 $0x7, v4;
	s26 =	sshrl.u32 s2, $0x4;
	s28 =	sand.u32 $0x78, s2;
	s22 =	sand.u32 $0x78, s22;
	v8 =	vld [tilespmem:s17+$0x50]  }
0x227: {  	v3 =	vor.u32 $0x7, v3;
	s26 =	sand.u32 $0x18, s26;
	v9 =	vmov s28;
	s28 =	sadd.s32 $0x9, s25;
	v10 =	vmov s22;
	s22 =	sand.u32 $0x78, s24  }
0x228: {  	p0 =	slt.u32 s2, $0x1F8;
	v11 =	vmov s26;
	v9 =	vshrl.u32 v9, $0x3;
	s24 =	sand.u32 $0x78, s28;
	s26 =	sadd.s32 $0xA, s25;
	v10 =	vshrl.u32 v10, $0x3  }
0x229: {  	v11 =	vmul.u32 $0x88, v11;
	v9 =	vshll.u32 v9, v1;
	s26 =	sand.u32 $0x78, s26;
	v10 =	vshll.u32 v10, v1  }
0x22a: {  	v14 =	vmov s22;
	v12 =	vmov s24;
	s24 =	sadd.s32 $0xC, s25;
	v13 =	vmov s26;
	[tilespmem:v6+s8+$0x0] =	vst.idx.msk $0xffff, v7  }
0x22b: {  	v7 =	vshrl.u32 v12, $0x3;
	s22 =	sand.u32 $0x78, s24;
	v6 =	vbroadcast v11, $0x0;
	v11 =	vshrl.u32 v13, $0x3;
	[tilespmem:v5+s8+$0x0] =	vst.idx.msk $0xffff, v8  }
0x22c: {  	v5 =	vbroadcast v9, $0x0;
	v9 =	vmov s22;
	s22 =	sadd.s32 $0xD, s25;
	v8 =	vshll.u32 v11, v1;
	v11 =	vld [tilespmem:s17+$0x60]  }
0x22d: {  	s24 =	sadd.s32 $0xE, s25;
	v9 =	vshrl.u32 v9, $0x3;
	s22 =	sand.u32 $0x78, s22;
	v12 =	vadd.s32 v0, v6;
	v6 =	vadd.s32 v2, v6;
	v13 =	vld [tilespmem:s17+$0x70];
	s17 =	sadd.s32 $0x100, s17  }
0x22e: {  	v9 =	vshll.u32 v9, v1;
	v16 =	vmov s22;
	s22 =	sand.u32 $0x78, s24;
	v15 =	vadd.s32 v5, v12  }
0x22f: {  	v5 =	vadd.s32 v5, v6;
	v9 =	vbroadcast v9, $0x0;
	v17 =	vmov s22  }
0x230: {  	v7 =	vshll.u32 v7, v1;
	v8 =	vbroadcast v8, $0x0;
	v16 =	vshrl.u32 v16, $0x3  }
0x231: {  	v10 =	vbroadcast v10, $0x0;
	v17 =	vshrl.u32 v17, $0x3;
	v18 =	vadd.s32 v9, v12;
	[tilespmem:v3+s8+$0x0] =	vst.idx.msk $0xffff, v11  }
0x232: {  	v3 =	vbroadcast v7, $0x0;
	v7 =	vadd.s32 v8, v12;
	v11 =	vshrl.u32 v14, $0x3;
	[tilespmem:v4+s8+$0x0] =	vst.idx.msk $0xffff, v13  }
0x233: {  	v13 =	vadd.s32 v10, v12;
	v10 =	vadd.s32 v10, v6;
	v11 =	vshll.u32 v11, v1;
	v4 =	vld [tilespmem:s17+$0xFFFFFF80]  }
0x234: {  	v16 =	vshll.u32 v16, v1;
	v8 =	vadd.s32 v8, v6;
	v11 =	vbroadcast v11, $0x0;
	v14 =	vld [tilespmem:s17+$0xFFFFFF90]  }
0x235: {  	v9 =	vadd.s32 v9, v6;
	v16 =	vbroadcast v16, $0x0;
	v19 =	vadd.s32 v3, v12  }
0x236: {  	v17 =	vshll.u32 v17, v1;
	v20 =	vadd.s32 v3, v6;
	v3 =	vadd.s32 v11, v12  }
0x237: {  	v17 =	vbroadcast v17, $0x0;
	v21 =	vadd.s32 v16, v12;
	v16 =	vadd.s32 v16, v6  }
0x238: {  	[tilespmem:v15+s8+$0x0] =	vst.idx.msk $0xffff, v4;
	v15 =	vor.u32 $0x1, v20;
	v4 =	vadd.s32 v11, v6  }
0x239: {  	v11 =	vadd.s32 v17, v12;
	v12 =	vadd.s32 v17, v6;
	[tilespmem:v5+s8+$0x0] =	vst.idx.msk $0xffff, v14;
	v5 =	vor.u32 $0x1, v19  }
0x23a: {  	v6 =	vld [tilespmem:s17+$0xFFFFFFA0]  }
0x23b: {  	v14 =	vld [tilespmem:s17+$0xFFFFFFB0]  }
0x23c: {  	v7 =	vor.u32 $0x2, v7  }
0x23d: {  	v8 =	vor.u32 $0x2, v8;
	_ =	sdelay $0x1  }
0x23e: {  	[tilespmem:v5+s8+$0x0] =	vst.idx.msk $0xffff, v6  }
0x23f: {  	[tilespmem:v15+s8+$0x0] =	vst.idx.msk $0xffff, v14  }
0x240: {  	v5 =	vld [tilespmem:s17+$0xFFFFFFC0]  }
0x241: {  	v6 =	vld [tilespmem:s17+$0xFFFFFFD0]  }
0x242: {  	v13 =	vor.u32 $0x3, v13  }
0x243: {  	v10 =	vor.u32 $0x3, v10;
	_ =	sdelay $0x1  }
0x244: {  	[tilespmem:v7+s8+$0x0] =	vst.idx.msk $0xffff, v5  }
0x245: {  	[tilespmem:v8+s8+$0x0] =	vst.idx.msk $0xffff, v6  }
0x246: {  	v5 =	vld [tilespmem:s17+$0xFFFFFFE0]  }
0x247: {  	v6 =	vld [tilespmem:s17+$0xFFFFFFF0]  }
0x248: {  	v7 =	vor.u32 $0x4, v18  }
0x249: {  	v8 =	vor.u32 $0x4, v9;
	_ =	sdelay $0x1  }
0x24a: {  	[tilespmem:v13+s8+$0x0] =	vst.idx.msk $0xffff, v5  }
0x24b: {  	[tilespmem:v10+s8+$0x0] =	vst.idx.msk $0xffff, v6  }
0x24c: {  	v5 =	vld [tilespmem:s17+$0x0]  }
0x24d: {  	v6 =	vld [tilespmem:s17+$0x10]  }
0x24e: {  	v9 =	vor.u32 $0x5, v21  }
0x24f: {  	v10 =	vor.u32 $0x5, v16;
	_ =	sdelay $0x1  }
0x250: {  	[tilespmem:v7+s8+$0x0] =	vst.idx.msk $0xffff, v5  }
0x251: {  	[tilespmem:v8+s8+$0x0] =	vst.idx.msk $0xffff, v6  }
0x252: {  	v7 =	vld [tilespmem:s17+$0x20]  }
0x253: {  	v8 =	vld [tilespmem:s17+$0x30]  }
.Ltmp1:
0x254: {  	v6 =	vor.u32 $0x6, v11;
	(pc) =	sbr.rel @p0 .LBB2_5-.Ltmp1, $3  }
0x255: {  	v5 =	vor.u32 $0x6, v12;
	_ =	sdelay $0x1  }
0x256: {  	[tilespmem:v9+s8+$0x0] =	vst.idx.msk $0xffff, v7  }
0x257: {  	[tilespmem:v10+s8+$0x0] =	vst.idx.msk $0xffff, v8  }
0x258: {  	v7 =	vld [tilespmem:s17+$0x40]  }
0x259: {  	v8 =	vld [tilespmem:s17+$0x50];
	_ =	sdelay $0x3  }
0x25a: {  	[tilespmem:v6+s8+$0x0] =	vst.idx.msk $0xffff, v7  }
0x25b: {  	[tilespmem:v5+s8+$0x0] =	vst.idx.msk $0xffff, v8  }
0x25c: {  	v3 =	vor.u32 $0x7, v3;
	v5 =	vld [tilespmem:s17+$0x60]  }
0x25d: {  	v4 =	vor.u32 $0x7, v4;
	v6 =	vld [tilespmem:s17+$0x70];
	_ =	sdelay $0x1  }
0x25e: {  	s20 =	sshll.u32 s20, $0x13  }
0x25f: {  	s2 =	sor.u32 s6, s20  }
0x260: {  	s22 =	sshrl.u32 s2, $0x3;
	[tilespmem:v3+s8+$0x0] =	vst.idx.msk $0xffff, v5  }
0x261: {  	s2 =	sadd.s32 s1, s22;
	[tilespmem:v4+s8+$0x0] =	vst.idx.msk $0xffff, v6  }
0x262: {  	[hbm4b:s2+s3] =	stream.linear.scatter [tilespmem:s8], [sflag:$0x4], $0x80, $0x38;
	[tilespmem:$0x10C00] =	vst v63  }
0x263: {  	s24 =	simm.s32 $0xC888;
	s26 =	sadd.s32 $0x10, s2  }
0x264: {  	[hbm4b:s26+s3] =	stream.linear.scatter [tilespmem:s24], [sflag:$0x4], $0x80, $0x38;
	[tilespmem:$0x10C00] =	vst v63  }
0x265: {  	s29 =	simm.s32 $0xC910;
	s28 =	sadd.s32 $0x20, s2  }
0x266: {  	[hbm4b:s28+s3] =	stream.linear.scatter [tilespmem:s29], [sflag:$0x4], $0x80, $0x38;
	[tilespmem:$0x10C00] =	vst v63  }
0x267: {  	s25 =	sadd.s32 $0x30, s2;
	s26 =	simm.s32 $0xC998  }
0x268: {  	[hbm4b:s25+s3] =	stream.linear.scatter [tilespmem:s26], [sflag:$0x4], $0x80, $0x38;
	[tilespmem:$0x10C00] =	vst v63  }
0x269: {  	s28 =	sadd.s32 $0x40, s2;
	s29 =	simm.s32 $0xCA20  }
0x26a: {  	[hbm4b:s28+s3] =	stream.linear.scatter [tilespmem:s29], [sflag:$0x4], $0x80, $0x38;
	[tilespmem:$0x10C00] =	vst v63  }
0x26b: {  	s25 =	sadd.s32 $0x50, s2;
	s26 =	simm.s32 $0xCAA8  }
0x26c: {  	[hbm4b:s25+s3] =	stream.linear.scatter [tilespmem:s26], [sflag:$0x4], $0x80, $0x38;
	[tilespmem:$0x10C00] =	vst v63  }
0x26d: {  	s28 =	sadd.s32 $0x60, s2;
	s29 =	simm.s32 $0xCB30  }
0x26e: {  	[hbm4b:s28+s3] =	stream.linear.scatter [tilespmem:s29], [sflag:$0x4], $0x80, $0x38;
	[tilespmem:$0x10C00] =	vst v63  }
0x26f: {  	s24 =	simm.s32 $0xCBB8;
	s2 =	sadd.s32 $0x70, s2;
	s25 =	sor.u32 s11, s20  }
0x270: {  	[hbm4b:s2+s3] =	stream.linear.scatter [tilespmem:s24], [sflag:$0x4], $0x80, $0x38;
	[tilespmem:$0x10C00] =	vst v63  }
0x271: {  	s2 =	sshrl.u32 s25, $0x3  }
0x272: {  	s26 =	simm.s32 $0xCC40;
	s2 =	sadd.s32 s1, s2  }
0x273: {  	[hbm4b:s2+s3] =	stream.linear.scatter [tilespmem:s26], [sflag:$0x4], $0x80, $0x38;
	[tilespmem:$0x10C00] =	vst v63  }
0x274: {  	s29 =	simm.s32 $0xCCC8;
	s28 =	sadd.s32 $0x10, s2  }
0x275: {  	[hbm4b:s28+s3] =	stream.linear.scatter [tilespmem:s29], [sflag:$0x4], $0x80, $0x38;
	[tilespmem:$0x10C00] =	vst v63  }
0x276: {  	s25 =	sadd.s32 $0x20, s2;
	s26 =	simm.s32 $0xCD50  }
0x277: {  	[hbm4b:s25+s3] =	stream.linear.scatter [tilespmem:s26], [sflag:$0x4], $0x80, $0x38;
	[tilespmem:$0x10C00] =	vst v63  }
0x278: {  	s28 =	sadd.s32 $0x30, s2;
	s29 =	simm.s32 $0xCDD8  }
0x279: {  	[hbm4b:s28+s3] =	stream.linear.scatter [tilespmem:s29], [sflag:$0x4], $0x80, $0x38;
	[tilespmem:$0x10C00] =	vst v63  }
0x27a: {  	s25 =	sadd.s32 $0x40, s2;
	s26 =	simm.s32 $0xCE60  }
0x27b: {  	[hbm4b:s25+s3] =	stream.linear.scatter [tilespmem:s26], [sflag:$0x4], $0x80, $0x38;
	[tilespmem:$0x10C00] =	vst v63  }
0x27c: {  	s28 =	sadd.s32 $0x50, s2;
	s29 =	simm.s32 $0xCEE8  }
0x27d: {  	[hbm4b:s28+s3] =	stream.linear.scatter [tilespmem:s29], [sflag:$0x4], $0x80, $0x38;
	[tilespmem:$0x10C00] =	vst v63  }
0x27e: {  	s24 =	sor.u32 s12, s20;
	s25 =	sadd.s32 $0x60, s2;
	s26 =	simm.s32 $0xCF70  }
0x27f: {  	[hbm4b:s25+s3] =	stream.linear.scatter [tilespmem:s26], [sflag:$0x4], $0x80, $0x38;
	[tilespmem:$0x10C00] =	vst v63  }
0x280: {  	s17 =	sshrl.u32 s24, $0x3;
	s28 =	sadd.s32 $0x70, s2;
	s29 =	simm.s32 $0xCFF8  }
0x281: {  	[hbm4b:s28+s3] =	stream.linear.scatter [tilespmem:s29], [sflag:$0x4], $0x80, $0x38;
	[tilespmem:$0x10C00] =	vst v63  }
0x282: {  	s17 =	sadd.s32 s1, s17;
	s25 =	simm.s32 $0xD080  }
0x283: {  	[hbm4b:s17+s3] =	stream.linear.scatter [tilespmem:s25], [sflag:$0x4], $0x80, $0x38;
	[tilespmem:$0x10C00] =	vst v63  }
0x284: {  	s26 =	sadd.s32 $0x10, s17;
	s25 =	simm.s32 $0xD108  }
0x285: {  	[hbm4b:s26+s3] =	stream.linear.scatter [tilespmem:s25], [sflag:$0x4], $0x80, $0x38;
	[tilespmem:$0x10C00] =	vst v63  }
0x286: {  	s28 =	sadd.s32 $0x20, s17;
	s29 =	simm.s32 $0xD190  }
0x287: {  	[hbm4b:s28+s3] =	stream.linear.scatter [tilespmem:s29], [sflag:$0x4], $0x80, $0x38;
	[tilespmem:$0x10C00] =	vst v63  }
0x288: {  	s25 =	sadd.s32 $0x30, s17;
	s26 =	simm.s32 $0xD218  }
0x289: {  	[hbm4b:s25+s3] =	stream.linear.scatter [tilespmem:s26], [sflag:$0x4], $0x80, $0x38;
	[tilespmem:$0x10C00] =	vst v63  }
0x28a: {  	s28 =	sadd.s32 $0x40, s17;
	s29 =	simm.s32 $0xD2A0  }
0x28b: {  	[hbm4b:s28+s3] =	stream.linear.scatter [tilespmem:s29], [sflag:$0x4], $0x80, $0x38;
	[tilespmem:$0x10C00] =	vst v63  }
0x28c: {  	s25 =	sadd.s32 $0x50, s17;
	s26 =	simm.s32 $0xD328  }
0x28d: {  	[hbm4b:s25+s3] =	stream.linear.scatter [tilespmem:s26], [sflag:$0x4], $0x80, $0x38;
	[tilespmem:$0x10C00] =	vst v63  }
0x28e: {  	s20 =	sor.u32 s13, s20;
	s28 =	sadd.s32 $0x60, s17;
	s29 =	simm.s32 $0xD3B0  }
0x28f: {  	[hbm4b:s28+s3] =	stream.linear.scatter [tilespmem:s29], [sflag:$0x4], $0x80, $0x38;
	[tilespmem:$0x10C00] =	vst v63  }
0x290: {  	s20 =	sshrl.u32 s20, $0x3;
	s26 =	sadd.s32 $0x70, s17;
	s28 =	simm.s32 $0xD438  }
0x291: {  	[hbm4b:s26+s3] =	stream.linear.scatter [tilespmem:s28], [sflag:$0x4], $0x80, $0x38;
	[tilespmem:$0x10C00] =	vst v63  }
0x292: {  	s20 =	sadd.s32 s1, s20;
	s29 =	simm.s32 $0xD4C0  }
0x293: {  	[hbm4b:s20+s3] =	stream.linear.scatter [tilespmem:s29], [sflag:$0x4], $0x80, $0x38;
	[tilespmem:$0x10C00] =	vst v63  }
0x294: {  	s25 =	sadd.s32 $0x10, s20;
	s26 =	simm.s32 $0xD548  }
0x295: {  	[hbm4b:s25+s3] =	stream.linear.scatter [tilespmem:s26], [sflag:$0x4], $0x80, $0x38;
	[tilespmem:$0x10C00] =	vst v63  }
0x296: {  	s28 =	sadd.s32 $0x20, s20;
	s29 =	simm.s32 $0xD5D0  }
0x297: {  	[hbm4b:s28+s3] =	stream.linear.scatter [tilespmem:s29], [sflag:$0x4], $0x80, $0x38;
	[tilespmem:$0x10C00] =	vst v63  }
0x298: {  	s25 =	sadd.s32 $0x30, s20;
	s26 =	simm.s32 $0xD658  }
0x299: {  	[hbm4b:s25+s3] =	stream.linear.scatter [tilespmem:s26], [sflag:$0x4], $0x80, $0x38;
	[tilespmem:$0x10C00] =	vst v63  }
0x29a: {  	s28 =	sadd.s32 $0x40, s20;
	s29 =	simm.s32 $0xD6E0  }
0x29b: {  	[hbm4b:s28+s3] =	stream.linear.scatter [tilespmem:s29], [sflag:$0x4], $0x80, $0x38;
	[tilespmem:$0x10C00] =	vst v63  }
0x29c: {  	s25 =	sadd.s32 $0x50, s20;
	s26 =	simm.s32 $0xD768  }
0x29d: {  	[hbm4b:s25+s3] =	stream.linear.scatter [tilespmem:s26], [sflag:$0x4], $0x80, $0x38;
	[tilespmem:$0x10C00] =	vst v63  }
0x29e: {  	s28 =	sadd.s32 $0x60, s20;
	s29 =	simm.s32 $0xD7F0  }
0x29f: {  	[hbm4b:s28+s3] =	stream.linear.scatter [tilespmem:s29], [sflag:$0x4], $0x80, $0x38;
	[tilespmem:$0x10C00] =	vst v63  }
0x2a0: {  	s25 =	sadd.s32 $0x70, s20;
	s26 =	simm.s32 $0xD878  }
0x2a1: {  	[hbm4b:s25+s3] =	stream.linear.scatter [tilespmem:s26], [sflag:$0x4], $0x80, $0x38;
	[tilespmem:$0x10C00] =	vst v63  }
0x2a2: {  	s24 =	sadd.s32 s22, s14;
	s28 =	simm.s32 $0xD900  }
0x2a3: {  	[hbm4b:s24+s3] =	stream.linear.scatter [tilespmem:s28], [sflag:$0x4], $0x80, $0x38;
	[tilespmem:$0x10C00] =	vst v63  }
0x2a4: {  	s29 =	sadd.s32 $0x10, s24;
	s26 =	simm.s32 $0xD988  }
0x2a5: {  	[hbm4b:s29+s3] =	stream.linear.scatter [tilespmem:s26], [sflag:$0x4], $0x80, $0x38;
	[tilespmem:$0x10C00] =	vst v63  }
0x2a6: {  	s28 =	sadd.s32 $0x20, s24;
	s29 =	simm.s32 $0xDA10  }
0x2a7: {  	[hbm4b:s28+s3] =	stream.linear.scatter [tilespmem:s29], [sflag:$0x4], $0x80, $0x38;
	[tilespmem:$0x10C00] =	vst v63  }
0x2a8: {  	s28 =	sadd.s32 $0x30, s24;
	s29 =	simm.s32 $0xDA98  }
0x2a9: {  	[hbm4b:s28+s3] =	stream.linear.scatter [tilespmem:s29], [sflag:$0x4], $0x80, $0x38;
	[tilespmem:$0x10C00] =	vst v63  }
0x2aa: {  	s28 =	sadd.s32 $0x40, s24;
	s29 =	simm.s32 $0xDB20  }
0x2ab: {  	[hbm4b:s28+s3] =	stream.linear.scatter [tilespmem:s29], [sflag:$0x4], $0x80, $0x38;
	[tilespmem:$0x10C00] =	vst v63  }
0x2ac: {  	s28 =	sadd.s32 $0x50, s24;
	s29 =	simm.s32 $0xDBA8  }
0x2ad: {  	[hbm4b:s28+s3] =	stream.linear.scatter [tilespmem:s29], [sflag:$0x4], $0x80, $0x38;
	[tilespmem:$0x10C00] =	vst v63  }
0x2ae: {  	s26 =	sadd.s32 $0x60, s24;
	s28 =	simm.s32 $0xDC30  }
0x2af: {  	[hbm4b:s26+s3] =	stream.linear.scatter [tilespmem:s28], [sflag:$0x4], $0x80, $0x38;
	[tilespmem:$0x10C00] =	vst v63  }
0x2b0: {  	s24 =	sadd.s32 $0x70, s24;
	s29 =	simm.s32 $0xDCB8  }
0x2b1: {  	[hbm4b:s24+s3] =	stream.linear.scatter [tilespmem:s29], [sflag:$0x4], $0x80, $0x38;
	[tilespmem:$0x10C00] =	vst v63  }
0x2b2: {  	s25 =	sadd.s32 $0x4000, s2;
	s26 =	simm.s32 $0xDD40  }
0x2b3: {  	[hbm4b:s25+s3] =	stream.linear.scatter [tilespmem:s26], [sflag:$0x4], $0x80, $0x38;
	[tilespmem:$0x10C00] =	vst v63  }
0x2b4: {  	s28 =	sadd.s32 $0x4010, s2;
	s29 =	simm.s32 $0xDDC8  }
0x2b5: {  	[hbm4b:s28+s3] =	stream.linear.scatter [tilespmem:s29], [sflag:$0x4], $0x80, $0x38;
	[tilespmem:$0x10C00] =	vst v63  }
0x2b6: {  	s25 =	sadd.s32 $0x4020, s2;
	s26 =	simm.s32 $0xDE50  }
0x2b7: {  	[hbm4b:s25+s3] =	stream.linear.scatter [tilespmem:s26], [sflag:$0x4], $0x80, $0x38;
	[tilespmem:$0x10C00] =	vst v63  }
0x2b8: {  	s28 =	sadd.s32 $0x4030, s2;
	s29 =	simm.s32 $0xDED8  }
0x2b9: {  	[hbm4b:s28+s3] =	stream.linear.scatter [tilespmem:s29], [sflag:$0x4], $0x80, $0x38;
	[tilespmem:$0x10C00] =	vst v63  }
0x2ba: {  	s25 =	sadd.s32 $0x4040, s2;
	s26 =	simm.s32 $0xDF60  }
0x2bb: {  	[hbm4b:s25+s3] =	stream.linear.scatter [tilespmem:s26], [sflag:$0x4], $0x80, $0x38;
	[tilespmem:$0x10C00] =	vst v63  }
0x2bc: {  	s28 =	sadd.s32 $0x4050, s2;
	s29 =	simm.s32 $0xDFE8  }
0x2bd: {  	[hbm4b:s28+s3] =	stream.linear.scatter [tilespmem:s29], [sflag:$0x4], $0x80, $0x38;
	[tilespmem:$0x10C00] =	vst v63  }
0x2be: {  	s25 =	sadd.s32 $0x4060, s2;
	s26 =	simm.s32 $0xE070  }
0x2bf: {  	[hbm4b:s25+s3] =	stream.linear.scatter [tilespmem:s26], [sflag:$0x4], $0x80, $0x38;
	[tilespmem:$0x10C00] =	vst v63  }
0x2c0: {  	s28 =	sadd.s32 $0x4070, s2;
	s29 =	simm.s32 $0xE0F8  }
0x2c1: {  	[hbm4b:s28+s3] =	stream.linear.scatter [tilespmem:s29], [sflag:$0x4], $0x80, $0x38;
	[tilespmem:$0x10C00] =	vst v63  }
0x2c2: {  	s25 =	sadd.s32 $0x4000, s17;
	s26 =	simm.s32 $0xE180  }
0x2c3: {  	[hbm4b:s25+s3] =	stream.linear.scatter [tilespmem:s26], [sflag:$0x4], $0x80, $0x38;
	[tilespmem:$0x10C00] =	vst v63  }
0x2c4: {  	s28 =	sadd.s32 $0x4010, s17;
	s29 =	simm.s32 $0xE208  }
0x2c5: {  	[hbm4b:s28+s3] =	stream.linear.scatter [tilespmem:s29], [sflag:$0x4], $0x80, $0x38;
	[tilespmem:$0x10C00] =	vst v63  }
0x2c6: {  	s25 =	sadd.s32 $0x4020, s17;
	s26 =	simm.s32 $0xE290  }
0x2c7: {  	[hbm4b:s25+s3] =	stream.linear.scatter [tilespmem:s26], [sflag:$0x4], $0x80, $0x38;
	[tilespmem:$0x10C00] =	vst v63  }
0x2c8: {  	s28 =	sadd.s32 $0x4030, s17;
	s29 =	simm.s32 $0xE318  }
0x2c9: {  	[hbm4b:s28+s3] =	stream.linear.scatter [tilespmem:s29], [sflag:$0x4], $0x80, $0x38;
	[tilespmem:$0x10C00] =	vst v63  }
0x2ca: {  	s25 =	sadd.s32 $0x4040, s17;
	s26 =	simm.s32 $0xE3A0  }
0x2cb: {  	[hbm4b:s25+s3] =	stream.linear.scatter [tilespmem:s26], [sflag:$0x4], $0x80, $0x38;
	[tilespmem:$0x10C00] =	vst v63  }
0x2cc: {  	s28 =	sadd.s32 $0x4050, s17;
	s29 =	simm.s32 $0xE428  }
0x2cd: {  	[hbm4b:s28+s3] =	stream.linear.scatter [tilespmem:s29], [sflag:$0x4], $0x80, $0x38;
	[tilespmem:$0x10C00] =	vst v63  }
0x2ce: {  	s25 =	sadd.s32 $0x4060, s17;
	s26 =	simm.s32 $0xE4B0  }
0x2cf: {  	[hbm4b:s25+s3] =	stream.linear.scatter [tilespmem:s26], [sflag:$0x4], $0x80, $0x38;
	[tilespmem:$0x10C00] =	vst v63  }
0x2d0: {  	s28 =	sadd.s32 $0x4070, s17;
	s29 =	simm.s32 $0xE538  }
0x2d1: {  	[hbm4b:s28+s3] =	stream.linear.scatter [tilespmem:s29], [sflag:$0x4], $0x80, $0x38;
	[tilespmem:$0x10C00] =	vst v63  }
0x2d2: {  	s25 =	sadd.s32 $0x4000, s20;
	s26 =	simm.s32 $0xE5C0  }
0x2d3: {  	[hbm4b:s25+s3] =	stream.linear.scatter [tilespmem:s26], [sflag:$0x4], $0x80, $0x38;
	[tilespmem:$0x10C00] =	vst v63  }
0x2d4: {  	s28 =	sadd.s32 $0x4010, s20;
	s29 =	simm.s32 $0xE648  }
0x2d5: {  	[hbm4b:s28+s3] =	stream.linear.scatter [tilespmem:s29], [sflag:$0x4], $0x80, $0x38;
	[tilespmem:$0x10C00] =	vst v63  }
0x2d6: {  	s25 =	sadd.s32 $0x4020, s20;
	s26 =	simm.s32 $0xE6D0  }
0x2d7: {  	[hbm4b:s25+s3] =	stream.linear.scatter [tilespmem:s26], [sflag:$0x4], $0x80, $0x38;
	[tilespmem:$0x10C00] =	vst v63  }
0x2d8: {  	s28 =	sadd.s32 $0x4030, s20;
	s29 =	simm.s32 $0xE758  }
0x2d9: {  	[hbm4b:s28+s3] =	stream.linear.scatter [tilespmem:s29], [sflag:$0x4], $0x80, $0x38;
	[tilespmem:$0x10C00] =	vst v63  }
0x2da: {  	s25 =	sadd.s32 $0x4040, s20;
	s26 =	simm.s32 $0xE7E0  }
0x2db: {  	[hbm4b:s25+s3] =	stream.linear.scatter [tilespmem:s26], [sflag:$0x4], $0x80, $0x38;
	[tilespmem:$0x10C00] =	vst v63  }
0x2dc: {  	s28 =	sadd.s32 $0x4050, s20;
	s29 =	simm.s32 $0xE868  }
0x2dd: {  	[hbm4b:s28+s3] =	stream.linear.scatter [tilespmem:s29], [sflag:$0x4], $0x80, $0x38;
	[tilespmem:$0x10C00] =	vst v63  }
0x2de: {  	s25 =	sadd.s32 $0x4060, s20;
	s26 =	simm.s32 $0xE8F0  }
0x2df: {  	[hbm4b:s25+s3] =	stream.linear.scatter [tilespmem:s26], [sflag:$0x4], $0x80, $0x38;
	[tilespmem:$0x10C00] =	vst v63  }
0x2e0: {  	s28 =	sadd.s32 $0x4070, s20;
	s29 =	simm.s32 $0xE978  }
0x2e1: {  	[hbm4b:s28+s3] =	stream.linear.scatter [tilespmem:s29], [sflag:$0x4], $0x80, $0x38;
	[tilespmem:$0x10C00] =	vst v63  }
0x2e2: {  	s24 =	sadd.s32 s22, s15;
	s26 =	simm.s32 $0xEA00  }
0x2e3: {  	[hbm4b:s24+s3] =	stream.linear.scatter [tilespmem:s26], [sflag:$0x4], $0x80, $0x38;
	[tilespmem:$0x10C00] =	vst v63  }
0x2e4: {  	s28 =	sadd.s32 $0x10, s24;
	s29 =	simm.s32 $0xEA88  }
0x2e5: {  	[hbm4b:s28+s3] =	stream.linear.scatter [tilespmem:s29], [sflag:$0x4], $0x80, $0x38;
	[tilespmem:$0x10C00] =	vst v63  }
0x2e6: {  	s28 =	sadd.s32 $0x20, s24;
	s29 =	simm.s32 $0xEB10  }
0x2e7: {  	[hbm4b:s28+s3] =	stream.linear.scatter [tilespmem:s29], [sflag:$0x4], $0x80, $0x38;
	[tilespmem:$0x10C00] =	vst v63  }
0x2e8: {  	s28 =	sadd.s32 $0x30, s24;
	s29 =	simm.s32 $0xEB98  }
0x2e9: {  	[hbm4b:s28+s3] =	stream.linear.scatter [tilespmem:s29], [sflag:$0x4], $0x80, $0x38;
	[tilespmem:$0x10C00] =	vst v63  }
0x2ea: {  	s28 =	sadd.s32 $0x40, s24;
	s29 =	simm.s32 $0xEC20  }
0x2eb: {  	[hbm4b:s28+s3] =	stream.linear.scatter [tilespmem:s29], [sflag:$0x4], $0x80, $0x38;
	[tilespmem:$0x10C00] =	vst v63  }
0x2ec: {  	s28 =	sadd.s32 $0x50, s24;
	s29 =	simm.s32 $0xECA8  }
0x2ed: {  	[hbm4b:s28+s3] =	stream.linear.scatter [tilespmem:s29], [sflag:$0x4], $0x80, $0x38;
	[tilespmem:$0x10C00] =	vst v63  }
0x2ee: {  	s26 =	sadd.s32 $0x60, s24;
	s28 =	simm.s32 $0xED30  }
0x2ef: {  	[hbm4b:s26+s3] =	stream.linear.scatter [tilespmem:s28], [sflag:$0x4], $0x80, $0x38;
	[tilespmem:$0x10C00] =	vst v63  }
0x2f0: {  	s24 =	sadd.s32 $0x70, s24;
	s29 =	simm.s32 $0xEDB8  }
0x2f1: {  	[hbm4b:s24+s3] =	stream.linear.scatter [tilespmem:s29], [sflag:$0x4], $0x80, $0x38;
	[tilespmem:$0x10C00] =	vst v63  }
0x2f2: {  	s25 =	sadd.s32 $0x8000, s2;
	s26 =	simm.s32 $0xEE40  }
0x2f3: {  	[hbm4b:s25+s3] =	stream.linear.scatter [tilespmem:s26], [sflag:$0x4], $0x80, $0x38;
	[tilespmem:$0x10C00] =	vst v63  }
0x2f4: {  	s28 =	sadd.s32 $0x8010, s2;
	s29 =	simm.s32 $0xEEC8  }
0x2f5: {  	[hbm4b:s28+s3] =	stream.linear.scatter [tilespmem:s29], [sflag:$0x4], $0x80, $0x38;
	[tilespmem:$0x10C00] =	vst v63  }
0x2f6: {  	s25 =	sadd.s32 $0x8020, s2;
	s26 =	simm.s32 $0xEF50  }
0x2f7: {  	[hbm4b:s25+s3] =	stream.linear.scatter [tilespmem:s26], [sflag:$0x4], $0x80, $0x38;
	[tilespmem:$0x10C00] =	vst v63  }
0x2f8: {  	s28 =	sadd.s32 $0x8030, s2;
	s29 =	simm.s32 $0xEFD8  }
0x2f9: {  	[hbm4b:s28+s3] =	stream.linear.scatter [tilespmem:s29], [sflag:$0x4], $0x80, $0x38;
	[tilespmem:$0x10C00] =	vst v63  }
0x2fa: {  	s25 =	sadd.s32 $0x8040, s2;
	s26 =	simm.s32 $0xF060  }
0x2fb: {  	[hbm4b:s25+s3] =	stream.linear.scatter [tilespmem:s26], [sflag:$0x4], $0x80, $0x38;
	[tilespmem:$0x10C00] =	vst v63  }
0x2fc: {  	s28 =	sadd.s32 $0x8050, s2;
	s29 =	simm.s32 $0xF0E8  }
0x2fd: {  	[hbm4b:s28+s3] =	stream.linear.scatter [tilespmem:s29], [sflag:$0x4], $0x80, $0x38;
	[tilespmem:$0x10C00] =	vst v63  }
0x2fe: {  	s25 =	sadd.s32 $0x8060, s2;
	s26 =	simm.s32 $0xF170  }
0x2ff: {  	[hbm4b:s25+s3] =	stream.linear.scatter [tilespmem:s26], [sflag:$0x4], $0x80, $0x38;
	[tilespmem:$0x10C00] =	vst v63  }
0x300: {  	s28 =	sadd.s32 $0x8070, s2;
	s29 =	simm.s32 $0xF1F8  }
0x301: {  	[hbm4b:s28+s3] =	stream.linear.scatter [tilespmem:s29], [sflag:$0x4], $0x80, $0x38;
	[tilespmem:$0x10C00] =	vst v63  }
0x302: {  	s25 =	sadd.s32 $0x8000, s17;
	s26 =	simm.s32 $0xF280  }
0x303: {  	[hbm4b:s25+s3] =	stream.linear.scatter [tilespmem:s26], [sflag:$0x4], $0x80, $0x38;
	[tilespmem:$0x10C00] =	vst v63  }
0x304: {  	s28 =	sadd.s32 $0x8010, s17;
	s29 =	simm.s32 $0xF308  }
0x305: {  	[hbm4b:s28+s3] =	stream.linear.scatter [tilespmem:s29], [sflag:$0x4], $0x80, $0x38;
	[tilespmem:$0x10C00] =	vst v63  }
0x306: {  	s25 =	sadd.s32 $0x8020, s17;
	s26 =	simm.s32 $0xF390  }
0x307: {  	[hbm4b:s25+s3] =	stream.linear.scatter [tilespmem:s26], [sflag:$0x4], $0x80, $0x38;
	[tilespmem:$0x10C00] =	vst v63  }
0x308: {  	s28 =	sadd.s32 $0x8030, s17;
	s29 =	simm.s32 $0xF418  }
0x309: {  	[hbm4b:s28+s3] =	stream.linear.scatter [tilespmem:s29], [sflag:$0x4], $0x80, $0x38;
	[tilespmem:$0x10C00] =	vst v63  }
0x30a: {  	s25 =	sadd.s32 $0x8040, s17;
	s26 =	simm.s32 $0xF4A0  }
0x30b: {  	[hbm4b:s25+s3] =	stream.linear.scatter [tilespmem:s26], [sflag:$0x4], $0x80, $0x38;
	[tilespmem:$0x10C00] =	vst v63  }
0x30c: {  	s28 =	sadd.s32 $0x8050, s17;
	s29 =	simm.s32 $0xF528  }
0x30d: {  	[hbm4b:s28+s3] =	stream.linear.scatter [tilespmem:s29], [sflag:$0x4], $0x80, $0x38;
	[tilespmem:$0x10C00] =	vst v63  }
0x30e: {  	s25 =	sadd.s32 $0x8060, s17;
	s26 =	simm.s32 $0xF5B0  }
0x30f: {  	[hbm4b:s25+s3] =	stream.linear.scatter [tilespmem:s26], [sflag:$0x4], $0x80, $0x38;
	[tilespmem:$0x10C00] =	vst v63  }
0x310: {  	s28 =	sadd.s32 $0x8070, s17;
	s29 =	simm.s32 $0xF638  }
0x311: {  	[hbm4b:s28+s3] =	stream.linear.scatter [tilespmem:s29], [sflag:$0x4], $0x80, $0x38;
	[tilespmem:$0x10C00] =	vst v63  }
0x312: {  	s25 =	sadd.s32 $0x8000, s20;
	s26 =	simm.s32 $0xF6C0  }
0x313: {  	[hbm4b:s25+s3] =	stream.linear.scatter [tilespmem:s26], [sflag:$0x4], $0x80, $0x38;
	[tilespmem:$0x10C00] =	vst v63  }
0x314: {  	s28 =	sadd.s32 $0x8010, s20;
	s29 =	simm.s32 $0xF748  }
0x315: {  	[hbm4b:s28+s3] =	stream.linear.scatter [tilespmem:s29], [sflag:$0x4], $0x80, $0x38;
	[tilespmem:$0x10C00] =	vst v63  }
0x316: {  	s25 =	sadd.s32 $0x8020, s20;
	s26 =	simm.s32 $0xF7D0  }
0x317: {  	[hbm4b:s25+s3] =	stream.linear.scatter [tilespmem:s26], [sflag:$0x4], $0x80, $0x38;
	[tilespmem:$0x10C00] =	vst v63  }
0x318: {  	s28 =	sadd.s32 $0x8030, s20;
	s29 =	simm.s32 $0xF858  }
0x319: {  	[hbm4b:s28+s3] =	stream.linear.scatter [tilespmem:s29], [sflag:$0x4], $0x80, $0x38;
	[tilespmem:$0x10C00] =	vst v63  }
0x31a: {  	s25 =	sadd.s32 $0x8040, s20;
	s26 =	simm.s32 $0xF8E0  }
0x31b: {  	[hbm4b:s25+s3] =	stream.linear.scatter [tilespmem:s26], [sflag:$0x4], $0x80, $0x38;
	[tilespmem:$0x10C00] =	vst v63  }
0x31c: {  	s28 =	sadd.s32 $0x8050, s20;
	s29 =	simm.s32 $0xF968  }
0x31d: {  	[hbm4b:s28+s3] =	stream.linear.scatter [tilespmem:s29], [sflag:$0x4], $0x80, $0x38;
	[tilespmem:$0x10C00] =	vst v63  }
0x31e: {  	s25 =	sadd.s32 $0x8060, s20;
	s26 =	simm.s32 $0xF9F0  }
0x31f: {  	[hbm4b:s25+s3] =	stream.linear.scatter [tilespmem:s26], [sflag:$0x4], $0x80, $0x38;
	[tilespmem:$0x10C00] =	vst v63  }
0x320: {  	s28 =	sadd.s32 $0x8070, s20;
	s29 =	simm.s32 $0xFA78  }
0x321: {  	[hbm4b:s28+s3] =	stream.linear.scatter [tilespmem:s29], [sflag:$0x4], $0x80, $0x38;
	[tilespmem:$0x10C00] =	vst v63  }
0x322: {  	s22 =	sadd.s32 s22, s16;
	s26 =	simm.s32 $0xFB00  }
0x323: {  	[hbm4b:s22+s3] =	stream.linear.scatter [tilespmem:s26], [sflag:$0x4], $0x80, $0x38;
	[tilespmem:$0x10C00] =	vst v63  }
0x324: {  	s28 =	sadd.s32 $0x10, s22;
	s29 =	simm.s32 $0xFB88  }
0x325: {  	[hbm4b:s28+s3] =	stream.linear.scatter [tilespmem:s29], [sflag:$0x4], $0x80, $0x38;
	[tilespmem:$0x10C00] =	vst v63  }
0x326: {  	s25 =	sadd.s32 $0x20, s22;
	s26 =	simm.s32 $0xFC10  }
0x327: {  	[hbm4b:s25+s3] =	stream.linear.scatter [tilespmem:s26], [sflag:$0x4], $0x80, $0x38;
	[tilespmem:$0x10C00] =	vst v63  }
0x328: {  	s28 =	sadd.s32 $0x30, s22;
	s29 =	simm.s32 $0xFC98  }
0x329: {  	[hbm4b:s28+s3] =	stream.linear.scatter [tilespmem:s29], [sflag:$0x4], $0x80, $0x38;
	[tilespmem:$0x10C00] =	vst v63  }
0x32a: {  	s25 =	sadd.s32 $0x40, s22;
	s26 =	simm.s32 $0xFD20  }
0x32b: {  	[hbm4b:s25+s3] =	stream.linear.scatter [tilespmem:s26], [sflag:$0x4], $0x80, $0x38;
	[tilespmem:$0x10C00] =	vst v63  }
0x32c: {  	s28 =	sadd.s32 $0x50, s22;
	s29 =	simm.s32 $0xFDA8  }
0x32d: {  	[hbm4b:s28+s3] =	stream.linear.scatter [tilespmem:s29], [sflag:$0x4], $0x80, $0x38;
	[tilespmem:$0x10C00] =	vst v63  }
0x32e: {  	s26 =	sadd.s32 $0x60, s22;
	s28 =	simm.s32 $0xFE30  }
0x32f: {  	[hbm4b:s26+s3] =	stream.linear.scatter [tilespmem:s28], [sflag:$0x4], $0x80, $0x38;
	[tilespmem:$0x10C00] =	vst v63  }
0x330: {  	s22 =	sadd.s32 $0x70, s22;
	s29 =	simm.s32 $0xFEB8  }
0x331: {  	[hbm4b:s22+s3] =	stream.linear.scatter [tilespmem:s29], [sflag:$0x4], $0x80, $0x38;
	[tilespmem:$0x10C00] =	vst v63  }
0x332: {  	s25 =	sadd.s32 $0xC000, s2;
	s26 =	simm.s32 $0xFF40  }
0x333: {  	[hbm4b:s25+s3] =	stream.linear.scatter [tilespmem:s26], [sflag:$0x4], $0x80, $0x38;
	[tilespmem:$0x10C00] =	vst v63  }
0x334: {  	s28 =	sadd.s32 $0xC010, s2;
	s29 =	simm.s32 $0xFFC8  }
0x335: {  	[hbm4b:s28+s3] =	stream.linear.scatter [tilespmem:s29], [sflag:$0x4], $0x80, $0x38;
	[tilespmem:$0x10C00] =	vst v63  }
0x336: {  	s25 =	sadd.s32 $0xC020, s2;
	s26 =	simm.s32 $0x10050  }
0x337: {  	[hbm4b:s25+s3] =	stream.linear.scatter [tilespmem:s26], [sflag:$0x4], $0x80, $0x38;
	[tilespmem:$0x10C00] =	vst v63  }
0x338: {  	s28 =	sadd.s32 $0xC030, s2;
	s29 =	simm.s32 $0x100D8  }
0x339: {  	[hbm4b:s28+s3] =	stream.linear.scatter [tilespmem:s29], [sflag:$0x4], $0x80, $0x38;
	[tilespmem:$0x10C00] =	vst v63  }
0x33a: {  	s25 =	sadd.s32 $0xC040, s2;
	s26 =	simm.s32 $0x10160  }
0x33b: {  	[hbm4b:s25+s3] =	stream.linear.scatter [tilespmem:s26], [sflag:$0x4], $0x80, $0x38;
	[tilespmem:$0x10C00] =	vst v63  }
0x33c: {  	s28 =	sadd.s32 $0xC050, s2;
	s29 =	simm.s32 $0x101E8  }
0x33d: {  	[hbm4b:s28+s3] =	stream.linear.scatter [tilespmem:s29], [sflag:$0x4], $0x80, $0x38;
	[tilespmem:$0x10C00] =	vst v63  }
0x33e: {  	s24 =	sadd.s32 $0xC060, s2;
	s25 =	simm.s32 $0x10270  }
0x33f: {  	[hbm4b:s24+s3] =	stream.linear.scatter [tilespmem:s25], [sflag:$0x4], $0x80, $0x38;
	[tilespmem:$0x10C00] =	vst v63  }
0x340: {  	s2 =	sadd.s32 $0xC070, s2;
	s26 =	simm.s32 $0x102F8  }
0x341: {  	[hbm4b:s2+s3] =	stream.linear.scatter [tilespmem:s26], [sflag:$0x4], $0x80, $0x38;
	[tilespmem:$0x10C00] =	vst v63  }
0x342: {  	s28 =	sadd.s32 $0xC000, s17;
	s29 =	simm.s32 $0x10380  }
0x343: {  	[hbm4b:s28+s3] =	stream.linear.scatter [tilespmem:s29], [sflag:$0x4], $0x80, $0x38;
	[tilespmem:$0x10C00] =	vst v63  }
0x344: {  	s22 =	sadd.s32 $0xC010, s17;
	s24 =	simm.s32 $0x10408  }
0x345: {  	[hbm4b:s22+s3] =	stream.linear.scatter [tilespmem:s24], [sflag:$0x4], $0x80, $0x38;
	[tilespmem:$0x10C00] =	vst v63  }
0x346: {  	s25 =	sadd.s32 $0xC020, s17;
	s26 =	simm.s32 $0x10490  }
0x347: {  	[hbm4b:s25+s3] =	stream.linear.scatter [tilespmem:s26], [sflag:$0x4], $0x80, $0x38;
	[tilespmem:$0x10C00] =	vst v63  }
0x348: {  	s28 =	sadd.s32 $0xC030, s17;
	s29 =	simm.s32 $0x10518  }
0x349: {  	[hbm4b:s28+s3] =	stream.linear.scatter [tilespmem:s29], [sflag:$0x4], $0x80, $0x38;
	[tilespmem:$0x10C00] =	vst v63  }
0x34a: {  	s22 =	sadd.s32 $0xC040, s17;
	s24 =	simm.s32 $0x105A0  }
0x34b: {  	[hbm4b:s22+s3] =	stream.linear.scatter [tilespmem:s24], [sflag:$0x4], $0x80, $0x38;
	[tilespmem:$0x10C00] =	vst v63  }
0x34c: {  	s25 =	sadd.s32 $0xC050, s17;
	s26 =	simm.s32 $0x10628  }
0x34d: {  	[hbm4b:s25+s3] =	stream.linear.scatter [tilespmem:s26], [sflag:$0x4], $0x80, $0x38;
	[tilespmem:$0x10C00] =	vst v63  }
0x34e: {  	s28 =	sadd.s32 $0xC060, s17;
	s29 =	simm.s32 $0x106B0  }
0x34f: {  	[hbm4b:s28+s3] =	stream.linear.scatter [tilespmem:s29], [sflag:$0x4], $0x80, $0x38;
	[tilespmem:$0x10C00] =	vst v63  }
0x350: {  	s22 =	sadd.s32 $0xC070, s17;
	s24 =	simm.s32 $0x10738  }
0x351: {  	[hbm4b:s22+s3] =	stream.linear.scatter [tilespmem:s24], [sflag:$0x4], $0x80, $0x38;
	[tilespmem:$0x10C00] =	vst v63  }
0x352: {  	s25 =	sadd.s32 $0xC000, s20;
	s26 =	simm.s32 $0x107C0  }
0x353: {  	[hbm4b:s25+s3] =	stream.linear.scatter [tilespmem:s26], [sflag:$0x4], $0x80, $0x38;
	[tilespmem:$0x10C00] =	vst v63  }
0x354: {  	s28 =	sadd.s32 $0xC010, s20;
	s29 =	simm.s32 $0x10848  }
0x355: {  	[hbm4b:s28+s3] =	stream.linear.scatter [tilespmem:s29], [sflag:$0x4], $0x80, $0x38;
	[tilespmem:$0x10C00] =	vst v63  }
0x356: {  	s22 =	sadd.s32 $0xC020, s20;
	s24 =	simm.s32 $0x108D0  }
0x357: {  	[hbm4b:s22+s3] =	stream.linear.scatter [tilespmem:s24], [sflag:$0x4], $0x80, $0x38;
	[tilespmem:$0x10C00] =	vst v63  }
0x358: {  	s25 =	sadd.s32 $0xC030, s20;
	s26 =	simm.s32 $0x10958  }
0x359: {  	[hbm4b:s25+s3] =	stream.linear.scatter [tilespmem:s26], [sflag:$0x4], $0x80, $0x38;
	[tilespmem:$0x10C00] =	vst v63  }
0x35a: {  	s0 =	sadd.s32 $0x1, s0;
	s28 =	sadd.s32 $0xC040, s20;
	s29 =	simm.s32 $0x109E0  }
0x35b: {  	[hbm4b:s28+s3] =	stream.linear.scatter [tilespmem:s29], [sflag:$0x4], $0x80, $0x38;
	[tilespmem:$0x10C00] =	vst v63  }
0x35c: {  	p0 =	sne.s32 s0, $0x19;
	s22 =	sadd.s32 $0xC050, s20;
	s24 =	simm.s32 $0x10A68  }
0x35d: {  	[hbm4b:s22+s3] =	stream.linear.scatter [tilespmem:s24], [sflag:$0x4], $0x80, $0x38;
	[tilespmem:$0x10C00] =	vst v63  }
.Ltmp2:
0x35e: {  	_ = 	snop;
	(pc) =	sbr.rel @p0 .LBB2_2-.Ltmp2, $4  }
0x35f: {  	s25 =	sadd.s32 $0xC060, s20;
	s26 =	simm.s32 $0x10AF0  }
0x360: {  	[hbm4b:s25+s3] =	stream.linear.scatter [tilespmem:s26], [sflag:$0x4], $0x80, $0x38;
	[tilespmem:$0x10C00] =	vst v63  }
0x361: {  	s28 =	sadd.s32 $0xC070, s20;
	s29 =	simm.s32 $0x10B78  }
0x362: {  	[hbm4b:s28+s3] =	stream.linear.scatter [tilespmem:s29], [sflag:$0x4], $0x80, $0x38;
	[tilespmem:$0x10C00] =	vst v63  }
0x363: {  	_ =	swait.ge [sflag:s30], $0x400  }
0x364: {  	[sflag:s30] =	ssyncset.done $0x0  }
0x365: {  	[sflag:s30] =	ssyncadd.s32 $0xFFFFFC00  }
0x366: {  	_ =	swait.ge [sflag:s30], $0x400  }
0x367: {  	[sflag:s30] =	ssyncset.done $0x0  }
0x368: {  	[sflag:s30] =	ssyncadd.s32 $0xFFFFFC00  }
0x369: {  	_ =	swait.ge [sflag:s30], $0x400  }
0x36a: {  	[sflag:s30] =	ssyncset.done $0x0  }
0x36b: {  	[sflag:s30] =	ssyncadd.s32 $0xFFFFFC00  }
0x36c: {  	_ =	swait.ge [sflag:s30], $0x400  }
0x36d: {  	[sflag:s30] =	ssyncset.done $0x0  }
0x36e: {  	[sflag:s30] =	ssyncadd.s32 $0xFFFFFC00  }
0x36f: {  	_ =	swait.ge [sflag:s30], $0x400  }
0x370: {  	[sflag:s30] =	ssyncset.done $0x0  }
0x371: {  	[sflag:s30] =	ssyncadd.s32 $0xFFFFFC00  }
0x372: {  	_ =	swait.ge [sflag:s30], $0x400  }
0x373: {  	[sflag:s30] =	ssyncset.done $0x0  }
0x374: {  	[sflag:s30] =	ssyncadd.s32 $0xFFFFFC00  }
0x375: {  	_ =	swait.ge [sflag:s30], $0x400  }
0x376: {  	[sflag:s30] =	ssyncset.done $0x0  }
0x377: {  	[sflag:s30] =	ssyncadd.s32 $0xFFFFFC00  }
0x378: {  	_ =	swait.ge [sflag:s30], $0x400  }
0x379: {  	[sflag:s30] =	ssyncset.done $0x0  }
0x37a: {  	[sflag:s30] =	ssyncadd.s32 $0xFFFFFC00  }
0x37b: {  	_ =	swait.ge [sflag:s30], $0x400  }
0x37c: {  	[sflag:s30] =	ssyncset.done $0x0  }
0x37d: {  	[sflag:s30] =	ssyncadd.s32 $0xFFFFFC00  }
0x37e: {  	_ =	swait.ge [sflag:s30], $0x400  }
0x37f: {  	[sflag:s30] =	ssyncset.done $0x0  }
0x380: {  	[sflag:s30] =	ssyncadd.s32 $0xFFFFFC00  }
0x381: {  	_ =	swait.ge [sflag:s30], $0x400  }
0x382: {  	[sflag:s30] =	ssyncset.done $0x0  }
0x383: {  	[sflag:s30] =	ssyncadd.s32 $0xFFFFFC00  }
0x384: {  	_ =	swait.ge [sflag:s30], $0x400  }
0x385: {  	[sflag:s30] =	ssyncset.done $0x0  }
0x386: {  	[sflag:s30] =	ssyncadd.s32 $0xFFFFFC00  }
0x387: {  	_ =	swait.ge [sflag:s30], $0x400  }
0x388: {  	[sflag:s30] =	ssyncset.done $0x0  }
0x389: {  	[sflag:s30] =	ssyncadd.s32 $0xFFFFFC00  }
0x38a: {  	_ =	swait.ge [sflag:s30], $0x400  }
0x38b: {  	[sflag:s30] =	ssyncset.done $0x0  }
0x38c: {  	[sflag:s30] =	ssyncadd.s32 $0xFFFFFC00  }
0x38d: {  	_ =	swait.ge [sflag:s30], $0x400  }
0x38e: {  	[sflag:s30] =	ssyncset.done $0x0  }
0x38f: {  	[sflag:s30] =	ssyncadd.s32 $0xFFFFFC00  }
0x390: {  	_ =	swait.ge [sflag:s30], $0x400  }
0x391: {  	[sflag:s30] =	ssyncset.done $0x0  }
0x392: {  	[sflag:s30] =	ssyncadd.s32 $0xFFFFFC00  }
0x393: {  	_ =	swait.ge [sflag:s31], $0x400  }
0x394: {  	[sflag:s31] =	ssyncset.done $0x0  }
0x395: {  	[sflag:s31] =	ssyncadd.s32 $0xFFFFFC00  }
0x396: {  	_ =	swait.ge [sflag:s31], $0x400  }
0x397: {  	[sflag:s31] =	ssyncset.done $0x0  }
0x398: {  	[sflag:s31] =	ssyncadd.s32 $0xFFFFFC00  }
0x399: {  	_ =	swait.ge [sflag:s31], $0x400  }
0x39a: {  	[sflag:s31] =	ssyncset.done $0x0  }
0x39b: {  	[sflag:s31] =	ssyncadd.s32 $0xFFFFFC00  }
0x39c: {  	_ =	swait.ge [sflag:s31], $0x400  }
0x39d: {  	[sflag:s31] =	ssyncset.done $0x0  }
0x39e: {  	[sflag:s31] =	ssyncadd.s32 $0xFFFFFC00  }
0x39f: {  	_ =	swait.ge [sflag:s31], $0x400  }
0x3a0: {  	[sflag:s31] =	ssyncset.done $0x0  }
0x3a1: {  	[sflag:s31] =	ssyncadd.s32 $0xFFFFFC00  }
0x3a2: {  	_ =	swait.ge [sflag:s31], $0x400  }
0x3a3: {  	[sflag:s31] =	ssyncset.done $0x0  }
0x3a4: {  	[sflag:s31] =	ssyncadd.s32 $0xFFFFFC00  }
0x3a5: {  	_ =	swait.ge [sflag:s31], $0x400  }
0x3a6: {  	[sflag:s31] =	ssyncset.done $0x0  }
0x3a7: {  	[sflag:s31] =	ssyncadd.s32 $0xFFFFFC00  }
0x3a8: {  	_ =	swait.ge [sflag:s31], $0x400  }
0x3a9: {  	[sflag:s31] =	ssyncset.done $0x0  }
0x3aa: {  	[sflag:s31] =	ssyncadd.s32 $0xFFFFFC00  }
0x3ab: {  	_ =	swait.ge [sflag:s31], $0x400  }
0x3ac: {  	[sflag:s31] =	ssyncset.done $0x0  }
0x3ad: {  	[sflag:s31] =	ssyncadd.s32 $0xFFFFFC00  }
0x3ae: {  	_ =	swait.ge [sflag:s31], $0x400  }
0x3af: {  	[sflag:s31] =	ssyncset.done $0x0  }
0x3b0: {  	[sflag:s31] =	ssyncadd.s32 $0xFFFFFC00  }
0x3b1: {  	_ =	swait.ge [sflag:s31], $0x400  }
0x3b2: {  	[sflag:s31] =	ssyncset.done $0x0  }
0x3b3: {  	[sflag:s31] =	ssyncadd.s32 $0xFFFFFC00  }
0x3b4: {  	_ =	swait.ge [sflag:s31], $0x400  }
0x3b5: {  	[sflag:s31] =	ssyncset.done $0x0  }
0x3b6: {  	[sflag:s31] =	ssyncadd.s32 $0xFFFFFC00  }
0x3b7: {  	_ =	swait.ge [sflag:s31], $0x400  }
0x3b8: {  	[sflag:s31] =	ssyncset.done $0x0  }
0x3b9: {  	[sflag:s31] =	ssyncadd.s32 $0xFFFFFC00  }
0x3ba: {  	_ =	swait.ge [sflag:s31], $0x400  }
0x3bb: {  	[sflag:s31] =	ssyncset.done $0x0  }
0x3bc: {  	[sflag:s31] =	ssyncadd.s32 $0xFFFFFC00  }
0x3bd: {  	_ =	swait.ge [sflag:s31], $0x400  }
0x3be: {  	[sflag:s31] =	ssyncset.done $0x0  }
0x3bf: {  	[sflag:s31] =	ssyncadd.s32 $0xFFFFFC00  }
0x3c0: {  	_ =	swait.ge [sflag:s31], $0x400  }
0x3c1: {  	s2 =	rddreg [dreg:$0x5]  }
0x3c2: {  	s0 =	rddreg [dreg:$0x4];
	s2 =	sadd.s32 $0x1, s2  }
0x3c3: {  	p0 =	sne.s32 s2, s0  }
.Ltmp3:
0x3c4: {  	_ = 	snop;
	(pc) =	sbr.rel @p0 .LBB2_1-.Ltmp3, $3  }
0x3c5: {  	_ =	sdelay $0x1  }
0x3c6: {  	[sflag:s31] =	ssyncset.done $0x0  }
0x3c7: {  	[sflag:s31] =	ssyncadd.s32 $0xFFFFFC00  }
0x3c8: {  	_ =	sfence.sel $0x180000  }
0x3c9: {  	[bflag:$0x0] =	sbarrier.arrive $0xFFFF  }
0x3ca: {  	_ =	strace $0x90000047  }
0x3cb: {  	s0 =	stileid.u32;
	[bflag:$0x2] =	sbarrier.arrive $0xFFFF  }
0x3cc: {  	p0 =	sne.s32 s0, $0x0;
	s0 =	rddreg [dreg:$0x2]  }
0x3cd: {  	s0 =	sadd.s32 @!p0 $0x100000, s0  }
0x3ce: {  	[sflag:s0] =	ssyncadd.tile.s32 @!p0 $0x1;
	_ =	shalt  }
.Lfunc_end2:
_tile_overlayer_lowered:
.L_overlay_start_2:
0x3cf: {  	(tag) =	ssettag $0x2  }
0x3d0: {  	s0 =	rddreg [dreg:$0x0];
	s2 =	stileid.u32  }
0x3d1: {  	s1 =	rddreg [dreg:$0x1];
	p0 =	sne.s32 s2, $0x0  }
0x3d2: {  	s3 =	rddreg [dreg:$0x2];
	[bflag:$0x3] =	sbarrier.arrive $0xFFFF;
	s2 =	simm.s32 @!p0 $0x1C05  }
0x3d3: {  	[timem:s3], [sflag:s2] =	dma.local @!p0 [hbm:s0], s1  }
0x3d4: {  	s0 =	simm.s32 @!p0 $0x5  }
0x3d5: {  	_ =	swait.ge @!p0 [sflag:s0], s1  }
0x3d6: {  	s1 =	ssub.s32 @!p0 $0x0, s1;
	[sflag:s0] =	ssyncset.done @!p0 $0x0  }
0x3d7: {  	[sflag:s0] =	ssyncadd.s32 @!p0 s1  }
0x3d8: {  	[bflag:$0x3] =	sbarrier.arrive $0xFFFF  }
0x3d9: {  	_ =	shalt  }

</sc_bundles>
